<compile_context>
chip_gen: v7x
topology: tpu7x:2x2x1
jax: 0.10.2.dev20260603
libtpu: 0.0.44.dev20260713+nightly
codegen_flags: <defaults>
</compile_context>

<pallas_src>
import functools

import jax
import jax.numpy as jnp
from jax import lax
from jax.experimental import pallas as pl
from jax.experimental.pallas import tpu as pltpu
from jax.experimental.pallas import tpu_sc as plsc

VOCAB = 66
HALF = VOCAB // 2
DIM_I = 16384
DIM_J = 200
NC, NS, LANES = 2, 16, 16
NW = NC * NS
I_PER_W = DIM_I // NW
IT_PER_W = I_PER_W // 128
JT = DIM_J // 8
GROUPS = 8 * 128 // LANES
BUF_BYTES = HALF * 8 * 128 * 4


def _sc_body(xt_hbm, out_hbm,
             idx0, idx1, buf0, buf1, pos0, pos1,
             isem0, isem1, osem0, osem1):
    idx = (idx0, idx1)
    buf = (buf0, buf1)
    pos = (pos0, pos1)
    isem = (isem0, isem1)
    osem = (osem0, osem1)

    wid = lax.axis_index("s") * NC + lax.axis_index("c")
    i0 = wid * I_PER_W

    zeros_f = jnp.zeros((LANES,), jnp.float32)
    ones_f = jnp.ones((LANES,), jnp.float32)
    zeros_i = jnp.zeros((LANES,), jnp.int32)
    lane = lax.iota(jnp.int32, LANES)

    def fetch_idx(jt, p):
        for it in range(IT_PER_W):
            pltpu.async_copy(
                xt_hbm.at[pl.ds(jt * 8, 8), pl.ds(i0 + it * 128, 128)],
                idx[p].at[it], isem[p])

    fetch_idx(0, 0)
    fetch_idx(1, 1)

    for p in range(2):
        def zero_buf(k, c, _p=p):
            for s in range(8):
                for c16 in range(128 // LANES):
                    buf[_p][k, s, pl.ds(c16 * LANES, LANES)] = zeros_f
            return c

        lax.fori_loop(0, HALF, zero_buf, 0)

        for n in range(GROUPS):
            pos[p][pl.ds(n * LANES, LANES)] = zeros_i

    def process_jt(jt, ip):
        for it in range(IT_PER_W):
            pltpu.make_async_copy(
                xt_hbm.at[pl.ds(jt * 8, 8), pl.ds(i0 + it * 128, 128)],
                idx[ip].at[it], isem[ip]).wait()

        for it in range(IT_PER_W):
            for h in range(2):
                n = it * 2 + h
                pp = n % 2
                dst = out_hbm.at[pl.ds(h * HALF, HALF),
                                 pl.ds(jt * 8, 8),
                                 pl.ds(i0 + it * 128, 128)]

                def _wait_out(_pp=pp, _dst=dst):
                    pltpu.make_async_copy(buf[_pp], _dst, osem[_pp]).wait()

                cond = jt * 8 + n >= 2
                if isinstance(cond, bool):
                    if cond:
                        _wait_out()
                else:
                    pl.when(cond)(_wait_out)

                def group(gg, cc, _pp=pp, _ip=ip, _it=it, _h=h):
                    g = gg & 63
                    j_local = lax.shift_right_logical(g, 1 + 2)
                    gi = g & 7
                    pj = zeros_i + j_local
                    pi = lane + gi * LANES
                    pk_old = pos[_pp][pl.ds(g * LANES, LANES)]
                    plsc.store_scatter(buf[_pp], [pk_old, pj, pi], zeros_f)
                    xv = idx[_ip][_it, j_local, pl.ds(gi * LANES, LANES)]
                    if _h == 0:
                        mask = (xv > 0) & (xv < HALF)
                        pk = xv
                    else:
                        mask = xv >= HALF
                        pk = xv - HALF
                    pk_eff = jnp.where(mask, pk, 0)
                    pos[_pp][pl.ds(g * LANES, LANES)] = pk_eff
                    plsc.store_scatter(buf[_pp], [pk_eff, pj, pi], ones_f,
                                       mask=mask)
                    return cc

                lax.fori_loop(0, GROUPS * 4, group, 0)

                pltpu.async_copy(buf[pp], dst, osem[pp])

    def pair_step(tt, c):
        jt0 = 2 * tt
        process_jt(jt0, 0)
        fetch_idx(jt0 + 2, 0)
        process_jt(jt0 + 1, 1)

        @pl.when(tt < JT // 2 - 1)
        def _prefetch():
            fetch_idx(jt0 + 3, 1)

        return c

    lax.fori_loop(0, JT // 2, pair_step, 0)
    process_jt(JT - 1, 0)

    for h in range(2):
        pp = (IT_PER_W - 1) * 2 + h
        pltpu.make_async_copy(
            buf[pp % 2],
            out_hbm.at[pl.ds(h * HALF, HALF),
                       pl.ds((JT - 1) * 8, 8),
                       pl.ds(i0 + (IT_PER_W - 1) * 128, 128)],
            osem[pp % 2]).wait()


@functools.partial(
    pl.kernel,
    out_type=jax.ShapeDtypeStruct((VOCAB, DIM_J, DIM_I), jnp.float32),
    mesh=plsc.VectorSubcoreMesh(core_axis_name="c", subcore_axis_name="s"),
    compiler_params=pltpu.CompilerParams(
        needs_layout_passes=False, use_tc_tiling_on_sc=True),
    scratch_types=[
        pltpu.VMEM((IT_PER_W, 8, 128), jnp.int32),
        pltpu.VMEM((IT_PER_W, 8, 128), jnp.int32),
        pltpu.VMEM((HALF, 8, 128), jnp.float32),
        pltpu.VMEM((HALF, 8, 128), jnp.float32),
        pltpu.VMEM((GROUPS * LANES,), jnp.int32),
        pltpu.VMEM((GROUPS * LANES,), jnp.int32),
        pltpu.SemaphoreType.DMA,
        pltpu.SemaphoreType.DMA,
        pltpu.SemaphoreType.DMA,
        pltpu.SemaphoreType.DMA,
    ],
)
def _one_hot_sc(*args):
    _sc_body(*args)


def kernel(x, one_hot_embedding):
    del one_hot_embedding
    xt = x.astype(jnp.int32).T
    out_planes = _one_hot_sc(xt)
    return out_planes.transpose(2, 1, 0)

# --- scband reference (transcript-rebuilt; emitter-appended) ---
"""Pipeline reference for scband-codon-one-hot-encoder-55533927137472 (READ-ONLY COPY).

The authoritative reference and input builder live on the scoring server;
editing this copy changes nothing except your own understanding.
"""

import jax, jax.numpy as jnp
import numpy as np

CODON_VOCAB_MAX = 65
PADDING = 0
VOCAB_SIZE = CODON_VOCAB_MAX + 1


def setup_inputs(seed: int = 0) -> dict:
    key = jax.random.key(seed)
    k_x, = jax.random.split(key, 1)
    x = jax.random.randint(k_x, (16384, 200), 0, 66, dtype=jnp.int64 if jax.config.jax_enable_x64 else jnp.int32)
    # One-hot embedding table: identity with the PADDING row zeroed (non-trainable parameter)
    ident = jnp.eye(VOCAB_SIZE, dtype=jnp.float32)
    one_hot_embedding = ident.at[PADDING].set(0.0)
    return {"x": x, "one_hot_embedding": one_hot_embedding}


def reference(x, one_hot_embedding):
    # forward: self.one_hot_embedding[x]  -> gather rows of the one-hot table
    return jnp.take(one_hot_embedding, x, axis=0)

if __name__ == "__main__":
    import jax
    _d = setup_inputs()
    print(jax.jit(kernel)(*tuple(_d.values())))

</pallas_src>

<mosaic_0001>
#map = affine_map<(d0, d1) -> (0, 0)>
#map1 = affine_map<(d0, d1) -> (0, 0, 0)>
module attributes {stable_mosaic.version = 14 : i64} {
  func.func @_one_hot_sc(%arg0: i32, %arg1: i32, %arg2: memref<200x16384xi32, #tpu.memory_space<hbm>>, %arg3: memref<66x200x16384xf32, #tpu.memory_space<hbm>>, %arg4: memref<4x8x128xi32, #tpu.memory_space<vmem>>, %arg5: memref<4x8x128xi32, #tpu.memory_space<vmem>>, %arg6: memref<33x8x128xf32, #tpu.memory_space<vmem>>, %arg7: memref<33x8x128xf32, #tpu.memory_space<vmem>>, %arg8: memref<1024xi32, #tpu.memory_space<vmem>>, %arg9: memref<1024xi32, #tpu.memory_space<vmem>>, %arg10: memref<!tpu.dma_semaphore, #tpu.memory_space<semaphore_mem>>, %arg11: memref<!tpu.dma_semaphore, #tpu.memory_space<semaphore_mem>>, %arg12: memref<!tpu.dma_semaphore, #tpu.memory_space<semaphore_mem>>, %arg13: memref<!tpu.dma_semaphore, #tpu.memory_space<semaphore_mem>>) attributes {dimension_semantics = [#tpu.dimension_semantics<core_parallel>, #tpu.dimension_semantics<subcore_parallel>], iteration_bounds = array<i64: 2, 16>, scalar_prefetch = 0 : i64, scratch_operands = 10 : i64, tpu.core_type = #tpu.core_type<sc_vector_subcore>, window_params = [{transform_indices = #map}, {transform_indices = #map1}]} {
    %mul3A = arith.constant 2 : i32
    %mul3A_0 = arith.muli %arg1, %mul3A : i32
    %add3A = arith.addi %mul3A_0, %arg0 : i32
    %mul3A_1 = arith.constant 512 : i32
    %mul3A_2 = arith.muli %add3A, %mul3A_1 : i32
    %broadcast_in_dim3A = arith.constant 0.000000e+00 : f32
    %broadcast_in_dim3A_3 = vector.broadcast %broadcast_in_dim3A : f32 to vector<16xf32>
    %broadcast_in_dim3A_4 = arith.constant 1.000000e+00 : f32
    %broadcast_in_dim3A_5 = vector.broadcast %broadcast_in_dim3A_4 : f32 to vector<16xf32>
    %broadcast_in_dim3A_6 = arith.constant 0 : i32
    %broadcast_in_dim3A_7 = vector.broadcast %broadcast_in_dim3A_6 : i32 to vector<16xi32>
    %iota3A = tpu.iota {dimensions = array<i32: 0>} : vector<16xi32>
    %add3A_8 = arith.constant 0 : i32
    %add3A_9 = arith.addi %mul3A_2, %add3A_8 : i32
    %dma_start3A = arith.constant 0 : i32
    %dma_start3A_10 = arith.constant 0 : i32
    %dma_start3A_11 = arith.constant 0 : i32
    %dma_start3A_12 = tpu.memref_slice %arg4[%dma_start3A, %dma_start3A_10, %dma_start3A_11] : memref<4x8x128xi32, #tpu.memory_space<vmem>> -> memref<1x8x128xi32, #tpu.memory_space<vmem>>
    %dma_start3A_13 = tpu.memref_squeeze %dma_start3A_12 : memref<1x8x128xi32, #tpu.memory_space<vmem>> -> memref<8x128xi32, #tpu.memory_space<vmem>>
    %dma_start3A_14 = arith.constant 0 : i32
    %dma_start3A_15 = tpu.memref_slice %arg2[%dma_start3A_14, %add3A_9] : memref<200x16384xi32, #tpu.memory_space<hbm>> -> memref<8x128xi32, #tpu.memory_space<hbm>>
    %dma_start3A_16 = arith.constant 0 : i32
    %dma_start3A_17 = arith.constant 0 : i32
    %dma_start3A_18 = tpu.memref_slice %arg4[%dma_start3A, %dma_start3A_16, %dma_start3A_17] : memref<4x8x128xi32, #tpu.memory_space<vmem>> -> memref<1x8x128xi32, #tpu.memory_space<vmem>>
    %dma_start3A_19 = tpu.memref_squeeze %dma_start3A_18 : memref<1x8x128xi32, #tpu.memory_space<vmem>> -> memref<8x128xi32, #tpu.memory_space<vmem>>
    %dma_start3A_20 = arith.constant 0 : i32
    %dma_start3A_21 = tpu.memref_slice %arg2[%dma_start3A_20, %add3A_9] : memref<200x16384xi32, #tpu.memory_space<hbm>> -> memref<8x128xi32, #tpu.memory_space<hbm>>
    tpu.enqueue_dma source(%dma_start3A_21 : memref<8x128xi32, #tpu.memory_space<hbm>>) target(%dma_start3A_19 : memref<8x128xi32, #tpu.memory_space<vmem>>) target_semaphore(%arg10 : memref<!tpu.dma_semaphore, #tpu.memory_space<semaphore_mem>>)
    %add3A_22 = arith.constant 128 : i32
    %add3A_23 = arith.addi %mul3A_2, %add3A_22 : i32
    %dma_start3A_24 = arith.constant 1 : i32
    %dma_start3A_25 = arith.constant 0 : i32
    %dma_start3A_26 = arith.constant 0 : i32
    %dma_start3A_27 = tpu.memref_slice %arg4[%dma_start3A_24, %dma_start3A_25, %dma_start3A_26] : memref<4x8x128xi32, #tpu.memory_space<vmem>> -> memref<1x8x128xi32, #tpu.memory_space<vmem>>
    %dma_start3A_28 = tpu.memref_squeeze %dma_start3A_27 : memref<1x8x128xi32, #tpu.memory_space<vmem>> -> memref<8x128xi32, #tpu.memory_space<vmem>>
    %dma_start3A_29 = arith.constant 0 : i32
    %dma_start3A_30 = tpu.memref_slice %arg2[%dma_start3A_29, %add3A_23] : memref<200x16384xi32, #tpu.memory_space<hbm>> -> memref<8x128xi32, #tpu.memory_space<hbm>>
    %dma_start3A_31 = arith.constant 0 : i32
    %dma_start3A_32 = arith.constant 0 : i32
    %dma_start3A_33 = tpu.memref_slice %arg4[%dma_start3A_24, %dma_start3A_31, %dma_start3A_32] : memref<4x8x128xi32, #tpu.memory_space<vmem>> -> memref<1x8x128xi32, #tpu.memory_space<vmem>>
    %dma_start3A_34 = tpu.memref_squeeze %dma_start3A_33 : memref<1x8x128xi32, #tpu.memory_space<vmem>> -> memref<8x128xi32, #tpu.memory_space<vmem>>
    %dma_start3A_35 = arith.constant 0 : i32
    %dma_start3A_36 = tpu.memref_slice %arg2[%dma_start3A_35, %add3A_23] : memref<200x16384xi32, #tpu.memory_space<hbm>> -> memref<8x128xi32, #tpu.memory_space<hbm>>
    tpu.enqueue_dma source(%dma_start3A_36 : memref<8x128xi32, #tpu.memory_space<hbm>>) target(%dma_start3A_34 : memref<8x128xi32, #tpu.memory_space<vmem>>) target_semaphore(%arg10 : memref<!tpu.dma_semaphore, #tpu.memory_space<semaphore_mem>>)
    %add3A_37 = arith.constant 256 : i32
    %add3A_38 = arith.addi %mul3A_2, %add3A_37 : i32
    %dma_start3A_39 = arith.constant 2 : i32
    %dma_start3A_40 = arith.constant 0 : i32
    %dma_start3A_41 = arith.constant 0 : i32
    %dma_start3A_42 = tpu.memref_slice %arg4[%dma_start3A_39, %dma_start3A_40, %dma_start3A_41] : memref<4x8x128xi32, #tpu.memory_space<vmem>> -> memref<1x8x128xi32, #tpu.memory_space<vmem>>
    %dma_start3A_43 = tpu.memref_squeeze %dma_start3A_42 : memref<1x8x128xi32, #tpu.memory_space<vmem>> -> memref<8x128xi32, #tpu.memory_space<vmem>>
    %dma_start3A_44 = arith.constant 0 : i32
    %dma_start3A_45 = tpu.memref_slice %arg2[%dma_start3A_44, %add3A_38] : memref<200x16384xi32, #tpu.memory_space<hbm>> -> memref<8x128xi32, #tpu.memory_space<hbm>>
    %dma_start3A_46 = arith.constant 0 : i32
    %dma_start3A_47 = arith.constant 0 : i32
    %dma_start3A_48 = tpu.memref_slice %arg4[%dma_start3A_39, %dma_start3A_46, %dma_start3A_47] : memref<4x8x128xi32, #tpu.memory_space<vmem>> -> memref<1x8x128xi32, #tpu.memory_space<vmem>>
    %dma_start3A_49 = tpu.memref_squeeze %dma_start3A_48 : memref<1x8x128xi32, #tpu.memory_space<vmem>> -> memref<8x128xi32, #tpu.memory_space<vmem>>
    %dma_start3A_50 = arith.constant 0 : i32
    %dma_start3A_51 = tpu.memref_slice %arg2[%dma_start3A_50, %add3A_38] : memref<200x16384xi32, #tpu.memory_space<hbm>> -> memref<8x128xi32, #tpu.memory_space<hbm>>
    tpu.enqueue_dma source(%dma_start3A_51 : memref<8x128xi32, #tpu.memory_space<hbm>>) target(%dma_start3A_49 : memref<8x128xi32, #tpu.memory_space<vmem>>) target_semaphore(%arg10 : memref<!tpu.dma_semaphore, #tpu.memory_space<semaphore_mem>>)
    %add3A_52 = arith.constant 384 : i32
    %add3A_53 = arith.addi %mul3A_2, %add3A_52 : i32
    %dma_start3A_54 = arith.constant 3 : i32
    %dma_start3A_55 = arith.constant 0 : i32
    %dma_start3A_56 = arith.constant 0 : i32
    %dma_start3A_57 = tpu.memref_slice %arg4[%dma_start3A_54, %dma_start3A_55, %dma_start3A_56] : memref<4x8x128xi32, #tpu.memory_space<vmem>> -> memref<1x8x128xi32, #tpu.memory_space<vmem>>
    %dma_start3A_58 = tpu.memref_squeeze %dma_start3A_57 : memref<1x8x128xi32, #tpu.memory_space<vmem>> -> memref<8x128xi32, #tpu.memory_space<vmem>>
    %dma_start3A_59 = arith.constant 0 : i32
    %dma_start3A_60 = tpu.memref_slice %arg2[%dma_start3A_59, %add3A_53] : memref<200x16384xi32, #tpu.memory_space<hbm>> -> memref<8x128xi32, #tpu.memory_space<hbm>>
    %dma_start3A_61 = arith.constant 0 : i32
    %dma_start3A_62 = arith.constant 0 : i32
    %dma_start3A_63 = tpu.memref_slice %arg4[%dma_start3A_54, %dma_start3A_61, %dma_start3A_62] : memref<4x8x128xi32, #tpu.memory_space<vmem>> -> memref<1x8x128xi32, #tpu.memory_space<vmem>>
    %dma_start3A_64 = tpu.memref_squeeze %dma_start3A_63 : memref<1x8x128xi32, #tpu.memory_space<vmem>> -> memref<8x128xi32, #tpu.memory_space<vmem>>
    %dma_start3A_65 = arith.constant 0 : i32
    %dma_start3A_66 = tpu.memref_slice %arg2[%dma_start3A_65, %add3A_53] : memref<200x16384xi32, #tpu.memory_space<hbm>> -> memref<8x128xi32, #tpu.memory_space<hbm>>
    tpu.enqueue_dma source(%dma_start3A_66 : memref<8x128xi32, #tpu.memory_space<hbm>>) target(%dma_start3A_64 : memref<8x128xi32, #tpu.memory_space<vmem>>) target_semaphore(%arg10 : memref<!tpu.dma_semaphore, #tpu.memory_space<semaphore_mem>>)
    %add3A_67 = arith.constant 0 : i32
    %add3A_68 = arith.addi %mul3A_2, %add3A_67 : i32
    %dma_start3A_69 = arith.constant 0 : i32
    %dma_start3A_70 = arith.constant 0 : i32
    %dma_start3A_71 = arith.constant 0 : i32
    %dma_start3A_72 = tpu.memref_slice %arg5[%dma_start3A_69, %dma_start3A_70, %dma_start3A_71] : memref<4x8x128xi32, #tpu.memory_space<vmem>> -> memref<1x8x128xi32, #tpu.memory_space<vmem>>
    %dma_start3A_73 = tpu.memref_squeeze %dma_start3A_72 : memref<1x8x128xi32, #tpu.memory_space<vmem>> -> memref<8x128xi32, #tpu.memory_space<vmem>>
    %dma_start3A_74 = arith.constant 8 : i32
    %dma_start3A_75 = tpu.memref_slice %arg2[%dma_start3A_74, %add3A_68] : memref<200x16384xi32, #tpu.memory_space<hbm>> -> memref<8x128xi32, #tpu.memory_space<hbm>>
    %dma_start3A_76 = arith.constant 0 : i32
    %dma_start3A_77 = arith.constant 0 : i32
    %dma_start3A_78 = tpu.memref_slice %arg5[%dma_start3A_69, %dma_start3A_76, %dma_start3A_77] : memref<4x8x128xi32, #tpu.memory_space<vmem>> -> memref<1x8x128xi32, #tpu.memory_space<vmem>>
    %dma_start3A_79 = tpu.memref_squeeze %dma_start3A_78 : memref<1x8x128xi32, #tpu.memory_space<vmem>> -> memref<8x128xi32, #tpu.memory_space<vmem>>
    %dma_start3A_80 = arith.constant 8 : i32
    %dma_start3A_81 = tpu.memref_slice %arg2[%dma_start3A_80, %add3A_68] : memref<200x16384xi32, #tpu.memory_space<hbm>> -> memref<8x128xi32, #tpu.memory_space<hbm>>
    tpu.enqueue_dma source(%dma_start3A_81 : memref<8x128xi32, #tpu.memory_space<hbm>>) target(%dma_start3A_79 : memref<8x128xi32, #tpu.memory_space<vmem>>) target_semaphore(%arg11 : memref<!tpu.dma_semaphore, #tpu.memory_space<semaphore_mem>>)
    %add3A_82 = arith.constant 128 : i32
    %add3A_83 = arith.addi %mul3A_2, %add3A_82 : i32
    %dma_start3A_84 = arith.constant 1 : i32
    %dma_start3A_85 = arith.constant 0 : i32
    %dma_start3A_86 = arith.constant 0 : i32
    %dma_start3A_87 = tpu.memref_slice %arg5[%dma_start3A_84, %dma_start3A_85, %dma_start3A_86] : memref<4x8x128xi32, #tpu.memory_space<vmem>> -> memref<1x8x128xi32, #tpu.memory_space<vmem>>
    %dma_start3A_88 = tpu.memref_squeeze %dma_start3A_87 : memref<1x8x128xi32, #tpu.memory_space<vmem>> -> memref<8x128xi32, #tpu.memory_space<vmem>>
    %dma_start3A_89 = arith.constant 8 : i32
    %dma_start3A_90 = tpu.memref_slice %arg2[%dma_start3A_89, %add3A_83] : memref<200x16384xi32, #tpu.memory_space<hbm>> -> memref<8x128xi32, #tpu.memory_space<hbm>>
    %dma_start3A_91 = arith.constant 0 : i32
    %dma_start3A_92 = arith.constant 0 : i32
    %dma_start3A_93 = tpu.memref_slice %arg5[%dma_start3A_84, %dma_start3A_91, %dma_start3A_92] : memref<4x8x128xi32, #tpu.memory_space<vmem>> -> memref<1x8x128xi32, #tpu.memory_space<vmem>>
    %dma_start3A_94 = tpu.memref_squeeze %dma_start3A_93 : memref<1x8x128xi32, #tpu.memory_space<vmem>> -> memref<8x128xi32, #tpu.memory_space<vmem>>
    %dma_start3A_95 = arith.constant 8 : i32
    %dma_start3A_96 = tpu.memref_slice %arg2[%dma_start3A_95, %add3A_83] : memref<200x16384xi32, #tpu.memory_space<hbm>> -> memref<8x128xi32, #tpu.memory_space<hbm>>
    tpu.enqueue_dma source(%dma_start3A_96 : memref<8x128xi32, #tpu.memory_space<hbm>>) target(%dma_start3A_94 : memref<8x128xi32, #tpu.memory_space<vmem>>) target_semaphore(%arg11 : memref<!tpu.dma_semaphore, #tpu.memory_space<semaphore_mem>>)
    %add3A_97 = arith.constant 256 : i32
    %add3A_98 = arith.addi %mul3A_2, %add3A_97 : i32
    %dma_start3A_99 = arith.constant 2 : i32
    %dma_start3A_100 = arith.constant 0 : i32
    %dma_start3A_101 = arith.constant 0 : i32
    %dma_start3A_102 = tpu.memref_slice %arg5[%dma_start3A_99, %dma_start3A_100, %dma_start3A_101] : memref<4x8x128xi32, #tpu.memory_space<vmem>> -> memref<1x8x128xi32, #tpu.memory_space<vmem>>
    %dma_start3A_103 = tpu.memref_squeeze %dma_start3A_102 : memref<1x8x128xi32, #tpu.memory_space<vmem>> -> memref<8x128xi32, #tpu.memory_space<vmem>>
    %dma_start3A_104 = arith.constant 8 : i32
    %dma_start3A_105 = tpu.memref_slice %arg2[%dma_start3A_104, %add3A_98] : memref<200x16384xi32, #tpu.memory_space<hbm>> -> memref<8x128xi32, #tpu.memory_space<hbm>>
    %dma_start3A_106 = arith.constant 0 : i32
    %dma_start3A_107 = arith.constant 0 : i32
    %dma_start3A_108 = tpu.memref_slice %arg5[%dma_start3A_99, %dma_start3A_106, %dma_start3A_107] : memref<4x8x128xi32, #tpu.memory_space<vmem>> -> memref<1x8x128xi32, #tpu.memory_space<vmem>>
    %dma_start3A_109 = tpu.memref_squeeze %dma_start3A_108 : memref<1x8x128xi32, #tpu.memory_space<vmem>> -> memref<8x128xi32, #tpu.memory_space<vmem>>
    %dma_start3A_110 = arith.constant 8 : i32
    %dma_start3A_111 = tpu.memref_slice %arg2[%dma_start3A_110, %add3A_98] : memref<200x16384xi32, #tpu.memory_space<hbm>> -> memref<8x128xi32, #tpu.memory_space<hbm>>
    tpu.enqueue_dma source(%dma_start3A_111 : memref<8x128xi32, #tpu.memory_space<hbm>>) target(%dma_start3A_109 : memref<8x128xi32, #tpu.memory_space<vmem>>) target_semaphore(%arg11 : memref<!tpu.dma_semaphore, #tpu.memory_space<semaphore_mem>>)
    %add3A_112 = arith.constant 384 : i32
    %add3A_113 = arith.addi %mul3A_2, %add3A_112 : i32
    %dma_start3A_114 = arith.constant 3 : i32
    %dma_start3A_115 = arith.constant 0 : i32
    %dma_start3A_116 = arith.constant 0 : i32
    %dma_start3A_117 = tpu.memref_slice %arg5[%dma_start3A_114, %dma_start3A_115, %dma_start3A_116] : memref<4x8x128xi32, #tpu.memory_space<vmem>> -> memref<1x8x128xi32, #tpu.memory_space<vmem>>
    %dma_start3A_118 = tpu.memref_squeeze %dma_start3A_117 : memref<1x8x128xi32, #tpu.memory_space<vmem>> -> memref<8x128xi32, #tpu.memory_space<vmem>>
    %dma_start3A_119 = arith.constant 8 : i32
    %dma_start3A_120 = tpu.memref_slice %arg2[%dma_start3A_119, %add3A_113] : memref<200x16384xi32, #tpu.memory_space<hbm>> -> memref<8x128xi32, #tpu.memory_space<hbm>>
    %dma_start3A_121 = arith.constant 0 : i32
    %dma_start3A_122 = arith.constant 0 : i32
    %dma_start3A_123 = tpu.memref_slice %arg5[%dma_start3A_114, %dma_start3A_121, %dma_start3A_122] : memref<4x8x128xi32, #tpu.memory_space<vmem>> -> memref<1x8x128xi32, #tpu.memory_space<vmem>>
    %dma_start3A_124 = tpu.memref_squeeze %dma_start3A_123 : memref<1x8x128xi32, #tpu.memory_space<vmem>> -> memref<8x128xi32, #tpu.memory_space<vmem>>
    %dma_start3A_125 = arith.constant 8 : i32
    %dma_start3A_126 = tpu.memref_slice %arg2[%dma_start3A_125, %add3A_113] : memref<200x16384xi32, #tpu.memory_space<hbm>> -> memref<8x128xi32, #tpu.memory_space<hbm>>
    tpu.enqueue_dma source(%dma_start3A_126 : memref<8x128xi32, #tpu.memory_space<hbm>>) target(%dma_start3A_124 : memref<8x128xi32, #tpu.memory_space<vmem>>) target_semaphore(%arg11 : memref<!tpu.dma_semaphore, #tpu.memory_space<semaphore_mem>>)
    %scan3A = arith.constant 0 : i32
    %scan3A_127 = arith.constant 0 : i32
    %scan3A_128 = arith.constant 33 : i32
    %scan3A_129 = arith.addi %scan3A_127, %scan3A_128 : i32
    %scan3A_130 = arith.constant 1 : i32
    scf.for %scan3A_634 = %scan3A_127 to %scan3A_129 step %scan3A_130  : i32 {
      %swap3A_635 = arith.constant 0 : i32
      %swap3A_636 = arith.index_cast %scan3A_634 : i32 to index
      %swap3A_637 = arith.index_cast %swap3A_635 : i32 to index
      %swap3A_638 = arith.constant 0 : index
      %swap3A_639 = tpu.vector_load %arg6[%swap3A_636, %swap3A_637, %swap3A_638] {strides = array<i32>} : memref<33x8x128xf32, #tpu.memory_space<vmem>>, vector<16xf32>,
      tpu.vector_store %arg6[%swap3A_636, %swap3A_637, %swap3A_638], %broadcast_in_dim3A_3 {strides = array<i32>} : memref<33x8x128xf32, #tpu.memory_space<vmem>>, vector<16xf32>,
      %swap3A_640 = arith.constant 0 : i32
      %swap3A_641 = arith.index_cast %scan3A_634 : i32 to index
      %swap3A_642 = arith.index_cast %swap3A_640 : i32 to index
      %swap3A_643 = arith.constant 16 : index
      %swap3A_644 = tpu.vector_load %arg6[%swap3A_641, %swap3A_642, %swap3A_643] {strides = array<i32>} : memref<33x8x128xf32, #tpu.memory_space<vmem>>, vector<16xf32>,
      tpu.vector_store %arg6[%swap3A_641, %swap3A_642, %swap3A_643], %broadcast_in_dim3A_3 {strides = array<i32>} : memref<33x8x128xf32, #tpu.memory_space<vmem>>, vector<16xf32>,
      %swap3A_645 = arith.constant 0 : i32
      %swap3A_646 = arith.index_cast %scan3A_634 : i32 to index
      %swap3A_647 = arith.index_cast %swap3A_645 : i32 to index
      %swap3A_648 = arith.constant 32 : index
      %swap3A_649 = tpu.vector_load %arg6[%swap3A_646, %swap3A_647, %swap3A_648] {strides = array<i32>} : memref<33x8x128xf32, #tpu.memory_space<vmem>>, vector<16xf32>,
      tpu.vector_store %arg6[%swap3A_646, %swap3A_647, %swap3A_648], %broadcast_in_dim3A_3 {strides = array<i32>} : memref<33x8x128xf32, #tpu.memory_space<vmem>>, vector<16xf32>,
      %swap3A_650 = arith.constant 0 : i32
      %swap3A_651 = arith.index_cast %scan3A_634 : i32 to index
      %swap3A_652 = arith.index_cast %swap3A_650 : i32 to index
      %swap3A_653 = arith.constant 48 : index
      %swap3A_654 = tpu.vector_load %arg6[%swap3A_651, %swap3A_652, %swap3A_653] {strides = array<i32>} : memref<33x8x128xf32, #tpu.memory_space<vmem>>, vector<16xf32>,
      tpu.vector_store %arg6[%swap3A_651, %swap3A_652, %swap3A_653], %broadcast_in_dim3A_3 {strides = array<i32>} : memref<33x8x128xf32, #tpu.memory_space<vmem>>, vector<16xf32>,
      %swap3A_655 = arith.constant 0 : i32
      %swap3A_656 = arith.index_cast %scan3A_634 : i32 to index
      %swap3A_657 = arith.index_cast %swap3A_655 : i32 to index
      %swap3A_658 = arith.constant 64 : index
      %swap3A_659 = tpu.vector_load %arg6[%swap3A_656, %swap3A_657, %swap3A_658] {strides = array<i32>} : memref<33x8x128xf32, #tpu.memory_space<vmem>>, vector<16xf32>,
      tpu.vector_store %arg6[%swap3A_656, %swap3A_657, %swap3A_658], %broadcast_in_dim3A_3 {strides = array<i32>} : memref<33x8x128xf32, #tpu.memory_space<vmem>>, vector<16xf32>,
      %swap3A_660 = arith.constant 0 : i32
      %swap3A_661 = arith.index_cast %scan3A_634 : i32 to index
      %swap3A_662 = arith.index_cast %swap3A_660 : i32 to index
      %swap3A_663 = arith.constant 80 : index
      %swap3A_664 = tpu.vector_load %arg6[%swap3A_661, %swap3A_662, %swap3A_663] {strides = array<i32>} : memref<33x8x128xf32, #tpu.memory_space<vmem>>, vector<16xf32>,
      tpu.vector_store %arg6[%swap3A_661, %swap3A_662, %swap3A_663], %broadcast_in_dim3A_3 {strides = array<i32>} : memref<33x8x128xf32, #tpu.memory_space<vmem>>, vector<16xf32>,
      %swap3A_665 = arith.constant 0 : i32
      %swap3A_666 = arith.index_cast %scan3A_634 : i32 to index
      %swap3A_667 = arith.index_cast %swap3A_665 : i32 to index
      %swap3A_668 = arith.constant 96 : index
      %swap3A_669 = tpu.vector_load %arg6[%swap3A_666, %swap3A_667, %swap3A_668] {strides = array<i32>} : memref<33x8x128xf32, #tpu.memory_space<vmem>>, vector<16xf32>,
      tpu.vector_store %arg6[%swap3A_666, %swap3A_667, %swap3A_668], %broadcast_in_dim3A_3 {strides = array<i32>} : memref<33x8x128xf32, #tpu.memory_space<vmem>>, vector<16xf32>,
      %swap3A_670 = arith.constant 0 : i32
      %swap3A_671 = arith.index_cast %scan3A_634 : i32 to index
      %swap3A_672 = arith.index_cast %swap3A_670 : i32 to index
      %swap3A_673 = arith.constant 112 : index
      %swap3A_674 = tpu.vector_load %arg6[%swap3A_671, %swap3A_672, %swap3A_673] {strides = array<i32>} : memref<33x8x128xf32, #tpu.memory_space<vmem>>, vector<16xf32>,
      tpu.vector_store %arg6[%swap3A_671, %swap3A_672, %swap3A_673], %broadcast_in_dim3A_3 {strides = array<i32>} : memref<33x8x128xf32, #tpu.memory_space<vmem>>, vector<16xf32>,
      %swap3A_675 = arith.constant 1 : i32
      %swap3A_676 = arith.index_cast %scan3A_634 : i32 to index
      %swap3A_677 = arith.index_cast %swap3A_675 : i32 to index
      %swap3A_678 = arith.constant 0 : index
      %swap3A_679 = tpu.vector_load %arg6[%swap3A_676, %swap3A_677, %swap3A_678] {strides = array<i32>} : memref<33x8x128xf32, #tpu.memory_space<vmem>>, vector<16xf32>,
      tpu.vector_store %arg6[%swap3A_676, %swap3A_677, %swap3A_678], %broadcast_in_dim3A_3 {strides = array<i32>} : memref<33x8x128xf32, #tpu.memory_space<vmem>>, vector<16xf32>,
      %swap3A_680 = arith.constant 1 : i32
      %swap3A_681 = arith.index_cast %scan3A_634 : i32 to index
      %swap3A_682 = arith.index_cast %swap3A_680 : i32 to index
      %swap3A_683 = arith.constant 16 : index
      %swap3A_684 = tpu.vector_load %arg6[%swap3A_681, %swap3A_682, %swap3A_683] {strides = array<i32>} : memref<33x8x128xf32, #tpu.memory_space<vmem>>, vector<16xf32>,
      tpu.vector_store %arg6[%swap3A_681, %swap3A_682, %swap3A_683], %broadcast_in_dim3A_3 {strides = array<i32>} : memref<33x8x128xf32, #tpu.memory_space<vmem>>, vector<16xf32>,
      %swap3A_685 = arith.constant 1 : i32
      %swap3A_686 = arith.index_cast %scan3A_634 : i32 to index
      %swap3A_687 = arith.index_cast %swap3A_685 : i32 to index
      %swap3A_688 = arith.constant 32 : index
      %swap3A_689 = tpu.vector_load %arg6[%swap3A_686, %swap3A_687, %swap3A_688] {strides = array<i32>} : memref<33x8x128xf32, #tpu.memory_space<vmem>>, vector<16xf32>,
      tpu.vector_store %arg6[%swap3A_686, %swap3A_687, %swap3A_688], %broadcast_in_dim3A_3 {strides = array<i32>} : memref<33x8x128xf32, #tpu.memory_space<vmem>>, vector<16xf32>,
      %swap3A_690 = arith.constant 1 : i32
      %swap3A_691 = arith.index_cast %scan3A_634 : i32 to index
      %swap3A_692 = arith.index_cast %swap3A_690 : i32 to index
      %swap3A_693 = arith.constant 48 : index
      %swap3A_694 = tpu.vector_load %arg6[%swap3A_691, %swap3A_692, %swap3A_693] {strides = array<i32>} : memref<33x8x128xf32, #tpu.memory_space<vmem>>, vector<16xf32>,
      tpu.vector_store %arg6[%swap3A_691, %swap3A_692, %swap3A_693], %broadcast_in_dim3A_3 {strides = array<i32>} : memref<33x8x128xf32, #tpu.memory_space<vmem>>, vector<16xf32>,
      %swap3A_695 = arith.constant 1 : i32
      %swap3A_696 = arith.index_cast %scan3A_634 : i32 to index
      %swap3A_697 = arith.index_cast %swap3A_695 : i32 to index
      %swap3A_698 = arith.constant 64 : index
      %swap3A_699 = tpu.vector_load %arg6[%swap3A_696, %swap3A_697, %swap3A_698] {strides = array<i32>} : memref<33x8x128xf32, #tpu.memory_space<vmem>>, vector<16xf32>,
      tpu.vector_store %arg6[%swap3A_696, %swap3A_697, %swap3A_698], %broadcast_in_dim3A_3 {strides = array<i32>} : memref<33x8x128xf32, #tpu.memory_space<vmem>>, vector<16xf32>,
      %swap3A_700 = arith.constant 1 : i32
      %swap3A_701 = arith.index_cast %scan3A_634 : i32 to index
      %swap3A_702 = arith.index_cast %swap3A_700 : i32 to index
      %swap3A_703 = arith.constant 80 : index
      %swap3A_704 = tpu.vector_load %arg6[%swap3A_701, %swap3A_702, %swap3A_703] {strides = array<i32>} : memref<33x8x128xf32, #tpu.memory_space<vmem>>, vector<16xf32>,
      tpu.vector_store %arg6[%swap3A_701, %swap3A_702, %swap3A_703], %broadcast_in_dim3A_3 {strides = array<i32>} : memref<33x8x128xf32, #tpu.memory_space<vmem>>, vector<16xf32>,
      %swap3A_705 = arith.constant 1 : i32
      %swap3A_706 = arith.index_cast %scan3A_634 : i32 to index
      %swap3A_707 = arith.index_cast %swap3A_705 : i32 to index
      %swap3A_708 = arith.constant 96 : index
      %swap3A_709 = tpu.vector_load %arg6[%swap3A_706, %swap3A_707, %swap3A_708] {strides = array<i32>} : memref<33x8x128xf32, #tpu.memory_space<vmem>>, vector<16xf32>,
      tpu.vector_store %arg6[%swap3A_706, %swap3A_707, %swap3A_708], %broadcast_in_dim3A_3 {strides = array<i32>} : memref<33x8x128xf32, #tpu.memory_space<vmem>>, vector<16xf32>,
      %swap3A_710 = arith.constant 1 : i32
      %swap3A_711 = arith.index_cast %scan3A_634 : i32 to index
      %swap3A_712 = arith.index_cast %swap3A_710 : i32 to index
      %swap3A_713 = arith.constant 112 : index
      %swap3A_714 = tpu.vector_load %arg6[%swap3A_711, %swap3A_712, %swap3A_713] {strides = array<i32>} : memref<33x8x128xf32, #tpu.memory_space<vmem>>, vector<16xf32>,
      tpu.vector_store %arg6[%swap3A_711, %swap3A_712, %swap3A_713], %broadcast_in_dim3A_3 {strides = array<i32>} : memref<33x8x128xf32, #tpu.memory_space<vmem>>, vector<16xf32>,
      %swap3A_715 = arith.constant 2 : i32
      %swap3A_716 = arith.index_cast %scan3A_634 : i32 to index
      %swap3A_717 = arith.index_cast %swap3A_715 : i32 to index
      %swap3A_718 = arith.constant 0 : index
      %swap3A_719 = tpu.vector_load %arg6[%swap3A_716, %swap3A_717, %swap3A_718] {strides = array<i32>} : memref<33x8x128xf32, #tpu.memory_space<vmem>>, vector<16xf32>,
      tpu.vector_store %arg6[%swap3A_716, %swap3A_717, %swap3A_718], %broadcast_in_dim3A_3 {strides = array<i32>} : memref<33x8x128xf32, #tpu.memory_space<vmem>>, vector<16xf32>,
      %swap3A_720 = arith.constant 2 : i32
      %swap3A_721 = arith.index_cast %scan3A_634 : i32 to index
      %swap3A_722 = arith.index_cast %swap3A_720 : i32 to index
      %swap3A_723 = arith.constant 16 : index
      %swap3A_724 = tpu.vector_load %arg6[%swap3A_721, %swap3A_722, %swap3A_723] {strides = array<i32>} : memref<33x8x128xf32, #tpu.memory_space<vmem>>, vector<16xf32>,
      tpu.vector_store %arg6[%swap3A_721, %swap3A_722, %swap3A_723], %broadcast_in_dim3A_3 {strides = array<i32>} : memref<33x8x128xf32, #tpu.memory_space<vmem>>, vector<16xf32>,
      %swap3A_725 = arith.constant 2 : i32
      %swap3A_726 = arith.index_cast %scan3A_634 : i32 to index
      %swap3A_727 = arith.index_cast %swap3A_725 : i32 to index
      %swap3A_728 = arith.constant 32 : index
      %swap3A_729 = tpu.vector_load %arg6[%swap3A_726, %swap3A_727, %swap3A_728] {strides = array<i32>} : memref<33x8x128xf32, #tpu.memory_space<vmem>>, vector<16xf32>,
      tpu.vector_store %arg6[%swap3A_726, %swap3A_727, %swap3A_728], %broadcast_in_dim3A_3 {strides = array<i32>} : memref<33x8x128xf32, #tpu.memory_space<vmem>>, vector<16xf32>,
      %swap3A_730 = arith.constant 2 : i32
      %swap3A_731 = arith.index_cast %scan3A_634 : i32 to index
      %swap3A_732 = arith.index_cast %swap3A_730 : i32 to index
      %swap3A_733 = arith.constant 48 : index
      %swap3A_734 = tpu.vector_load %arg6[%swap3A_731, %swap3A_732, %swap3A_733] {strides = array<i32>} : memref<33x8x128xf32, #tpu.memory_space<vmem>>, vector<16xf32>,
      tpu.vector_store %arg6[%swap3A_731, %swap3A_732, %swap3A_733], %broadcast_in_dim3A_3 {strides = array<i32>} : memref<33x8x128xf32, #tpu.memory_space<vmem>>, vector<16xf32>,
      %swap3A_735 = arith.constant 2 : i32
      %swap3A_736 = arith.index_cast %scan3A_634 : i32 to index
      %swap3A_737 = arith.index_cast %swap3A_735 : i32 to index
      %swap3A_738 = arith.constant 64 : index
      %swap3A_739 = tpu.vector_load %arg6[%swap3A_736, %swap3A_737, %swap3A_738] {strides = array<i32>} : memref<33x8x128xf32, #tpu.memory_space<vmem>>, vector<16xf32>,
      tpu.vector_store %arg6[%swap3A_736, %swap3A_737, %swap3A_738], %broadcast_in_dim3A_3 {strides = array<i32>} : memref<33x8x128xf32, #tpu.memory_space<vmem>>, vector<16xf32>,
      %swap3A_740 = arith.constant 2 : i32
      %swap3A_741 = arith.index_cast %scan3A_634 : i32 to index
      %swap3A_742 = arith.index_cast %swap3A_740 : i32 to index
      %swap3A_743 = arith.constant 80 : index
      %swap3A_744 = tpu.vector_load %arg6[%swap3A_741, %swap3A_742, %swap3A_743] {strides = array<i32>} : memref<33x8x128xf32, #tpu.memory_space<vmem>>, vector<16xf32>,
      tpu.vector_store %arg6[%swap3A_741, %swap3A_742, %swap3A_743], %broadcast_in_dim3A_3 {strides = array<i32>} : memref<33x8x128xf32, #tpu.memory_space<vmem>>, vector<16xf32>,
      %swap3A_745 = arith.constant 2 : i32
      %swap3A_746 = arith.index_cast %scan3A_634 : i32 to index
      %swap3A_747 = arith.index_cast %swap3A_745 : i32 to index
      %swap3A_748 = arith.constant 96 : index
      %swap3A_749 = tpu.vector_load %arg6[%swap3A_746, %swap3A_747, %swap3A_748] {strides = array<i32>} : memref<33x8x128xf32, #tpu.memory_space<vmem>>, vector<16xf32>,
      tpu.vector_store %arg6[%swap3A_746, %swap3A_747, %swap3A_748], %broadcast_in_dim3A_3 {strides = array<i32>} : memref<33x8x128xf32, #tpu.memory_space<vmem>>, vector<16xf32>,
      %swap3A_750 = arith.constant 2 : i32
      %swap3A_751 = arith.index_cast %scan3A_634 : i32 to index
      %swap3A_752 = arith.index_cast %swap3A_750 : i32 to index
      %swap3A_753 = arith.constant 112 : index
      %swap3A_754 = tpu.vector_load %arg6[%swap3A_751, %swap3A_752, %swap3A_753] {strides = array<i32>} : memref<33x8x128xf32, #tpu.memory_space<vmem>>, vector<16xf32>,
      tpu.vector_store %arg6[%swap3A_751, %swap3A_752, %swap3A_753], %broadcast_in_dim3A_3 {strides = array<i32>} : memref<33x8x128xf32, #tpu.memory_space<vmem>>, vector<16xf32>,
      %swap3A_755 = arith.constant 3 : i32
      %swap3A_756 = arith.index_cast %scan3A_634 : i32 to index
      %swap3A_757 = arith.index_cast %swap3A_755 : i32 to index
      %swap3A_758 = arith.constant 0 : index
      %swap3A_759 = tpu.vector_load %arg6[%swap3A_756, %swap3A_757, %swap3A_758] {strides = array<i32>} : memref<33x8x128xf32, #tpu.memory_space<vmem>>, vector<16xf32>,
      tpu.vector_store %arg6[%swap3A_756, %swap3A_757, %swap3A_758], %broadcast_in_dim3A_3 {strides = array<i32>} : memref<33x8x128xf32, #tpu.memory_space<vmem>>, vector<16xf32>,
      %swap3A_760 = arith.constant 3 : i32
      %swap3A_761 = arith.index_cast %scan3A_634 : i32 to index
      %swap3A_762 = arith.index_cast %swap3A_760 : i32 to index
      %swap3A_763 = arith.constant 16 : index
      %swap3A_764 = tpu.vector_load %arg6[%swap3A_761, %swap3A_762, %swap3A_763] {strides = array<i32>} : memref<33x8x128xf32, #tpu.memory_space<vmem>>, vector<16xf32>,
      tpu.vector_store %arg6[%swap3A_761, %swap3A_762, %swap3A_763], %broadcast_in_dim3A_3 {strides = array<i32>} : memref<33x8x128xf32, #tpu.memory_space<vmem>>, vector<16xf32>,
      %swap3A_765 = arith.constant 3 : i32
      %swap3A_766 = arith.index_cast %scan3A_634 : i32 to index
      %swap3A_767 = arith.index_cast %swap3A_765 : i32 to index
      %swap3A_768 = arith.constant 32 : index
      %swap3A_769 = tpu.vector_load %arg6[%swap3A_766, %swap3A_767, %swap3A_768] {strides = array<i32>} : memref<33x8x128xf32, #tpu.memory_space<vmem>>, vector<16xf32>,
      tpu.vector_store %arg6[%swap3A_766, %swap3A_767, %swap3A_768], %broadcast_in_dim3A_3 {strides = array<i32>} : memref<33x8x128xf32, #tpu.memory_space<vmem>>, vector<16xf32>,
      %swap3A_770 = arith.constant 3 : i32
      %swap3A_771 = arith.index_cast %scan3A_634 : i32 to index
      %swap3A_772 = arith.index_cast %swap3A_770 : i32 to index
      %swap3A_773 = arith.constant 48 : index
      %swap3A_774 = tpu.vector_load %arg6[%swap3A_771, %swap3A_772, %swap3A_773] {strides = array<i32>} : memref<33x8x128xf32, #tpu.memory_space<vmem>>, vector<16xf32>,
      tpu.vector_store %arg6[%swap3A_771, %swap3A_772, %swap3A_773], %broadcast_in_dim3A_3 {strides = array<i32>} : memref<33x8x128xf32, #tpu.memory_space<vmem>>, vector<16xf32>,
      %swap3A_775 = arith.constant 3 : i32
      %swap3A_776 = arith.index_cast %scan3A_634 : i32 to index
      %swap3A_777 = arith.index_cast %swap3A_775 : i32 to index
      %swap3A_778 = arith.constant 64 : index
      %swap3A_779 = tpu.vector_load %arg6[%swap3A_776, %swap3A_777, %swap3A_778] {strides = array<i32>} : memref<33x8x128xf32, #tpu.memory_space<vmem>>, vector<16xf32>,
      tpu.vector_store %arg6[%swap3A_776, %swap3A_777, %swap3A_778], %broadcast_in_dim3A_3 {strides = array<i32>} : memref<33x8x128xf32, #tpu.memory_space<vmem>>, vector<16xf32>,
      %swap3A_780 = arith.constant 3 : i32
      %swap3A_781 = arith.index_cast %scan3A_634 : i32 to index
      %swap3A_782 = arith.index_cast %swap3A_780 : i32 to index
      %swap3A_783 = arith.constant 80 : index
      %swap3A_784 = tpu.vector_load %arg6[%swap3A_781, %swap3A_782, %swap3A_783] {strides = array<i32>} : memref<33x8x128xf32, #tpu.memory_space<vmem>>, vector<16xf32>,
      tpu.vector_store %arg6[%swap3A_781, %swap3A_782, %swap3A_783], %broadcast_in_dim3A_3 {strides = array<i32>} : memref<33x8x128xf32, #tpu.memory_space<vmem>>, vector<16xf32>,
      %swap3A_785 = arith.constant 3 : i32
      %swap3A_786 = arith.index_cast %scan3A_634 : i32 to index
      %swap3A_787 = arith.index_cast %swap3A_785 : i32 to index
      %swap3A_788 = arith.constant 96 : index
      %swap3A_789 = tpu.vector_load %arg6[%swap3A_786, %swap3A_787, %swap3A_788] {strides = array<i32>} : memref<33x8x128xf32, #tpu.memory_space<vmem>>, vector<16xf32>,
      tpu.vector_store %arg6[%swap3A_786, %swap3A_787, %swap3A_788], %broadcast_in_dim3A_3 {strides = array<i32>} : memref<33x8x128xf32, #tpu.memory_space<vmem>>, vector<16xf32>,
      %swap3A_790 = arith.constant 3 : i32
      %swap3A_791 = arith.index_cast %scan3A_634 : i32 to index
      %swap3A_792 = arith.index_cast %swap3A_790 : i32 to index
      %swap3A_793 = arith.constant 112 : index
      %swap3A_794 = tpu.vector_load %arg6[%swap3A_791, %swap3A_792, %swap3A_793] {strides = array<i32>} : memref<33x8x128xf32, #tpu.memory_space<vmem>>, vector<16xf32>,
      tpu.vector_store %arg6[%swap3A_791, %swap3A_792, %swap3A_793], %broadcast_in_dim3A_3 {strides = array<i32>} : memref<33x8x128xf32, #tpu.memory_space<vmem>>, vector<16xf32>,
      %swap3A_795 = arith.constant 4 : i32
      %swap3A_796 = arith.index_cast %scan3A_634 : i32 to index
      %swap3A_797 = arith.index_cast %swap3A_795 : i32 to index
      %swap3A_798 = arith.constant 0 : index
      %swap3A_799 = tpu.vector_load %arg6[%swap3A_796, %swap3A_797, %swap3A_798] {strides = array<i32>} : memref<33x8x128xf32, #tpu.memory_space<vmem>>, vector<16xf32>,
      tpu.vector_store %arg6[%swap3A_796, %swap3A_797, %swap3A_798], %broadcast_in_dim3A_3 {strides = array<i32>} : memref<33x8x128xf32, #tpu.memory_space<vmem>>, vector<16xf32>,
      %swap3A_800 = arith.constant 4 : i32
      %swap3A_801 = arith.index_cast %scan3A_634 : i32 to index
      %swap3A_802 = arith.index_cast %swap3A_800 : i32 to index
      %swap3A_803 = arith.constant 16 : index
      %swap3A_804 = tpu.vector_load %arg6[%swap3A_801, %swap3A_802, %swap3A_803] {strides = array<i32>} : memref<33x8x128xf32, #tpu.memory_space<vmem>>, vector<16xf32>,
      tpu.vector_store %arg6[%swap3A_801, %swap3A_802, %swap3A_803], %broadcast_in_dim3A_3 {strides = array<i32>} : memref<33x8x128xf32, #tpu.memory_space<vmem>>, vector<16xf32>,
      %swap3A_805 = arith.constant 4 : i32
      %swap3A_806 = arith.index_cast %scan3A_634 : i32 to index
      %swap3A_807 = arith.index_cast %swap3A_805 : i32 to index
      %swap3A_808 = arith.constant 32 : index
      %swap3A_809 = tpu.vector_load %arg6[%swap3A_806, %swap3A_807, %swap3A_808] {strides = array<i32>} : memref<33x8x128xf32, #tpu.memory_space<vmem>>, vector<16xf32>,
      tpu.vector_store %arg6[%swap3A_806, %swap3A_807, %swap3A_808], %broadcast_in_dim3A_3 {strides = array<i32>} : memref<33x8x128xf32, #tpu.memory_space<vmem>>, vector<16xf32>,
      %swap3A_810 = arith.constant 4 : i32
      %swap3A_811 = arith.index_cast %scan3A_634 : i32 to index
      %swap3A_812 = arith.index_cast %swap3A_810 : i32 to index
      %swap3A_813 = arith.constant 48 : index
      %swap3A_814 = tpu.vector_load %arg6[%swap3A_811, %swap3A_812, %swap3A_813] {strides = array<i32>} : memref<33x8x128xf32, #tpu.memory_space<vmem>>, vector<16xf32>,
      tpu.vector_store %arg6[%swap3A_811, %swap3A_812, %swap3A_813], %broadcast_in_dim3A_3 {strides = array<i32>} : memref<33x8x128xf32, #tpu.memory_space<vmem>>, vector<16xf32>,
      %swap3A_815 = arith.constant 4 : i32
      %swap3A_816 = arith.index_cast %scan3A_634 : i32 to index
      %swap3A_817 = arith.index_cast %swap3A_815 : i32 to index
      %swap3A_818 = arith.constant 64 : index
      %swap3A_819 = tpu.vector_load %arg6[%swap3A_816, %swap3A_817, %swap3A_818] {strides = array<i32>} : memref<33x8x128xf32, #tpu.memory_space<vmem>>, vector<16xf32>,
      tpu.vector_store %arg6[%swap3A_816, %swap3A_817, %swap3A_818], %broadcast_in_dim3A_3 {strides = array<i32>} : memref<33x8x128xf32, #tpu.memory_space<vmem>>, vector<16xf32>,
      %swap3A_820 = arith.constant 4 : i32
      %swap3A_821 = arith.index_cast %scan3A_634 : i32 to index
      %swap3A_822 = arith.index_cast %swap3A_820 : i32 to index
      %swap3A_823 = arith.constant 80 : index
      %swap3A_824 = tpu.vector_load %arg6[%swap3A_821, %swap3A_822, %swap3A_823] {strides = array<i32>} : memref<33x8x128xf32, #tpu.memory_space<vmem>>, vector<16xf32>,
      tpu.vector_store %arg6[%swap3A_821, %swap3A_822, %swap3A_823], %broadcast_in_dim3A_3 {strides = array<i32>} : memref<33x8x128xf32, #tpu.memory_space<vmem>>, vector<16xf32>,
      %swap3A_825 = arith.constant 4 : i32
      %swap3A_826 = arith.index_cast %scan3A_634 : i32 to index
      %swap3A_827 = arith.index_cast %swap3A_825 : i32 to index
      %swap3A_828 = arith.constant 96 : index
      %swap3A_829 = tpu.vector_load %arg6[%swap3A_826, %swap3A_827, %swap3A_828] {strides = array<i32>} : memref<33x8x128xf32, #tpu.memory_space<vmem>>, vector<16xf32>,
      tpu.vector_store %arg6[%swap3A_826, %swap3A_827, %swap3A_828], %broadcast_in_dim3A_3 {strides = array<i32>} : memref<33x8x128xf32, #tpu.memory_space<vmem>>, vector<16xf32>,
      %swap3A_830 = arith.constant 4 : i32
      %swap3A_831 = arith.index_cast %scan3A_634 : i32 to index
      %swap3A_832 = arith.index_cast %swap3A_830 : i32 to index
      %swap3A_833 = arith.constant 112 : index
      %swap3A_834 = tpu.vector_load %arg6[%swap3A_831, %swap3A_832, %swap3A_833] {strides = array<i32>} : memref<33x8x128xf32, #tpu.memory_space<vmem>>, vector<16xf32>,
      tpu.vector_store %arg6[%swap3A_831, %swap3A_832, %swap3A_833], %broadcast_in_dim3A_3 {strides = array<i32>} : memref<33x8x128xf32, #tpu.memory_space<vmem>>, vector<16xf32>,
      %swap3A_835 = arith.constant 5 : i32
      %swap3A_836 = arith.index_cast %scan3A_634 : i32 to index
      %swap3A_837 = arith.index_cast %swap3A_835 : i32 to index
      %swap3A_838 = arith.constant 0 : index
      %swap3A_839 = tpu.vector_load %arg6[%swap3A_836, %swap3A_837, %swap3A_838] {strides = array<i32>} : memref<33x8x128xf32, #tpu.memory_space<vmem>>, vector<16xf32>,
      tpu.vector_store %arg6[%swap3A_836, %swap3A_837, %swap3A_838], %broadcast_in_dim3A_3 {strides = array<i32>} : memref<33x8x128xf32, #tpu.memory_space<vmem>>, vector<16xf32>,
      %swap3A_840 = arith.constant 5 : i32
      %swap3A_841 = arith.index_cast %scan3A_634 : i32 to index
      %swap3A_842 = arith.index_cast %swap3A_840 : i32 to index
      %swap3A_843 = arith.constant 16 : index
      %swap3A_844 = tpu.vector_load %arg6[%swap3A_841, %swap3A_842, %swap3A_843] {strides = array<i32>} : memref<33x8x128xf32, #tpu.memory_space<vmem>>, vector<16xf32>,
      tpu.vector_store %arg6[%swap3A_841, %swap3A_842, %swap3A_843], %broadcast_in_dim3A_3 {strides = array<i32>} : memref<33x8x128xf32, #tpu.memory_space<vmem>>, vector<16xf32>,
      %swap3A_845 = arith.constant 5 : i32
      %swap3A_846 = arith.index_cast %scan3A_634 : i32 to index
      %swap3A_847 = arith.index_cast %swap3A_845 : i32 to index
      %swap3A_848 = arith.constant 32 : index
      %swap3A_849 = tpu.vector_load %arg6[%swap3A_846, %swap3A_847, %swap3A_848] {strides = array<i32>} : memref<33x8x128xf32, #tpu.memory_space<vmem>>, vector<16xf32>,
      tpu.vector_store %arg6[%swap3A_846, %swap3A_847, %swap3A_848], %broadcast_in_dim3A_3 {strides = array<i32>} : memref<33x8x128xf32, #tpu.memory_space<vmem>>, vector<16xf32>,
      %swap3A_850 = arith.constant 5 : i32
      %swap3A_851 = arith.index_cast %scan3A_634 : i32 to index
      %swap3A_852 = arith.index_cast %swap3A_850 : i32 to index
      %swap3A_853 = arith.constant 48 : index
      %swap3A_854 = tpu.vector_load %arg6[%swap3A_851, %swap3A_852, %swap3A_853] {strides = array<i32>} : memref<33x8x128xf32, #tpu.memory_space<vmem>>, vector<16xf32>,
      tpu.vector_store %arg6[%swap3A_851, %swap3A_852, %swap3A_853], %broadcast_in_dim3A_3 {strides = array<i32>} : memref<33x8x128xf32, #tpu.memory_space<vmem>>, vector<16xf32>,
      %swap3A_855 = arith.constant 5 : i32
      %swap3A_856 = arith.index_cast %scan3A_634 : i32 to index
      %swap3A_857 = arith.index_cast %swap3A_855 : i32 to index
      %swap3A_858 = arith.constant 64 : index
      %swap3A_859 = tpu.vector_load %arg6[%swap3A_856, %swap3A_857, %swap3A_858] {strides = array<i32>} : memref<33x8x128xf32, #tpu.memory_space<vmem>>, vector<16xf32>,
      tpu.vector_store %arg6[%swap3A_856, %swap3A_857, %swap3A_858], %broadcast_in_dim3A_3 {strides = array<i32>} : memref<33x8x128xf32, #tpu.memory_space<vmem>>, vector<16xf32>,
      %swap3A_860 = arith.constant 5 : i32
      %swap3A_861 = arith.index_cast %scan3A_634 : i32 to index
      %swap3A_862 = arith.index_cast %swap3A_860 : i32 to index
      %swap3A_863 = arith.constant 80 : index
      %swap3A_864 = tpu.vector_load %arg6[%swap3A_861, %swap3A_862, %swap3A_863] {strides = array<i32>} : memref<33x8x128xf32, #tpu.memory_space<vmem>>, vector<16xf32>,
      tpu.vector_store %arg6[%swap3A_861, %swap3A_862, %swap3A_863], %broadcast_in_dim3A_3 {strides = array<i32>} : memref<33x8x128xf32, #tpu.memory_space<vmem>>, vector<16xf32>,
      %swap3A_865 = arith.constant 5 : i32
      %swap3A_866 = arith.index_cast %scan3A_634 : i32 to index
      %swap3A_867 = arith.index_cast %swap3A_865 : i32 to index
      %swap3A_868 = arith.constant 96 : index
      %swap3A_869 = tpu.vector_load %arg6[%swap3A_866, %swap3A_867, %swap3A_868] {strides = array<i32>} : memref<33x8x128xf32, #tpu.memory_space<vmem>>, vector<16xf32>,
      tpu.vector_store %arg6[%swap3A_866, %swap3A_867, %swap3A_868], %broadcast_in_dim3A_3 {strides = array<i32>} : memref<33x8x128xf32, #tpu.memory_space<vmem>>, vector<16xf32>,
      %swap3A_870 = arith.constant 5 : i32
      %swap3A_871 = arith.index_cast %scan3A_634 : i32 to index
      %swap3A_872 = arith.index_cast %swap3A_870 : i32 to index
      %swap3A_873 = arith.constant 112 : index
      %swap3A_874 = tpu.vector_load %arg6[%swap3A_871, %swap3A_872, %swap3A_873] {strides = array<i32>} : memref<33x8x128xf32, #tpu.memory_space<vmem>>, vector<16xf32>,
      tpu.vector_store %arg6[%swap3A_871, %swap3A_872, %swap3A_873], %broadcast_in_dim3A_3 {strides = array<i32>} : memref<33x8x128xf32, #tpu.memory_space<vmem>>, vector<16xf32>,
      %swap3A_875 = arith.constant 6 : i32
      %swap3A_876 = arith.index_cast %scan3A_634 : i32 to index
      %swap3A_877 = arith.index_cast %swap3A_875 : i32 to index
      %swap3A_878 = arith.constant 0 : index
      %swap3A_879 = tpu.vector_load %arg6[%swap3A_876, %swap3A_877, %swap3A_878] {strides = array<i32>} : memref<33x8x128xf32, #tpu.memory_space<vmem>>, vector<16xf32>,
      tpu.vector_store %arg6[%swap3A_876, %swap3A_877, %swap3A_878], %broadcast_in_dim3A_3 {strides = array<i32>} : memref<33x8x128xf32, #tpu.memory_space<vmem>>, vector<16xf32>,
      %swap3A_880 = arith.constant 6 : i32
      %swap3A_881 = arith.index_cast %scan3A_634 : i32 to index
      %swap3A_882 = arith.index_cast %swap3A_880 : i32 to index
      %swap3A_883 = arith.constant 16 : index
      %swap3A_884 = tpu.vector_load %arg6[%swap3A_881, %swap3A_882, %swap3A_883] {strides = array<i32>} : memref<33x8x128xf32, #tpu.memory_space<vmem>>, vector<16xf32>,
      tpu.vector_store %arg6[%swap3A_881, %swap3A_882, %swap3A_883], %broadcast_in_dim3A_3 {strides = array<i32>} : memref<33x8x128xf32, #tpu.memory_space<vmem>>, vector<16xf32>,
      %swap3A_885 = arith.constant 6 : i32
      %swap3A_886 = arith.index_cast %scan3A_634 : i32 to index
      %swap3A_887 = arith.index_cast %swap3A_885 : i32 to index
      %swap3A_888 = arith.constant 32 : index
      %swap3A_889 = tpu.vector_load %arg6[%swap3A_886, %swap3A_887, %swap3A_888] {strides = array<i32>} : memref<33x8x128xf32, #tpu.memory_space<vmem>>, vector<16xf32>,
      tpu.vector_store %arg6[%swap3A_886, %swap3A_887, %swap3A_888], %broadcast_in_dim3A_3 {strides = array<i32>} : memref<33x8x128xf32, #tpu.memory_space<vmem>>, vector<16xf32>,
      %swap3A_890 = arith.constant 6 : i32
      %swap3A_891 = arith.index_cast %scan3A_634 : i32 to index
      %swap3A_892 = arith.index_cast %swap3A_890 : i32 to index
      %swap3A_893 = arith.constant 48 : index
      %swap3A_894 = tpu.vector_load %arg6[%swap3A_891, %swap3A_892, %swap3A_893] {strides = array<i32>} : memref<33x8x128xf32, #tpu.memory_space<vmem>>, vector<16xf32>,
      tpu.vector_store %arg6[%swap3A_891, %swap3A_892, %swap3A_893], %broadcast_in_dim3A_3 {strides = array<i32>} : memref<33x8x128xf32, #tpu.memory_space<vmem>>, vector<16xf32>,
      %swap3A_895 = arith.constant 6 : i32
      %swap3A_896 = arith.index_cast %scan3A_634 : i32 to index
      %swap3A_897 = arith.index_cast %swap3A_895 : i32 to index
      %swap3A_898 = arith.constant 64 : index
      %swap3A_899 = tpu.vector_load %arg6[%swap3A_896, %swap3A_897, %swap3A_898] {strides = array<i32>} : memref<33x8x128xf32, #tpu.memory_space<vmem>>, vector<16xf32>,
      tpu.vector_store %arg6[%swap3A_896, %swap3A_897, %swap3A_898], %broadcast_in_dim3A_3 {strides = array<i32>} : memref<33x8x128xf32, #tpu.memory_space<vmem>>, vector<16xf32>,
      %swap3A_900 = arith.constant 6 : i32
      %swap3A_901 = arith.index_cast %scan3A_634 : i32 to index
      %swap3A_902 = arith.index_cast %swap3A_900 : i32 to index
      %swap3A_903 = arith.constant 80 : index
      %swap3A_904 = tpu.vector_load %arg6[%swap3A_901, %swap3A_902, %swap3A_903] {strides = array<i32>} : memref<33x8x128xf32, #tpu.memory_space<vmem>>, vector<16xf32>,
      tpu.vector_store %arg6[%swap3A_901, %swap3A_902, %swap3A_903], %broadcast_in_dim3A_3 {strides = array<i32>} : memref<33x8x128xf32, #tpu.memory_space<vmem>>, vector<16xf32>,
      %swap3A_905 = arith.constant 6 : i32
      %swap3A_906 = arith.index_cast %scan3A_634 : i32 to index
      %swap3A_907 = arith.index_cast %swap3A_905 : i32 to index
      %swap3A_908 = arith.constant 96 : index
      %swap3A_909 = tpu.vector_load %arg6[%swap3A_906, %swap3A_907, %swap3A_908] {strides = array<i32>} : memref<33x8x128xf32, #tpu.memory_space<vmem>>, vector<16xf32>,
      tpu.vector_store %arg6[%swap3A_906, %swap3A_907, %swap3A_908], %broadcast_in_dim3A_3 {strides = array<i32>} : memref<33x8x128xf32, #tpu.memory_space<vmem>>, vector<16xf32>,
      %swap3A_910 = arith.constant 6 : i32
      %swap3A_911 = arith.index_cast %scan3A_634 : i32 to index
      %swap3A_912 = arith.index_cast %swap3A_910 : i32 to index
      %swap3A_913 = arith.constant 112 : index
      %swap3A_914 = tpu.vector_load %arg6[%swap3A_911, %swap3A_912, %swap3A_913] {strides = array<i32>} : memref<33x8x128xf32, #tpu.memory_space<vmem>>, vector<16xf32>,
      tpu.vector_store %arg6[%swap3A_911, %swap3A_912, %swap3A_913], %broadcast_in_dim3A_3 {strides = array<i32>} : memref<33x8x128xf32, #tpu.memory_space<vmem>>, vector<16xf32>,
      %swap3A_915 = arith.constant 7 : i32
      %swap3A_916 = arith.index_cast %scan3A_634 : i32 to index
      %swap3A_917 = arith.index_cast %swap3A_915 : i32 to index
      %swap3A_918 = arith.constant 0 : index
      %swap3A_919 = tpu.vector_load %arg6[%swap3A_916, %swap3A_917, %swap3A_918] {strides = array<i32>} : memref<33x8x128xf32, #tpu.memory_space<vmem>>, vector<16xf32>,
      tpu.vector_store %arg6[%swap3A_916, %swap3A_917, %swap3A_918], %broadcast_in_dim3A_3 {strides = array<i32>} : memref<33x8x128xf32, #tpu.memory_space<vmem>>, vector<16xf32>,
      %swap3A_920 = arith.constant 7 : i32
      %swap3A_921 = arith.index_cast %scan3A_634 : i32 to index
      %swap3A_922 = arith.index_cast %swap3A_920 : i32 to index
      %swap3A_923 = arith.constant 16 : index
      %swap3A_924 = tpu.vector_load %arg6[%swap3A_921, %swap3A_922, %swap3A_923] {strides = array<i32>} : memref<33x8x128xf32, #tpu.memory_space<vmem>>, vector<16xf32>,
      tpu.vector_store %arg6[%swap3A_921, %swap3A_922, %swap3A_923], %broadcast_in_dim3A_3 {strides = array<i32>} : memref<33x8x128xf32, #tpu.memory_space<vmem>>, vector<16xf32>,
      %swap3A_925 = arith.constant 7 : i32
      %swap3A_926 = arith.index_cast %scan3A_634 : i32 to index
      %swap3A_927 = arith.index_cast %swap3A_925 : i32 to index
      %swap3A_928 = arith.constant 32 : index
      %swap3A_929 = tpu.vector_load %arg6[%swap3A_926, %swap3A_927, %swap3A_928] {strides = array<i32>} : memref<33x8x128xf32, #tpu.memory_space<vmem>>, vector<16xf32>,
      tpu.vector_store %arg6[%swap3A_926, %swap3A_927, %swap3A_928], %broadcast_in_dim3A_3 {strides = array<i32>} : memref<33x8x128xf32, #tpu.memory_space<vmem>>, vector<16xf32>,
      %swap3A_930 = arith.constant 7 : i32
      %swap3A_931 = arith.index_cast %scan3A_634 : i32 to index
      %swap3A_932 = arith.index_cast %swap3A_930 : i32 to index
      %swap3A_933 = arith.constant 48 : index
      %swap3A_934 = tpu.vector_load %arg6[%swap3A_931, %swap3A_932, %swap3A_933] {strides = array<i32>} : memref<33x8x128xf32, #tpu.memory_space<vmem>>, vector<16xf32>,
      tpu.vector_store %arg6[%swap3A_931, %swap3A_932, %swap3A_933], %broadcast_in_dim3A_3 {strides = array<i32>} : memref<33x8x128xf32, #tpu.memory_space<vmem>>, vector<16xf32>,
      %swap3A_935 = arith.constant 7 : i32
      %swap3A_936 = arith.index_cast %scan3A_634 : i32 to index
      %swap3A_937 = arith.index_cast %swap3A_935 : i32 to index
      %swap3A_938 = arith.constant 64 : index
      %swap3A_939 = tpu.vector_load %arg6[%swap3A_936, %swap3A_937, %swap3A_938] {strides = array<i32>} : memref<33x8x128xf32, #tpu.memory_space<vmem>>, vector<16xf32>,
      tpu.vector_store %arg6[%swap3A_936, %swap3A_937, %swap3A_938], %broadcast_in_dim3A_3 {strides = array<i32>} : memref<33x8x128xf32, #tpu.memory_space<vmem>>, vector<16xf32>,
      %swap3A_940 = arith.constant 7 : i32
      %swap3A_941 = arith.index_cast %scan3A_634 : i32 to index
      %swap3A_942 = arith.index_cast %swap3A_940 : i32 to index
      %swap3A_943 = arith.constant 80 : index
      %swap3A_944 = tpu.vector_load %arg6[%swap3A_941, %swap3A_942, %swap3A_943] {strides = array<i32>} : memref<33x8x128xf32, #tpu.memory_space<vmem>>, vector<16xf32>,
      tpu.vector_store %arg6[%swap3A_941, %swap3A_942, %swap3A_943], %broadcast_in_dim3A_3 {strides = array<i32>} : memref<33x8x128xf32, #tpu.memory_space<vmem>>, vector<16xf32>,
      %swap3A_945 = arith.constant 7 : i32
      %swap3A_946 = arith.index_cast %scan3A_634 : i32 to index
      %swap3A_947 = arith.index_cast %swap3A_945 : i32 to index
      %swap3A_948 = arith.constant 96 : index
      %swap3A_949 = tpu.vector_load %arg6[%swap3A_946, %swap3A_947, %swap3A_948] {strides = array<i32>} : memref<33x8x128xf32, #tpu.memory_space<vmem>>, vector<16xf32>,
      tpu.vector_store %arg6[%swap3A_946, %swap3A_947, %swap3A_948], %broadcast_in_dim3A_3 {strides = array<i32>} : memref<33x8x128xf32, #tpu.memory_space<vmem>>, vector<16xf32>,
      %swap3A_950 = arith.constant 7 : i32
      %swap3A_951 = arith.index_cast %scan3A_634 : i32 to index
      %swap3A_952 = arith.index_cast %swap3A_950 : i32 to index
      %swap3A_953 = arith.constant 112 : index
      %swap3A_954 = tpu.vector_load %arg6[%swap3A_951, %swap3A_952, %swap3A_953] {strides = array<i32>} : memref<33x8x128xf32, #tpu.memory_space<vmem>>, vector<16xf32>,
      tpu.vector_store %arg6[%swap3A_951, %swap3A_952, %swap3A_953], %broadcast_in_dim3A_3 {strides = array<i32>} : memref<33x8x128xf32, #tpu.memory_space<vmem>>, vector<16xf32>,
    }
    %scan3A_131 = arith.constant 33 : i32
    %swap3A = arith.constant 0 : index
    %swap3A_132 = tpu.vector_load %arg8[%swap3A] {strides = array<i32>} : memref<1024xi32, #tpu.memory_space<vmem>>, vector<16xi32>,
    tpu.vector_store %arg8[%swap3A], %broadcast_in_dim3A_7 {strides = array<i32>} : memref<1024xi32, #tpu.memory_space<vmem>>, vector<16xi32>,
    %swap3A_133 = arith.constant 16 : index
    %swap3A_134 = tpu.vector_load %arg8[%swap3A_133] {strides = array<i32>} : memref<1024xi32, #tpu.memory_space<vmem>>, vector<16xi32>,
    tpu.vector_store %arg8[%swap3A_133], %broadcast_in_dim3A_7 {strides = array<i32>} : memref<1024xi32, #tpu.memory_space<vmem>>, vector<16xi32>,
    %swap3A_135 = arith.constant 32 : index
    %swap3A_136 = tpu.vector_load %arg8[%swap3A_135] {strides = array<i32>} : memref<1024xi32, #tpu.memory_space<vmem>>, vector<16xi32>,
    tpu.vector_store %arg8[%swap3A_135], %broadcast_in_dim3A_7 {strides = array<i32>} : memref<1024xi32, #tpu.memory_space<vmem>>, vector<16xi32>,
    %swap3A_137 = arith.constant 48 : index
    %swap3A_138 = tpu.vector_load %arg8[%swap3A_137] {strides = array<i32>} : memref<1024xi32, #tpu.memory_space<vmem>>, vector<16xi32>,
    tpu.vector_store %arg8[%swap3A_137], %broadcast_in_dim3A_7 {strides = array<i32>} : memref<1024xi32, #tpu.memory_space<vmem>>, vector<16xi32>,
    %swap3A_139 = arith.constant 64 : index
    %swap3A_140 = tpu.vector_load %arg8[%swap3A_139] {strides = array<i32>} : memref<1024xi32, #tpu.memory_space<vmem>>, vector<16xi32>,
    tpu.vector_store %arg8[%swap3A_139], %broadcast_in_dim3A_7 {strides = array<i32>} : memref<1024xi32, #tpu.memory_space<vmem>>, vector<16xi32>,
    %swap3A_141 = arith.constant 80 : index
    %swap3A_142 = tpu.vector_load %arg8[%swap3A_141] {strides = array<i32>} : memref<1024xi32, #tpu.memory_space<vmem>>, vector<16xi32>,
    tpu.vector_store %arg8[%swap3A_141], %broadcast_in_dim3A_7 {strides = array<i32>} : memref<1024xi32, #tpu.memory_space<vmem>>, vector<16xi32>,
    %swap3A_143 = arith.constant 96 : index
    %swap3A_144 = tpu.vector_load %arg8[%swap3A_143] {strides = array<i32>} : memref<1024xi32, #tpu.memory_space<vmem>>, vector<16xi32>,
    tpu.vector_store %arg8[%swap3A_143], %broadcast_in_dim3A_7 {strides = array<i32>} : memref<1024xi32, #tpu.memory_space<vmem>>, vector<16xi32>,
    %swap3A_145 = arith.constant 112 : index
    %swap3A_146 = tpu.vector_load %arg8[%swap3A_145] {strides = array<i32>} : memref<1024xi32, #tpu.memory_space<vmem>>, vector<16xi32>,
    tpu.vector_store %arg8[%swap3A_145], %broadcast_in_dim3A_7 {strides = array<i32>} : memref<1024xi32, #tpu.memory_space<vmem>>, vector<16xi32>,
    %swap3A_147 = arith.constant 128 : index
    %swap3A_148 = tpu.vector_load %arg8[%swap3A_147] {strides = array<i32>} : memref<1024xi32, #tpu.memory_space<vmem>>, vector<16xi32>,
    tpu.vector_store %arg8[%swap3A_147], %broadcast_in_dim3A_7 {strides = array<i32>} : memref<1024xi32, #tpu.memory_space<vmem>>, vector<16xi32>,
    %swap3A_149 = arith.constant 144 : index
    %swap3A_150 = tpu.vector_load %arg8[%swap3A_149] {strides = array<i32>} : memref<1024xi32, #tpu.memory_space<vmem>>, vector<16xi32>,
    tpu.vector_store %arg8[%swap3A_149], %broadcast_in_dim3A_7 {strides = array<i32>} : memref<1024xi32, #tpu.memory_space<vmem>>, vector<16xi32>,
    %swap3A_151 = arith.constant 160 : index
    %swap3A_152 = tpu.vector_load %arg8[%swap3A_151] {strides = array<i32>} : memref<1024xi32, #tpu.memory_space<vmem>>, vector<16xi32>,
    tpu.vector_store %arg8[%swap3A_151], %broadcast_in_dim3A_7 {strides = array<i32>} : memref<1024xi32, #tpu.memory_space<vmem>>, vector<16xi32>,
    %swap3A_153 = arith.constant 176 : index
    %swap3A_154 = tpu.vector_load %arg8[%swap3A_153] {strides = array<i32>} : memref<1024xi32, #tpu.memory_space<vmem>>, vector<16xi32>,
    tpu.vector_store %arg8[%swap3A_153], %broadcast_in_dim3A_7 {strides = array<i32>} : memref<1024xi32, #tpu.memory_space<vmem>>, vector<16xi32>,
    %swap3A_155 = arith.constant 192 : index
    %swap3A_156 = tpu.vector_load %arg8[%swap3A_155] {strides = array<i32>} : memref<1024xi32, #tpu.memory_space<vmem>>, vector<16xi32>,
    tpu.vector_store %arg8[%swap3A_155], %broadcast_in_dim3A_7 {strides = array<i32>} : memref<1024xi32, #tpu.memory_space<vmem>>, vector<16xi32>,
    %swap3A_157 = arith.constant 208 : index
    %swap3A_158 = tpu.vector_load %arg8[%swap3A_157] {strides = array<i32>} : memref<1024xi32, #tpu.memory_space<vmem>>, vector<16xi32>,
    tpu.vector_store %arg8[%swap3A_157], %broadcast_in_dim3A_7 {strides = array<i32>} : memref<1024xi32, #tpu.memory_space<vmem>>, vector<16xi32>,
    %swap3A_159 = arith.constant 224 : index
    %swap3A_160 = tpu.vector_load %arg8[%swap3A_159] {strides = array<i32>} : memref<1024xi32, #tpu.memory_space<vmem>>, vector<16xi32>,
    tpu.vector_store %arg8[%swap3A_159], %broadcast_in_dim3A_7 {strides = array<i32>} : memref<1024xi32, #tpu.memory_space<vmem>>, vector<16xi32>,
    %swap3A_161 = arith.constant 240 : index
    %swap3A_162 = tpu.vector_load %arg8[%swap3A_161] {strides = array<i32>} : memref<1024xi32, #tpu.memory_space<vmem>>, vector<16xi32>,
    tpu.vector_store %arg8[%swap3A_161], %broadcast_in_dim3A_7 {strides = array<i32>} : memref<1024xi32, #tpu.memory_space<vmem>>, vector<16xi32>,
    %swap3A_163 = arith.constant 256 : index
    %swap3A_164 = tpu.vector_load %arg8[%swap3A_163] {strides = array<i32>} : memref<1024xi32, #tpu.memory_space<vmem>>, vector<16xi32>,
    tpu.vector_store %arg8[%swap3A_163], %broadcast_in_dim3A_7 {strides = array<i32>} : memref<1024xi32, #tpu.memory_space<vmem>>, vector<16xi32>,
    %swap3A_165 = arith.constant 272 : index
    %swap3A_166 = tpu.vector_load %arg8[%swap3A_165] {strides = array<i32>} : memref<1024xi32, #tpu.memory_space<vmem>>, vector<16xi32>,
    tpu.vector_store %arg8[%swap3A_165], %broadcast_in_dim3A_7 {strides = array<i32>} : memref<1024xi32, #tpu.memory_space<vmem>>, vector<16xi32>,
    %swap3A_167 = arith.constant 288 : index
    %swap3A_168 = tpu.vector_load %arg8[%swap3A_167] {strides = array<i32>} : memref<1024xi32, #tpu.memory_space<vmem>>, vector<16xi32>,
    tpu.vector_store %arg8[%swap3A_167], %broadcast_in_dim3A_7 {strides = array<i32>} : memref<1024xi32, #tpu.memory_space<vmem>>, vector<16xi32>,
    %swap3A_169 = arith.constant 304 : index
    %swap3A_170 = tpu.vector_load %arg8[%swap3A_169] {strides = array<i32>} : memref<1024xi32, #tpu.memory_space<vmem>>, vector<16xi32>,
    tpu.vector_store %arg8[%swap3A_169], %broadcast_in_dim3A_7 {strides = array<i32>} : memref<1024xi32, #tpu.memory_space<vmem>>, vector<16xi32>,
    %swap3A_171 = arith.constant 320 : index
    %swap3A_172 = tpu.vector_load %arg8[%swap3A_171] {strides = array<i32>} : memref<1024xi32, #tpu.memory_space<vmem>>, vector<16xi32>,
    tpu.vector_store %arg8[%swap3A_171], %broadcast_in_dim3A_7 {strides = array<i32>} : memref<1024xi32, #tpu.memory_space<vmem>>, vector<16xi32>,
    %swap3A_173 = arith.constant 336 : index
    %swap3A_174 = tpu.vector_load %arg8[%swap3A_173] {strides = array<i32>} : memref<1024xi32, #tpu.memory_space<vmem>>, vector<16xi32>,
    tpu.vector_store %arg8[%swap3A_173], %broadcast_in_dim3A_7 {strides = array<i32>} : memref<1024xi32, #tpu.memory_space<vmem>>, vector<16xi32>,
    %swap3A_175 = arith.constant 352 : index
    %swap3A_176 = tpu.vector_load %arg8[%swap3A_175] {strides = array<i32>} : memref<1024xi32, #tpu.memory_space<vmem>>, vector<16xi32>,
    tpu.vector_store %arg8[%swap3A_175], %broadcast_in_dim3A_7 {strides = array<i32>} : memref<1024xi32, #tpu.memory_space<vmem>>, vector<16xi32>,
    %swap3A_177 = arith.constant 368 : index
    %swap3A_178 = tpu.vector_load %arg8[%swap3A_177] {strides = array<i32>} : memref<1024xi32, #tpu.memory_space<vmem>>, vector<16xi32>,
    tpu.vector_store %arg8[%swap3A_177], %broadcast_in_dim3A_7 {strides = array<i32>} : memref<1024xi32, #tpu.memory_space<vmem>>, vector<16xi32>,
    %swap3A_179 = arith.constant 384 : index
    %swap3A_180 = tpu.vector_load %arg8[%swap3A_179] {strides = array<i32>} : memref<1024xi32, #tpu.memory_space<vmem>>, vector<16xi32>,
    tpu.vector_store %arg8[%swap3A_179], %broadcast_in_dim3A_7 {strides = array<i32>} : memref<1024xi32, #tpu.memory_space<vmem>>, vector<16xi32>,
    %swap3A_181 = arith.constant 400 : index
    %swap3A_182 = tpu.vector_load %arg8[%swap3A_181] {strides = array<i32>} : memref<1024xi32, #tpu.memory_space<vmem>>, vector<16xi32>,
    tpu.vector_store %arg8[%swap3A_181], %broadcast_in_dim3A_7 {strides = array<i32>} : memref<1024xi32, #tpu.memory_space<vmem>>, vector<16xi32>,
    %swap3A_183 = arith.constant 416 : index
    %swap3A_184 = tpu.vector_load %arg8[%swap3A_183] {strides = array<i32>} : memref<1024xi32, #tpu.memory_space<vmem>>, vector<16xi32>,
    tpu.vector_store %arg8[%swap3A_183], %broadcast_in_dim3A_7 {strides = array<i32>} : memref<1024xi32, #tpu.memory_space<vmem>>, vector<16xi32>,
    %swap3A_185 = arith.constant 432 : index
    %swap3A_186 = tpu.vector_load %arg8[%swap3A_185] {strides = array<i32>} : memref<1024xi32, #tpu.memory_space<vmem>>, vector<16xi32>,
    tpu.vector_store %arg8[%swap3A_185], %broadcast_in_dim3A_7 {strides = array<i32>} : memref<1024xi32, #tpu.memory_space<vmem>>, vector<16xi32>,
    %swap3A_187 = arith.constant 448 : index
    %swap3A_188 = tpu.vector_load %arg8[%swap3A_187] {strides = array<i32>} : memref<1024xi32, #tpu.memory_space<vmem>>, vector<16xi32>,
    tpu.vector_store %arg8[%swap3A_187], %broadcast_in_dim3A_7 {strides = array<i32>} : memref<1024xi32, #tpu.memory_space<vmem>>, vector<16xi32>,
    %swap3A_189 = arith.constant 464 : index
    %swap3A_190 = tpu.vector_load %arg8[%swap3A_189] {strides = array<i32>} : memref<1024xi32, #tpu.memory_space<vmem>>, vector<16xi32>,
    tpu.vector_store %arg8[%swap3A_189], %broadcast_in_dim3A_7 {strides = array<i32>} : memref<1024xi32, #tpu.memory_space<vmem>>, vector<16xi32>,
    %swap3A_191 = arith.constant 480 : index
    %swap3A_192 = tpu.vector_load %arg8[%swap3A_191] {strides = array<i32>} : memref<1024xi32, #tpu.memory_space<vmem>>, vector<16xi32>,
    tpu.vector_store %arg8[%swap3A_191], %broadcast_in_dim3A_7 {strides = array<i32>} : memref<1024xi32, #tpu.memory_space<vmem>>, vector<16xi32>,
    %swap3A_193 = arith.constant 496 : index
    %swap3A_194 = tpu.vector_load %arg8[%swap3A_193] {strides = array<i32>} : memref<1024xi32, #tpu.memory_space<vmem>>, vector<16xi32>,
    tpu.vector_store %arg8[%swap3A_193], %broadcast_in_dim3A_7 {strides = array<i32>} : memref<1024xi32, #tpu.memory_space<vmem>>, vector<16xi32>,
    %swap3A_195 = arith.constant 512 : index
    %swap3A_196 = tpu.vector_load %arg8[%swap3A_195] {strides = array<i32>} : memref<1024xi32, #tpu.memory_space<vmem>>, vector<16xi32>,
    tpu.vector_store %arg8[%swap3A_195], %broadcast_in_dim3A_7 {strides = array<i32>} : memref<1024xi32, #tpu.memory_space<vmem>>, vector<16xi32>,
    %swap3A_197 = arith.constant 528 : index
    %swap3A_198 = tpu.vector_load %arg8[%swap3A_197] {strides = array<i32>} : memref<1024xi32, #tpu.memory_space<vmem>>, vector<16xi32>,
    tpu.vector_store %arg8[%swap3A_197], %broadcast_in_dim3A_7 {strides = array<i32>} : memref<1024xi32, #tpu.memory_space<vmem>>, vector<16xi32>,
    %swap3A_199 = arith.constant 544 : index
    %swap3A_200 = tpu.vector_load %arg8[%swap3A_199] {strides = array<i32>} : memref<1024xi32, #tpu.memory_space<vmem>>, vector<16xi32>,
    tpu.vector_store %arg8[%swap3A_199], %broadcast_in_dim3A_7 {strides = array<i32>} : memref<1024xi32, #tpu.memory_space<vmem>>, vector<16xi32>,
    %swap3A_201 = arith.constant 560 : index
    %swap3A_202 = tpu.vector_load %arg8[%swap3A_201] {strides = array<i32>} : memref<1024xi32, #tpu.memory_space<vmem>>, vector<16xi32>,
    tpu.vector_store %arg8[%swap3A_201], %broadcast_in_dim3A_7 {strides = array<i32>} : memref<1024xi32, #tpu.memory_space<vmem>>, vector<16xi32>,
    %swap3A_203 = arith.constant 576 : index
    %swap3A_204 = tpu.vector_load %arg8[%swap3A_203] {strides = array<i32>} : memref<1024xi32, #tpu.memory_space<vmem>>, vector<16xi32>,
    tpu.vector_store %arg8[%swap3A_203], %broadcast_in_dim3A_7 {strides = array<i32>} : memref<1024xi32, #tpu.memory_space<vmem>>, vector<16xi32>,
    %swap3A_205 = arith.constant 592 : index
    %swap3A_206 = tpu.vector_load %arg8[%swap3A_205] {strides = array<i32>} : memref<1024xi32, #tpu.memory_space<vmem>>, vector<16xi32>,
    tpu.vector_store %arg8[%swap3A_205], %broadcast_in_dim3A_7 {strides = array<i32>} : memref<1024xi32, #tpu.memory_space<vmem>>, vector<16xi32>,
    %swap3A_207 = arith.constant 608 : index
    %swap3A_208 = tpu.vector_load %arg8[%swap3A_207] {strides = array<i32>} : memref<1024xi32, #tpu.memory_space<vmem>>, vector<16xi32>,
    tpu.vector_store %arg8[%swap3A_207], %broadcast_in_dim3A_7 {strides = array<i32>} : memref<1024xi32, #tpu.memory_space<vmem>>, vector<16xi32>,
    %swap3A_209 = arith.constant 624 : index
    %swap3A_210 = tpu.vector_load %arg8[%swap3A_209] {strides = array<i32>} : memref<1024xi32, #tpu.memory_space<vmem>>, vector<16xi32>,
    tpu.vector_store %arg8[%swap3A_209], %broadcast_in_dim3A_7 {strides = array<i32>} : memref<1024xi32, #tpu.memory_space<vmem>>, vector<16xi32>,
    %swap3A_211 = arith.constant 640 : index
    %swap3A_212 = tpu.vector_load %arg8[%swap3A_211] {strides = array<i32>} : memref<1024xi32, #tpu.memory_space<vmem>>, vector<16xi32>,
    tpu.vector_store %arg8[%swap3A_211], %broadcast_in_dim3A_7 {strides = array<i32>} : memref<1024xi32, #tpu.memory_space<vmem>>, vector<16xi32>,
    %swap3A_213 = arith.constant 656 : index
    %swap3A_214 = tpu.vector_load %arg8[%swap3A_213] {strides = array<i32>} : memref<1024xi32, #tpu.memory_space<vmem>>, vector<16xi32>,
    tpu.vector_store %arg8[%swap3A_213], %broadcast_in_dim3A_7 {strides = array<i32>} : memref<1024xi32, #tpu.memory_space<vmem>>, vector<16xi32>,
    %swap3A_215 = arith.constant 672 : index
    %swap3A_216 = tpu.vector_load %arg8[%swap3A_215] {strides = array<i32>} : memref<1024xi32, #tpu.memory_space<vmem>>, vector<16xi32>,
    tpu.vector_store %arg8[%swap3A_215], %broadcast_in_dim3A_7 {strides = array<i32>} : memref<1024xi32, #tpu.memory_space<vmem>>, vector<16xi32>,
    %swap3A_217 = arith.constant 688 : index
    %swap3A_218 = tpu.vector_load %arg8[%swap3A_217] {strides = array<i32>} : memref<1024xi32, #tpu.memory_space<vmem>>, vector<16xi32>,
    tpu.vector_store %arg8[%swap3A_217], %broadcast_in_dim3A_7 {strides = array<i32>} : memref<1024xi32, #tpu.memory_space<vmem>>, vector<16xi32>,
    %swap3A_219 = arith.constant 704 : index
    %swap3A_220 = tpu.vector_load %arg8[%swap3A_219] {strides = array<i32>} : memref<1024xi32, #tpu.memory_space<vmem>>, vector<16xi32>,
    tpu.vector_store %arg8[%swap3A_219], %broadcast_in_dim3A_7 {strides = array<i32>} : memref<1024xi32, #tpu.memory_space<vmem>>, vector<16xi32>,
    %swap3A_221 = arith.constant 720 : index
    %swap3A_222 = tpu.vector_load %arg8[%swap3A_221] {strides = array<i32>} : memref<1024xi32, #tpu.memory_space<vmem>>, vector<16xi32>,
    tpu.vector_store %arg8[%swap3A_221], %broadcast_in_dim3A_7 {strides = array<i32>} : memref<1024xi32, #tpu.memory_space<vmem>>, vector<16xi32>,
    %swap3A_223 = arith.constant 736 : index
    %swap3A_224 = tpu.vector_load %arg8[%swap3A_223] {strides = array<i32>} : memref<1024xi32, #tpu.memory_space<vmem>>, vector<16xi32>,
    tpu.vector_store %arg8[%swap3A_223], %broadcast_in_dim3A_7 {strides = array<i32>} : memref<1024xi32, #tpu.memory_space<vmem>>, vector<16xi32>,
    %swap3A_225 = arith.constant 752 : index
    %swap3A_226 = tpu.vector_load %arg8[%swap3A_225] {strides = array<i32>} : memref<1024xi32, #tpu.memory_space<vmem>>, vector<16xi32>,
    tpu.vector_store %arg8[%swap3A_225], %broadcast_in_dim3A_7 {strides = array<i32>} : memref<1024xi32, #tpu.memory_space<vmem>>, vector<16xi32>,
    %swap3A_227 = arith.constant 768 : index
    %swap3A_228 = tpu.vector_load %arg8[%swap3A_227] {strides = array<i32>} : memref<1024xi32, #tpu.memory_space<vmem>>, vector<16xi32>,
    tpu.vector_store %arg8[%swap3A_227], %broadcast_in_dim3A_7 {strides = array<i32>} : memref<1024xi32, #tpu.memory_space<vmem>>, vector<16xi32>,
    %swap3A_229 = arith.constant 784 : index
    %swap3A_230 = tpu.vector_load %arg8[%swap3A_229] {strides = array<i32>} : memref<1024xi32, #tpu.memory_space<vmem>>, vector<16xi32>,
    tpu.vector_store %arg8[%swap3A_229], %broadcast_in_dim3A_7 {strides = array<i32>} : memref<1024xi32, #tpu.memory_space<vmem>>, vector<16xi32>,
    %swap3A_231 = arith.constant 800 : index
    %swap3A_232 = tpu.vector_load %arg8[%swap3A_231] {strides = array<i32>} : memref<1024xi32, #tpu.memory_space<vmem>>, vector<16xi32>,
    tpu.vector_store %arg8[%swap3A_231], %broadcast_in_dim3A_7 {strides = array<i32>} : memref<1024xi32, #tpu.memory_space<vmem>>, vector<16xi32>,
    %swap3A_233 = arith.constant 816 : index
    %swap3A_234 = tpu.vector_load %arg8[%swap3A_233] {strides = array<i32>} : memref<1024xi32, #tpu.memory_space<vmem>>, vector<16xi32>,
    tpu.vector_store %arg8[%swap3A_233], %broadcast_in_dim3A_7 {strides = array<i32>} : memref<1024xi32, #tpu.memory_space<vmem>>, vector<16xi32>,
    %swap3A_235 = arith.constant 832 : index
    %swap3A_236 = tpu.vector_load %arg8[%swap3A_235] {strides = array<i32>} : memref<1024xi32, #tpu.memory_space<vmem>>, vector<16xi32>,
    tpu.vector_store %arg8[%swap3A_235], %broadcast_in_dim3A_7 {strides = array<i32>} : memref<1024xi32, #tpu.memory_space<vmem>>, vector<16xi32>,
    %swap3A_237 = arith.constant 848 : index
    %swap3A_238 = tpu.vector_load %arg8[%swap3A_237] {strides = array<i32>} : memref<1024xi32, #tpu.memory_space<vmem>>, vector<16xi32>,
    tpu.vector_store %arg8[%swap3A_237], %broadcast_in_dim3A_7 {strides = array<i32>} : memref<1024xi32, #tpu.memory_space<vmem>>, vector<16xi32>,
    %swap3A_239 = arith.constant 864 : index
    %swap3A_240 = tpu.vector_load %arg8[%swap3A_239] {strides = array<i32>} : memref<1024xi32, #tpu.memory_space<vmem>>, vector<16xi32>,
    tpu.vector_store %arg8[%swap3A_239], %broadcast_in_dim3A_7 {strides = array<i32>} : memref<1024xi32, #tpu.memory_space<vmem>>, vector<16xi32>,
    %swap3A_241 = arith.constant 880 : index
    %swap3A_242 = tpu.vector_load %arg8[%swap3A_241] {strides = array<i32>} : memref<1024xi32, #tpu.memory_space<vmem>>, vector<16xi32>,
    tpu.vector_store %arg8[%swap3A_241], %broadcast_in_dim3A_7 {strides = array<i32>} : memref<1024xi32, #tpu.memory_space<vmem>>, vector<16xi32>,
    %swap3A_243 = arith.constant 896 : index
    %swap3A_244 = tpu.vector_load %arg8[%swap3A_243] {strides = array<i32>} : memref<1024xi32, #tpu.memory_space<vmem>>, vector<16xi32>,
    tpu.vector_store %arg8[%swap3A_243], %broadcast_in_dim3A_7 {strides = array<i32>} : memref<1024xi32, #tpu.memory_space<vmem>>, vector<16xi32>,
    %swap3A_245 = arith.constant 912 : index
    %swap3A_246 = tpu.vector_load %arg8[%swap3A_245] {strides = array<i32>} : memref<1024xi32, #tpu.memory_space<vmem>>, vector<16xi32>,
    tpu.vector_store %arg8[%swap3A_245], %broadcast_in_dim3A_7 {strides = array<i32>} : memref<1024xi32, #tpu.memory_space<vmem>>, vector<16xi32>,
    %swap3A_247 = arith.constant 928 : index
    %swap3A_248 = tpu.vector_load %arg8[%swap3A_247] {strides = array<i32>} : memref<1024xi32, #tpu.memory_space<vmem>>, vector<16xi32>,
    tpu.vector_store %arg8[%swap3A_247], %broadcast_in_dim3A_7 {strides = array<i32>} : memref<1024xi32, #tpu.memory_space<vmem>>, vector<16xi32>,
    %swap3A_249 = arith.constant 944 : index
    %swap3A_250 = tpu.vector_load %arg8[%swap3A_249] {strides = array<i32>} : memref<1024xi32, #tpu.memory_space<vmem>>, vector<16xi32>,
    tpu.vector_store %arg8[%swap3A_249], %broadcast_in_dim3A_7 {strides = array<i32>} : memref<1024xi32, #tpu.memory_space<vmem>>, vector<16xi32>,
    %swap3A_251 = arith.constant 960 : index
    %swap3A_252 = tpu.vector_load %arg8[%swap3A_251] {strides = array<i32>} : memref<1024xi32, #tpu.memory_space<vmem>>, vector<16xi32>,
    tpu.vector_store %arg8[%swap3A_251], %broadcast_in_dim3A_7 {strides = array<i32>} : memref<1024xi32, #tpu.memory_space<vmem>>, vector<16xi32>,
    %swap3A_253 = arith.constant 976 : index
    %swap3A_254 = tpu.vector_load %arg8[%swap3A_253] {strides = array<i32>} : memref<1024xi32, #tpu.memory_space<vmem>>, vector<16xi32>,
    tpu.vector_store %arg8[%swap3A_253], %broadcast_in_dim3A_7 {strides = array<i32>} : memref<1024xi32, #tpu.memory_space<vmem>>, vector<16xi32>,
    %swap3A_255 = arith.constant 992 : index
    %swap3A_256 = tpu.vector_load %arg8[%swap3A_255] {strides = array<i32>} : memref<1024xi32, #tpu.memory_space<vmem>>, vector<16xi32>,
    tpu.vector_store %arg8[%swap3A_255], %broadcast_in_dim3A_7 {strides = array<i32>} : memref<1024xi32, #tpu.memory_space<vmem>>, vector<16xi32>,
    %swap3A_257 = arith.constant 1008 : index
    %swap3A_258 = tpu.vector_load %arg8[%swap3A_257] {strides = array<i32>} : memref<1024xi32, #tpu.memory_space<vmem>>, vector<16xi32>,
    tpu.vector_store %arg8[%swap3A_257], %broadcast_in_dim3A_7 {strides = array<i32>} : memref<1024xi32, #tpu.memory_space<vmem>>, vector<16xi32>,
    %scan3A_259 = arith.constant 0 : i32
    %scan3A_260 = arith.constant 0 : i32
    %scan3A_261 = arith.constant 33 : i32
    %scan3A_262 = arith.addi %scan3A_260, %scan3A_261 : i32
    %scan3A_263 = arith.constant 1 : i32
    scf.for %scan3A_634 = %scan3A_260 to %scan3A_262 step %scan3A_263  : i32 {
      %swap3A_635 = arith.constant 0 : i32
      %swap3A_636 = arith.index_cast %scan3A_634 : i32 to index
      %swap3A_637 = arith.index_cast %swap3A_635 : i32 to index
      %swap3A_638 = arith.constant 0 : index
      %swap3A_639 = tpu.vector_load %arg7[%swap3A_636, %swap3A_637, %swap3A_638] {strides = array<i32>} : memref<33x8x128xf32, #tpu.memory_space<vmem>>, vector<16xf32>,
      tpu.vector_store %arg7[%swap3A_636, %swap3A_637, %swap3A_638], %broadcast_in_dim3A_3 {strides = array<i32>} : memref<33x8x128xf32, #tpu.memory_space<vmem>>, vector<16xf32>,
      %swap3A_640 = arith.constant 0 : i32
      %swap3A_641 = arith.index_cast %scan3A_634 : i32 to index
      %swap3A_642 = arith.index_cast %swap3A_640 : i32 to index
      %swap3A_643 = arith.constant 16 : index
      %swap3A_644 = tpu.vector_load %arg7[%swap3A_641, %swap3A_642, %swap3A_643] {strides = array<i32>} : memref<33x8x128xf32, #tpu.memory_space<vmem>>, vector<16xf32>,
      tpu.vector_store %arg7[%swap3A_641, %swap3A_642, %swap3A_643], %broadcast_in_dim3A_3 {strides = array<i32>} : memref<33x8x128xf32, #tpu.memory_space<vmem>>, vector<16xf32>,
      %swap3A_645 = arith.constant 0 : i32
      %swap3A_646 = arith.index_cast %scan3A_634 : i32 to index
      %swap3A_647 = arith.index_cast %swap3A_645 : i32 to index
      %swap3A_648 = arith.constant 32 : index
      %swap3A_649 = tpu.vector_load %arg7[%swap3A_646, %swap3A_647, %swap3A_648] {strides = array<i32>} : memref<33x8x128xf32, #tpu.memory_space<vmem>>, vector<16xf32>,
      tpu.vector_store %arg7[%swap3A_646, %swap3A_647, %swap3A_648], %broadcast_in_dim3A_3 {strides = array<i32>} : memref<33x8x128xf32, #tpu.memory_space<vmem>>, vector<16xf32>,
      %swap3A_650 = arith.constant 0 : i32
      %swap3A_651 = arith.index_cast %scan3A_634 : i32 to index
      %swap3A_652 = arith.index_cast %swap3A_650 : i32 to index
      %swap3A_653 = arith.constant 48 : index
      %swap3A_654 = tpu.vector_load %arg7[%swap3A_651, %swap3A_652, %swap3A_653] {strides = array<i32>} : memref<33x8x128xf32, #tpu.memory_space<vmem>>, vector<16xf32>,
      tpu.vector_store %arg7[%swap3A_651, %swap3A_652, %swap3A_653], %broadcast_in_dim3A_3 {strides = array<i32>} : memref<33x8x128xf32, #tpu.memory_space<vmem>>, vector<16xf32>,
      %swap3A_655 = arith.constant 0 : i32
      %swap3A_656 = arith.index_cast %scan3A_634 : i32 to index
      %swap3A_657 = arith.index_cast %swap3A_655 : i32 to index
      %swap3A_658 = arith.constant 64 : index
      %swap3A_659 = tpu.vector_load %arg7[%swap3A_656, %swap3A_657, %swap3A_658] {strides = array<i32>} : memref<33x8x128xf32, #tpu.memory_space<vmem>>, vector<16xf32>,
      tpu.vector_store %arg7[%swap3A_656, %swap3A_657, %swap3A_658], %broadcast_in_dim3A_3 {strides = array<i32>} : memref<33x8x128xf32, #tpu.memory_space<vmem>>, vector<16xf32>,
      %swap3A_660 = arith.constant 0 : i32
      %swap3A_661 = arith.index_cast %scan3A_634 : i32 to index
      %swap3A_662 = arith.index_cast %swap3A_660 : i32 to index
      %swap3A_663 = arith.constant 80 : index
      %swap3A_664 = tpu.vector_load %arg7[%swap3A_661, %swap3A_662, %swap3A_663] {strides = array<i32>} : memref<33x8x128xf32, #tpu.memory_space<vmem>>, vector<16xf32>,
      tpu.vector_store %arg7[%swap3A_661, %swap3A_662, %swap3A_663], %broadcast_in_dim3A_3 {strides = array<i32>} : memref<33x8x128xf32, #tpu.memory_space<vmem>>, vector<16xf32>,
      %swap3A_665 = arith.constant 0 : i32
      %swap3A_666 = arith.index_cast %scan3A_634 : i32 to index
      %swap3A_667 = arith.index_cast %swap3A_665 : i32 to index
      %swap3A_668 = arith.constant 96 : index
      %swap3A_669 = tpu.vector_load %arg7[%swap3A_666, %swap3A_667, %swap3A_668] {strides = array<i32>} : memref<33x8x128xf32, #tpu.memory_space<vmem>>, vector<16xf32>,
      tpu.vector_store %arg7[%swap3A_666, %swap3A_667, %swap3A_668], %broadcast_in_dim3A_3 {strides = array<i32>} : memref<33x8x128xf32, #tpu.memory_space<vmem>>, vector<16xf32>,
      %swap3A_670 = arith.constant 0 : i32
      %swap3A_671 = arith.index_cast %scan3A_634 : i32 to index
      %swap3A_672 = arith.index_cast %swap3A_670 : i32 to index
      %swap3A_673 = arith.constant 112 : index
      %swap3A_674 = tpu.vector_load %arg7[%swap3A_671, %swap3A_672, %swap3A_673] {strides = array<i32>} : memref<33x8x128xf32, #tpu.memory_space<vmem>>, vector<16xf32>,
      tpu.vector_store %arg7[%swap3A_671, %swap3A_672, %swap3A_673], %broadcast_in_dim3A_3 {strides = array<i32>} : memref<33x8x128xf32, #tpu.memory_space<vmem>>, vector<16xf32>,
      %swap3A_675 = arith.constant 1 : i32
      %swap3A_676 = arith.index_cast %scan3A_634 : i32 to index
      %swap3A_677 = arith.index_cast %swap3A_675 : i32 to index
      %swap3A_678 = arith.constant 0 : index
      %swap3A_679 = tpu.vector_load %arg7[%swap3A_676, %swap3A_677, %swap3A_678] {strides = array<i32>} : memref<33x8x128xf32, #tpu.memory_space<vmem>>, vector<16xf32>,
      tpu.vector_store %arg7[%swap3A_676, %swap3A_677, %swap3A_678], %broadcast_in_dim3A_3 {strides = array<i32>} : memref<33x8x128xf32, #tpu.memory_space<vmem>>, vector<16xf32>,
      %swap3A_680 = arith.constant 1 : i32
      %swap3A_681 = arith.index_cast %scan3A_634 : i32 to index
      %swap3A_682 = arith.index_cast %swap3A_680 : i32 to index
      %swap3A_683 = arith.constant 16 : index
      %swap3A_684 = tpu.vector_load %arg7[%swap3A_681, %swap3A_682, %swap3A_683] {strides = array<i32>} : memref<33x8x128xf32, #tpu.memory_space<vmem>>, vector<16xf32>,
      tpu.vector_store %arg7[%swap3A_681, %swap3A_682, %swap3A_683], %broadcast_in_dim3A_3 {strides = array<i32>} : memref<33x8x128xf32, #tpu.memory_space<vmem>>, vector<16xf32>,
      %swap3A_685 = arith.constant 1 : i32
      %swap3A_686 = arith.index_cast %scan3A_634 : i32 to index
      %swap3A_687 = arith.index_cast %swap3A_685 : i32 to index
      %swap3A_688 = arith.constant 32 : index
      %swap3A_689 = tpu.vector_load %arg7[%swap3A_686, %swap3A_687, %swap3A_688] {strides = array<i32>} : memref<33x8x128xf32, #tpu.memory_space<vmem>>, vector<16xf32>,
      tpu.vector_store %arg7[%swap3A_686, %swap3A_687, %swap3A_688], %broadcast_in_dim3A_3 {strides = array<i32>} : memref<33x8x128xf32, #tpu.memory_space<vmem>>, vector<16xf32>,
      %swap3A_690 = arith.constant 1 : i32
      %swap3A_691 = arith.index_cast %scan3A_634 : i32 to index
      %swap3A_692 = arith.index_cast %swap3A_690 : i32 to index
      %swap3A_693 = arith.constant 48 : index
      %swap3A_694 = tpu.vector_load %arg7[%swap3A_691, %swap3A_692, %swap3A_693] {strides = array<i32>} : memref<33x8x128xf32, #tpu.memory_space<vmem>>, vector<16xf32>,
      tpu.vector_store %arg7[%swap3A_691, %swap3A_692, %swap3A_693], %broadcast_in_dim3A_3 {strides = array<i32>} : memref<33x8x128xf32, #tpu.memory_space<vmem>>, vector<16xf32>,
      %swap3A_695 = arith.constant 1 : i32
      %swap3A_696 = arith.index_cast %scan3A_634 : i32 to index
      %swap3A_697 = arith.index_cast %swap3A_695 : i32 to index
      %swap3A_698 = arith.constant 64 : index
      %swap3A_699 = tpu.vector_load %arg7[%swap3A_696, %swap3A_697, %swap3A_698] {strides = array<i32>} : memref<33x8x128xf32, #tpu.memory_space<vmem>>, vector<16xf32>,
      tpu.vector_store %arg7[%swap3A_696, %swap3A_697, %swap3A_698], %broadcast_in_dim3A_3 {strides = array<i32>} : memref<33x8x128xf32, #tpu.memory_space<vmem>>, vector<16xf32>,
      %swap3A_700 = arith.constant 1 : i32
      %swap3A_701 = arith.index_cast %scan3A_634 : i32 to index
      %swap3A_702 = arith.index_cast %swap3A_700 : i32 to index
      %swap3A_703 = arith.constant 80 : index
      %swap3A_704 = tpu.vector_load %arg7[%swap3A_701, %swap3A_702, %swap3A_703] {strides = array<i32>} : memref<33x8x128xf32, #tpu.memory_space<vmem>>, vector<16xf32>,
      tpu.vector_store %arg7[%swap3A_701, %swap3A_702, %swap3A_703], %broadcast_in_dim3A_3 {strides = array<i32>} : memref<33x8x128xf32, #tpu.memory_space<vmem>>, vector<16xf32>,
      %swap3A_705 = arith.constant 1 : i32
      %swap3A_706 = arith.index_cast %scan3A_634 : i32 to index
      %swap3A_707 = arith.index_cast %swap3A_705 : i32 to index
      %swap3A_708 = arith.constant 96 : index
      %swap3A_709 = tpu.vector_load %arg7[%swap3A_706, %swap3A_707, %swap3A_708] {strides = array<i32>} : memref<33x8x128xf32, #tpu.memory_space<vmem>>, vector<16xf32>,
      tpu.vector_store %arg7[%swap3A_706, %swap3A_707, %swap3A_708], %broadcast_in_dim3A_3 {strides = array<i32>} : memref<33x8x128xf32, #tpu.memory_space<vmem>>, vector<16xf32>,
      %swap3A_710 = arith.constant 1 : i32
      %swap3A_711 = arith.index_cast %scan3A_634 : i32 to index
      %swap3A_712 = arith.index_cast %swap3A_710 : i32 to index
      %swap3A_713 = arith.constant 112 : index
      %swap3A_714 = tpu.vector_load %arg7[%swap3A_711, %swap3A_712, %swap3A_713] {strides = array<i32>} : memref<33x8x128xf32, #tpu.memory_space<vmem>>, vector<16xf32>,
      tpu.vector_store %arg7[%swap3A_711, %swap3A_712, %swap3A_713], %broadcast_in_dim3A_3 {strides = array<i32>} : memref<33x8x128xf32, #tpu.memory_space<vmem>>, vector<16xf32>,
      %swap3A_715 = arith.constant 2 : i32
      %swap3A_716 = arith.index_cast %scan3A_634 : i32 to index
      %swap3A_717 = arith.index_cast %swap3A_715 : i32 to index
      %swap3A_718 = arith.constant 0 : index
      %swap3A_719 = tpu.vector_load %arg7[%swap3A_716, %swap3A_717, %swap3A_718] {strides = array<i32>} : memref<33x8x128xf32, #tpu.memory_space<vmem>>, vector<16xf32>,
      tpu.vector_store %arg7[%swap3A_716, %swap3A_717, %swap3A_718], %broadcast_in_dim3A_3 {strides = array<i32>} : memref<33x8x128xf32, #tpu.memory_space<vmem>>, vector<16xf32>,
      %swap3A_720 = arith.constant 2 : i32
      %swap3A_721 = arith.index_cast %scan3A_634 : i32 to index
      %swap3A_722 = arith.index_cast %swap3A_720 : i32 to index
      %swap3A_723 = arith.constant 16 : index
      %swap3A_724 = tpu.vector_load %arg7[%swap3A_721, %swap3A_722, %swap3A_723] {strides = array<i32>} : memref<33x8x128xf32, #tpu.memory_space<vmem>>, vector<16xf32>,
      tpu.vector_store %arg7[%swap3A_721, %swap3A_722, %swap3A_723], %broadcast_in_dim3A_3 {strides = array<i32>} : memref<33x8x128xf32, #tpu.memory_space<vmem>>, vector<16xf32>,
      %swap3A_725 = arith.constant 2 : i32
      %swap3A_726 = arith.index_cast %scan3A_634 : i32 to index
      %swap3A_727 = arith.index_cast %swap3A_725 : i32 to index
      %swap3A_728 = arith.constant 32 : index
      %swap3A_729 = tpu.vector_load %arg7[%swap3A_726, %swap3A_727, %swap3A_728] {strides = array<i32>} : memref<33x8x128xf32, #tpu.memory_space<vmem>>, vector<16xf32>,
      tpu.vector_store %arg7[%swap3A_726, %swap3A_727, %swap3A_728], %broadcast_in_dim3A_3 {strides = array<i32>} : memref<33x8x128xf32, #tpu.memory_space<vmem>>, vector<16xf32>,
      %swap3A_730 = arith.constant 2 : i32
      %swap3A_731 = arith.index_cast %scan3A_634 : i32 to index
      %swap3A_732 = arith.index_cast %swap3A_730 : i32 to index
      %swap3A_733 = arith.constant 48 : index
      %swap3A_734 = tpu.vector_load %arg7[%swap3A_731, %swap3A_732, %swap3A_733] {strides = array<i32>} : memref<33x8x128xf32, #tpu.memory_space<vmem>>, vector<16xf32>,
      tpu.vector_store %arg7[%swap3A_731, %swap3A_732, %swap3A_733], %broadcast_in_dim3A_3 {strides = array<i32>} : memref<33x8x128xf32, #tpu.memory_space<vmem>>, vector<16xf32>,
      %swap3A_735 = arith.constant 2 : i32
      %swap3A_736 = arith.index_cast %scan3A_634 : i32 to index
      %swap3A_737 = arith.index_cast %swap3A_735 : i32 to index
      %swap3A_738 = arith.constant 64 : index
      %swap3A_739 = tpu.vector_load %arg7[%swap3A_736, %swap3A_737, %swap3A_738] {strides = array<i32>} : memref<33x8x128xf32, #tpu.memory_space<vmem>>, vector<16xf32>,
      tpu.vector_store %arg7[%swap3A_736, %swap3A_737, %swap3A_738], %broadcast_in_dim3A_3 {strides = array<i32>} : memref<33x8x128xf32, #tpu.memory_space<vmem>>, vector<16xf32>,
      %swap3A_740 = arith.constant 2 : i32
      %swap3A_741 = arith.index_cast %scan3A_634 : i32 to index
      %swap3A_742 = arith.index_cast %swap3A_740 : i32 to index
      %swap3A_743 = arith.constant 80 : index
      %swap3A_744 = tpu.vector_load %arg7[%swap3A_741, %swap3A_742, %swap3A_743] {strides = array<i32>} : memref<33x8x128xf32, #tpu.memory_space<vmem>>, vector<16xf32>,
      tpu.vector_store %arg7[%swap3A_741, %swap3A_742, %swap3A_743], %broadcast_in_dim3A_3 {strides = array<i32>} : memref<33x8x128xf32, #tpu.memory_space<vmem>>, vector<16xf32>,
      %swap3A_745 = arith.constant 2 : i32
      %swap3A_746 = arith.index_cast %scan3A_634 : i32 to index
      %swap3A_747 = arith.index_cast %swap3A_745 : i32 to index
      %swap3A_748 = arith.constant 96 : index
      %swap3A_749 = tpu.vector_load %arg7[%swap3A_746, %swap3A_747, %swap3A_748] {strides = array<i32>} : memref<33x8x128xf32, #tpu.memory_space<vmem>>, vector<16xf32>,
      tpu.vector_store %arg7[%swap3A_746, %swap3A_747, %swap3A_748], %broadcast_in_dim3A_3 {strides = array<i32>} : memref<33x8x128xf32, #tpu.memory_space<vmem>>, vector<16xf32>,
      %swap3A_750 = arith.constant 2 : i32
      %swap3A_751 = arith.index_cast %scan3A_634 : i32 to index
      %swap3A_752 = arith.index_cast %swap3A_750 : i32 to index
      %swap3A_753 = arith.constant 112 : index
      %swap3A_754 = tpu.vector_load %arg7[%swap3A_751, %swap3A_752, %swap3A_753] {strides = array<i32>} : memref<33x8x128xf32, #tpu.memory_space<vmem>>, vector<16xf32>,
      tpu.vector_store %arg7[%swap3A_751, %swap3A_752, %swap3A_753], %broadcast_in_dim3A_3 {strides = array<i32>} : memref<33x8x128xf32, #tpu.memory_space<vmem>>, vector<16xf32>,
      %swap3A_755 = arith.constant 3 : i32
      %swap3A_756 = arith.index_cast %scan3A_634 : i32 to index
      %swap3A_757 = arith.index_cast %swap3A_755 : i32 to index
      %swap3A_758 = arith.constant 0 : index
      %swap3A_759 = tpu.vector_load %arg7[%swap3A_756, %swap3A_757, %swap3A_758] {strides = array<i32>} : memref<33x8x128xf32, #tpu.memory_space<vmem>>, vector<16xf32>,
      tpu.vector_store %arg7[%swap3A_756, %swap3A_757, %swap3A_758], %broadcast_in_dim3A_3 {strides = array<i32>} : memref<33x8x128xf32, #tpu.memory_space<vmem>>, vector<16xf32>,
      %swap3A_760 = arith.constant 3 : i32
      %swap3A_761 = arith.index_cast %scan3A_634 : i32 to index
      %swap3A_762 = arith.index_cast %swap3A_760 : i32 to index
      %swap3A_763 = arith.constant 16 : index
      %swap3A_764 = tpu.vector_load %arg7[%swap3A_761, %swap3A_762, %swap3A_763] {strides = array<i32>} : memref<33x8x128xf32, #tpu.memory_space<vmem>>, vector<16xf32>,
      tpu.vector_store %arg7[%swap3A_761, %swap3A_762, %swap3A_763], %broadcast_in_dim3A_3 {strides = array<i32>} : memref<33x8x128xf32, #tpu.memory_space<vmem>>, vector<16xf32>,
      %swap3A_765 = arith.constant 3 : i32
      %swap3A_766 = arith.index_cast %scan3A_634 : i32 to index
      %swap3A_767 = arith.index_cast %swap3A_765 : i32 to index
      %swap3A_768 = arith.constant 32 : index
      %swap3A_769 = tpu.vector_load %arg7[%swap3A_766, %swap3A_767, %swap3A_768] {strides = array<i32>} : memref<33x8x128xf32, #tpu.memory_space<vmem>>, vector<16xf32>,
      tpu.vector_store %arg7[%swap3A_766, %swap3A_767, %swap3A_768], %broadcast_in_dim3A_3 {strides = array<i32>} : memref<33x8x128xf32, #tpu.memory_space<vmem>>, vector<16xf32>,
      %swap3A_770 = arith.constant 3 : i32
      %swap3A_771 = arith.index_cast %scan3A_634 : i32 to index
      %swap3A_772 = arith.index_cast %swap3A_770 : i32 to index
      %swap3A_773 = arith.constant 48 : index
      %swap3A_774 = tpu.vector_load %arg7[%swap3A_771, %swap3A_772, %swap3A_773] {strides = array<i32>} : memref<33x8x128xf32, #tpu.memory_space<vmem>>, vector<16xf32>,
      tpu.vector_store %arg7[%swap3A_771, %swap3A_772, %swap3A_773], %broadcast_in_dim3A_3 {strides = array<i32>} : memref<33x8x128xf32, #tpu.memory_space<vmem>>, vector<16xf32>,
      %swap3A_775 = arith.constant 3 : i32
      %swap3A_776 = arith.index_cast %scan3A_634 : i32 to index
      %swap3A_777 = arith.index_cast %swap3A_775 : i32 to index
      %swap3A_778 = arith.constant 64 : index
      %swap3A_779 = tpu.vector_load %arg7[%swap3A_776, %swap3A_777, %swap3A_778] {strides = array<i32>} : memref<33x8x128xf32, #tpu.memory_space<vmem>>, vector<16xf32>,
      tpu.vector_store %arg7[%swap3A_776, %swap3A_777, %swap3A_778], %broadcast_in_dim3A_3 {strides = array<i32>} : memref<33x8x128xf32, #tpu.memory_space<vmem>>, vector<16xf32>,
      %swap3A_780 = arith.constant 3 : i32
      %swap3A_781 = arith.index_cast %scan3A_634 : i32 to index
      %swap3A_782 = arith.index_cast %swap3A_780 : i32 to index
      %swap3A_783 = arith.constant 80 : index
      %swap3A_784 = tpu.vector_load %arg7[%swap3A_781, %swap3A_782, %swap3A_783] {strides = array<i32>} : memref<33x8x128xf32, #tpu.memory_space<vmem>>, vector<16xf32>,
      tpu.vector_store %arg7[%swap3A_781, %swap3A_782, %swap3A_783], %broadcast_in_dim3A_3 {strides = array<i32>} : memref<33x8x128xf32, #tpu.memory_space<vmem>>, vector<16xf32>,
      %swap3A_785 = arith.constant 3 : i32
      %swap3A_786 = arith.index_cast %scan3A_634 : i32 to index
      %swap3A_787 = arith.index_cast %swap3A_785 : i32 to index
      %swap3A_788 = arith.constant 96 : index
      %swap3A_789 = tpu.vector_load %arg7[%swap3A_786, %swap3A_787, %swap3A_788] {strides = array<i32>} : memref<33x8x128xf32, #tpu.memory_space<vmem>>, vector<16xf32>,
      tpu.vector_store %arg7[%swap3A_786, %swap3A_787, %swap3A_788], %broadcast_in_dim3A_3 {strides = array<i32>} : memref<33x8x128xf32, #tpu.memory_space<vmem>>, vector<16xf32>,
      %swap3A_790 = arith.constant 3 : i32
      %swap3A_791 = arith.index_cast %scan3A_634 : i32 to index
      %swap3A_792 = arith.index_cast %swap3A_790 : i32 to index
      %swap3A_793 = arith.constant 112 : index
      %swap3A_794 = tpu.vector_load %arg7[%swap3A_791, %swap3A_792, %swap3A_793] {strides = array<i32>} : memref<33x8x128xf32, #tpu.memory_space<vmem>>, vector<16xf32>,
      tpu.vector_store %arg7[%swap3A_791, %swap3A_792, %swap3A_793], %broadcast_in_dim3A_3 {strides = array<i32>} : memref<33x8x128xf32, #tpu.memory_space<vmem>>, vector<16xf32>,
      %swap3A_795 = arith.constant 4 : i32
      %swap3A_796 = arith.index_cast %scan3A_634 : i32 to index
      %swap3A_797 = arith.index_cast %swap3A_795 : i32 to index
      %swap3A_798 = arith.constant 0 : index
      %swap3A_799 = tpu.vector_load %arg7[%swap3A_796, %swap3A_797, %swap3A_798] {strides = array<i32>} : memref<33x8x128xf32, #tpu.memory_space<vmem>>, vector<16xf32>,
      tpu.vector_store %arg7[%swap3A_796, %swap3A_797, %swap3A_798], %broadcast_in_dim3A_3 {strides = array<i32>} : memref<33x8x128xf32, #tpu.memory_space<vmem>>, vector<16xf32>,
      %swap3A_800 = arith.constant 4 : i32
      %swap3A_801 = arith.index_cast %scan3A_634 : i32 to index
      %swap3A_802 = arith.index_cast %swap3A_800 : i32 to index
      %swap3A_803 = arith.constant 16 : index
      %swap3A_804 = tpu.vector_load %arg7[%swap3A_801, %swap3A_802, %swap3A_803] {strides = array<i32>} : memref<33x8x128xf32, #tpu.memory_space<vmem>>, vector<16xf32>,
      tpu.vector_store %arg7[%swap3A_801, %swap3A_802, %swap3A_803], %broadcast_in_dim3A_3 {strides = array<i32>} : memref<33x8x128xf32, #tpu.memory_space<vmem>>, vector<16xf32>,
      %swap3A_805 = arith.constant 4 : i32
      %swap3A_806 = arith.index_cast %scan3A_634 : i32 to index
      %swap3A_807 = arith.index_cast %swap3A_805 : i32 to index
      %swap3A_808 = arith.constant 32 : index
      %swap3A_809 = tpu.vector_load %arg7[%swap3A_806, %swap3A_807, %swap3A_808] {strides = array<i32>} : memref<33x8x128xf32, #tpu.memory_space<vmem>>, vector<16xf32>,
      tpu.vector_store %arg7[%swap3A_806, %swap3A_807, %swap3A_808], %broadcast_in_dim3A_3 {strides = array<i32>} : memref<33x8x128xf32, #tpu.memory_space<vmem>>, vector<16xf32>,
      %swap3A_810 = arith.constant 4 : i32
      %swap3A_811 = arith.index_cast %scan3A_634 : i32 to index
      %swap3A_812 = arith.index_cast %swap3A_810 : i32 to index
      %swap3A_813 = arith.constant 48 : index
      %swap3A_814 = tpu.vector_load %arg7[%swap3A_811, %swap3A_812, %swap3A_813] {strides = array<i32>} : memref<33x8x128xf32, #tpu.memory_space<vmem>>, vector<16xf32>,
      tpu.vector_store %arg7[%swap3A_811, %swap3A_812, %swap3A_813], %broadcast_in_dim3A_3 {strides = array<i32>} : memref<33x8x128xf32, #tpu.memory_space<vmem>>, vector<16xf32>,
      %swap3A_815 = arith.constant 4 : i32
      %swap3A_816 = arith.index_cast %scan3A_634 : i32 to index
      %swap3A_817 = arith.index_cast %swap3A_815 : i32 to index
      %swap3A_818 = arith.constant 64 : index
      %swap3A_819 = tpu.vector_load %arg7[%swap3A_816, %swap3A_817, %swap3A_818] {strides = array<i32>} : memref<33x8x128xf32, #tpu.memory_space<vmem>>, vector<16xf32>,
      tpu.vector_store %arg7[%swap3A_816, %swap3A_817, %swap3A_818], %broadcast_in_dim3A_3 {strides = array<i32>} : memref<33x8x128xf32, #tpu.memory_space<vmem>>, vector<16xf32>,
      %swap3A_820 = arith.constant 4 : i32
      %swap3A_821 = arith.index_cast %scan3A_634 : i32 to index
      %swap3A_822 = arith.index_cast %swap3A_820 : i32 to index
      %swap3A_823 = arith.constant 80 : index
      %swap3A_824 = tpu.vector_load %arg7[%swap3A_821, %swap3A_822, %swap3A_823] {strides = array<i32>} : memref<33x8x128xf32, #tpu.memory_space<vmem>>, vector<16xf32>,
      tpu.vector_store %arg7[%swap3A_821, %swap3A_822, %swap3A_823], %broadcast_in_dim3A_3 {strides = array<i32>} : memref<33x8x128xf32, #tpu.memory_space<vmem>>, vector<16xf32>,
      %swap3A_825 = arith.constant 4 : i32
      %swap3A_826 = arith.index_cast %scan3A_634 : i32 to index
      %swap3A_827 = arith.index_cast %swap3A_825 : i32 to index
      %swap3A_828 = arith.constant 96 : index
      %swap3A_829 = tpu.vector_load %arg7[%swap3A_826, %swap3A_827, %swap3A_828] {strides = array<i32>} : memref<33x8x128xf32, #tpu.memory_space<vmem>>, vector<16xf32>,
      tpu.vector_store %arg7[%swap3A_826, %swap3A_827, %swap3A_828], %broadcast_in_dim3A_3 {strides = array<i32>} : memref<33x8x128xf32, #tpu.memory_space<vmem>>, vector<16xf32>,
      %swap3A_830 = arith.constant 4 : i32
      %swap3A_831 = arith.index_cast %scan3A_634 : i32 to index
      %swap3A_832 = arith.index_cast %swap3A_830 : i32 to index
      %swap3A_833 = arith.constant 112 : index
      %swap3A_834 = tpu.vector_load %arg7[%swap3A_831, %swap3A_832, %swap3A_833] {strides = array<i32>} : memref<33x8x128xf32, #tpu.memory_space<vmem>>, vector<16xf32>,
      tpu.vector_store %arg7[%swap3A_831, %swap3A_832, %swap3A_833], %broadcast_in_dim3A_3 {strides = array<i32>} : memref<33x8x128xf32, #tpu.memory_space<vmem>>, vector<16xf32>,
      %swap3A_835 = arith.constant 5 : i32
      %swap3A_836 = arith.index_cast %scan3A_634 : i32 to index
      %swap3A_837 = arith.index_cast %swap3A_835 : i32 to index
      %swap3A_838 = arith.constant 0 : index
      %swap3A_839 = tpu.vector_load %arg7[%swap3A_836, %swap3A_837, %swap3A_838] {strides = array<i32>} : memref<33x8x128xf32, #tpu.memory_space<vmem>>, vector<16xf32>,
      tpu.vector_store %arg7[%swap3A_836, %swap3A_837, %swap3A_838], %broadcast_in_dim3A_3 {strides = array<i32>} : memref<33x8x128xf32, #tpu.memory_space<vmem>>, vector<16xf32>,
      %swap3A_840 = arith.constant 5 : i32
      %swap3A_841 = arith.index_cast %scan3A_634 : i32 to index
      %swap3A_842 = arith.index_cast %swap3A_840 : i32 to index
      %swap3A_843 = arith.constant 16 : index
      %swap3A_844 = tpu.vector_load %arg7[%swap3A_841, %swap3A_842, %swap3A_843] {strides = array<i32>} : memref<33x8x128xf32, #tpu.memory_space<vmem>>, vector<16xf32>,
      tpu.vector_store %arg7[%swap3A_841, %swap3A_842, %swap3A_843], %broadcast_in_dim3A_3 {strides = array<i32>} : memref<33x8x128xf32, #tpu.memory_space<vmem>>, vector<16xf32>,
      %swap3A_845 = arith.constant 5 : i32
      %swap3A_846 = arith.index_cast %scan3A_634 : i32 to index
      %swap3A_847 = arith.index_cast %swap3A_845 : i32 to index
      %swap3A_848 = arith.constant 32 : index
      %swap3A_849 = tpu.vector_load %arg7[%swap3A_846, %swap3A_847, %swap3A_848] {strides = array<i32>} : memref<33x8x128xf32, #tpu.memory_space<vmem>>, vector<16xf32>,
      tpu.vector_store %arg7[%swap3A_846, %swap3A_847, %swap3A_848], %broadcast_in_dim3A_3 {strides = array<i32>} : memref<33x8x128xf32, #tpu.memory_space<vmem>>, vector<16xf32>,
      %swap3A_850 = arith.constant 5 : i32
      %swap3A_851 = arith.index_cast %scan3A_634 : i32 to index
      %swap3A_852 = arith.index_cast %swap3A_850 : i32 to index
      %swap3A_853 = arith.constant 48 : index
      %swap3A_854 = tpu.vector_load %arg7[%swap3A_851, %swap3A_852, %swap3A_853] {strides = array<i32>} : memref<33x8x128xf32, #tpu.memory_space<vmem>>, vector<16xf32>,
      tpu.vector_store %arg7[%swap3A_851, %swap3A_852, %swap3A_853], %broadcast_in_dim3A_3 {strides = array<i32>} : memref<33x8x128xf32, #tpu.memory_space<vmem>>, vector<16xf32>,
      %swap3A_855 = arith.constant 5 : i32
      %swap3A_856 = arith.index_cast %scan3A_634 : i32 to index
      %swap3A_857 = arith.index_cast %swap3A_855 : i32 to index
      %swap3A_858 = arith.constant 64 : index
      %swap3A_859 = tpu.vector_load %arg7[%swap3A_856, %swap3A_857, %swap3A_858] {strides = array<i32>} : memref<33x8x128xf32, #tpu.memory_space<vmem>>, vector<16xf32>,
      tpu.vector_store %arg7[%swap3A_856, %swap3A_857, %swap3A_858], %broadcast_in_dim3A_3 {strides = array<i32>} : memref<33x8x128xf32, #tpu.memory_space<vmem>>, vector<16xf32>,
      %swap3A_860 = arith.constant 5 : i32
      %swap3A_861 = arith.index_cast %scan3A_634 : i32 to index
      %swap3A_862 = arith.index_cast %swap3A_860 : i32 to index
      %swap3A_863 = arith.constant 80 : index
      %swap3A_864 = tpu.vector_load %arg7[%swap3A_861, %swap3A_862, %swap3A_863] {strides = array<i32>} : memref<33x8x128xf32, #tpu.memory_space<vmem>>, vector<16xf32>,
      tpu.vector_store %arg7[%swap3A_861, %swap3A_862, %swap3A_863], %broadcast_in_dim3A_3 {strides = array<i32>} : memref<33x8x128xf32, #tpu.memory_space<vmem>>, vector<16xf32>,
      %swap3A_865 = arith.constant 5 : i32
      %swap3A_866 = arith.index_cast %scan3A_634 : i32 to index
      %swap3A_867 = arith.index_cast %swap3A_865 : i32 to index
      %swap3A_868 = arith.constant 96 : index
      %swap3A_869 = tpu.vector_load %arg7[%swap3A_866, %swap3A_867, %swap3A_868] {strides = array<i32>} : memref<33x8x128xf32, #tpu.memory_space<vmem>>, vector<16xf32>,
      tpu.vector_store %arg7[%swap3A_866, %swap3A_867, %swap3A_868], %broadcast_in_dim3A_3 {strides = array<i32>} : memref<33x8x128xf32, #tpu.memory_space<vmem>>, vector<16xf32>,
      %swap3A_870 = arith.constant 5 : i32
      %swap3A_871 = arith.index_cast %scan3A_634 : i32 to index
      %swap3A_872 = arith.index_cast %swap3A_870 : i32 to index
      %swap3A_873 = arith.constant 112 : index
      %swap3A_874 = tpu.vector_load %arg7[%swap3A_871, %swap3A_872, %swap3A_873] {strides = array<i32>} : memref<33x8x128xf32, #tpu.memory_space<vmem>>, vector<16xf32>,
      tpu.vector_store %arg7[%swap3A_871, %swap3A_872, %swap3A_873], %broadcast_in_dim3A_3 {strides = array<i32>} : memref<33x8x128xf32, #tpu.memory_space<vmem>>, vector<16xf32>,
      %swap3A_875 = arith.constant 6 : i32
      %swap3A_876 = arith.index_cast %scan3A_634 : i32 to index
      %swap3A_877 = arith.index_cast %swap3A_875 : i32 to index
      %swap3A_878 = arith.constant 0 : index
      %swap3A_879 = tpu.vector_load %arg7[%swap3A_876, %swap3A_877, %swap3A_878] {strides = array<i32>} : memref<33x8x128xf32, #tpu.memory_space<vmem>>, vector<16xf32>,
      tpu.vector_store %arg7[%swap3A_876, %swap3A_877, %swap3A_878], %broadcast_in_dim3A_3 {strides = array<i32>} : memref<33x8x128xf32, #tpu.memory_space<vmem>>, vector<16xf32>,
      %swap3A_880 = arith.constant 6 : i32
      %swap3A_881 = arith.index_cast %scan3A_634 : i32 to index
      %swap3A_882 = arith.index_cast %swap3A_880 : i32 to index
      %swap3A_883 = arith.constant 16 : index
      %swap3A_884 = tpu.vector_load %arg7[%swap3A_881, %swap3A_882, %swap3A_883] {strides = array<i32>} : memref<33x8x128xf32, #tpu.memory_space<vmem>>, vector<16xf32>,
      tpu.vector_store %arg7[%swap3A_881, %swap3A_882, %swap3A_883], %broadcast_in_dim3A_3 {strides = array<i32>} : memref<33x8x128xf32, #tpu.memory_space<vmem>>, vector<16xf32>,
      %swap3A_885 = arith.constant 6 : i32
      %swap3A_886 = arith.index_cast %scan3A_634 : i32 to index
      %swap3A_887 = arith.index_cast %swap3A_885 : i32 to index
      %swap3A_888 = arith.constant 32 : index
      %swap3A_889 = tpu.vector_load %arg7[%swap3A_886, %swap3A_887, %swap3A_888] {strides = array<i32>} : memref<33x8x128xf32, #tpu.memory_space<vmem>>, vector<16xf32>,
      tpu.vector_store %arg7[%swap3A_886, %swap3A_887, %swap3A_888], %broadcast_in_dim3A_3 {strides = array<i32>} : memref<33x8x128xf32, #tpu.memory_space<vmem>>, vector<16xf32>,
      %swap3A_890 = arith.constant 6 : i32
      %swap3A_891 = arith.index_cast %scan3A_634 : i32 to index
      %swap3A_892 = arith.index_cast %swap3A_890 : i32 to index
      %swap3A_893 = arith.constant 48 : index
      %swap3A_894 = tpu.vector_load %arg7[%swap3A_891, %swap3A_892, %swap3A_893] {strides = array<i32>} : memref<33x8x128xf32, #tpu.memory_space<vmem>>, vector<16xf32>,
      tpu.vector_store %arg7[%swap3A_891, %swap3A_892, %swap3A_893], %broadcast_in_dim3A_3 {strides = array<i32>} : memref<33x8x128xf32, #tpu.memory_space<vmem>>, vector<16xf32>,
      %swap3A_895 = arith.constant 6 : i32
      %swap3A_896 = arith.index_cast %scan3A_634 : i32 to index
      %swap3A_897 = arith.index_cast %swap3A_895 : i32 to index
      %swap3A_898 = arith.constant 64 : index
      %swap3A_899 = tpu.vector_load %arg7[%swap3A_896, %swap3A_897, %swap3A_898] {strides = array<i32>} : memref<33x8x128xf32, #tpu.memory_space<vmem>>, vector<16xf32>,
      tpu.vector_store %arg7[%swap3A_896, %swap3A_897, %swap3A_898], %broadcast_in_dim3A_3 {strides = array<i32>} : memref<33x8x128xf32, #tpu.memory_space<vmem>>, vector<16xf32>,
      %swap3A_900 = arith.constant 6 : i32
      %swap3A_901 = arith.index_cast %scan3A_634 : i32 to index
      %swap3A_902 = arith.index_cast %swap3A_900 : i32 to index
      %swap3A_903 = arith.constant 80 : index
      %swap3A_904 = tpu.vector_load %arg7[%swap3A_901, %swap3A_902, %swap3A_903] {strides = array<i32>} : memref<33x8x128xf32, #tpu.memory_space<vmem>>, vector<16xf32>,
      tpu.vector_store %arg7[%swap3A_901, %swap3A_902, %swap3A_903], %broadcast_in_dim3A_3 {strides = array<i32>} : memref<33x8x128xf32, #tpu.memory_space<vmem>>, vector<16xf32>,
      %swap3A_905 = arith.constant 6 : i32
      %swap3A_906 = arith.index_cast %scan3A_634 : i32 to index
      %swap3A_907 = arith.index_cast %swap3A_905 : i32 to index
      %swap3A_908 = arith.constant 96 : index
      %swap3A_909 = tpu.vector_load %arg7[%swap3A_906, %swap3A_907, %swap3A_908] {strides = array<i32>} : memref<33x8x128xf32, #tpu.memory_space<vmem>>, vector<16xf32>,
      tpu.vector_store %arg7[%swap3A_906, %swap3A_907, %swap3A_908], %broadcast_in_dim3A_3 {strides = array<i32>} : memref<33x8x128xf32, #tpu.memory_space<vmem>>, vector<16xf32>,
      %swap3A_910 = arith.constant 6 : i32
      %swap3A_911 = arith.index_cast %scan3A_634 : i32 to index
      %swap3A_912 = arith.index_cast %swap3A_910 : i32 to index
      %swap3A_913 = arith.constant 112 : index
      %swap3A_914 = tpu.vector_load %arg7[%swap3A_911, %swap3A_912, %swap3A_913] {strides = array<i32>} : memref<33x8x128xf32, #tpu.memory_space<vmem>>, vector<16xf32>,
      tpu.vector_store %arg7[%swap3A_911, %swap3A_912, %swap3A_913], %broadcast_in_dim3A_3 {strides = array<i32>} : memref<33x8x128xf32, #tpu.memory_space<vmem>>, vector<16xf32>,
      %swap3A_915 = arith.constant 7 : i32
      %swap3A_916 = arith.index_cast %scan3A_634 : i32 to index
      %swap3A_917 = arith.index_cast %swap3A_915 : i32 to index
      %swap3A_918 = arith.constant 0 : index
      %swap3A_919 = tpu.vector_load %arg7[%swap3A_916, %swap3A_917, %swap3A_918] {strides = array<i32>} : memref<33x8x128xf32, #tpu.memory_space<vmem>>, vector<16xf32>,
      tpu.vector_store %arg7[%swap3A_916, %swap3A_917, %swap3A_918], %broadcast_in_dim3A_3 {strides = array<i32>} : memref<33x8x128xf32, #tpu.memory_space<vmem>>, vector<16xf32>,
      %swap3A_920 = arith.constant 7 : i32
      %swap3A_921 = arith.index_cast %scan3A_634 : i32 to index
      %swap3A_922 = arith.index_cast %swap3A_920 : i32 to index
      %swap3A_923 = arith.constant 16 : index
      %swap3A_924 = tpu.vector_load %arg7[%swap3A_921, %swap3A_922, %swap3A_923] {strides = array<i32>} : memref<33x8x128xf32, #tpu.memory_space<vmem>>, vector<16xf32>,
      tpu.vector_store %arg7[%swap3A_921, %swap3A_922, %swap3A_923], %broadcast_in_dim3A_3 {strides = array<i32>} : memref<33x8x128xf32, #tpu.memory_space<vmem>>, vector<16xf32>,
      %swap3A_925 = arith.constant 7 : i32
      %swap3A_926 = arith.index_cast %scan3A_634 : i32 to index
      %swap3A_927 = arith.index_cast %swap3A_925 : i32 to index
      %swap3A_928 = arith.constant 32 : index
      %swap3A_929 = tpu.vector_load %arg7[%swap3A_926, %swap3A_927, %swap3A_928] {strides = array<i32>} : memref<33x8x128xf32, #tpu.memory_space<vmem>>, vector<16xf32>,
      tpu.vector_store %arg7[%swap3A_926, %swap3A_927, %swap3A_928], %broadcast_in_dim3A_3 {strides = array<i32>} : memref<33x8x128xf32, #tpu.memory_space<vmem>>, vector<16xf32>,
      %swap3A_930 = arith.constant 7 : i32
      %swap3A_931 = arith.index_cast %scan3A_634 : i32 to index
      %swap3A_932 = arith.index_cast %swap3A_930 : i32 to index
      %swap3A_933 = arith.constant 48 : index
      %swap3A_934 = tpu.vector_load %arg7[%swap3A_931, %swap3A_932, %swap3A_933] {strides = array<i32>} : memref<33x8x128xf32, #tpu.memory_space<vmem>>, vector<16xf32>,
      tpu.vector_store %arg7[%swap3A_931, %swap3A_932, %swap3A_933], %broadcast_in_dim3A_3 {strides = array<i32>} : memref<33x8x128xf32, #tpu.memory_space<vmem>>, vector<16xf32>,
      %swap3A_935 = arith.constant 7 : i32
      %swap3A_936 = arith.index_cast %scan3A_634 : i32 to index
      %swap3A_937 = arith.index_cast %swap3A_935 : i32 to index
      %swap3A_938 = arith.constant 64 : index
      %swap3A_939 = tpu.vector_load %arg7[%swap3A_936, %swap3A_937, %swap3A_938] {strides = array<i32>} : memref<33x8x128xf32, #tpu.memory_space<vmem>>, vector<16xf32>,
      tpu.vector_store %arg7[%swap3A_936, %swap3A_937, %swap3A_938], %broadcast_in_dim3A_3 {strides = array<i32>} : memref<33x8x128xf32, #tpu.memory_space<vmem>>, vector<16xf32>,
      %swap3A_940 = arith.constant 7 : i32
      %swap3A_941 = arith.index_cast %scan3A_634 : i32 to index
      %swap3A_942 = arith.index_cast %swap3A_940 : i32 to index
      %swap3A_943 = arith.constant 80 : index
      %swap3A_944 = tpu.vector_load %arg7[%swap3A_941, %swap3A_942, %swap3A_943] {strides = array<i32>} : memref<33x8x128xf32, #tpu.memory_space<vmem>>, vector<16xf32>,
      tpu.vector_store %arg7[%swap3A_941, %swap3A_942, %swap3A_943], %broadcast_in_dim3A_3 {strides = array<i32>} : memref<33x8x128xf32, #tpu.memory_space<vmem>>, vector<16xf32>,
      %swap3A_945 = arith.constant 7 : i32
      %swap3A_946 = arith.index_cast %scan3A_634 : i32 to index
      %swap3A_947 = arith.index_cast %swap3A_945 : i32 to index
      %swap3A_948 = arith.constant 96 : index
      %swap3A_949 = tpu.vector_load %arg7[%swap3A_946, %swap3A_947, %swap3A_948] {strides = array<i32>} : memref<33x8x128xf32, #tpu.memory_space<vmem>>, vector<16xf32>,
      tpu.vector_store %arg7[%swap3A_946, %swap3A_947, %swap3A_948], %broadcast_in_dim3A_3 {strides = array<i32>} : memref<33x8x128xf32, #tpu.memory_space<vmem>>, vector<16xf32>,
      %swap3A_950 = arith.constant 7 : i32
      %swap3A_951 = arith.index_cast %scan3A_634 : i32 to index
      %swap3A_952 = arith.index_cast %swap3A_950 : i32 to index
      %swap3A_953 = arith.constant 112 : index
      %swap3A_954 = tpu.vector_load %arg7[%swap3A_951, %swap3A_952, %swap3A_953] {strides = array<i32>} : memref<33x8x128xf32, #tpu.memory_space<vmem>>, vector<16xf32>,
      tpu.vector_store %arg7[%swap3A_951, %swap3A_952, %swap3A_953], %broadcast_in_dim3A_3 {strides = array<i32>} : memref<33x8x128xf32, #tpu.memory_space<vmem>>, vector<16xf32>,
    }
    %scan3A_264 = arith.constant 33 : i32
    %swap3A_265 = arith.constant 0 : index
    %swap3A_266 = tpu.vector_load %arg9[%swap3A_265] {strides = array<i32>} : memref<1024xi32, #tpu.memory_space<vmem>>, vector<16xi32>,
    tpu.vector_store %arg9[%swap3A_265], %broadcast_in_dim3A_7 {strides = array<i32>} : memref<1024xi32, #tpu.memory_space<vmem>>, vector<16xi32>,
    %swap3A_267 = arith.constant 16 : index
    %swap3A_268 = tpu.vector_load %arg9[%swap3A_267] {strides = array<i32>} : memref<1024xi32, #tpu.memory_space<vmem>>, vector<16xi32>,
    tpu.vector_store %arg9[%swap3A_267], %broadcast_in_dim3A_7 {strides = array<i32>} : memref<1024xi32, #tpu.memory_space<vmem>>, vector<16xi32>,
    %swap3A_269 = arith.constant 32 : index
    %swap3A_270 = tpu.vector_load %arg9[%swap3A_269] {strides = array<i32>} : memref<1024xi32, #tpu.memory_space<vmem>>, vector<16xi32>,
    tpu.vector_store %arg9[%swap3A_269], %broadcast_in_dim3A_7 {strides = array<i32>} : memref<1024xi32, #tpu.memory_space<vmem>>, vector<16xi32>,
    %swap3A_271 = arith.constant 48 : index
    %swap3A_272 = tpu.vector_load %arg9[%swap3A_271] {strides = array<i32>} : memref<1024xi32, #tpu.memory_space<vmem>>, vector<16xi32>,
    tpu.vector_store %arg9[%swap3A_271], %broadcast_in_dim3A_7 {strides = array<i32>} : memref<1024xi32, #tpu.memory_space<vmem>>, vector<16xi32>,
    %swap3A_273 = arith.constant 64 : index
    %swap3A_274 = tpu.vector_load %arg9[%swap3A_273] {strides = array<i32>} : memref<1024xi32, #tpu.memory_space<vmem>>, vector<16xi32>,
    tpu.vector_store %arg9[%swap3A_273], %broadcast_in_dim3A_7 {strides = array<i32>} : memref<1024xi32, #tpu.memory_space<vmem>>, vector<16xi32>,
    %swap3A_275 = arith.constant 80 : index
    %swap3A_276 = tpu.vector_load %arg9[%swap3A_275] {strides = array<i32>} : memref<1024xi32, #tpu.memory_space<vmem>>, vector<16xi32>,
    tpu.vector_store %arg9[%swap3A_275], %broadcast_in_dim3A_7 {strides = array<i32>} : memref<1024xi32, #tpu.memory_space<vmem>>, vector<16xi32>,
    %swap3A_277 = arith.constant 96 : index
    %swap3A_278 = tpu.vector_load %arg9[%swap3A_277] {strides = array<i32>} : memref<1024xi32, #tpu.memory_space<vmem>>, vector<16xi32>,
    tpu.vector_store %arg9[%swap3A_277], %broadcast_in_dim3A_7 {strides = array<i32>} : memref<1024xi32, #tpu.memory_space<vmem>>, vector<16xi32>,
    %swap3A_279 = arith.constant 112 : index
    %swap3A_280 = tpu.vector_load %arg9[%swap3A_279] {strides = array<i32>} : memref<1024xi32, #tpu.memory_space<vmem>>, vector<16xi32>,
    tpu.vector_store %arg9[%swap3A_279], %broadcast_in_dim3A_7 {strides = array<i32>} : memref<1024xi32, #tpu.memory_space<vmem>>, vector<16xi32>,
    %swap3A_281 = arith.constant 128 : index
    %swap3A_282 = tpu.vector_load %arg9[%swap3A_281] {strides = array<i32>} : memref<1024xi32, #tpu.memory_space<vmem>>, vector<16xi32>,
    tpu.vector_store %arg9[%swap3A_281], %broadcast_in_dim3A_7 {strides = array<i32>} : memref<1024xi32, #tpu.memory_space<vmem>>, vector<16xi32>,
    %swap3A_283 = arith.constant 144 : index
    %swap3A_284 = tpu.vector_load %arg9[%swap3A_283] {strides = array<i32>} : memref<1024xi32, #tpu.memory_space<vmem>>, vector<16xi32>,
    tpu.vector_store %arg9[%swap3A_283], %broadcast_in_dim3A_7 {strides = array<i32>} : memref<1024xi32, #tpu.memory_space<vmem>>, vector<16xi32>,
    %swap3A_285 = arith.constant 160 : index
    %swap3A_286 = tpu.vector_load %arg9[%swap3A_285] {strides = array<i32>} : memref<1024xi32, #tpu.memory_space<vmem>>, vector<16xi32>,
    tpu.vector_store %arg9[%swap3A_285], %broadcast_in_dim3A_7 {strides = array<i32>} : memref<1024xi32, #tpu.memory_space<vmem>>, vector<16xi32>,
    %swap3A_287 = arith.constant 176 : index
    %swap3A_288 = tpu.vector_load %arg9[%swap3A_287] {strides = array<i32>} : memref<1024xi32, #tpu.memory_space<vmem>>, vector<16xi32>,
    tpu.vector_store %arg9[%swap3A_287], %broadcast_in_dim3A_7 {strides = array<i32>} : memref<1024xi32, #tpu.memory_space<vmem>>, vector<16xi32>,
    %swap3A_289 = arith.constant 192 : index
    %swap3A_290 = tpu.vector_load %arg9[%swap3A_289] {strides = array<i32>} : memref<1024xi32, #tpu.memory_space<vmem>>, vector<16xi32>,
    tpu.vector_store %arg9[%swap3A_289], %broadcast_in_dim3A_7 {strides = array<i32>} : memref<1024xi32, #tpu.memory_space<vmem>>, vector<16xi32>,
    %swap3A_291 = arith.constant 208 : index
    %swap3A_292 = tpu.vector_load %arg9[%swap3A_291] {strides = array<i32>} : memref<1024xi32, #tpu.memory_space<vmem>>, vector<16xi32>,
    tpu.vector_store %arg9[%swap3A_291], %broadcast_in_dim3A_7 {strides = array<i32>} : memref<1024xi32, #tpu.memory_space<vmem>>, vector<16xi32>,
    %swap3A_293 = arith.constant 224 : index
    %swap3A_294 = tpu.vector_load %arg9[%swap3A_293] {strides = array<i32>} : memref<1024xi32, #tpu.memory_space<vmem>>, vector<16xi32>,
    tpu.vector_store %arg9[%swap3A_293], %broadcast_in_dim3A_7 {strides = array<i32>} : memref<1024xi32, #tpu.memory_space<vmem>>, vector<16xi32>,
    %swap3A_295 = arith.constant 240 : index
    %swap3A_296 = tpu.vector_load %arg9[%swap3A_295] {strides = array<i32>} : memref<1024xi32, #tpu.memory_space<vmem>>, vector<16xi32>,
    tpu.vector_store %arg9[%swap3A_295], %broadcast_in_dim3A_7 {strides = array<i32>} : memref<1024xi32, #tpu.memory_space<vmem>>, vector<16xi32>,
    %swap3A_297 = arith.constant 256 : index
    %swap3A_298 = tpu.vector_load %arg9[%swap3A_297] {strides = array<i32>} : memref<1024xi32, #tpu.memory_space<vmem>>, vector<16xi32>,
    tpu.vector_store %arg9[%swap3A_297], %broadcast_in_dim3A_7 {strides = array<i32>} : memref<1024xi32, #tpu.memory_space<vmem>>, vector<16xi32>,
    %swap3A_299 = arith.constant 272 : index
    %swap3A_300 = tpu.vector_load %arg9[%swap3A_299] {strides = array<i32>} : memref<1024xi32, #tpu.memory_space<vmem>>, vector<16xi32>,
    tpu.vector_store %arg9[%swap3A_299], %broadcast_in_dim3A_7 {strides = array<i32>} : memref<1024xi32, #tpu.memory_space<vmem>>, vector<16xi32>,
    %swap3A_301 = arith.constant 288 : index
    %swap3A_302 = tpu.vector_load %arg9[%swap3A_301] {strides = array<i32>} : memref<1024xi32, #tpu.memory_space<vmem>>, vector<16xi32>,
    tpu.vector_store %arg9[%swap3A_301], %broadcast_in_dim3A_7 {strides = array<i32>} : memref<1024xi32, #tpu.memory_space<vmem>>, vector<16xi32>,
    %swap3A_303 = arith.constant 304 : index
    %swap3A_304 = tpu.vector_load %arg9[%swap3A_303] {strides = array<i32>} : memref<1024xi32, #tpu.memory_space<vmem>>, vector<16xi32>,
    tpu.vector_store %arg9[%swap3A_303], %broadcast_in_dim3A_7 {strides = array<i32>} : memref<1024xi32, #tpu.memory_space<vmem>>, vector<16xi32>,
    %swap3A_305 = arith.constant 320 : index
    %swap3A_306 = tpu.vector_load %arg9[%swap3A_305] {strides = array<i32>} : memref<1024xi32, #tpu.memory_space<vmem>>, vector<16xi32>,
    tpu.vector_store %arg9[%swap3A_305], %broadcast_in_dim3A_7 {strides = array<i32>} : memref<1024xi32, #tpu.memory_space<vmem>>, vector<16xi32>,
    %swap3A_307 = arith.constant 336 : index
    %swap3A_308 = tpu.vector_load %arg9[%swap3A_307] {strides = array<i32>} : memref<1024xi32, #tpu.memory_space<vmem>>, vector<16xi32>,
    tpu.vector_store %arg9[%swap3A_307], %broadcast_in_dim3A_7 {strides = array<i32>} : memref<1024xi32, #tpu.memory_space<vmem>>, vector<16xi32>,
    %swap3A_309 = arith.constant 352 : index
    %swap3A_310 = tpu.vector_load %arg9[%swap3A_309] {strides = array<i32>} : memref<1024xi32, #tpu.memory_space<vmem>>, vector<16xi32>,
    tpu.vector_store %arg9[%swap3A_309], %broadcast_in_dim3A_7 {strides = array<i32>} : memref<1024xi32, #tpu.memory_space<vmem>>, vector<16xi32>,
    %swap3A_311 = arith.constant 368 : index
    %swap3A_312 = tpu.vector_load %arg9[%swap3A_311] {strides = array<i32>} : memref<1024xi32, #tpu.memory_space<vmem>>, vector<16xi32>,
    tpu.vector_store %arg9[%swap3A_311], %broadcast_in_dim3A_7 {strides = array<i32>} : memref<1024xi32, #tpu.memory_space<vmem>>, vector<16xi32>,
    %swap3A_313 = arith.constant 384 : index
    %swap3A_314 = tpu.vector_load %arg9[%swap3A_313] {strides = array<i32>} : memref<1024xi32, #tpu.memory_space<vmem>>, vector<16xi32>,
    tpu.vector_store %arg9[%swap3A_313], %broadcast_in_dim3A_7 {strides = array<i32>} : memref<1024xi32, #tpu.memory_space<vmem>>, vector<16xi32>,
    %swap3A_315 = arith.constant 400 : index
    %swap3A_316 = tpu.vector_load %arg9[%swap3A_315] {strides = array<i32>} : memref<1024xi32, #tpu.memory_space<vmem>>, vector<16xi32>,
    tpu.vector_store %arg9[%swap3A_315], %broadcast_in_dim3A_7 {strides = array<i32>} : memref<1024xi32, #tpu.memory_space<vmem>>, vector<16xi32>,
    %swap3A_317 = arith.constant 416 : index
    %swap3A_318 = tpu.vector_load %arg9[%swap3A_317] {strides = array<i32>} : memref<1024xi32, #tpu.memory_space<vmem>>, vector<16xi32>,
    tpu.vector_store %arg9[%swap3A_317], %broadcast_in_dim3A_7 {strides = array<i32>} : memref<1024xi32, #tpu.memory_space<vmem>>, vector<16xi32>,
    %swap3A_319 = arith.constant 432 : index
    %swap3A_320 = tpu.vector_load %arg9[%swap3A_319] {strides = array<i32>} : memref<1024xi32, #tpu.memory_space<vmem>>, vector<16xi32>,
    tpu.vector_store %arg9[%swap3A_319], %broadcast_in_dim3A_7 {strides = array<i32>} : memref<1024xi32, #tpu.memory_space<vmem>>, vector<16xi32>,
    %swap3A_321 = arith.constant 448 : index
    %swap3A_322 = tpu.vector_load %arg9[%swap3A_321] {strides = array<i32>} : memref<1024xi32, #tpu.memory_space<vmem>>, vector<16xi32>,
    tpu.vector_store %arg9[%swap3A_321], %broadcast_in_dim3A_7 {strides = array<i32>} : memref<1024xi32, #tpu.memory_space<vmem>>, vector<16xi32>,
    %swap3A_323 = arith.constant 464 : index
    %swap3A_324 = tpu.vector_load %arg9[%swap3A_323] {strides = array<i32>} : memref<1024xi32, #tpu.memory_space<vmem>>, vector<16xi32>,
    tpu.vector_store %arg9[%swap3A_323], %broadcast_in_dim3A_7 {strides = array<i32>} : memref<1024xi32, #tpu.memory_space<vmem>>, vector<16xi32>,
    %swap3A_325 = arith.constant 480 : index
    %swap3A_326 = tpu.vector_load %arg9[%swap3A_325] {strides = array<i32>} : memref<1024xi32, #tpu.memory_space<vmem>>, vector<16xi32>,
    tpu.vector_store %arg9[%swap3A_325], %broadcast_in_dim3A_7 {strides = array<i32>} : memref<1024xi32, #tpu.memory_space<vmem>>, vector<16xi32>,
    %swap3A_327 = arith.constant 496 : index
    %swap3A_328 = tpu.vector_load %arg9[%swap3A_327] {strides = array<i32>} : memref<1024xi32, #tpu.memory_space<vmem>>, vector<16xi32>,
    tpu.vector_store %arg9[%swap3A_327], %broadcast_in_dim3A_7 {strides = array<i32>} : memref<1024xi32, #tpu.memory_space<vmem>>, vector<16xi32>,
    %swap3A_329 = arith.constant 512 : index
    %swap3A_330 = tpu.vector_load %arg9[%swap3A_329] {strides = array<i32>} : memref<1024xi32, #tpu.memory_space<vmem>>, vector<16xi32>,
    tpu.vector_store %arg9[%swap3A_329], %broadcast_in_dim3A_7 {strides = array<i32>} : memref<1024xi32, #tpu.memory_space<vmem>>, vector<16xi32>,
    %swap3A_331 = arith.constant 528 : index
    %swap3A_332 = tpu.vector_load %arg9[%swap3A_331] {strides = array<i32>} : memref<1024xi32, #tpu.memory_space<vmem>>, vector<16xi32>,
    tpu.vector_store %arg9[%swap3A_331], %broadcast_in_dim3A_7 {strides = array<i32>} : memref<1024xi32, #tpu.memory_space<vmem>>, vector<16xi32>,
    %swap3A_333 = arith.constant 544 : index
    %swap3A_334 = tpu.vector_load %arg9[%swap3A_333] {strides = array<i32>} : memref<1024xi32, #tpu.memory_space<vmem>>, vector<16xi32>,
    tpu.vector_store %arg9[%swap3A_333], %broadcast_in_dim3A_7 {strides = array<i32>} : memref<1024xi32, #tpu.memory_space<vmem>>, vector<16xi32>,
    %swap3A_335 = arith.constant 560 : index
    %swap3A_336 = tpu.vector_load %arg9[%swap3A_335] {strides = array<i32>} : memref<1024xi32, #tpu.memory_space<vmem>>, vector<16xi32>,
    tpu.vector_store %arg9[%swap3A_335], %broadcast_in_dim3A_7 {strides = array<i32>} : memref<1024xi32, #tpu.memory_space<vmem>>, vector<16xi32>,
    %swap3A_337 = arith.constant 576 : index
    %swap3A_338 = tpu.vector_load %arg9[%swap3A_337] {strides = array<i32>} : memref<1024xi32, #tpu.memory_space<vmem>>, vector<16xi32>,
    tpu.vector_store %arg9[%swap3A_337], %broadcast_in_dim3A_7 {strides = array<i32>} : memref<1024xi32, #tpu.memory_space<vmem>>, vector<16xi32>,
    %swap3A_339 = arith.constant 592 : index
    %swap3A_340 = tpu.vector_load %arg9[%swap3A_339] {strides = array<i32>} : memref<1024xi32, #tpu.memory_space<vmem>>, vector<16xi32>,
    tpu.vector_store %arg9[%swap3A_339], %broadcast_in_dim3A_7 {strides = array<i32>} : memref<1024xi32, #tpu.memory_space<vmem>>, vector<16xi32>,
    %swap3A_341 = arith.constant 608 : index
    %swap3A_342 = tpu.vector_load %arg9[%swap3A_341] {strides = array<i32>} : memref<1024xi32, #tpu.memory_space<vmem>>, vector<16xi32>,
    tpu.vector_store %arg9[%swap3A_341], %broadcast_in_dim3A_7 {strides = array<i32>} : memref<1024xi32, #tpu.memory_space<vmem>>, vector<16xi32>,
    %swap3A_343 = arith.constant 624 : index
    %swap3A_344 = tpu.vector_load %arg9[%swap3A_343] {strides = array<i32>} : memref<1024xi32, #tpu.memory_space<vmem>>, vector<16xi32>,
    tpu.vector_store %arg9[%swap3A_343], %broadcast_in_dim3A_7 {strides = array<i32>} : memref<1024xi32, #tpu.memory_space<vmem>>, vector<16xi32>,
    %swap3A_345 = arith.constant 640 : index
    %swap3A_346 = tpu.vector_load %arg9[%swap3A_345] {strides = array<i32>} : memref<1024xi32, #tpu.memory_space<vmem>>, vector<16xi32>,
    tpu.vector_store %arg9[%swap3A_345], %broadcast_in_dim3A_7 {strides = array<i32>} : memref<1024xi32, #tpu.memory_space<vmem>>, vector<16xi32>,
    %swap3A_347 = arith.constant 656 : index
    %swap3A_348 = tpu.vector_load %arg9[%swap3A_347] {strides = array<i32>} : memref<1024xi32, #tpu.memory_space<vmem>>, vector<16xi32>,
    tpu.vector_store %arg9[%swap3A_347], %broadcast_in_dim3A_7 {strides = array<i32>} : memref<1024xi32, #tpu.memory_space<vmem>>, vector<16xi32>,
    %swap3A_349 = arith.constant 672 : index
    %swap3A_350 = tpu.vector_load %arg9[%swap3A_349] {strides = array<i32>} : memref<1024xi32, #tpu.memory_space<vmem>>, vector<16xi32>,
    tpu.vector_store %arg9[%swap3A_349], %broadcast_in_dim3A_7 {strides = array<i32>} : memref<1024xi32, #tpu.memory_space<vmem>>, vector<16xi32>,
    %swap3A_351 = arith.constant 688 : index
    %swap3A_352 = tpu.vector_load %arg9[%swap3A_351] {strides = array<i32>} : memref<1024xi32, #tpu.memory_space<vmem>>, vector<16xi32>,
    tpu.vector_store %arg9[%swap3A_351], %broadcast_in_dim3A_7 {strides = array<i32>} : memref<1024xi32, #tpu.memory_space<vmem>>, vector<16xi32>,
    %swap3A_353 = arith.constant 704 : index
    %swap3A_354 = tpu.vector_load %arg9[%swap3A_353] {strides = array<i32>} : memref<1024xi32, #tpu.memory_space<vmem>>, vector<16xi32>,
    tpu.vector_store %arg9[%swap3A_353], %broadcast_in_dim3A_7 {strides = array<i32>} : memref<1024xi32, #tpu.memory_space<vmem>>, vector<16xi32>,
    %swap3A_355 = arith.constant 720 : index
    %swap3A_356 = tpu.vector_load %arg9[%swap3A_355] {strides = array<i32>} : memref<1024xi32, #tpu.memory_space<vmem>>, vector<16xi32>,
    tpu.vector_store %arg9[%swap3A_355], %broadcast_in_dim3A_7 {strides = array<i32>} : memref<1024xi32, #tpu.memory_space<vmem>>, vector<16xi32>,
    %swap3A_357 = arith.constant 736 : index
    %swap3A_358 = tpu.vector_load %arg9[%swap3A_357] {strides = array<i32>} : memref<1024xi32, #tpu.memory_space<vmem>>, vector<16xi32>,
    tpu.vector_store %arg9[%swap3A_357], %broadcast_in_dim3A_7 {strides = array<i32>} : memref<1024xi32, #tpu.memory_space<vmem>>, vector<16xi32>,
    %swap3A_359 = arith.constant 752 : index
    %swap3A_360 = tpu.vector_load %arg9[%swap3A_359] {strides = array<i32>} : memref<1024xi32, #tpu.memory_space<vmem>>, vector<16xi32>,
    tpu.vector_store %arg9[%swap3A_359], %broadcast_in_dim3A_7 {strides = array<i32>} : memref<1024xi32, #tpu.memory_space<vmem>>, vector<16xi32>,
    %swap3A_361 = arith.constant 768 : index
    %swap3A_362 = tpu.vector_load %arg9[%swap3A_361] {strides = array<i32>} : memref<1024xi32, #tpu.memory_space<vmem>>, vector<16xi32>,
    tpu.vector_store %arg9[%swap3A_361], %broadcast_in_dim3A_7 {strides = array<i32>} : memref<1024xi32, #tpu.memory_space<vmem>>, vector<16xi32>,
    %swap3A_363 = arith.constant 784 : index
    %swap3A_364 = tpu.vector_load %arg9[%swap3A_363] {strides = array<i32>} : memref<1024xi32, #tpu.memory_space<vmem>>, vector<16xi32>,
    tpu.vector_store %arg9[%swap3A_363], %broadcast_in_dim3A_7 {strides = array<i32>} : memref<1024xi32, #tpu.memory_space<vmem>>, vector<16xi32>,
    %swap3A_365 = arith.constant 800 : index
    %swap3A_366 = tpu.vector_load %arg9[%swap3A_365] {strides = array<i32>} : memref<1024xi32, #tpu.memory_space<vmem>>, vector<16xi32>,
    tpu.vector_store %arg9[%swap3A_365], %broadcast_in_dim3A_7 {strides = array<i32>} : memref<1024xi32, #tpu.memory_space<vmem>>, vector<16xi32>,
    %swap3A_367 = arith.constant 816 : index
    %swap3A_368 = tpu.vector_load %arg9[%swap3A_367] {strides = array<i32>} : memref<1024xi32, #tpu.memory_space<vmem>>, vector<16xi32>,
    tpu.vector_store %arg9[%swap3A_367], %broadcast_in_dim3A_7 {strides = array<i32>} : memref<1024xi32, #tpu.memory_space<vmem>>, vector<16xi32>,
    %swap3A_369 = arith.constant 832 : index
    %swap3A_370 = tpu.vector_load %arg9[%swap3A_369] {strides = array<i32>} : memref<1024xi32, #tpu.memory_space<vmem>>, vector<16xi32>,
    tpu.vector_store %arg9[%swap3A_369], %broadcast_in_dim3A_7 {strides = array<i32>} : memref<1024xi32, #tpu.memory_space<vmem>>, vector<16xi32>,
    %swap3A_371 = arith.constant 848 : index
    %swap3A_372 = tpu.vector_load %arg9[%swap3A_371] {strides = array<i32>} : memref<1024xi32, #tpu.memory_space<vmem>>, vector<16xi32>,
    tpu.vector_store %arg9[%swap3A_371], %broadcast_in_dim3A_7 {strides = array<i32>} : memref<1024xi32, #tpu.memory_space<vmem>>, vector<16xi32>,
    %swap3A_373 = arith.constant 864 : index
    %swap3A_374 = tpu.vector_load %arg9[%swap3A_373] {strides = array<i32>} : memref<1024xi32, #tpu.memory_space<vmem>>, vector<16xi32>,
    tpu.vector_store %arg9[%swap3A_373], %broadcast_in_dim3A_7 {strides = array<i32>} : memref<1024xi32, #tpu.memory_space<vmem>>, vector<16xi32>,
    %swap3A_375 = arith.constant 880 : index
    %swap3A_376 = tpu.vector_load %arg9[%swap3A_375] {strides = array<i32>} : memref<1024xi32, #tpu.memory_space<vmem>>, vector<16xi32>,
    tpu.vector_store %arg9[%swap3A_375], %broadcast_in_dim3A_7 {strides = array<i32>} : memref<1024xi32, #tpu.memory_space<vmem>>, vector<16xi32>,
    %swap3A_377 = arith.constant 896 : index
    %swap3A_378 = tpu.vector_load %arg9[%swap3A_377] {strides = array<i32>} : memref<1024xi32, #tpu.memory_space<vmem>>, vector<16xi32>,
    tpu.vector_store %arg9[%swap3A_377], %broadcast_in_dim3A_7 {strides = array<i32>} : memref<1024xi32, #tpu.memory_space<vmem>>, vector<16xi32>,
    %swap3A_379 = arith.constant 912 : index
    %swap3A_380 = tpu.vector_load %arg9[%swap3A_379] {strides = array<i32>} : memref<1024xi32, #tpu.memory_space<vmem>>, vector<16xi32>,
    tpu.vector_store %arg9[%swap3A_379], %broadcast_in_dim3A_7 {strides = array<i32>} : memref<1024xi32, #tpu.memory_space<vmem>>, vector<16xi32>,
    %swap3A_381 = arith.constant 928 : index
    %swap3A_382 = tpu.vector_load %arg9[%swap3A_381] {strides = array<i32>} : memref<1024xi32, #tpu.memory_space<vmem>>, vector<16xi32>,
    tpu.vector_store %arg9[%swap3A_381], %broadcast_in_dim3A_7 {strides = array<i32>} : memref<1024xi32, #tpu.memory_space<vmem>>, vector<16xi32>,
    %swap3A_383 = arith.constant 944 : index
    %swap3A_384 = tpu.vector_load %arg9[%swap3A_383] {strides = array<i32>} : memref<1024xi32, #tpu.memory_space<vmem>>, vector<16xi32>,
    tpu.vector_store %arg9[%swap3A_383], %broadcast_in_dim3A_7 {strides = array<i32>} : memref<1024xi32, #tpu.memory_space<vmem>>, vector<16xi32>,
    %swap3A_385 = arith.constant 960 : index
    %swap3A_386 = tpu.vector_load %arg9[%swap3A_385] {strides = array<i32>} : memref<1024xi32, #tpu.memory_space<vmem>>, vector<16xi32>,
    tpu.vector_store %arg9[%swap3A_385], %broadcast_in_dim3A_7 {strides = array<i32>} : memref<1024xi32, #tpu.memory_space<vmem>>, vector<16xi32>,
    %swap3A_387 = arith.constant 976 : index
    %swap3A_388 = tpu.vector_load %arg9[%swap3A_387] {strides = array<i32>} : memref<1024xi32, #tpu.memory_space<vmem>>, vector<16xi32>,
    tpu.vector_store %arg9[%swap3A_387], %broadcast_in_dim3A_7 {strides = array<i32>} : memref<1024xi32, #tpu.memory_space<vmem>>, vector<16xi32>,
    %swap3A_389 = arith.constant 992 : index
    %swap3A_390 = tpu.vector_load %arg9[%swap3A_389] {strides = array<i32>} : memref<1024xi32, #tpu.memory_space<vmem>>, vector<16xi32>,
    tpu.vector_store %arg9[%swap3A_389], %broadcast_in_dim3A_7 {strides = array<i32>} : memref<1024xi32, #tpu.memory_space<vmem>>, vector<16xi32>,
    %swap3A_391 = arith.constant 1008 : index
    %swap3A_392 = tpu.vector_load %arg9[%swap3A_391] {strides = array<i32>} : memref<1024xi32, #tpu.memory_space<vmem>>, vector<16xi32>,
    tpu.vector_store %arg9[%swap3A_391], %broadcast_in_dim3A_7 {strides = array<i32>} : memref<1024xi32, #tpu.memory_space<vmem>>, vector<16xi32>,
    %scan3A_393 = arith.constant 0 : i32
    %scan3A_394 = arith.constant 0 : i32
    %scan3A_395 = arith.constant 12 : i32
    %scan3A_396 = arith.addi %scan3A_394, %scan3A_395 : i32
    %scan3A_397 = arith.constant 1 : i32
    scf.for %scan3A_634 = %scan3A_394 to %scan3A_396 step %scan3A_397  : i32 {
      %mul3A_635 = arith.constant 2 : i32
      %mul3A_636 = arith.muli %mul3A_635, %scan3A_634 : i32
      %mul3A_637 = arith.constant 8 : i32
      %mul3A_638 = arith.muli %mul3A_636, %mul3A_637 : i32
      %add3A_639 = arith.constant 0 : i32
      %add3A_640 = arith.addi %mul3A_2, %add3A_639 : i32
      %dma_wait3A_641 = arith.constant 0 : i32
      %dma_wait3A_642 = arith.constant 0 : i32
      %dma_wait3A_643 = arith.constant 0 : i32
      %dma_wait3A_644 = tpu.memref_slice %arg4[%dma_wait3A_641, %dma_wait3A_642, %dma_wait3A_643] : memref<4x8x128xi32, #tpu.memory_space<vmem>> -> memref<1x8x128xi32, #tpu.memory_space<vmem>>
      %dma_wait3A_645 = tpu.memref_squeeze %dma_wait3A_644 : memref<1x8x128xi32, #tpu.memory_space<vmem>> -> memref<8x128xi32, #tpu.memory_space<vmem>>
      %dma_wait3A_646 = tpu.memref_slice %arg2[%mul3A_638, %add3A_640] : memref<200x16384xi32, #tpu.memory_space<hbm>> -> memref<8x128xi32, #tpu.memory_space<hbm>>
      %dma_wait3A_647 = arith.constant 0 : i32
      %dma_wait3A_648 = arith.constant 0 : i32
      %dma_wait3A_649 = tpu.memref_slice %arg4[%dma_wait3A_641, %dma_wait3A_647, %dma_wait3A_648] : memref<4x8x128xi32, #tpu.memory_space<vmem>> -> memref<1x8x128xi32, #tpu.memory_space<vmem>>
      %dma_wait3A_650 = tpu.memref_squeeze %dma_wait3A_649 : memref<1x8x128xi32, #tpu.memory_space<vmem>> -> memref<8x128xi32, #tpu.memory_space<vmem>>
      %dma_wait3A_651 = tpu.memref_slice %arg2[%mul3A_638, %add3A_640] : memref<200x16384xi32, #tpu.memory_space<hbm>> -> memref<8x128xi32, #tpu.memory_space<hbm>>
      tpu.wait_dma2 semaphore(%arg10 : memref<!tpu.dma_semaphore, #tpu.memory_space<semaphore_mem>>) src(%dma_wait3A_651 : memref<8x128xi32, #tpu.memory_space<hbm>>) dst(%dma_wait3A_650 : memref<8x128xi32, #tpu.memory_space<vmem>>)
      %mul3A_652 = arith.constant 8 : i32
      %mul3A_653 = arith.muli %mul3A_636, %mul3A_652 : i32
      %add3A_654 = arith.constant 128 : i32
      %add3A_655 = arith.addi %mul3A_2, %add3A_654 : i32
      %dma_wait3A_656 = arith.constant 1 : i32
      %dma_wait3A_657 = arith.constant 0 : i32
      %dma_wait3A_658 = arith.constant 0 : i32
      %dma_wait3A_659 = tpu.memref_slice %arg4[%dma_wait3A_656, %dma_wait3A_657, %dma_wait3A_658] : memref<4x8x128xi32, #tpu.memory_space<vmem>> -> memref<1x8x128xi32, #tpu.memory_space<vmem>>
      %dma_wait3A_660 = tpu.memref_squeeze %dma_wait3A_659 : memref<1x8x128xi32, #tpu.memory_space<vmem>> -> memref<8x128xi32, #tpu.memory_space<vmem>>
      %dma_wait3A_661 = tpu.memref_slice %arg2[%mul3A_653, %add3A_655] : memref<200x16384xi32, #tpu.memory_space<hbm>> -> memref<8x128xi32, #tpu.memory_space<hbm>>
      %dma_wait3A_662 = arith.constant 0 : i32
      %dma_wait3A_663 = arith.constant 0 : i32
      %dma_wait3A_664 = tpu.memref_slice %arg4[%dma_wait3A_656, %dma_wait3A_662, %dma_wait3A_663] : memref<4x8x128xi32, #tpu.memory_space<vmem>> -> memref<1x8x128xi32, #tpu.memory_space<vmem>>
      %dma_wait3A_665 = tpu.memref_squeeze %dma_wait3A_664 : memref<1x8x128xi32, #tpu.memory_space<vmem>> -> memref<8x128xi32, #tpu.memory_space<vmem>>
      %dma_wait3A_666 = tpu.memref_slice %arg2[%mul3A_653, %add3A_655] : memref<200x16384xi32, #tpu.memory_space<hbm>> -> memref<8x128xi32, #tpu.memory_space<hbm>>
      tpu.wait_dma2 semaphore(%arg10 : memref<!tpu.dma_semaphore, #tpu.memory_space<semaphore_mem>>) src(%dma_wait3A_666 : memref<8x128xi32, #tpu.memory_space<hbm>>) dst(%dma_wait3A_665 : memref<8x128xi32, #tpu.memory_space<vmem>>)
      %mul3A_667 = arith.constant 8 : i32
      %mul3A_668 = arith.muli %mul3A_636, %mul3A_667 : i32
      %add3A_669 = arith.constant 256 : i32
      %add3A_670 = arith.addi %mul3A_2, %add3A_669 : i32
      %dma_wait3A_671 = arith.constant 2 : i32
      %dma_wait3A_672 = arith.constant 0 : i32
      %dma_wait3A_673 = arith.constant 0 : i32
      %dma_wait3A_674 = tpu.memref_slice %arg4[%dma_wait3A_671, %dma_wait3A_672, %dma_wait3A_673] : memref<4x8x128xi32, #tpu.memory_space<vmem>> -> memref<1x8x128xi32, #tpu.memory_space<vmem>>
      %dma_wait3A_675 = tpu.memref_squeeze %dma_wait3A_674 : memref<1x8x128xi32, #tpu.memory_space<vmem>> -> memref<8x128xi32, #tpu.memory_space<vmem>>
      %dma_wait3A_676 = tpu.memref_slice %arg2[%mul3A_668, %add3A_670] : memref<200x16384xi32, #tpu.memory_space<hbm>> -> memref<8x128xi32, #tpu.memory_space<hbm>>
      %dma_wait3A_677 = arith.constant 0 : i32
      %dma_wait3A_678 = arith.constant 0 : i32
      %dma_wait3A_679 = tpu.memref_slice %arg4[%dma_wait3A_671, %dma_wait3A_677, %dma_wait3A_678] : memref<4x8x128xi32, #tpu.memory_space<vmem>> -> memref<1x8x128xi32, #tpu.memory_space<vmem>>
      %dma_wait3A_680 = tpu.memref_squeeze %dma_wait3A_679 : memref<1x8x128xi32, #tpu.memory_space<vmem>> -> memref<8x128xi32, #tpu.memory_space<vmem>>
      %dma_wait3A_681 = tpu.memref_slice %arg2[%mul3A_668, %add3A_670] : memref<200x16384xi32, #tpu.memory_space<hbm>> -> memref<8x128xi32, #tpu.memory_space<hbm>>
      tpu.wait_dma2 semaphore(%arg10 : memref<!tpu.dma_semaphore, #tpu.memory_space<semaphore_mem>>) src(%dma_wait3A_681 : memref<8x128xi32, #tpu.memory_space<hbm>>) dst(%dma_wait3A_680 : memref<8x128xi32, #tpu.memory_space<vmem>>)
      %mul3A_682 = arith.constant 8 : i32
      %mul3A_683 = arith.muli %mul3A_636, %mul3A_682 : i32
      %add3A_684 = arith.constant 384 : i32
      %add3A_685 = arith.addi %mul3A_2, %add3A_684 : i32
      %dma_wait3A_686 = arith.constant 3 : i32
      %dma_wait3A_687 = arith.constant 0 : i32
      %dma_wait3A_688 = arith.constant 0 : i32
      %dma_wait3A_689 = tpu.memref_slice %arg4[%dma_wait3A_686, %dma_wait3A_687, %dma_wait3A_688] : memref<4x8x128xi32, #tpu.memory_space<vmem>> -> memref<1x8x128xi32, #tpu.memory_space<vmem>>
      %dma_wait3A_690 = tpu.memref_squeeze %dma_wait3A_689 : memref<1x8x128xi32, #tpu.memory_space<vmem>> -> memref<8x128xi32, #tpu.memory_space<vmem>>
      %dma_wait3A_691 = tpu.memref_slice %arg2[%mul3A_683, %add3A_685] : memref<200x16384xi32, #tpu.memory_space<hbm>> -> memref<8x128xi32, #tpu.memory_space<hbm>>
      %dma_wait3A_692 = arith.constant 0 : i32
      %dma_wait3A_693 = arith.constant 0 : i32
      %dma_wait3A_694 = tpu.memref_slice %arg4[%dma_wait3A_686, %dma_wait3A_692, %dma_wait3A_693] : memref<4x8x128xi32, #tpu.memory_space<vmem>> -> memref<1x8x128xi32, #tpu.memory_space<vmem>>
      %dma_wait3A_695 = tpu.memref_squeeze %dma_wait3A_694 : memref<1x8x128xi32, #tpu.memory_space<vmem>> -> memref<8x128xi32, #tpu.memory_space<vmem>>
      %dma_wait3A_696 = tpu.memref_slice %arg2[%mul3A_683, %add3A_685] : memref<200x16384xi32, #tpu.memory_space<hbm>> -> memref<8x128xi32, #tpu.memory_space<hbm>>
      tpu.wait_dma2 semaphore(%arg10 : memref<!tpu.dma_semaphore, #tpu.memory_space<semaphore_mem>>) src(%dma_wait3A_696 : memref<8x128xi32, #tpu.memory_space<hbm>>) dst(%dma_wait3A_695 : memref<8x128xi32, #tpu.memory_space<vmem>>)
      %mul3A_697 = arith.constant 8 : i32
      %mul3A_698 = arith.muli %mul3A_636, %mul3A_697 : i32
      %add3A_699 = arith.constant 0 : i32
      %add3A_700 = arith.addi %mul3A_2, %add3A_699 : i32
      %mul3A_701 = arith.constant 8 : i32
      %mul3A_702 = arith.muli %mul3A_636, %mul3A_701 : i32
      %add3A_703 = arith.constant 0 : i32
      %add3A_704 = arith.addi %mul3A_702, %add3A_703 : i32
      %ge3A = arith.constant 2 : i32
      %ge3A_705 = arith.cmpi sge, %add3A_704, %ge3A : i32
      %convert_element_type3A = arith.extui %ge3A_705 : i1 to i32
      %cond3A = arith.constant 0 : i32
      %cond3A_706 = arith.cmpi ne, %convert_element_type3A, %cond3A : i32
      scf.if %cond3A_706 {
        %dma_wait3A_1190 = arith.constant 0 : i32
        %dma_wait3A_1191 = tpu.memref_slice %arg3[%dma_wait3A_1190, %mul3A_698, %add3A_700] : memref<66x200x16384xf32, #tpu.memory_space<hbm>> -> memref<33x8x128xf32, #tpu.memory_space<hbm>>
        %dma_wait3A_1192 = arith.constant 0 : i32
        %dma_wait3A_1193 = tpu.memref_slice %arg3[%dma_wait3A_1192, %mul3A_698, %add3A_700] : memref<66x200x16384xf32, #tpu.memory_space<hbm>> -> memref<33x8x128xf32, #tpu.memory_space<hbm>>
        tpu.wait_dma2 semaphore(%arg12 : memref<!tpu.dma_semaphore, #tpu.memory_space<semaphore_mem>>) src(%arg6 : memref<33x8x128xf32, #tpu.memory_space<vmem>>) dst(%dma_wait3A_1193 : memref<33x8x128xf32, #tpu.memory_space<hbm>>)
      } else {
      }
      %scan3A_707 = arith.constant 0 : i32
      %scan3A_708 = arith.constant 0 : i32
      %scan3A_709 = arith.constant 256 : i32
      %scan3A_710 = arith.addi %scan3A_708, %scan3A_709 : i32
      %scan3A_711 = arith.constant 1 : i32
      scf.for %scan3A_1190 = %scan3A_708 to %scan3A_710 step %scan3A_711  : i32 {
        %and3A = arith.constant 63 : i32
        %and3A_1191 = arith.andi %scan3A_1190, %and3A : i32
        %shift_right_logical3A = arith.constant 3 : i32
        %shift_right_logical3A_1192 = arith.shrui %and3A_1191, %shift_right_logical3A : i32
        %and3A_1193 = arith.constant 7 : i32
        %and3A_1194 = arith.andi %and3A_1191, %and3A_1193 : i32
        %add3A_1195 = vector.broadcast %shift_right_logical3A_1192 : i32 to vector<16xi32>
        %add3A_1196 = arith.addi %broadcast_in_dim3A_7, %add3A_1195 : vector<16xi32>
        %mul3A_1197 = arith.constant 16 : i32
        %mul3A_1198 = arith.muli %and3A_1194, %mul3A_1197 : i32
        %add3A_1199 = vector.broadcast %mul3A_1198 : i32 to vector<16xi32>
        %add3A_1200 = arith.addi %iota3A, %add3A_1199 : vector<16xi32>
        %mul3A_1201 = arith.constant 16 : i32
        %mul3A_1202 = arith.muli %and3A_1191, %mul3A_1201 : i32
        %get3A = arith.index_cast %mul3A_1202 : i32 to index
        %get3A_1203 = tpu.vector_load %arg8[%get3A] {strides = array<i32>} : memref<1024xi32, #tpu.memory_space<vmem>>, vector<16xi32>,
        tpu.vector_store_idx %arg6[%get3A_1203, %add3A_1196, %add3A_1200], %broadcast_in_dim3A_3 : memref<33x8x128xf32, #tpu.memory_space<vmem>>[vector<16xi32>, vector<16xi32>, vector<16xi32>], vector<16xf32>,
        %mul3A_1204 = arith.constant 16 : i32
        %mul3A_1205 = arith.muli %and3A_1194, %mul3A_1204 : i32
        %get3A_1206 = arith.constant 0 : i32
        %get3A_1207 = arith.index_cast %get3A_1206 : i32 to index
        %get3A_1208 = arith.index_cast %shift_right_logical3A_1192 : i32 to index
        %get3A_1209 = arith.index_cast %mul3A_1205 : i32 to index
        %get3A_1210 = tpu.vector_load %arg4[%get3A_1207, %get3A_1208, %get3A_1209] {strides = array<i32>} : memref<4x8x128xi32, #tpu.memory_space<vmem>>, vector<16xi32>,
        %gt3A = arith.constant 0 : i32
        %gt3A_1211 = vector.broadcast %gt3A : i32 to vector<16xi32>
        %gt3A_1212 = arith.cmpi sgt, %get3A_1210, %gt3A_1211 : vector<16xi32>
        %lt3A_1213 = arith.constant 33 : i32
        %lt3A_1214 = vector.broadcast %lt3A_1213 : i32 to vector<16xi32>
        %lt3A_1215 = arith.cmpi slt, %get3A_1210, %lt3A_1214 : vector<16xi32>
        %and3A_1216 = arith.andi %gt3A_1212, %lt3A_1215 : vector<16xi1>
        %jit3A = arith.constant 0 : i32
        %broadcast_in_dim3A_1217 = vector.broadcast %jit3A : i32 to vector<16xi32>
        %select_n3A = arith.select %and3A_1216, %get3A_1210, %broadcast_in_dim3A_1217 : vector<16xi1>, vector<16xi32>
        %mul3A_1218 = arith.constant 16 : i32
        %mul3A_1219 = arith.muli %and3A_1191, %mul3A_1218 : i32
        %swap3A_1220 = arith.index_cast %mul3A_1219 : i32 to index
        %swap3A_1221 = tpu.vector_load %arg8[%swap3A_1220] {strides = array<i32>} : memref<1024xi32, #tpu.memory_space<vmem>>, vector<16xi32>,
        tpu.vector_store %arg8[%swap3A_1220], %select_n3A {strides = array<i32>} : memref<1024xi32, #tpu.memory_space<vmem>>, vector<16xi32>,
        tpu.vector_store_idx %arg6[%select_n3A, %add3A_1196, %add3A_1200], %broadcast_in_dim3A_5 masked %and3A_1216 : memref<33x8x128xf32, #tpu.memory_space<vmem>>[vector<16xi32>, vector<16xi32>, vector<16xi32>], vector<16xf32>, vector<16xi1>
      }
      %scan3A_712 = arith.constant 256 : i32
      %dma_start3A_713 = arith.constant 0 : i32
      %dma_start3A_714 = tpu.memref_slice %arg3[%dma_start3A_713, %mul3A_698, %add3A_700] : memref<66x200x16384xf32, #tpu.memory_space<hbm>> -> memref<33x8x128xf32, #tpu.memory_space<hbm>>
      %dma_start3A_715 = arith.constant 0 : i32
      %dma_start3A_716 = tpu.memref_slice %arg3[%dma_start3A_715, %mul3A_698, %add3A_700] : memref<66x200x16384xf32, #tpu.memory_space<hbm>> -> memref<33x8x128xf32, #tpu.memory_space<hbm>>
      tpu.enqueue_dma source(%arg6 : memref<33x8x128xf32, #tpu.memory_space<vmem>>) target(%dma_start3A_716 : memref<33x8x128xf32, #tpu.memory_space<hbm>>) target_semaphore(%arg12 : memref<!tpu.dma_semaphore, #tpu.memory_space<semaphore_mem>>)
      %mul3A_717 = arith.constant 8 : i32
      %mul3A_718 = arith.muli %mul3A_636, %mul3A_717 : i32
      %add3A_719 = arith.constant 0 : i32
      %add3A_720 = arith.addi %mul3A_2, %add3A_719 : i32
      %mul3A_721 = arith.constant 8 : i32
      %mul3A_722 = arith.muli %mul3A_636, %mul3A_721 : i32
      %add3A_723 = arith.constant 1 : i32
      %add3A_724 = arith.addi %mul3A_722, %add3A_723 : i32
      %ge3A_725 = arith.constant 2 : i32
      %ge3A_726 = arith.cmpi sge, %add3A_724, %ge3A_725 : i32
      %convert_element_type3A_727 = arith.extui %ge3A_726 : i1 to i32
      %cond3A_728 = arith.constant 0 : i32
      %cond3A_729 = arith.cmpi ne, %convert_element_type3A_727, %cond3A_728 : i32
      scf.if %cond3A_729 {
        %dma_wait3A_1190 = arith.constant 33 : i32
        %dma_wait3A_1191 = tpu.memref_slice %arg3[%dma_wait3A_1190, %mul3A_718, %add3A_720] : memref<66x200x16384xf32, #tpu.memory_space<hbm>> -> memref<33x8x128xf32, #tpu.memory_space<hbm>>
        %dma_wait3A_1192 = arith.constant 33 : i32
        %dma_wait3A_1193 = tpu.memref_slice %arg3[%dma_wait3A_1192, %mul3A_718, %add3A_720] : memref<66x200x16384xf32, #tpu.memory_space<hbm>> -> memref<33x8x128xf32, #tpu.memory_space<hbm>>
        tpu.wait_dma2 semaphore(%arg13 : memref<!tpu.dma_semaphore, #tpu.memory_space<semaphore_mem>>) src(%arg7 : memref<33x8x128xf32, #tpu.memory_space<vmem>>) dst(%dma_wait3A_1193 : memref<33x8x128xf32, #tpu.memory_space<hbm>>)
      } else {
      }
      %scan3A_730 = arith.constant 0 : i32
      %scan3A_731 = arith.constant 0 : i32
      %scan3A_732 = arith.constant 256 : i32
      %scan3A_733 = arith.addi %scan3A_731, %scan3A_732 : i32
      %scan3A_734 = arith.constant 1 : i32
      scf.for %scan3A_1190 = %scan3A_731 to %scan3A_733 step %scan3A_734  : i32 {
        %and3A = arith.constant 63 : i32
        %and3A_1191 = arith.andi %scan3A_1190, %and3A : i32
        %shift_right_logical3A = arith.constant 3 : i32
        %shift_right_logical3A_1192 = arith.shrui %and3A_1191, %shift_right_logical3A : i32
        %and3A_1193 = arith.constant 7 : i32
        %and3A_1194 = arith.andi %and3A_1191, %and3A_1193 : i32
        %add3A_1195 = vector.broadcast %shift_right_logical3A_1192 : i32 to vector<16xi32>
        %add3A_1196 = arith.addi %broadcast_in_dim3A_7, %add3A_1195 : vector<16xi32>
        %mul3A_1197 = arith.constant 16 : i32
        %mul3A_1198 = arith.muli %and3A_1194, %mul3A_1197 : i32
        %add3A_1199 = vector.broadcast %mul3A_1198 : i32 to vector<16xi32>
        %add3A_1200 = arith.addi %iota3A, %add3A_1199 : vector<16xi32>
        %mul3A_1201 = arith.constant 16 : i32
        %mul3A_1202 = arith.muli %and3A_1191, %mul3A_1201 : i32
        %get3A = arith.index_cast %mul3A_1202 : i32 to index
        %get3A_1203 = tpu.vector_load %arg9[%get3A] {strides = array<i32>} : memref<1024xi32, #tpu.memory_space<vmem>>, vector<16xi32>,
        tpu.vector_store_idx %arg7[%get3A_1203, %add3A_1196, %add3A_1200], %broadcast_in_dim3A_3 : memref<33x8x128xf32, #tpu.memory_space<vmem>>[vector<16xi32>, vector<16xi32>, vector<16xi32>], vector<16xf32>,
        %mul3A_1204 = arith.constant 16 : i32
        %mul3A_1205 = arith.muli %and3A_1194, %mul3A_1204 : i32
        %get3A_1206 = arith.constant 0 : i32
        %get3A_1207 = arith.index_cast %get3A_1206 : i32 to index
        %get3A_1208 = arith.index_cast %shift_right_logical3A_1192 : i32 to index
        %get3A_1209 = arith.index_cast %mul3A_1205 : i32 to index
        %get3A_1210 = tpu.vector_load %arg4[%get3A_1207, %get3A_1208, %get3A_1209] {strides = array<i32>} : memref<4x8x128xi32, #tpu.memory_space<vmem>>, vector<16xi32>,
        %ge3A_1211 = arith.constant 33 : i32
        %ge3A_1212 = vector.broadcast %ge3A_1211 : i32 to vector<16xi32>
        %ge3A_1213 = arith.cmpi sge, %get3A_1210, %ge3A_1212 : vector<16xi32>
        %sub3A = arith.constant 33 : i32
        %sub3A_1214 = vector.broadcast %sub3A : i32 to vector<16xi32>
        %sub3A_1215 = arith.subi %get3A_1210, %sub3A_1214 : vector<16xi32>
        %jit3A = arith.constant 0 : i32
        %broadcast_in_dim3A_1216 = vector.broadcast %jit3A : i32 to vector<16xi32>
        %select_n3A = arith.select %ge3A_1213, %sub3A_1215, %broadcast_in_dim3A_1216 : vector<16xi1>, vector<16xi32>
        %mul3A_1217 = arith.constant 16 : i32
        %mul3A_1218 = arith.muli %and3A_1191, %mul3A_1217 : i32
        %swap3A_1219 = arith.index_cast %mul3A_1218 : i32 to index
        %swap3A_1220 = tpu.vector_load %arg9[%swap3A_1219] {strides = array<i32>} : memref<1024xi32, #tpu.memory_space<vmem>>, vector<16xi32>,
        tpu.vector_store %arg9[%swap3A_1219], %select_n3A {strides = array<i32>} : memref<1024xi32, #tpu.memory_space<vmem>>, vector<16xi32>,
        tpu.vector_store_idx %arg7[%select_n3A, %add3A_1196, %add3A_1200], %broadcast_in_dim3A_5 masked %ge3A_1213 : memref<33x8x128xf32, #tpu.memory_space<vmem>>[vector<16xi32>, vector<16xi32>, vector<16xi32>], vector<16xf32>, vector<16xi1>
      }
      %scan3A_735 = arith.constant 256 : i32
      %dma_start3A_736 = arith.constant 33 : i32
      %dma_start3A_737 = tpu.memref_slice %arg3[%dma_start3A_736, %mul3A_718, %add3A_720] : memref<66x200x16384xf32, #tpu.memory_space<hbm>> -> memref<33x8x128xf32, #tpu.memory_space<hbm>>
      %dma_start3A_738 = arith.constant 33 : i32
      %dma_start3A_739 = tpu.memref_slice %arg3[%dma_start3A_738, %mul3A_718, %add3A_720] : memref<66x200x16384xf32, #tpu.memory_space<hbm>> -> memref<33x8x128xf32, #tpu.memory_space<hbm>>
      tpu.enqueue_dma source(%arg7 : memref<33x8x128xf32, #tpu.memory_space<vmem>>) target(%dma_start3A_739 : memref<33x8x128xf32, #tpu.memory_space<hbm>>) target_semaphore(%arg13 : memref<!tpu.dma_semaphore, #tpu.memory_space<semaphore_mem>>)
      %mul3A_740 = arith.constant 8 : i32
      %mul3A_741 = arith.muli %mul3A_636, %mul3A_740 : i32
      %add3A_742 = arith.constant 128 : i32
      %add3A_743 = arith.addi %mul3A_2, %add3A_742 : i32
      %mul3A_744 = arith.constant 8 : i32
      %mul3A_745 = arith.muli %mul3A_636, %mul3A_744 : i32
      %add3A_746 = arith.constant 2 : i32
      %add3A_747 = arith.addi %mul3A_745, %add3A_746 : i32
      %ge3A_748 = arith.constant 2 : i32
      %ge3A_749 = arith.cmpi sge, %add3A_747, %ge3A_748 : i32
      %convert_element_type3A_750 = arith.extui %ge3A_749 : i1 to i32
      %cond3A_751 = arith.constant 0 : i32
      %cond3A_752 = arith.cmpi ne, %convert_element_type3A_750, %cond3A_751 : i32
      scf.if %cond3A_752 {
        %dma_wait3A_1190 = arith.constant 0 : i32
        %dma_wait3A_1191 = tpu.memref_slice %arg3[%dma_wait3A_1190, %mul3A_741, %add3A_743] : memref<66x200x16384xf32, #tpu.memory_space<hbm>> -> memref<33x8x128xf32, #tpu.memory_space<hbm>>
        %dma_wait3A_1192 = arith.constant 0 : i32
        %dma_wait3A_1193 = tpu.memref_slice %arg3[%dma_wait3A_1192, %mul3A_741, %add3A_743] : memref<66x200x16384xf32, #tpu.memory_space<hbm>> -> memref<33x8x128xf32, #tpu.memory_space<hbm>>
        tpu.wait_dma2 semaphore(%arg12 : memref<!tpu.dma_semaphore, #tpu.memory_space<semaphore_mem>>) src(%arg6 : memref<33x8x128xf32, #tpu.memory_space<vmem>>) dst(%dma_wait3A_1193 : memref<33x8x128xf32, #tpu.memory_space<hbm>>)
      } else {
      }
      %scan3A_753 = arith.constant 0 : i32
      %scan3A_754 = arith.constant 0 : i32
      %scan3A_755 = arith.constant 256 : i32
      %scan3A_756 = arith.addi %scan3A_754, %scan3A_755 : i32
      %scan3A_757 = arith.constant 1 : i32
      scf.for %scan3A_1190 = %scan3A_754 to %scan3A_756 step %scan3A_757  : i32 {
        %and3A = arith.constant 63 : i32
        %and3A_1191 = arith.andi %scan3A_1190, %and3A : i32
        %shift_right_logical3A = arith.constant 3 : i32
        %shift_right_logical3A_1192 = arith.shrui %and3A_1191, %shift_right_logical3A : i32
        %and3A_1193 = arith.constant 7 : i32
        %and3A_1194 = arith.andi %and3A_1191, %and3A_1193 : i32
        %add3A_1195 = vector.broadcast %shift_right_logical3A_1192 : i32 to vector<16xi32>
        %add3A_1196 = arith.addi %broadcast_in_dim3A_7, %add3A_1195 : vector<16xi32>
        %mul3A_1197 = arith.constant 16 : i32
        %mul3A_1198 = arith.muli %and3A_1194, %mul3A_1197 : i32
        %add3A_1199 = vector.broadcast %mul3A_1198 : i32 to vector<16xi32>
        %add3A_1200 = arith.addi %iota3A, %add3A_1199 : vector<16xi32>
        %mul3A_1201 = arith.constant 16 : i32
        %mul3A_1202 = arith.muli %and3A_1191, %mul3A_1201 : i32
        %get3A = arith.index_cast %mul3A_1202 : i32 to index
        %get3A_1203 = tpu.vector_load %arg8[%get3A] {strides = array<i32>} : memref<1024xi32, #tpu.memory_space<vmem>>, vector<16xi32>,
        tpu.vector_store_idx %arg6[%get3A_1203, %add3A_1196, %add3A_1200], %broadcast_in_dim3A_3 : memref<33x8x128xf32, #tpu.memory_space<vmem>>[vector<16xi32>, vector<16xi32>, vector<16xi32>], vector<16xf32>,
        %mul3A_1204 = arith.constant 16 : i32
        %mul3A_1205 = arith.muli %and3A_1194, %mul3A_1204 : i32
        %get3A_1206 = arith.constant 1 : i32
        %get3A_1207 = arith.index_cast %get3A_1206 : i32 to index
        %get3A_1208 = arith.index_cast %shift_right_logical3A_1192 : i32 to index
        %get3A_1209 = arith.index_cast %mul3A_1205 : i32 to index
        %get3A_1210 = tpu.vector_load %arg4[%get3A_1207, %get3A_1208, %get3A_1209] {strides = array<i32>} : memref<4x8x128xi32, #tpu.memory_space<vmem>>, vector<16xi32>,
        %gt3A = arith.constant 0 : i32
        %gt3A_1211 = vector.broadcast %gt3A : i32 to vector<16xi32>
        %gt3A_1212 = arith.cmpi sgt, %get3A_1210, %gt3A_1211 : vector<16xi32>
        %lt3A_1213 = arith.constant 33 : i32
        %lt3A_1214 = vector.broadcast %lt3A_1213 : i32 to vector<16xi32>
        %lt3A_1215 = arith.cmpi slt, %get3A_1210, %lt3A_1214 : vector<16xi32>
        %and3A_1216 = arith.andi %gt3A_1212, %lt3A_1215 : vector<16xi1>
        %jit3A = arith.constant 0 : i32
        %broadcast_in_dim3A_1217 = vector.broadcast %jit3A : i32 to vector<16xi32>
        %select_n3A = arith.select %and3A_1216, %get3A_1210, %broadcast_in_dim3A_1217 : vector<16xi1>, vector<16xi32>
        %mul3A_1218 = arith.constant 16 : i32
        %mul3A_1219 = arith.muli %and3A_1191, %mul3A_1218 : i32
        %swap3A_1220 = arith.index_cast %mul3A_1219 : i32 to index
        %swap3A_1221 = tpu.vector_load %arg8[%swap3A_1220] {strides = array<i32>} : memref<1024xi32, #tpu.memory_space<vmem>>, vector<16xi32>,
        tpu.vector_store %arg8[%swap3A_1220], %select_n3A {strides = array<i32>} : memref<1024xi32, #tpu.memory_space<vmem>>, vector<16xi32>,
        tpu.vector_store_idx %arg6[%select_n3A, %add3A_1196, %add3A_1200], %broadcast_in_dim3A_5 masked %and3A_1216 : memref<33x8x128xf32, #tpu.memory_space<vmem>>[vector<16xi32>, vector<16xi32>, vector<16xi32>], vector<16xf32>, vector<16xi1>
      }
      %scan3A_758 = arith.constant 256 : i32
      %dma_start3A_759 = arith.constant 0 : i32
      %dma_start3A_760 = tpu.memref_slice %arg3[%dma_start3A_759, %mul3A_741, %add3A_743] : memref<66x200x16384xf32, #tpu.memory_space<hbm>> -> memref<33x8x128xf32, #tpu.memory_space<hbm>>
      %dma_start3A_761 = arith.constant 0 : i32
      %dma_start3A_762 = tpu.memref_slice %arg3[%dma_start3A_761, %mul3A_741, %add3A_743] : memref<66x200x16384xf32, #tpu.memory_space<hbm>> -> memref<33x8x128xf32, #tpu.memory_space<hbm>>
      tpu.enqueue_dma source(%arg6 : memref<33x8x128xf32, #tpu.memory_space<vmem>>) target(%dma_start3A_762 : memref<33x8x128xf32, #tpu.memory_space<hbm>>) target_semaphore(%arg12 : memref<!tpu.dma_semaphore, #tpu.memory_space<semaphore_mem>>)
      %mul3A_763 = arith.constant 8 : i32
      %mul3A_764 = arith.muli %mul3A_636, %mul3A_763 : i32
      %add3A_765 = arith.constant 128 : i32
      %add3A_766 = arith.addi %mul3A_2, %add3A_765 : i32
      %mul3A_767 = arith.constant 8 : i32
      %mul3A_768 = arith.muli %mul3A_636, %mul3A_767 : i32
      %add3A_769 = arith.constant 3 : i32
      %add3A_770 = arith.addi %mul3A_768, %add3A_769 : i32
      %ge3A_771 = arith.constant 2 : i32
      %ge3A_772 = arith.cmpi sge, %add3A_770, %ge3A_771 : i32
      %convert_element_type3A_773 = arith.extui %ge3A_772 : i1 to i32
      %cond3A_774 = arith.constant 0 : i32
      %cond3A_775 = arith.cmpi ne, %convert_element_type3A_773, %cond3A_774 : i32
      scf.if %cond3A_775 {
        %dma_wait3A_1190 = arith.constant 33 : i32
        %dma_wait3A_1191 = tpu.memref_slice %arg3[%dma_wait3A_1190, %mul3A_764, %add3A_766] : memref<66x200x16384xf32, #tpu.memory_space<hbm>> -> memref<33x8x128xf32, #tpu.memory_space<hbm>>
        %dma_wait3A_1192 = arith.constant 33 : i32
        %dma_wait3A_1193 = tpu.memref_slice %arg3[%dma_wait3A_1192, %mul3A_764, %add3A_766] : memref<66x200x16384xf32, #tpu.memory_space<hbm>> -> memref<33x8x128xf32, #tpu.memory_space<hbm>>
        tpu.wait_dma2 semaphore(%arg13 : memref<!tpu.dma_semaphore, #tpu.memory_space<semaphore_mem>>) src(%arg7 : memref<33x8x128xf32, #tpu.memory_space<vmem>>) dst(%dma_wait3A_1193 : memref<33x8x128xf32, #tpu.memory_space<hbm>>)
      } else {
      }
      %scan3A_776 = arith.constant 0 : i32
      %scan3A_777 = arith.constant 0 : i32
      %scan3A_778 = arith.constant 256 : i32
      %scan3A_779 = arith.addi %scan3A_777, %scan3A_778 : i32
      %scan3A_780 = arith.constant 1 : i32
      scf.for %scan3A_1190 = %scan3A_777 to %scan3A_779 step %scan3A_780  : i32 {
        %and3A = arith.constant 63 : i32
        %and3A_1191 = arith.andi %scan3A_1190, %and3A : i32
        %shift_right_logical3A = arith.constant 3 : i32
        %shift_right_logical3A_1192 = arith.shrui %and3A_1191, %shift_right_logical3A : i32
        %and3A_1193 = arith.constant 7 : i32
        %and3A_1194 = arith.andi %and3A_1191, %and3A_1193 : i32
        %add3A_1195 = vector.broadcast %shift_right_logical3A_1192 : i32 to vector<16xi32>
        %add3A_1196 = arith.addi %broadcast_in_dim3A_7, %add3A_1195 : vector<16xi32>
        %mul3A_1197 = arith.constant 16 : i32
        %mul3A_1198 = arith.muli %and3A_1194, %mul3A_1197 : i32
        %add3A_1199 = vector.broadcast %mul3A_1198 : i32 to vector<16xi32>
        %add3A_1200 = arith.addi %iota3A, %add3A_1199 : vector<16xi32>
        %mul3A_1201 = arith.constant 16 : i32
        %mul3A_1202 = arith.muli %and3A_1191, %mul3A_1201 : i32
        %get3A = arith.index_cast %mul3A_1202 : i32 to index
        %get3A_1203 = tpu.vector_load %arg9[%get3A] {strides = array<i32>} : memref<1024xi32, #tpu.memory_space<vmem>>, vector<16xi32>,
        tpu.vector_store_idx %arg7[%get3A_1203, %add3A_1196, %add3A_1200], %broadcast_in_dim3A_3 : memref<33x8x128xf32, #tpu.memory_space<vmem>>[vector<16xi32>, vector<16xi32>, vector<16xi32>], vector<16xf32>,
        %mul3A_1204 = arith.constant 16 : i32
        %mul3A_1205 = arith.muli %and3A_1194, %mul3A_1204 : i32
        %get3A_1206 = arith.constant 1 : i32
        %get3A_1207 = arith.index_cast %get3A_1206 : i32 to index
        %get3A_1208 = arith.index_cast %shift_right_logical3A_1192 : i32 to index
        %get3A_1209 = arith.index_cast %mul3A_1205 : i32 to index
        %get3A_1210 = tpu.vector_load %arg4[%get3A_1207, %get3A_1208, %get3A_1209] {strides = array<i32>} : memref<4x8x128xi32, #tpu.memory_space<vmem>>, vector<16xi32>,
        %ge3A_1211 = arith.constant 33 : i32
        %ge3A_1212 = vector.broadcast %ge3A_1211 : i32 to vector<16xi32>
        %ge3A_1213 = arith.cmpi sge, %get3A_1210, %ge3A_1212 : vector<16xi32>
        %sub3A = arith.constant 33 : i32
        %sub3A_1214 = vector.broadcast %sub3A : i32 to vector<16xi32>
        %sub3A_1215 = arith.subi %get3A_1210, %sub3A_1214 : vector<16xi32>
        %jit3A = arith.constant 0 : i32
        %broadcast_in_dim3A_1216 = vector.broadcast %jit3A : i32 to vector<16xi32>
        %select_n3A = arith.select %ge3A_1213, %sub3A_1215, %broadcast_in_dim3A_1216 : vector<16xi1>, vector<16xi32>
        %mul3A_1217 = arith.constant 16 : i32
        %mul3A_1218 = arith.muli %and3A_1191, %mul3A_1217 : i32
        %swap3A_1219 = arith.index_cast %mul3A_1218 : i32 to index
        %swap3A_1220 = tpu.vector_load %arg9[%swap3A_1219] {strides = array<i32>} : memref<1024xi32, #tpu.memory_space<vmem>>, vector<16xi32>,
        tpu.vector_store %arg9[%swap3A_1219], %select_n3A {strides = array<i32>} : memref<1024xi32, #tpu.memory_space<vmem>>, vector<16xi32>,
        tpu.vector_store_idx %arg7[%select_n3A, %add3A_1196, %add3A_1200], %broadcast_in_dim3A_5 masked %ge3A_1213 : memref<33x8x128xf32, #tpu.memory_space<vmem>>[vector<16xi32>, vector<16xi32>, vector<16xi32>], vector<16xf32>, vector<16xi1>
      }
      %scan3A_781 = arith.constant 256 : i32
      %dma_start3A_782 = arith.constant 33 : i32
      %dma_start3A_783 = tpu.memref_slice %arg3[%dma_start3A_782, %mul3A_764, %add3A_766] : memref<66x200x16384xf32, #tpu.memory_space<hbm>> -> memref<33x8x128xf32, #tpu.memory_space<hbm>>
      %dma_start3A_784 = arith.constant 33 : i32
      %dma_start3A_785 = tpu.memref_slice %arg3[%dma_start3A_784, %mul3A_764, %add3A_766] : memref<66x200x16384xf32, #tpu.memory_space<hbm>> -> memref<33x8x128xf32, #tpu.memory_space<hbm>>
      tpu.enqueue_dma source(%arg7 : memref<33x8x128xf32, #tpu.memory_space<vmem>>) target(%dma_start3A_785 : memref<33x8x128xf32, #tpu.memory_space<hbm>>) target_semaphore(%arg13 : memref<!tpu.dma_semaphore, #tpu.memory_space<semaphore_mem>>)
      %mul3A_786 = arith.constant 8 : i32
      %mul3A_787 = arith.muli %mul3A_636, %mul3A_786 : i32
      %add3A_788 = arith.constant 256 : i32
      %add3A_789 = arith.addi %mul3A_2, %add3A_788 : i32
      %mul3A_790 = arith.constant 8 : i32
      %mul3A_791 = arith.muli %mul3A_636, %mul3A_790 : i32
      %add3A_792 = arith.constant 4 : i32
      %add3A_793 = arith.addi %mul3A_791, %add3A_792 : i32
      %ge3A_794 = arith.constant 2 : i32
      %ge3A_795 = arith.cmpi sge, %add3A_793, %ge3A_794 : i32
      %convert_element_type3A_796 = arith.extui %ge3A_795 : i1 to i32
      %cond3A_797 = arith.constant 0 : i32
      %cond3A_798 = arith.cmpi ne, %convert_element_type3A_796, %cond3A_797 : i32
      scf.if %cond3A_798 {
        %dma_wait3A_1190 = arith.constant 0 : i32
        %dma_wait3A_1191 = tpu.memref_slice %arg3[%dma_wait3A_1190, %mul3A_787, %add3A_789] : memref<66x200x16384xf32, #tpu.memory_space<hbm>> -> memref<33x8x128xf32, #tpu.memory_space<hbm>>
        %dma_wait3A_1192 = arith.constant 0 : i32
        %dma_wait3A_1193 = tpu.memref_slice %arg3[%dma_wait3A_1192, %mul3A_787, %add3A_789] : memref<66x200x16384xf32, #tpu.memory_space<hbm>> -> memref<33x8x128xf32, #tpu.memory_space<hbm>>
        tpu.wait_dma2 semaphore(%arg12 : memref<!tpu.dma_semaphore, #tpu.memory_space<semaphore_mem>>) src(%arg6 : memref<33x8x128xf32, #tpu.memory_space<vmem>>) dst(%dma_wait3A_1193 : memref<33x8x128xf32, #tpu.memory_space<hbm>>)
      } else {
      }
      %scan3A_799 = arith.constant 0 : i32
      %scan3A_800 = arith.constant 0 : i32
      %scan3A_801 = arith.constant 256 : i32
      %scan3A_802 = arith.addi %scan3A_800, %scan3A_801 : i32
      %scan3A_803 = arith.constant 1 : i32
      scf.for %scan3A_1190 = %scan3A_800 to %scan3A_802 step %scan3A_803  : i32 {
        %and3A = arith.constant 63 : i32
        %and3A_1191 = arith.andi %scan3A_1190, %and3A : i32
        %shift_right_logical3A = arith.constant 3 : i32
        %shift_right_logical3A_1192 = arith.shrui %and3A_1191, %shift_right_logical3A : i32
        %and3A_1193 = arith.constant 7 : i32
        %and3A_1194 = arith.andi %and3A_1191, %and3A_1193 : i32
        %add3A_1195 = vector.broadcast %shift_right_logical3A_1192 : i32 to vector<16xi32>
        %add3A_1196 = arith.addi %broadcast_in_dim3A_7, %add3A_1195 : vector<16xi32>
        %mul3A_1197 = arith.constant 16 : i32
        %mul3A_1198 = arith.muli %and3A_1194, %mul3A_1197 : i32
        %add3A_1199 = vector.broadcast %mul3A_1198 : i32 to vector<16xi32>
        %add3A_1200 = arith.addi %iota3A, %add3A_1199 : vector<16xi32>
        %mul3A_1201 = arith.constant 16 : i32
        %mul3A_1202 = arith.muli %and3A_1191, %mul3A_1201 : i32
        %get3A = arith.index_cast %mul3A_1202 : i32 to index
        %get3A_1203 = tpu.vector_load %arg8[%get3A] {strides = array<i32>} : memref<1024xi32, #tpu.memory_space<vmem>>, vector<16xi32>,
        tpu.vector_store_idx %arg6[%get3A_1203, %add3A_1196, %add3A_1200], %broadcast_in_dim3A_3 : memref<33x8x128xf32, #tpu.memory_space<vmem>>[vector<16xi32>, vector<16xi32>, vector<16xi32>], vector<16xf32>,
        %mul3A_1204 = arith.constant 16 : i32
        %mul3A_1205 = arith.muli %and3A_1194, %mul3A_1204 : i32
        %get3A_1206 = arith.constant 2 : i32
        %get3A_1207 = arith.index_cast %get3A_1206 : i32 to index
        %get3A_1208 = arith.index_cast %shift_right_logical3A_1192 : i32 to index
        %get3A_1209 = arith.index_cast %mul3A_1205 : i32 to index
        %get3A_1210 = tpu.vector_load %arg4[%get3A_1207, %get3A_1208, %get3A_1209] {strides = array<i32>} : memref<4x8x128xi32, #tpu.memory_space<vmem>>, vector<16xi32>,
        %gt3A = arith.constant 0 : i32
        %gt3A_1211 = vector.broadcast %gt3A : i32 to vector<16xi32>
        %gt3A_1212 = arith.cmpi sgt, %get3A_1210, %gt3A_1211 : vector<16xi32>
        %lt3A_1213 = arith.constant 33 : i32
        %lt3A_1214 = vector.broadcast %lt3A_1213 : i32 to vector<16xi32>
        %lt3A_1215 = arith.cmpi slt, %get3A_1210, %lt3A_1214 : vector<16xi32>
        %and3A_1216 = arith.andi %gt3A_1212, %lt3A_1215 : vector<16xi1>
        %jit3A = arith.constant 0 : i32
        %broadcast_in_dim3A_1217 = vector.broadcast %jit3A : i32 to vector<16xi32>
        %select_n3A = arith.select %and3A_1216, %get3A_1210, %broadcast_in_dim3A_1217 : vector<16xi1>, vector<16xi32>
        %mul3A_1218 = arith.constant 16 : i32
        %mul3A_1219 = arith.muli %and3A_1191, %mul3A_1218 : i32
        %swap3A_1220 = arith.index_cast %mul3A_1219 : i32 to index
        %swap3A_1221 = tpu.vector_load %arg8[%swap3A_1220] {strides = array<i32>} : memref<1024xi32, #tpu.memory_space<vmem>>, vector<16xi32>,
        tpu.vector_store %arg8[%swap3A_1220], %select_n3A {strides = array<i32>} : memref<1024xi32, #tpu.memory_space<vmem>>, vector<16xi32>,
        tpu.vector_store_idx %arg6[%select_n3A, %add3A_1196, %add3A_1200], %broadcast_in_dim3A_5 masked %and3A_1216 : memref<33x8x128xf32, #tpu.memory_space<vmem>>[vector<16xi32>, vector<16xi32>, vector<16xi32>], vector<16xf32>, vector<16xi1>
      }
      %scan3A_804 = arith.constant 256 : i32
      %dma_start3A_805 = arith.constant 0 : i32
      %dma_start3A_806 = tpu.memref_slice %arg3[%dma_start3A_805, %mul3A_787, %add3A_789] : memref<66x200x16384xf32, #tpu.memory_space<hbm>> -> memref<33x8x128xf32, #tpu.memory_space<hbm>>
      %dma_start3A_807 = arith.constant 0 : i32
      %dma_start3A_808 = tpu.memref_slice %arg3[%dma_start3A_807, %mul3A_787, %add3A_789] : memref<66x200x16384xf32, #tpu.memory_space<hbm>> -> memref<33x8x128xf32, #tpu.memory_space<hbm>>
      tpu.enqueue_dma source(%arg6 : memref<33x8x128xf32, #tpu.memory_space<vmem>>) target(%dma_start3A_808 : memref<33x8x128xf32, #tpu.memory_space<hbm>>) target_semaphore(%arg12 : memref<!tpu.dma_semaphore, #tpu.memory_space<semaphore_mem>>)
      %mul3A_809 = arith.constant 8 : i32
      %mul3A_810 = arith.muli %mul3A_636, %mul3A_809 : i32
      %add3A_811 = arith.constant 256 : i32
      %add3A_812 = arith.addi %mul3A_2, %add3A_811 : i32
      %mul3A_813 = arith.constant 8 : i32
      %mul3A_814 = arith.muli %mul3A_636, %mul3A_813 : i32
      %add3A_815 = arith.constant 5 : i32
      %add3A_816 = arith.addi %mul3A_814, %add3A_815 : i32
      %ge3A_817 = arith.constant 2 : i32
      %ge3A_818 = arith.cmpi sge, %add3A_816, %ge3A_817 : i32
      %convert_element_type3A_819 = arith.extui %ge3A_818 : i1 to i32
      %cond3A_820 = arith.constant 0 : i32
      %cond3A_821 = arith.cmpi ne, %convert_element_type3A_819, %cond3A_820 : i32
      scf.if %cond3A_821 {
        %dma_wait3A_1190 = arith.constant 33 : i32
        %dma_wait3A_1191 = tpu.memref_slice %arg3[%dma_wait3A_1190, %mul3A_810, %add3A_812] : memref<66x200x16384xf32, #tpu.memory_space<hbm>> -> memref<33x8x128xf32, #tpu.memory_space<hbm>>
        %dma_wait3A_1192 = arith.constant 33 : i32
        %dma_wait3A_1193 = tpu.memref_slice %arg3[%dma_wait3A_1192, %mul3A_810, %add3A_812] : memref<66x200x16384xf32, #tpu.memory_space<hbm>> -> memref<33x8x128xf32, #tpu.memory_space<hbm>>
        tpu.wait_dma2 semaphore(%arg13 : memref<!tpu.dma_semaphore, #tpu.memory_space<semaphore_mem>>) src(%arg7 : memref<33x8x128xf32, #tpu.memory_space<vmem>>) dst(%dma_wait3A_1193 : memref<33x8x128xf32, #tpu.memory_space<hbm>>)
      } else {
      }
      %scan3A_822 = arith.constant 0 : i32
      %scan3A_823 = arith.constant 0 : i32
      %scan3A_824 = arith.constant 256 : i32
      %scan3A_825 = arith.addi %scan3A_823, %scan3A_824 : i32
      %scan3A_826 = arith.constant 1 : i32
      scf.for %scan3A_1190 = %scan3A_823 to %scan3A_825 step %scan3A_826  : i32 {
        %and3A = arith.constant 63 : i32
        %and3A_1191 = arith.andi %scan3A_1190, %and3A : i32
        %shift_right_logical3A = arith.constant 3 : i32
        %shift_right_logical3A_1192 = arith.shrui %and3A_1191, %shift_right_logical3A : i32
        %and3A_1193 = arith.constant 7 : i32
        %and3A_1194 = arith.andi %and3A_1191, %and3A_1193 : i32
        %add3A_1195 = vector.broadcast %shift_right_logical3A_1192 : i32 to vector<16xi32>
        %add3A_1196 = arith.addi %broadcast_in_dim3A_7, %add3A_1195 : vector<16xi32>
        %mul3A_1197 = arith.constant 16 : i32
        %mul3A_1198 = arith.muli %and3A_1194, %mul3A_1197 : i32
        %add3A_1199 = vector.broadcast %mul3A_1198 : i32 to vector<16xi32>
        %add3A_1200 = arith.addi %iota3A, %add3A_1199 : vector<16xi32>
        %mul3A_1201 = arith.constant 16 : i32
        %mul3A_1202 = arith.muli %and3A_1191, %mul3A_1201 : i32
        %get3A = arith.index_cast %mul3A_1202 : i32 to index
        %get3A_1203 = tpu.vector_load %arg9[%get3A] {strides = array<i32>} : memref<1024xi32, #tpu.memory_space<vmem>>, vector<16xi32>,
        tpu.vector_store_idx %arg7[%get3A_1203, %add3A_1196, %add3A_1200], %broadcast_in_dim3A_3 : memref<33x8x128xf32, #tpu.memory_space<vmem>>[vector<16xi32>, vector<16xi32>, vector<16xi32>], vector<16xf32>,
        %mul3A_1204 = arith.constant 16 : i32
        %mul3A_1205 = arith.muli %and3A_1194, %mul3A_1204 : i32
        %get3A_1206 = arith.constant 2 : i32
        %get3A_1207 = arith.index_cast %get3A_1206 : i32 to index
        %get3A_1208 = arith.index_cast %shift_right_logical3A_1192 : i32 to index
        %get3A_1209 = arith.index_cast %mul3A_1205 : i32 to index
        %get3A_1210 = tpu.vector_load %arg4[%get3A_1207, %get3A_1208, %get3A_1209] {strides = array<i32>} : memref<4x8x128xi32, #tpu.memory_space<vmem>>, vector<16xi32>,
        %ge3A_1211 = arith.constant 33 : i32
        %ge3A_1212 = vector.broadcast %ge3A_1211 : i32 to vector<16xi32>
        %ge3A_1213 = arith.cmpi sge, %get3A_1210, %ge3A_1212 : vector<16xi32>
        %sub3A = arith.constant 33 : i32
        %sub3A_1214 = vector.broadcast %sub3A : i32 to vector<16xi32>
        %sub3A_1215 = arith.subi %get3A_1210, %sub3A_1214 : vector<16xi32>
        %jit3A = arith.constant 0 : i32
        %broadcast_in_dim3A_1216 = vector.broadcast %jit3A : i32 to vector<16xi32>
        %select_n3A = arith.select %ge3A_1213, %sub3A_1215, %broadcast_in_dim3A_1216 : vector<16xi1>, vector<16xi32>
        %mul3A_1217 = arith.constant 16 : i32
        %mul3A_1218 = arith.muli %and3A_1191, %mul3A_1217 : i32
        %swap3A_1219 = arith.index_cast %mul3A_1218 : i32 to index
        %swap3A_1220 = tpu.vector_load %arg9[%swap3A_1219] {strides = array<i32>} : memref<1024xi32, #tpu.memory_space<vmem>>, vector<16xi32>,
        tpu.vector_store %arg9[%swap3A_1219], %select_n3A {strides = array<i32>} : memref<1024xi32, #tpu.memory_space<vmem>>, vector<16xi32>,
        tpu.vector_store_idx %arg7[%select_n3A, %add3A_1196, %add3A_1200], %broadcast_in_dim3A_5 masked %ge3A_1213 : memref<33x8x128xf32, #tpu.memory_space<vmem>>[vector<16xi32>, vector<16xi32>, vector<16xi32>], vector<16xf32>, vector<16xi1>
      }
      %scan3A_827 = arith.constant 256 : i32
      %dma_start3A_828 = arith.constant 33 : i32
      %dma_start3A_829 = tpu.memref_slice %arg3[%dma_start3A_828, %mul3A_810, %add3A_812] : memref<66x200x16384xf32, #tpu.memory_space<hbm>> -> memref<33x8x128xf32, #tpu.memory_space<hbm>>
      %dma_start3A_830 = arith.constant 33 : i32
      %dma_start3A_831 = tpu.memref_slice %arg3[%dma_start3A_830, %mul3A_810, %add3A_812] : memref<66x200x16384xf32, #tpu.memory_space<hbm>> -> memref<33x8x128xf32, #tpu.memory_space<hbm>>
      tpu.enqueue_dma source(%arg7 : memref<33x8x128xf32, #tpu.memory_space<vmem>>) target(%dma_start3A_831 : memref<33x8x128xf32, #tpu.memory_space<hbm>>) target_semaphore(%arg13 : memref<!tpu.dma_semaphore, #tpu.memory_space<semaphore_mem>>)
      %mul3A_832 = arith.constant 8 : i32
      %mul3A_833 = arith.muli %mul3A_636, %mul3A_832 : i32
      %add3A_834 = arith.constant 384 : i32
      %add3A_835 = arith.addi %mul3A_2, %add3A_834 : i32
      %mul3A_836 = arith.constant 8 : i32
      %mul3A_837 = arith.muli %mul3A_636, %mul3A_836 : i32
      %add3A_838 = arith.constant 6 : i32
      %add3A_839 = arith.addi %mul3A_837, %add3A_838 : i32
      %ge3A_840 = arith.constant 2 : i32
      %ge3A_841 = arith.cmpi sge, %add3A_839, %ge3A_840 : i32
      %convert_element_type3A_842 = arith.extui %ge3A_841 : i1 to i32
      %cond3A_843 = arith.constant 0 : i32
      %cond3A_844 = arith.cmpi ne, %convert_element_type3A_842, %cond3A_843 : i32
      scf.if %cond3A_844 {
        %dma_wait3A_1190 = arith.constant 0 : i32
        %dma_wait3A_1191 = tpu.memref_slice %arg3[%dma_wait3A_1190, %mul3A_833, %add3A_835] : memref<66x200x16384xf32, #tpu.memory_space<hbm>> -> memref<33x8x128xf32, #tpu.memory_space<hbm>>
        %dma_wait3A_1192 = arith.constant 0 : i32
        %dma_wait3A_1193 = tpu.memref_slice %arg3[%dma_wait3A_1192, %mul3A_833, %add3A_835] : memref<66x200x16384xf32, #tpu.memory_space<hbm>> -> memref<33x8x128xf32, #tpu.memory_space<hbm>>
        tpu.wait_dma2 semaphore(%arg12 : memref<!tpu.dma_semaphore, #tpu.memory_space<semaphore_mem>>) src(%arg6 : memref<33x8x128xf32, #tpu.memory_space<vmem>>) dst(%dma_wait3A_1193 : memref<33x8x128xf32, #tpu.memory_space<hbm>>)
      } else {
      }
      %scan3A_845 = arith.constant 0 : i32
      %scan3A_846 = arith.constant 0 : i32
      %scan3A_847 = arith.constant 256 : i32
      %scan3A_848 = arith.addi %scan3A_846, %scan3A_847 : i32
      %scan3A_849 = arith.constant 1 : i32
      scf.for %scan3A_1190 = %scan3A_846 to %scan3A_848 step %scan3A_849  : i32 {
        %and3A = arith.constant 63 : i32
        %and3A_1191 = arith.andi %scan3A_1190, %and3A : i32
        %shift_right_logical3A = arith.constant 3 : i32
        %shift_right_logical3A_1192 = arith.shrui %and3A_1191, %shift_right_logical3A : i32
        %and3A_1193 = arith.constant 7 : i32
        %and3A_1194 = arith.andi %and3A_1191, %and3A_1193 : i32
        %add3A_1195 = vector.broadcast %shift_right_logical3A_1192 : i32 to vector<16xi32>
        %add3A_1196 = arith.addi %broadcast_in_dim3A_7, %add3A_1195 : vector<16xi32>
        %mul3A_1197 = arith.constant 16 : i32
        %mul3A_1198 = arith.muli %and3A_1194, %mul3A_1197 : i32
        %add3A_1199 = vector.broadcast %mul3A_1198 : i32 to vector<16xi32>
        %add3A_1200 = arith.addi %iota3A, %add3A_1199 : vector<16xi32>
        %mul3A_1201 = arith.constant 16 : i32
        %mul3A_1202 = arith.muli %and3A_1191, %mul3A_1201 : i32
        %get3A = arith.index_cast %mul3A_1202 : i32 to index
        %get3A_1203 = tpu.vector_load %arg8[%get3A] {strides = array<i32>} : memref<1024xi32, #tpu.memory_space<vmem>>, vector<16xi32>,
        tpu.vector_store_idx %arg6[%get3A_1203, %add3A_1196, %add3A_1200], %broadcast_in_dim3A_3 : memref<33x8x128xf32, #tpu.memory_space<vmem>>[vector<16xi32>, vector<16xi32>, vector<16xi32>], vector<16xf32>,
        %mul3A_1204 = arith.constant 16 : i32
        %mul3A_1205 = arith.muli %and3A_1194, %mul3A_1204 : i32
        %get3A_1206 = arith.constant 3 : i32
        %get3A_1207 = arith.index_cast %get3A_1206 : i32 to index
        %get3A_1208 = arith.index_cast %shift_right_logical3A_1192 : i32 to index
        %get3A_1209 = arith.index_cast %mul3A_1205 : i32 to index
        %get3A_1210 = tpu.vector_load %arg4[%get3A_1207, %get3A_1208, %get3A_1209] {strides = array<i32>} : memref<4x8x128xi32, #tpu.memory_space<vmem>>, vector<16xi32>,
        %gt3A = arith.constant 0 : i32
        %gt3A_1211 = vector.broadcast %gt3A : i32 to vector<16xi32>
        %gt3A_1212 = arith.cmpi sgt, %get3A_1210, %gt3A_1211 : vector<16xi32>
        %lt3A_1213 = arith.constant 33 : i32
        %lt3A_1214 = vector.broadcast %lt3A_1213 : i32 to vector<16xi32>
        %lt3A_1215 = arith.cmpi slt, %get3A_1210, %lt3A_1214 : vector<16xi32>
        %and3A_1216 = arith.andi %gt3A_1212, %lt3A_1215 : vector<16xi1>
        %jit3A = arith.constant 0 : i32
        %broadcast_in_dim3A_1217 = vector.broadcast %jit3A : i32 to vector<16xi32>
        %select_n3A = arith.select %and3A_1216, %get3A_1210, %broadcast_in_dim3A_1217 : vector<16xi1>, vector<16xi32>
        %mul3A_1218 = arith.constant 16 : i32
        %mul3A_1219 = arith.muli %and3A_1191, %mul3A_1218 : i32
        %swap3A_1220 = arith.index_cast %mul3A_1219 : i32 to index
        %swap3A_1221 = tpu.vector_load %arg8[%swap3A_1220] {strides = array<i32>} : memref<1024xi32, #tpu.memory_space<vmem>>, vector<16xi32>,
        tpu.vector_store %arg8[%swap3A_1220], %select_n3A {strides = array<i32>} : memref<1024xi32, #tpu.memory_space<vmem>>, vector<16xi32>,
        tpu.vector_store_idx %arg6[%select_n3A, %add3A_1196, %add3A_1200], %broadcast_in_dim3A_5 masked %and3A_1216 : memref<33x8x128xf32, #tpu.memory_space<vmem>>[vector<16xi32>, vector<16xi32>, vector<16xi32>], vector<16xf32>, vector<16xi1>
      }
      %scan3A_850 = arith.constant 256 : i32
      %dma_start3A_851 = arith.constant 0 : i32
      %dma_start3A_852 = tpu.memref_slice %arg3[%dma_start3A_851, %mul3A_833, %add3A_835] : memref<66x200x16384xf32, #tpu.memory_space<hbm>> -> memref<33x8x128xf32, #tpu.memory_space<hbm>>
      %dma_start3A_853 = arith.constant 0 : i32
      %dma_start3A_854 = tpu.memref_slice %arg3[%dma_start3A_853, %mul3A_833, %add3A_835] : memref<66x200x16384xf32, #tpu.memory_space<hbm>> -> memref<33x8x128xf32, #tpu.memory_space<hbm>>
      tpu.enqueue_dma source(%arg6 : memref<33x8x128xf32, #tpu.memory_space<vmem>>) target(%dma_start3A_854 : memref<33x8x128xf32, #tpu.memory_space<hbm>>) target_semaphore(%arg12 : memref<!tpu.dma_semaphore, #tpu.memory_space<semaphore_mem>>)
      %mul3A_855 = arith.constant 8 : i32
      %mul3A_856 = arith.muli %mul3A_636, %mul3A_855 : i32
      %add3A_857 = arith.constant 384 : i32
      %add3A_858 = arith.addi %mul3A_2, %add3A_857 : i32
      %mul3A_859 = arith.constant 8 : i32
      %mul3A_860 = arith.muli %mul3A_636, %mul3A_859 : i32
      %add3A_861 = arith.constant 7 : i32
      %add3A_862 = arith.addi %mul3A_860, %add3A_861 : i32
      %ge3A_863 = arith.constant 2 : i32
      %ge3A_864 = arith.cmpi sge, %add3A_862, %ge3A_863 : i32
      %convert_element_type3A_865 = arith.extui %ge3A_864 : i1 to i32
      %cond3A_866 = arith.constant 0 : i32
      %cond3A_867 = arith.cmpi ne, %convert_element_type3A_865, %cond3A_866 : i32
      scf.if %cond3A_867 {
        %dma_wait3A_1190 = arith.constant 33 : i32
        %dma_wait3A_1191 = tpu.memref_slice %arg3[%dma_wait3A_1190, %mul3A_856, %add3A_858] : memref<66x200x16384xf32, #tpu.memory_space<hbm>> -> memref<33x8x128xf32, #tpu.memory_space<hbm>>
        %dma_wait3A_1192 = arith.constant 33 : i32
        %dma_wait3A_1193 = tpu.memref_slice %arg3[%dma_wait3A_1192, %mul3A_856, %add3A_858] : memref<66x200x16384xf32, #tpu.memory_space<hbm>> -> memref<33x8x128xf32, #tpu.memory_space<hbm>>
        tpu.wait_dma2 semaphore(%arg13 : memref<!tpu.dma_semaphore, #tpu.memory_space<semaphore_mem>>) src(%arg7 : memref<33x8x128xf32, #tpu.memory_space<vmem>>) dst(%dma_wait3A_1193 : memref<33x8x128xf32, #tpu.memory_space<hbm>>)
      } else {
      }
      %scan3A_868 = arith.constant 0 : i32
      %scan3A_869 = arith.constant 0 : i32
      %scan3A_870 = arith.constant 256 : i32
      %scan3A_871 = arith.addi %scan3A_869, %scan3A_870 : i32
      %scan3A_872 = arith.constant 1 : i32
      scf.for %scan3A_1190 = %scan3A_869 to %scan3A_871 step %scan3A_872  : i32 {
        %and3A = arith.constant 63 : i32
        %and3A_1191 = arith.andi %scan3A_1190, %and3A : i32
        %shift_right_logical3A = arith.constant 3 : i32
        %shift_right_logical3A_1192 = arith.shrui %and3A_1191, %shift_right_logical3A : i32
        %and3A_1193 = arith.constant 7 : i32
        %and3A_1194 = arith.andi %and3A_1191, %and3A_1193 : i32
        %add3A_1195 = vector.broadcast %shift_right_logical3A_1192 : i32 to vector<16xi32>
        %add3A_1196 = arith.addi %broadcast_in_dim3A_7, %add3A_1195 : vector<16xi32>
        %mul3A_1197 = arith.constant 16 : i32
        %mul3A_1198 = arith.muli %and3A_1194, %mul3A_1197 : i32
        %add3A_1199 = vector.broadcast %mul3A_1198 : i32 to vector<16xi32>
        %add3A_1200 = arith.addi %iota3A, %add3A_1199 : vector<16xi32>
        %mul3A_1201 = arith.constant 16 : i32
        %mul3A_1202 = arith.muli %and3A_1191, %mul3A_1201 : i32
        %get3A = arith.index_cast %mul3A_1202 : i32 to index
        %get3A_1203 = tpu.vector_load %arg9[%get3A] {strides = array<i32>} : memref<1024xi32, #tpu.memory_space<vmem>>, vector<16xi32>,
        tpu.vector_store_idx %arg7[%get3A_1203, %add3A_1196, %add3A_1200], %broadcast_in_dim3A_3 : memref<33x8x128xf32, #tpu.memory_space<vmem>>[vector<16xi32>, vector<16xi32>, vector<16xi32>], vector<16xf32>,
        %mul3A_1204 = arith.constant 16 : i32
        %mul3A_1205 = arith.muli %and3A_1194, %mul3A_1204 : i32
        %get3A_1206 = arith.constant 3 : i32
        %get3A_1207 = arith.index_cast %get3A_1206 : i32 to index
        %get3A_1208 = arith.index_cast %shift_right_logical3A_1192 : i32 to index
        %get3A_1209 = arith.index_cast %mul3A_1205 : i32 to index
        %get3A_1210 = tpu.vector_load %arg4[%get3A_1207, %get3A_1208, %get3A_1209] {strides = array<i32>} : memref<4x8x128xi32, #tpu.memory_space<vmem>>, vector<16xi32>,
        %ge3A_1211 = arith.constant 33 : i32
        %ge3A_1212 = vector.broadcast %ge3A_1211 : i32 to vector<16xi32>
        %ge3A_1213 = arith.cmpi sge, %get3A_1210, %ge3A_1212 : vector<16xi32>
        %sub3A = arith.constant 33 : i32
        %sub3A_1214 = vector.broadcast %sub3A : i32 to vector<16xi32>
        %sub3A_1215 = arith.subi %get3A_1210, %sub3A_1214 : vector<16xi32>
        %jit3A = arith.constant 0 : i32
        %broadcast_in_dim3A_1216 = vector.broadcast %jit3A : i32 to vector<16xi32>
        %select_n3A = arith.select %ge3A_1213, %sub3A_1215, %broadcast_in_dim3A_1216 : vector<16xi1>, vector<16xi32>
        %mul3A_1217 = arith.constant 16 : i32
        %mul3A_1218 = arith.muli %and3A_1191, %mul3A_1217 : i32
        %swap3A_1219 = arith.index_cast %mul3A_1218 : i32 to index
        %swap3A_1220 = tpu.vector_load %arg9[%swap3A_1219] {strides = array<i32>} : memref<1024xi32, #tpu.memory_space<vmem>>, vector<16xi32>,
        tpu.vector_store %arg9[%swap3A_1219], %select_n3A {strides = array<i32>} : memref<1024xi32, #tpu.memory_space<vmem>>, vector<16xi32>,
        tpu.vector_store_idx %arg7[%select_n3A, %add3A_1196, %add3A_1200], %broadcast_in_dim3A_5 masked %ge3A_1213 : memref<33x8x128xf32, #tpu.memory_space<vmem>>[vector<16xi32>, vector<16xi32>, vector<16xi32>], vector<16xf32>, vector<16xi1>
      }
      %scan3A_873 = arith.constant 256 : i32
      %dma_start3A_874 = arith.constant 33 : i32
      %dma_start3A_875 = tpu.memref_slice %arg3[%dma_start3A_874, %mul3A_856, %add3A_858] : memref<66x200x16384xf32, #tpu.memory_space<hbm>> -> memref<33x8x128xf32, #tpu.memory_space<hbm>>
      %dma_start3A_876 = arith.constant 33 : i32
      %dma_start3A_877 = tpu.memref_slice %arg3[%dma_start3A_876, %mul3A_856, %add3A_858] : memref<66x200x16384xf32, #tpu.memory_space<hbm>> -> memref<33x8x128xf32, #tpu.memory_space<hbm>>
      tpu.enqueue_dma source(%arg7 : memref<33x8x128xf32, #tpu.memory_space<vmem>>) target(%dma_start3A_877 : memref<33x8x128xf32, #tpu.memory_space<hbm>>) target_semaphore(%arg13 : memref<!tpu.dma_semaphore, #tpu.memory_space<semaphore_mem>>)
      %add3A_878 = arith.constant 2 : i32
      %add3A_879 = arith.addi %mul3A_636, %add3A_878 : i32
      %mul3A_880 = arith.constant 8 : i32
      %mul3A_881 = arith.muli %add3A_879, %mul3A_880 : i32
      %add3A_882 = arith.constant 0 : i32
      %add3A_883 = arith.addi %mul3A_2, %add3A_882 : i32
      %dma_start3A_884 = arith.constant 0 : i32
      %dma_start3A_885 = arith.constant 0 : i32
      %dma_start3A_886 = arith.constant 0 : i32
      %dma_start3A_887 = tpu.memref_slice %arg4[%dma_start3A_884, %dma_start3A_885, %dma_start3A_886] : memref<4x8x128xi32, #tpu.memory_space<vmem>> -> memref<1x8x128xi32, #tpu.memory_space<vmem>>
      %dma_start3A_888 = tpu.memref_squeeze %dma_start3A_887 : memref<1x8x128xi32, #tpu.memory_space<vmem>> -> memref<8x128xi32, #tpu.memory_space<vmem>>
      %dma_start3A_889 = tpu.memref_slice %arg2[%mul3A_881, %add3A_883] : memref<200x16384xi32, #tpu.memory_space<hbm>> -> memref<8x128xi32, #tpu.memory_space<hbm>>
      %dma_start3A_890 = arith.constant 0 : i32
      %dma_start3A_891 = arith.constant 0 : i32
      %dma_start3A_892 = tpu.memref_slice %arg4[%dma_start3A_884, %dma_start3A_890, %dma_start3A_891] : memref<4x8x128xi32, #tpu.memory_space<vmem>> -> memref<1x8x128xi32, #tpu.memory_space<vmem>>
      %dma_start3A_893 = tpu.memref_squeeze %dma_start3A_892 : memref<1x8x128xi32, #tpu.memory_space<vmem>> -> memref<8x128xi32, #tpu.memory_space<vmem>>
      %dma_start3A_894 = tpu.memref_slice %arg2[%mul3A_881, %add3A_883] : memref<200x16384xi32, #tpu.memory_space<hbm>> -> memref<8x128xi32, #tpu.memory_space<hbm>>
      tpu.enqueue_dma source(%dma_start3A_894 : memref<8x128xi32, #tpu.memory_space<hbm>>) target(%dma_start3A_893 : memref<8x128xi32, #tpu.memory_space<vmem>>) target_semaphore(%arg10 : memref<!tpu.dma_semaphore, #tpu.memory_space<semaphore_mem>>)
      %mul3A_895 = arith.constant 8 : i32
      %mul3A_896 = arith.muli %add3A_879, %mul3A_895 : i32
      %add3A_897 = arith.constant 128 : i32
      %add3A_898 = arith.addi %mul3A_2, %add3A_897 : i32
      %dma_start3A_899 = arith.constant 1 : i32
      %dma_start3A_900 = arith.constant 0 : i32
      %dma_start3A_901 = arith.constant 0 : i32
      %dma_start3A_902 = tpu.memref_slice %arg4[%dma_start3A_899, %dma_start3A_900, %dma_start3A_901] : memref<4x8x128xi32, #tpu.memory_space<vmem>> -> memref<1x8x128xi32, #tpu.memory_space<vmem>>
      %dma_start3A_903 = tpu.memref_squeeze %dma_start3A_902 : memref<1x8x128xi32, #tpu.memory_space<vmem>> -> memref<8x128xi32, #tpu.memory_space<vmem>>
      %dma_start3A_904 = tpu.memref_slice %arg2[%mul3A_896, %add3A_898] : memref<200x16384xi32, #tpu.memory_space<hbm>> -> memref<8x128xi32, #tpu.memory_space<hbm>>
      %dma_start3A_905 = arith.constant 0 : i32
      %dma_start3A_906 = arith.constant 0 : i32
      %dma_start3A_907 = tpu.memref_slice %arg4[%dma_start3A_899, %dma_start3A_905, %dma_start3A_906] : memref<4x8x128xi32, #tpu.memory_space<vmem>> -> memref<1x8x128xi32, #tpu.memory_space<vmem>>
      %dma_start3A_908 = tpu.memref_squeeze %dma_start3A_907 : memref<1x8x128xi32, #tpu.memory_space<vmem>> -> memref<8x128xi32, #tpu.memory_space<vmem>>
      %dma_start3A_909 = tpu.memref_slice %arg2[%mul3A_896, %add3A_898] : memref<200x16384xi32, #tpu.memory_space<hbm>> -> memref<8x128xi32, #tpu.memory_space<hbm>>
      tpu.enqueue_dma source(%dma_start3A_909 : memref<8x128xi32, #tpu.memory_space<hbm>>) target(%dma_start3A_908 : memref<8x128xi32, #tpu.memory_space<vmem>>) target_semaphore(%arg10 : memref<!tpu.dma_semaphore, #tpu.memory_space<semaphore_mem>>)
      %mul3A_910 = arith.constant 8 : i32
      %mul3A_911 = arith.muli %add3A_879, %mul3A_910 : i32
      %add3A_912 = arith.constant 256 : i32
      %add3A_913 = arith.addi %mul3A_2, %add3A_912 : i32
      %dma_start3A_914 = arith.constant 2 : i32
      %dma_start3A_915 = arith.constant 0 : i32
      %dma_start3A_916 = arith.constant 0 : i32
      %dma_start3A_917 = tpu.memref_slice %arg4[%dma_start3A_914, %dma_start3A_915, %dma_start3A_916] : memref<4x8x128xi32, #tpu.memory_space<vmem>> -> memref<1x8x128xi32, #tpu.memory_space<vmem>>
      %dma_start3A_918 = tpu.memref_squeeze %dma_start3A_917 : memref<1x8x128xi32, #tpu.memory_space<vmem>> -> memref<8x128xi32, #tpu.memory_space<vmem>>
      %dma_start3A_919 = tpu.memref_slice %arg2[%mul3A_911, %add3A_913] : memref<200x16384xi32, #tpu.memory_space<hbm>> -> memref<8x128xi32, #tpu.memory_space<hbm>>
      %dma_start3A_920 = arith.constant 0 : i32
      %dma_start3A_921 = arith.constant 0 : i32
      %dma_start3A_922 = tpu.memref_slice %arg4[%dma_start3A_914, %dma_start3A_920, %dma_start3A_921] : memref<4x8x128xi32, #tpu.memory_space<vmem>> -> memref<1x8x128xi32, #tpu.memory_space<vmem>>
      %dma_start3A_923 = tpu.memref_squeeze %dma_start3A_922 : memref<1x8x128xi32, #tpu.memory_space<vmem>> -> memref<8x128xi32, #tpu.memory_space<vmem>>
      %dma_start3A_924 = tpu.memref_slice %arg2[%mul3A_911, %add3A_913] : memref<200x16384xi32, #tpu.memory_space<hbm>> -> memref<8x128xi32, #tpu.memory_space<hbm>>
      tpu.enqueue_dma source(%dma_start3A_924 : memref<8x128xi32, #tpu.memory_space<hbm>>) target(%dma_start3A_923 : memref<8x128xi32, #tpu.memory_space<vmem>>) target_semaphore(%arg10 : memref<!tpu.dma_semaphore, #tpu.memory_space<semaphore_mem>>)
      %mul3A_925 = arith.constant 8 : i32
      %mul3A_926 = arith.muli %add3A_879, %mul3A_925 : i32
      %add3A_927 = arith.constant 384 : i32
      %add3A_928 = arith.addi %mul3A_2, %add3A_927 : i32
      %dma_start3A_929 = arith.constant 3 : i32
      %dma_start3A_930 = arith.constant 0 : i32
      %dma_start3A_931 = arith.constant 0 : i32
      %dma_start3A_932 = tpu.memref_slice %arg4[%dma_start3A_929, %dma_start3A_930, %dma_start3A_931] : memref<4x8x128xi32, #tpu.memory_space<vmem>> -> memref<1x8x128xi32, #tpu.memory_space<vmem>>
      %dma_start3A_933 = tpu.memref_squeeze %dma_start3A_932 : memref<1x8x128xi32, #tpu.memory_space<vmem>> -> memref<8x128xi32, #tpu.memory_space<vmem>>
      %dma_start3A_934 = tpu.memref_slice %arg2[%mul3A_926, %add3A_928] : memref<200x16384xi32, #tpu.memory_space<hbm>> -> memref<8x128xi32, #tpu.memory_space<hbm>>
      %dma_start3A_935 = arith.constant 0 : i32
      %dma_start3A_936 = arith.constant 0 : i32
      %dma_start3A_937 = tpu.memref_slice %arg4[%dma_start3A_929, %dma_start3A_935, %dma_start3A_936] : memref<4x8x128xi32, #tpu.memory_space<vmem>> -> memref<1x8x128xi32, #tpu.memory_space<vmem>>
      %dma_start3A_938 = tpu.memref_squeeze %dma_start3A_937 : memref<1x8x128xi32, #tpu.memory_space<vmem>> -> memref<8x128xi32, #tpu.memory_space<vmem>>
      %dma_start3A_939 = tpu.memref_slice %arg2[%mul3A_926, %add3A_928] : memref<200x16384xi32, #tpu.memory_space<hbm>> -> memref<8x128xi32, #tpu.memory_space<hbm>>
      tpu.enqueue_dma source(%dma_start3A_939 : memref<8x128xi32, #tpu.memory_space<hbm>>) target(%dma_start3A_938 : memref<8x128xi32, #tpu.memory_space<vmem>>) target_semaphore(%arg10 : memref<!tpu.dma_semaphore, #tpu.memory_space<semaphore_mem>>)
      %add3A_940 = arith.constant 1 : i32
      %add3A_941 = arith.addi %mul3A_636, %add3A_940 : i32
      %mul3A_942 = arith.constant 8 : i32
      %mul3A_943 = arith.muli %add3A_941, %mul3A_942 : i32
      %add3A_944 = arith.constant 0 : i32
      %add3A_945 = arith.addi %mul3A_2, %add3A_944 : i32
      %dma_wait3A_946 = arith.constant 0 : i32
      %dma_wait3A_947 = arith.constant 0 : i32
      %dma_wait3A_948 = arith.constant 0 : i32
      %dma_wait3A_949 = tpu.memref_slice %arg5[%dma_wait3A_946, %dma_wait3A_947, %dma_wait3A_948] : memref<4x8x128xi32, #tpu.memory_space<vmem>> -> memref<1x8x128xi32, #tpu.memory_space<vmem>>
      %dma_wait3A_950 = tpu.memref_squeeze %dma_wait3A_949 : memref<1x8x128xi32, #tpu.memory_space<vmem>> -> memref<8x128xi32, #tpu.memory_space<vmem>>
      %dma_wait3A_951 = tpu.memref_slice %arg2[%mul3A_943, %add3A_945] : memref<200x16384xi32, #tpu.memory_space<hbm>> -> memref<8x128xi32, #tpu.memory_space<hbm>>
      %dma_wait3A_952 = arith.constant 0 : i32
      %dma_wait3A_953 = arith.constant 0 : i32
      %dma_wait3A_954 = tpu.memref_slice %arg5[%dma_wait3A_946, %dma_wait3A_952, %dma_wait3A_953] : memref<4x8x128xi32, #tpu.memory_space<vmem>> -> memref<1x8x128xi32, #tpu.memory_space<vmem>>
      %dma_wait3A_955 = tpu.memref_squeeze %dma_wait3A_954 : memref<1x8x128xi32, #tpu.memory_space<vmem>> -> memref<8x128xi32, #tpu.memory_space<vmem>>
      %dma_wait3A_956 = tpu.memref_slice %arg2[%mul3A_943, %add3A_945] : memref<200x16384xi32, #tpu.memory_space<hbm>> -> memref<8x128xi32, #tpu.memory_space<hbm>>
      tpu.wait_dma2 semaphore(%arg11 : memref<!tpu.dma_semaphore, #tpu.memory_space<semaphore_mem>>) src(%dma_wait3A_956 : memref<8x128xi32, #tpu.memory_space<hbm>>) dst(%dma_wait3A_955 : memref<8x128xi32, #tpu.memory_space<vmem>>)
      %mul3A_957 = arith.constant 8 : i32
      %mul3A_958 = arith.muli %add3A_941, %mul3A_957 : i32
      %add3A_959 = arith.constant 128 : i32
      %add3A_960 = arith.addi %mul3A_2, %add3A_959 : i32
      %dma_wait3A_961 = arith.constant 1 : i32
      %dma_wait3A_962 = arith.constant 0 : i32
      %dma_wait3A_963 = arith.constant 0 : i32
      %dma_wait3A_964 = tpu.memref_slice %arg5[%dma_wait3A_961, %dma_wait3A_962, %dma_wait3A_963] : memref<4x8x128xi32, #tpu.memory_space<vmem>> -> memref<1x8x128xi32, #tpu.memory_space<vmem>>
      %dma_wait3A_965 = tpu.memref_squeeze %dma_wait3A_964 : memref<1x8x128xi32, #tpu.memory_space<vmem>> -> memref<8x128xi32, #tpu.memory_space<vmem>>
      %dma_wait3A_966 = tpu.memref_slice %arg2[%mul3A_958, %add3A_960] : memref<200x16384xi32, #tpu.memory_space<hbm>> -> memref<8x128xi32, #tpu.memory_space<hbm>>
      %dma_wait3A_967 = arith.constant 0 : i32
      %dma_wait3A_968 = arith.constant 0 : i32
      %dma_wait3A_969 = tpu.memref_slice %arg5[%dma_wait3A_961, %dma_wait3A_967, %dma_wait3A_968] : memref<4x8x128xi32, #tpu.memory_space<vmem>> -> memref<1x8x128xi32, #tpu.memory_space<vmem>>
      %dma_wait3A_970 = tpu.memref_squeeze %dma_wait3A_969 : memref<1x8x128xi32, #tpu.memory_space<vmem>> -> memref<8x128xi32, #tpu.memory_space<vmem>>
      %dma_wait3A_971 = tpu.memref_slice %arg2[%mul3A_958, %add3A_960] : memref<200x16384xi32, #tpu.memory_space<hbm>> -> memref<8x128xi32, #tpu.memory_space<hbm>>
      tpu.wait_dma2 semaphore(%arg11 : memref<!tpu.dma_semaphore, #tpu.memory_space<semaphore_mem>>) src(%dma_wait3A_971 : memref<8x128xi32, #tpu.memory_space<hbm>>) dst(%dma_wait3A_970 : memref<8x128xi32, #tpu.memory_space<vmem>>)
      %mul3A_972 = arith.constant 8 : i32
      %mul3A_973 = arith.muli %add3A_941, %mul3A_972 : i32
      %add3A_974 = arith.constant 256 : i32
      %add3A_975 = arith.addi %mul3A_2, %add3A_974 : i32
      %dma_wait3A_976 = arith.constant 2 : i32
      %dma_wait3A_977 = arith.constant 0 : i32
      %dma_wait3A_978 = arith.constant 0 : i32
      %dma_wait3A_979 = tpu.memref_slice %arg5[%dma_wait3A_976, %dma_wait3A_977, %dma_wait3A_978] : memref<4x8x128xi32, #tpu.memory_space<vmem>> -> memref<1x8x128xi32, #tpu.memory_space<vmem>>
      %dma_wait3A_980 = tpu.memref_squeeze %dma_wait3A_979 : memref<1x8x128xi32, #tpu.memory_space<vmem>> -> memref<8x128xi32, #tpu.memory_space<vmem>>
      %dma_wait3A_981 = tpu.memref_slice %arg2[%mul3A_973, %add3A_975] : memref<200x16384xi32, #tpu.memory_space<hbm>> -> memref<8x128xi32, #tpu.memory_space<hbm>>
      %dma_wait3A_982 = arith.constant 0 : i32
      %dma_wait3A_983 = arith.constant 0 : i32
      %dma_wait3A_984 = tpu.memref_slice %arg5[%dma_wait3A_976, %dma_wait3A_982, %dma_wait3A_983] : memref<4x8x128xi32, #tpu.memory_space<vmem>> -> memref<1x8x128xi32, #tpu.memory_space<vmem>>
      %dma_wait3A_985 = tpu.memref_squeeze %dma_wait3A_984 : memref<1x8x128xi32, #tpu.memory_space<vmem>> -> memref<8x128xi32, #tpu.memory_space<vmem>>
      %dma_wait3A_986 = tpu.memref_slice %arg2[%mul3A_973, %add3A_975] : memref<200x16384xi32, #tpu.memory_space<hbm>> -> memref<8x128xi32, #tpu.memory_space<hbm>>
      tpu.wait_dma2 semaphore(%arg11 : memref<!tpu.dma_semaphore, #tpu.memory_space<semaphore_mem>>) src(%dma_wait3A_986 : memref<8x128xi32, #tpu.memory_space<hbm>>) dst(%dma_wait3A_985 : memref<8x128xi32, #tpu.memory_space<vmem>>)
      %mul3A_987 = arith.constant 8 : i32
      %mul3A_988 = arith.muli %add3A_941, %mul3A_987 : i32
      %add3A_989 = arith.constant 384 : i32
      %add3A_990 = arith.addi %mul3A_2, %add3A_989 : i32
      %dma_wait3A_991 = arith.constant 3 : i32
      %dma_wait3A_992 = arith.constant 0 : i32
      %dma_wait3A_993 = arith.constant 0 : i32
      %dma_wait3A_994 = tpu.memref_slice %arg5[%dma_wait3A_991, %dma_wait3A_992, %dma_wait3A_993] : memref<4x8x128xi32, #tpu.memory_space<vmem>> -> memref<1x8x128xi32, #tpu.memory_space<vmem>>
      %dma_wait3A_995 = tpu.memref_squeeze %dma_wait3A_994 : memref<1x8x128xi32, #tpu.memory_space<vmem>> -> memref<8x128xi32, #tpu.memory_space<vmem>>
      %dma_wait3A_996 = tpu.memref_slice %arg2[%mul3A_988, %add3A_990] : memref<200x16384xi32, #tpu.memory_space<hbm>> -> memref<8x128xi32, #tpu.memory_space<hbm>>
      %dma_wait3A_997 = arith.constant 0 : i32
      %dma_wait3A_998 = arith.constant 0 : i32
      %dma_wait3A_999 = tpu.memref_slice %arg5[%dma_wait3A_991, %dma_wait3A_997, %dma_wait3A_998] : memref<4x8x128xi32, #tpu.memory_space<vmem>> -> memref<1x8x128xi32, #tpu.memory_space<vmem>>
      %dma_wait3A_1000 = tpu.memref_squeeze %dma_wait3A_999 : memref<1x8x128xi32, #tpu.memory_space<vmem>> -> memref<8x128xi32, #tpu.memory_space<vmem>>
      %dma_wait3A_1001 = tpu.memref_slice %arg2[%mul3A_988, %add3A_990] : memref<200x16384xi32, #tpu.memory_space<hbm>> -> memref<8x128xi32, #tpu.memory_space<hbm>>
      tpu.wait_dma2 semaphore(%arg11 : memref<!tpu.dma_semaphore, #tpu.memory_space<semaphore_mem>>) src(%dma_wait3A_1001 : memref<8x128xi32, #tpu.memory_space<hbm>>) dst(%dma_wait3A_1000 : memref<8x128xi32, #tpu.memory_space<vmem>>)
      %mul3A_1002 = arith.constant 8 : i32
      %mul3A_1003 = arith.muli %add3A_941, %mul3A_1002 : i32
      %add3A_1004 = arith.constant 0 : i32
      %add3A_1005 = arith.addi %mul3A_2, %add3A_1004 : i32
      %mul3A_1006 = arith.constant 8 : i32
      %mul3A_1007 = arith.muli %add3A_941, %mul3A_1006 : i32
      %add3A_1008 = arith.constant 0 : i32
      %add3A_1009 = arith.addi %mul3A_1007, %add3A_1008 : i32
      %ge3A_1010 = arith.constant 2 : i32
      %ge3A_1011 = arith.cmpi sge, %add3A_1009, %ge3A_1010 : i32
      %convert_element_type3A_1012 = arith.extui %ge3A_1011 : i1 to i32
      %cond3A_1013 = arith.constant 0 : i32
      %cond3A_1014 = arith.cmpi ne, %convert_element_type3A_1012, %cond3A_1013 : i32
      scf.if %cond3A_1014 {
        %dma_wait3A_1190 = arith.constant 0 : i32
        %dma_wait3A_1191 = tpu.memref_slice %arg3[%dma_wait3A_1190, %mul3A_1003, %add3A_1005] : memref<66x200x16384xf32, #tpu.memory_space<hbm>> -> memref<33x8x128xf32, #tpu.memory_space<hbm>>
        %dma_wait3A_1192 = arith.constant 0 : i32
        %dma_wait3A_1193 = tpu.memref_slice %arg3[%dma_wait3A_1192, %mul3A_1003, %add3A_1005] : memref<66x200x16384xf32, #tpu.memory_space<hbm>> -> memref<33x8x128xf32, #tpu.memory_space<hbm>>
        tpu.wait_dma2 semaphore(%arg12 : memref<!tpu.dma_semaphore, #tpu.memory_space<semaphore_mem>>) src(%arg6 : memref<33x8x128xf32, #tpu.memory_space<vmem>>) dst(%dma_wait3A_1193 : memref<33x8x128xf32, #tpu.memory_space<hbm>>)
      } else {
      }
      %scan3A_1015 = arith.constant 0 : i32
      %scan3A_1016 = arith.constant 0 : i32
      %scan3A_1017 = arith.constant 256 : i32
      %scan3A_1018 = arith.addi %scan3A_1016, %scan3A_1017 : i32
      %scan3A_1019 = arith.constant 1 : i32
      scf.for %scan3A_1190 = %scan3A_1016 to %scan3A_1018 step %scan3A_1019  : i32 {
        %and3A = arith.constant 63 : i32
        %and3A_1191 = arith.andi %scan3A_1190, %and3A : i32
        %shift_right_logical3A = arith.constant 3 : i32
        %shift_right_logical3A_1192 = arith.shrui %and3A_1191, %shift_right_logical3A : i32
        %and3A_1193 = arith.constant 7 : i32
        %and3A_1194 = arith.andi %and3A_1191, %and3A_1193 : i32
        %add3A_1195 = vector.broadcast %shift_right_logical3A_1192 : i32 to vector<16xi32>
        %add3A_1196 = arith.addi %broadcast_in_dim3A_7, %add3A_1195 : vector<16xi32>
        %mul3A_1197 = arith.constant 16 : i32
        %mul3A_1198 = arith.muli %and3A_1194, %mul3A_1197 : i32
        %add3A_1199 = vector.broadcast %mul3A_1198 : i32 to vector<16xi32>
        %add3A_1200 = arith.addi %iota3A, %add3A_1199 : vector<16xi32>
        %mul3A_1201 = arith.constant 16 : i32
        %mul3A_1202 = arith.muli %and3A_1191, %mul3A_1201 : i32
        %get3A = arith.index_cast %mul3A_1202 : i32 to index
        %get3A_1203 = tpu.vector_load %arg8[%get3A] {strides = array<i32>} : memref<1024xi32, #tpu.memory_space<vmem>>, vector<16xi32>,
        tpu.vector_store_idx %arg6[%get3A_1203, %add3A_1196, %add3A_1200], %broadcast_in_dim3A_3 : memref<33x8x128xf32, #tpu.memory_space<vmem>>[vector<16xi32>, vector<16xi32>, vector<16xi32>], vector<16xf32>,
        %mul3A_1204 = arith.constant 16 : i32
        %mul3A_1205 = arith.muli %and3A_1194, %mul3A_1204 : i32
        %get3A_1206 = arith.constant 0 : i32
        %get3A_1207 = arith.index_cast %get3A_1206 : i32 to index
        %get3A_1208 = arith.index_cast %shift_right_logical3A_1192 : i32 to index
        %get3A_1209 = arith.index_cast %mul3A_1205 : i32 to index
        %get3A_1210 = tpu.vector_load %arg5[%get3A_1207, %get3A_1208, %get3A_1209] {strides = array<i32>} : memref<4x8x128xi32, #tpu.memory_space<vmem>>, vector<16xi32>,
        %gt3A = arith.constant 0 : i32
        %gt3A_1211 = vector.broadcast %gt3A : i32 to vector<16xi32>
        %gt3A_1212 = arith.cmpi sgt, %get3A_1210, %gt3A_1211 : vector<16xi32>
        %lt3A_1213 = arith.constant 33 : i32
        %lt3A_1214 = vector.broadcast %lt3A_1213 : i32 to vector<16xi32>
        %lt3A_1215 = arith.cmpi slt, %get3A_1210, %lt3A_1214 : vector<16xi32>
        %and3A_1216 = arith.andi %gt3A_1212, %lt3A_1215 : vector<16xi1>
        %jit3A = arith.constant 0 : i32
        %broadcast_in_dim3A_1217 = vector.broadcast %jit3A : i32 to vector<16xi32>
        %select_n3A = arith.select %and3A_1216, %get3A_1210, %broadcast_in_dim3A_1217 : vector<16xi1>, vector<16xi32>
        %mul3A_1218 = arith.constant 16 : i32
        %mul3A_1219 = arith.muli %and3A_1191, %mul3A_1218 : i32
        %swap3A_1220 = arith.index_cast %mul3A_1219 : i32 to index
        %swap3A_1221 = tpu.vector_load %arg8[%swap3A_1220] {strides = array<i32>} : memref<1024xi32, #tpu.memory_space<vmem>>, vector<16xi32>,
        tpu.vector_store %arg8[%swap3A_1220], %select_n3A {strides = array<i32>} : memref<1024xi32, #tpu.memory_space<vmem>>, vector<16xi32>,
        tpu.vector_store_idx %arg6[%select_n3A, %add3A_1196, %add3A_1200], %broadcast_in_dim3A_5 masked %and3A_1216 : memref<33x8x128xf32, #tpu.memory_space<vmem>>[vector<16xi32>, vector<16xi32>, vector<16xi32>], vector<16xf32>, vector<16xi1>
      }
      %scan3A_1020 = arith.constant 256 : i32
      %dma_start3A_1021 = arith.constant 0 : i32
      %dma_start3A_1022 = tpu.memref_slice %arg3[%dma_start3A_1021, %mul3A_1003, %add3A_1005] : memref<66x200x16384xf32, #tpu.memory_space<hbm>> -> memref<33x8x128xf32, #tpu.memory_space<hbm>>
      %dma_start3A_1023 = arith.constant 0 : i32
      %dma_start3A_1024 = tpu.memref_slice %arg3[%dma_start3A_1023, %mul3A_1003, %add3A_1005] : memref<66x200x16384xf32, #tpu.memory_space<hbm>> -> memref<33x8x128xf32, #tpu.memory_space<hbm>>
      tpu.enqueue_dma source(%arg6 : memref<33x8x128xf32, #tpu.memory_space<vmem>>) target(%dma_start3A_1024 : memref<33x8x128xf32, #tpu.memory_space<hbm>>) target_semaphore(%arg12 : memref<!tpu.dma_semaphore, #tpu.memory_space<semaphore_mem>>)
      %mul3A_1025 = arith.constant 8 : i32
      %mul3A_1026 = arith.muli %add3A_941, %mul3A_1025 : i32
      %add3A_1027 = arith.constant 0 : i32
      %add3A_1028 = arith.addi %mul3A_2, %add3A_1027 : i32
      %mul3A_1029 = arith.constant 8 : i32
      %mul3A_1030 = arith.muli %add3A_941, %mul3A_1029 : i32
      %add3A_1031 = arith.constant 1 : i32
      %add3A_1032 = arith.addi %mul3A_1030, %add3A_1031 : i32
      %ge3A_1033 = arith.constant 2 : i32
      %ge3A_1034 = arith.cmpi sge, %add3A_1032, %ge3A_1033 : i32
      %convert_element_type3A_1035 = arith.extui %ge3A_1034 : i1 to i32
      %cond3A_1036 = arith.constant 0 : i32
      %cond3A_1037 = arith.cmpi ne, %convert_element_type3A_1035, %cond3A_1036 : i32
      scf.if %cond3A_1037 {
        %dma_wait3A_1190 = arith.constant 33 : i32
        %dma_wait3A_1191 = tpu.memref_slice %arg3[%dma_wait3A_1190, %mul3A_1026, %add3A_1028] : memref<66x200x16384xf32, #tpu.memory_space<hbm>> -> memref<33x8x128xf32, #tpu.memory_space<hbm>>
        %dma_wait3A_1192 = arith.constant 33 : i32
        %dma_wait3A_1193 = tpu.memref_slice %arg3[%dma_wait3A_1192, %mul3A_1026, %add3A_1028] : memref<66x200x16384xf32, #tpu.memory_space<hbm>> -> memref<33x8x128xf32, #tpu.memory_space<hbm>>
        tpu.wait_dma2 semaphore(%arg13 : memref<!tpu.dma_semaphore, #tpu.memory_space<semaphore_mem>>) src(%arg7 : memref<33x8x128xf32, #tpu.memory_space<vmem>>) dst(%dma_wait3A_1193 : memref<33x8x128xf32, #tpu.memory_space<hbm>>)
      } else {
      }
      %scan3A_1038 = arith.constant 0 : i32
      %scan3A_1039 = arith.constant 0 : i32
      %scan3A_1040 = arith.constant 256 : i32
      %scan3A_1041 = arith.addi %scan3A_1039, %scan3A_1040 : i32
      %scan3A_1042 = arith.constant 1 : i32
      scf.for %scan3A_1190 = %scan3A_1039 to %scan3A_1041 step %scan3A_1042  : i32 {
        %and3A = arith.constant 63 : i32
        %and3A_1191 = arith.andi %scan3A_1190, %and3A : i32
        %shift_right_logical3A = arith.constant 3 : i32
        %shift_right_logical3A_1192 = arith.shrui %and3A_1191, %shift_right_logical3A : i32
        %and3A_1193 = arith.constant 7 : i32
        %and3A_1194 = arith.andi %and3A_1191, %and3A_1193 : i32
        %add3A_1195 = vector.broadcast %shift_right_logical3A_1192 : i32 to vector<16xi32>
        %add3A_1196 = arith.addi %broadcast_in_dim3A_7, %add3A_1195 : vector<16xi32>
        %mul3A_1197 = arith.constant 16 : i32
        %mul3A_1198 = arith.muli %and3A_1194, %mul3A_1197 : i32
        %add3A_1199 = vector.broadcast %mul3A_1198 : i32 to vector<16xi32>
        %add3A_1200 = arith.addi %iota3A, %add3A_1199 : vector<16xi32>
        %mul3A_1201 = arith.constant 16 : i32
        %mul3A_1202 = arith.muli %and3A_1191, %mul3A_1201 : i32
        %get3A = arith.index_cast %mul3A_1202 : i32 to index
        %get3A_1203 = tpu.vector_load %arg9[%get3A] {strides = array<i32>} : memref<1024xi32, #tpu.memory_space<vmem>>, vector<16xi32>,
        tpu.vector_store_idx %arg7[%get3A_1203, %add3A_1196, %add3A_1200], %broadcast_in_dim3A_3 : memref<33x8x128xf32, #tpu.memory_space<vmem>>[vector<16xi32>, vector<16xi32>, vector<16xi32>], vector<16xf32>,
        %mul3A_1204 = arith.constant 16 : i32
        %mul3A_1205 = arith.muli %and3A_1194, %mul3A_1204 : i32
        %get3A_1206 = arith.constant 0 : i32
        %get3A_1207 = arith.index_cast %get3A_1206 : i32 to index
        %get3A_1208 = arith.index_cast %shift_right_logical3A_1192 : i32 to index
        %get3A_1209 = arith.index_cast %mul3A_1205 : i32 to index
        %get3A_1210 = tpu.vector_load %arg5[%get3A_1207, %get3A_1208, %get3A_1209] {strides = array<i32>} : memref<4x8x128xi32, #tpu.memory_space<vmem>>, vector<16xi32>,
        %ge3A_1211 = arith.constant 33 : i32
        %ge3A_1212 = vector.broadcast %ge3A_1211 : i32 to vector<16xi32>
        %ge3A_1213 = arith.cmpi sge, %get3A_1210, %ge3A_1212 : vector<16xi32>
        %sub3A = arith.constant 33 : i32
        %sub3A_1214 = vector.broadcast %sub3A : i32 to vector<16xi32>
        %sub3A_1215 = arith.subi %get3A_1210, %sub3A_1214 : vector<16xi32>
        %jit3A = arith.constant 0 : i32
        %broadcast_in_dim3A_1216 = vector.broadcast %jit3A : i32 to vector<16xi32>
        %select_n3A = arith.select %ge3A_1213, %sub3A_1215, %broadcast_in_dim3A_1216 : vector<16xi1>, vector<16xi32>
        %mul3A_1217 = arith.constant 16 : i32
        %mul3A_1218 = arith.muli %and3A_1191, %mul3A_1217 : i32
        %swap3A_1219 = arith.index_cast %mul3A_1218 : i32 to index
        %swap3A_1220 = tpu.vector_load %arg9[%swap3A_1219] {strides = array<i32>} : memref<1024xi32, #tpu.memory_space<vmem>>, vector<16xi32>,
        tpu.vector_store %arg9[%swap3A_1219], %select_n3A {strides = array<i32>} : memref<1024xi32, #tpu.memory_space<vmem>>, vector<16xi32>,
        tpu.vector_store_idx %arg7[%select_n3A, %add3A_1196, %add3A_1200], %broadcast_in_dim3A_5 masked %ge3A_1213 : memref<33x8x128xf32, #tpu.memory_space<vmem>>[vector<16xi32>, vector<16xi32>, vector<16xi32>], vector<16xf32>, vector<16xi1>
      }
      %scan3A_1043 = arith.constant 256 : i32
      %dma_start3A_1044 = arith.constant 33 : i32
      %dma_start3A_1045 = tpu.memref_slice %arg3[%dma_start3A_1044, %mul3A_1026, %add3A_1028] : memref<66x200x16384xf32, #tpu.memory_space<hbm>> -> memref<33x8x128xf32, #tpu.memory_space<hbm>>
      %dma_start3A_1046 = arith.constant 33 : i32
      %dma_start3A_1047 = tpu.memref_slice %arg3[%dma_start3A_1046, %mul3A_1026, %add3A_1028] : memref<66x200x16384xf32, #tpu.memory_space<hbm>> -> memref<33x8x128xf32, #tpu.memory_space<hbm>>
      tpu.enqueue_dma source(%arg7 : memref<33x8x128xf32, #tpu.memory_space<vmem>>) target(%dma_start3A_1047 : memref<33x8x128xf32, #tpu.memory_space<hbm>>) target_semaphore(%arg13 : memref<!tpu.dma_semaphore, #tpu.memory_space<semaphore_mem>>)
      %mul3A_1048 = arith.constant 8 : i32
      %mul3A_1049 = arith.muli %add3A_941, %mul3A_1048 : i32
      %add3A_1050 = arith.constant 128 : i32
      %add3A_1051 = arith.addi %mul3A_2, %add3A_1050 : i32
      %mul3A_1052 = arith.constant 8 : i32
      %mul3A_1053 = arith.muli %add3A_941, %mul3A_1052 : i32
      %add3A_1054 = arith.constant 2 : i32
      %add3A_1055 = arith.addi %mul3A_1053, %add3A_1054 : i32
      %ge3A_1056 = arith.constant 2 : i32
      %ge3A_1057 = arith.cmpi sge, %add3A_1055, %ge3A_1056 : i32
      %convert_element_type3A_1058 = arith.extui %ge3A_1057 : i1 to i32
      %cond3A_1059 = arith.constant 0 : i32
      %cond3A_1060 = arith.cmpi ne, %convert_element_type3A_1058, %cond3A_1059 : i32
      scf.if %cond3A_1060 {
        %dma_wait3A_1190 = arith.constant 0 : i32
        %dma_wait3A_1191 = tpu.memref_slice %arg3[%dma_wait3A_1190, %mul3A_1049, %add3A_1051] : memref<66x200x16384xf32, #tpu.memory_space<hbm>> -> memref<33x8x128xf32, #tpu.memory_space<hbm>>
        %dma_wait3A_1192 = arith.constant 0 : i32
        %dma_wait3A_1193 = tpu.memref_slice %arg3[%dma_wait3A_1192, %mul3A_1049, %add3A_1051] : memref<66x200x16384xf32, #tpu.memory_space<hbm>> -> memref<33x8x128xf32, #tpu.memory_space<hbm>>
        tpu.wait_dma2 semaphore(%arg12 : memref<!tpu.dma_semaphore, #tpu.memory_space<semaphore_mem>>) src(%arg6 : memref<33x8x128xf32, #tpu.memory_space<vmem>>) dst(%dma_wait3A_1193 : memref<33x8x128xf32, #tpu.memory_space<hbm>>)
      } else {
      }
      %scan3A_1061 = arith.constant 0 : i32
      %scan3A_1062 = arith.constant 0 : i32
      %scan3A_1063 = arith.constant 256 : i32
      %scan3A_1064 = arith.addi %scan3A_1062, %scan3A_1063 : i32
      %scan3A_1065 = arith.constant 1 : i32
      scf.for %scan3A_1190 = %scan3A_1062 to %scan3A_1064 step %scan3A_1065  : i32 {
        %and3A = arith.constant 63 : i32
        %and3A_1191 = arith.andi %scan3A_1190, %and3A : i32
        %shift_right_logical3A = arith.constant 3 : i32
        %shift_right_logical3A_1192 = arith.shrui %and3A_1191, %shift_right_logical3A : i32
        %and3A_1193 = arith.constant 7 : i32
        %and3A_1194 = arith.andi %and3A_1191, %and3A_1193 : i32
        %add3A_1195 = vector.broadcast %shift_right_logical3A_1192 : i32 to vector<16xi32>
        %add3A_1196 = arith.addi %broadcast_in_dim3A_7, %add3A_1195 : vector<16xi32>
        %mul3A_1197 = arith.constant 16 : i32
        %mul3A_1198 = arith.muli %and3A_1194, %mul3A_1197 : i32
        %add3A_1199 = vector.broadcast %mul3A_1198 : i32 to vector<16xi32>
        %add3A_1200 = arith.addi %iota3A, %add3A_1199 : vector<16xi32>
        %mul3A_1201 = arith.constant 16 : i32
        %mul3A_1202 = arith.muli %and3A_1191, %mul3A_1201 : i32
        %get3A = arith.index_cast %mul3A_1202 : i32 to index
        %get3A_1203 = tpu.vector_load %arg8[%get3A] {strides = array<i32>} : memref<1024xi32, #tpu.memory_space<vmem>>, vector<16xi32>,
        tpu.vector_store_idx %arg6[%get3A_1203, %add3A_1196, %add3A_1200], %broadcast_in_dim3A_3 : memref<33x8x128xf32, #tpu.memory_space<vmem>>[vector<16xi32>, vector<16xi32>, vector<16xi32>], vector<16xf32>,
        %mul3A_1204 = arith.constant 16 : i32
        %mul3A_1205 = arith.muli %and3A_1194, %mul3A_1204 : i32
        %get3A_1206 = arith.constant 1 : i32
        %get3A_1207 = arith.index_cast %get3A_1206 : i32 to index
        %get3A_1208 = arith.index_cast %shift_right_logical3A_1192 : i32 to index
        %get3A_1209 = arith.index_cast %mul3A_1205 : i32 to index
        %get3A_1210 = tpu.vector_load %arg5[%get3A_1207, %get3A_1208, %get3A_1209] {strides = array<i32>} : memref<4x8x128xi32, #tpu.memory_space<vmem>>, vector<16xi32>,
        %gt3A = arith.constant 0 : i32
        %gt3A_1211 = vector.broadcast %gt3A : i32 to vector<16xi32>
        %gt3A_1212 = arith.cmpi sgt, %get3A_1210, %gt3A_1211 : vector<16xi32>
        %lt3A_1213 = arith.constant 33 : i32
        %lt3A_1214 = vector.broadcast %lt3A_1213 : i32 to vector<16xi32>
        %lt3A_1215 = arith.cmpi slt, %get3A_1210, %lt3A_1214 : vector<16xi32>
        %and3A_1216 = arith.andi %gt3A_1212, %lt3A_1215 : vector<16xi1>
        %jit3A = arith.constant 0 : i32
        %broadcast_in_dim3A_1217 = vector.broadcast %jit3A : i32 to vector<16xi32>
        %select_n3A = arith.select %and3A_1216, %get3A_1210, %broadcast_in_dim3A_1217 : vector<16xi1>, vector<16xi32>
        %mul3A_1218 = arith.constant 16 : i32
        %mul3A_1219 = arith.muli %and3A_1191, %mul3A_1218 : i32
        %swap3A_1220 = arith.index_cast %mul3A_1219 : i32 to index
        %swap3A_1221 = tpu.vector_load %arg8[%swap3A_1220] {strides = array<i32>} : memref<1024xi32, #tpu.memory_space<vmem>>, vector<16xi32>,
        tpu.vector_store %arg8[%swap3A_1220], %select_n3A {strides = array<i32>} : memref<1024xi32, #tpu.memory_space<vmem>>, vector<16xi32>,
        tpu.vector_store_idx %arg6[%select_n3A, %add3A_1196, %add3A_1200], %broadcast_in_dim3A_5 masked %and3A_1216 : memref<33x8x128xf32, #tpu.memory_space<vmem>>[vector<16xi32>, vector<16xi32>, vector<16xi32>], vector<16xf32>, vector<16xi1>
      }
      %scan3A_1066 = arith.constant 256 : i32
      %dma_start3A_1067 = arith.constant 0 : i32
      %dma_start3A_1068 = tpu.memref_slice %arg3[%dma_start3A_1067, %mul3A_1049, %add3A_1051] : memref<66x200x16384xf32, #tpu.memory_space<hbm>> -> memref<33x8x128xf32, #tpu.memory_space<hbm>>
      %dma_start3A_1069 = arith.constant 0 : i32
      %dma_start3A_1070 = tpu.memref_slice %arg3[%dma_start3A_1069, %mul3A_1049, %add3A_1051] : memref<66x200x16384xf32, #tpu.memory_space<hbm>> -> memref<33x8x128xf32, #tpu.memory_space<hbm>>
      tpu.enqueue_dma source(%arg6 : memref<33x8x128xf32, #tpu.memory_space<vmem>>) target(%dma_start3A_1070 : memref<33x8x128xf32, #tpu.memory_space<hbm>>) target_semaphore(%arg12 : memref<!tpu.dma_semaphore, #tpu.memory_space<semaphore_mem>>)
      %mul3A_1071 = arith.constant 8 : i32
      %mul3A_1072 = arith.muli %add3A_941, %mul3A_1071 : i32
      %add3A_1073 = arith.constant 128 : i32
      %add3A_1074 = arith.addi %mul3A_2, %add3A_1073 : i32
      %mul3A_1075 = arith.constant 8 : i32
      %mul3A_1076 = arith.muli %add3A_941, %mul3A_1075 : i32
      %add3A_1077 = arith.constant 3 : i32
      %add3A_1078 = arith.addi %mul3A_1076, %add3A_1077 : i32
      %ge3A_1079 = arith.constant 2 : i32
      %ge3A_1080 = arith.cmpi sge, %add3A_1078, %ge3A_1079 : i32
      %convert_element_type3A_1081 = arith.extui %ge3A_1080 : i1 to i32
      %cond3A_1082 = arith.constant 0 : i32
      %cond3A_1083 = arith.cmpi ne, %convert_element_type3A_1081, %cond3A_1082 : i32
      scf.if %cond3A_1083 {
        %dma_wait3A_1190 = arith.constant 33 : i32
        %dma_wait3A_1191 = tpu.memref_slice %arg3[%dma_wait3A_1190, %mul3A_1072, %add3A_1074] : memref<66x200x16384xf32, #tpu.memory_space<hbm>> -> memref<33x8x128xf32, #tpu.memory_space<hbm>>
        %dma_wait3A_1192 = arith.constant 33 : i32
        %dma_wait3A_1193 = tpu.memref_slice %arg3[%dma_wait3A_1192, %mul3A_1072, %add3A_1074] : memref<66x200x16384xf32, #tpu.memory_space<hbm>> -> memref<33x8x128xf32, #tpu.memory_space<hbm>>
        tpu.wait_dma2 semaphore(%arg13 : memref<!tpu.dma_semaphore, #tpu.memory_space<semaphore_mem>>) src(%arg7 : memref<33x8x128xf32, #tpu.memory_space<vmem>>) dst(%dma_wait3A_1193 : memref<33x8x128xf32, #tpu.memory_space<hbm>>)
      } else {
      }
      %scan3A_1084 = arith.constant 0 : i32
      %scan3A_1085 = arith.constant 0 : i32
      %scan3A_1086 = arith.constant 256 : i32
      %scan3A_1087 = arith.addi %scan3A_1085, %scan3A_1086 : i32
      %scan3A_1088 = arith.constant 1 : i32
      scf.for %scan3A_1190 = %scan3A_1085 to %scan3A_1087 step %scan3A_1088  : i32 {
        %and3A = arith.constant 63 : i32
        %and3A_1191 = arith.andi %scan3A_1190, %and3A : i32
        %shift_right_logical3A = arith.constant 3 : i32
        %shift_right_logical3A_1192 = arith.shrui %and3A_1191, %shift_right_logical3A : i32
        %and3A_1193 = arith.constant 7 : i32
        %and3A_1194 = arith.andi %and3A_1191, %and3A_1193 : i32
        %add3A_1195 = vector.broadcast %shift_right_logical3A_1192 : i32 to vector<16xi32>
        %add3A_1196 = arith.addi %broadcast_in_dim3A_7, %add3A_1195 : vector<16xi32>
        %mul3A_1197 = arith.constant 16 : i32
        %mul3A_1198 = arith.muli %and3A_1194, %mul3A_1197 : i32
        %add3A_1199 = vector.broadcast %mul3A_1198 : i32 to vector<16xi32>
        %add3A_1200 = arith.addi %iota3A, %add3A_1199 : vector<16xi32>
        %mul3A_1201 = arith.constant 16 : i32
        %mul3A_1202 = arith.muli %and3A_1191, %mul3A_1201 : i32
        %get3A = arith.index_cast %mul3A_1202 : i32 to index
        %get3A_1203 = tpu.vector_load %arg9[%get3A] {strides = array<i32>} : memref<1024xi32, #tpu.memory_space<vmem>>, vector<16xi32>,
        tpu.vector_store_idx %arg7[%get3A_1203, %add3A_1196, %add3A_1200], %broadcast_in_dim3A_3 : memref<33x8x128xf32, #tpu.memory_space<vmem>>[vector<16xi32>, vector<16xi32>, vector<16xi32>], vector<16xf32>,
        %mul3A_1204 = arith.constant 16 : i32
        %mul3A_1205 = arith.muli %and3A_1194, %mul3A_1204 : i32
        %get3A_1206 = arith.constant 1 : i32
        %get3A_1207 = arith.index_cast %get3A_1206 : i32 to index
        %get3A_1208 = arith.index_cast %shift_right_logical3A_1192 : i32 to index
        %get3A_1209 = arith.index_cast %mul3A_1205 : i32 to index
        %get3A_1210 = tpu.vector_load %arg5[%get3A_1207, %get3A_1208, %get3A_1209] {strides = array<i32>} : memref<4x8x128xi32, #tpu.memory_space<vmem>>, vector<16xi32>,
        %ge3A_1211 = arith.constant 33 : i32
        %ge3A_1212 = vector.broadcast %ge3A_1211 : i32 to vector<16xi32>
        %ge3A_1213 = arith.cmpi sge, %get3A_1210, %ge3A_1212 : vector<16xi32>
        %sub3A = arith.constant 33 : i32
        %sub3A_1214 = vector.broadcast %sub3A : i32 to vector<16xi32>
        %sub3A_1215 = arith.subi %get3A_1210, %sub3A_1214 : vector<16xi32>
        %jit3A = arith.constant 0 : i32
        %broadcast_in_dim3A_1216 = vector.broadcast %jit3A : i32 to vector<16xi32>
        %select_n3A = arith.select %ge3A_1213, %sub3A_1215, %broadcast_in_dim3A_1216 : vector<16xi1>, vector<16xi32>
        %mul3A_1217 = arith.constant 16 : i32
        %mul3A_1218 = arith.muli %and3A_1191, %mul3A_1217 : i32
        %swap3A_1219 = arith.index_cast %mul3A_1218 : i32 to index
        %swap3A_1220 = tpu.vector_load %arg9[%swap3A_1219] {strides = array<i32>} : memref<1024xi32, #tpu.memory_space<vmem>>, vector<16xi32>,
        tpu.vector_store %arg9[%swap3A_1219], %select_n3A {strides = array<i32>} : memref<1024xi32, #tpu.memory_space<vmem>>, vector<16xi32>,
        tpu.vector_store_idx %arg7[%select_n3A, %add3A_1196, %add3A_1200], %broadcast_in_dim3A_5 masked %ge3A_1213 : memref<33x8x128xf32, #tpu.memory_space<vmem>>[vector<16xi32>, vector<16xi32>, vector<16xi32>], vector<16xf32>, vector<16xi1>
      }
      %scan3A_1089 = arith.constant 256 : i32
      %dma_start3A_1090 = arith.constant 33 : i32
      %dma_start3A_1091 = tpu.memref_slice %arg3[%dma_start3A_1090, %mul3A_1072, %add3A_1074] : memref<66x200x16384xf32, #tpu.memory_space<hbm>> -> memref<33x8x128xf32, #tpu.memory_space<hbm>>
      %dma_start3A_1092 = arith.constant 33 : i32
      %dma_start3A_1093 = tpu.memref_slice %arg3[%dma_start3A_1092, %mul3A_1072, %add3A_1074] : memref<66x200x16384xf32, #tpu.memory_space<hbm>> -> memref<33x8x128xf32, #tpu.memory_space<hbm>>
      tpu.enqueue_dma source(%arg7 : memref<33x8x128xf32, #tpu.memory_space<vmem>>) target(%dma_start3A_1093 : memref<33x8x128xf32, #tpu.memory_space<hbm>>) target_semaphore(%arg13 : memref<!tpu.dma_semaphore, #tpu.memory_space<semaphore_mem>>)
      %mul3A_1094 = arith.constant 8 : i32
      %mul3A_1095 = arith.muli %add3A_941, %mul3A_1094 : i32
      %add3A_1096 = arith.constant 256 : i32
      %add3A_1097 = arith.addi %mul3A_2, %add3A_1096 : i32
      %mul3A_1098 = arith.constant 8 : i32
      %mul3A_1099 = arith.muli %add3A_941, %mul3A_1098 : i32
      %add3A_1100 = arith.constant 4 : i32
      %add3A_1101 = arith.addi %mul3A_1099, %add3A_1100 : i32
      %ge3A_1102 = arith.constant 2 : i32
      %ge3A_1103 = arith.cmpi sge, %add3A_1101, %ge3A_1102 : i32
      %convert_element_type3A_1104 = arith.extui %ge3A_1103 : i1 to i32
      %cond3A_1105 = arith.constant 0 : i32
      %cond3A_1106 = arith.cmpi ne, %convert_element_type3A_1104, %cond3A_1105 : i32
      scf.if %cond3A_1106 {
        %dma_wait3A_1190 = arith.constant 0 : i32
        %dma_wait3A_1191 = tpu.memref_slice %arg3[%dma_wait3A_1190, %mul3A_1095, %add3A_1097] : memref<66x200x16384xf32, #tpu.memory_space<hbm>> -> memref<33x8x128xf32, #tpu.memory_space<hbm>>
        %dma_wait3A_1192 = arith.constant 0 : i32
        %dma_wait3A_1193 = tpu.memref_slice %arg3[%dma_wait3A_1192, %mul3A_1095, %add3A_1097] : memref<66x200x16384xf32, #tpu.memory_space<hbm>> -> memref<33x8x128xf32, #tpu.memory_space<hbm>>
        tpu.wait_dma2 semaphore(%arg12 : memref<!tpu.dma_semaphore, #tpu.memory_space<semaphore_mem>>) src(%arg6 : memref<33x8x128xf32, #tpu.memory_space<vmem>>) dst(%dma_wait3A_1193 : memref<33x8x128xf32, #tpu.memory_space<hbm>>)
      } else {
      }
      %scan3A_1107 = arith.constant 0 : i32
      %scan3A_1108 = arith.constant 0 : i32
      %scan3A_1109 = arith.constant 256 : i32
      %scan3A_1110 = arith.addi %scan3A_1108, %scan3A_1109 : i32
      %scan3A_1111 = arith.constant 1 : i32
      scf.for %scan3A_1190 = %scan3A_1108 to %scan3A_1110 step %scan3A_1111  : i32 {
        %and3A = arith.constant 63 : i32
        %and3A_1191 = arith.andi %scan3A_1190, %and3A : i32
        %shift_right_logical3A = arith.constant 3 : i32
        %shift_right_logical3A_1192 = arith.shrui %and3A_1191, %shift_right_logical3A : i32
        %and3A_1193 = arith.constant 7 : i32
        %and3A_1194 = arith.andi %and3A_1191, %and3A_1193 : i32
        %add3A_1195 = vector.broadcast %shift_right_logical3A_1192 : i32 to vector<16xi32>
        %add3A_1196 = arith.addi %broadcast_in_dim3A_7, %add3A_1195 : vector<16xi32>
        %mul3A_1197 = arith.constant 16 : i32
        %mul3A_1198 = arith.muli %and3A_1194, %mul3A_1197 : i32
        %add3A_1199 = vector.broadcast %mul3A_1198 : i32 to vector<16xi32>
        %add3A_1200 = arith.addi %iota3A, %add3A_1199 : vector<16xi32>
        %mul3A_1201 = arith.constant 16 : i32
        %mul3A_1202 = arith.muli %and3A_1191, %mul3A_1201 : i32
        %get3A = arith.index_cast %mul3A_1202 : i32 to index
        %get3A_1203 = tpu.vector_load %arg8[%get3A] {strides = array<i32>} : memref<1024xi32, #tpu.memory_space<vmem>>, vector<16xi32>,
        tpu.vector_store_idx %arg6[%get3A_1203, %add3A_1196, %add3A_1200], %broadcast_in_dim3A_3 : memref<33x8x128xf32, #tpu.memory_space<vmem>>[vector<16xi32>, vector<16xi32>, vector<16xi32>], vector<16xf32>,
        %mul3A_1204 = arith.constant 16 : i32
        %mul3A_1205 = arith.muli %and3A_1194, %mul3A_1204 : i32
        %get3A_1206 = arith.constant 2 : i32
        %get3A_1207 = arith.index_cast %get3A_1206 : i32 to index
        %get3A_1208 = arith.index_cast %shift_right_logical3A_1192 : i32 to index
        %get3A_1209 = arith.index_cast %mul3A_1205 : i32 to index
        %get3A_1210 = tpu.vector_load %arg5[%get3A_1207, %get3A_1208, %get3A_1209] {strides = array<i32>} : memref<4x8x128xi32, #tpu.memory_space<vmem>>, vector<16xi32>,
        %gt3A = arith.constant 0 : i32
        %gt3A_1211 = vector.broadcast %gt3A : i32 to vector<16xi32>
        %gt3A_1212 = arith.cmpi sgt, %get3A_1210, %gt3A_1211 : vector<16xi32>
        %lt3A_1213 = arith.constant 33 : i32
        %lt3A_1214 = vector.broadcast %lt3A_1213 : i32 to vector<16xi32>
        %lt3A_1215 = arith.cmpi slt, %get3A_1210, %lt3A_1214 : vector<16xi32>
        %and3A_1216 = arith.andi %gt3A_1212, %lt3A_1215 : vector<16xi1>
        %jit3A = arith.constant 0 : i32
        %broadcast_in_dim3A_1217 = vector.broadcast %jit3A : i32 to vector<16xi32>
        %select_n3A = arith.select %and3A_1216, %get3A_1210, %broadcast_in_dim3A_1217 : vector<16xi1>, vector<16xi32>
        %mul3A_1218 = arith.constant 16 : i32
        %mul3A_1219 = arith.muli %and3A_1191, %mul3A_1218 : i32
        %swap3A_1220 = arith.index_cast %mul3A_1219 : i32 to index
        %swap3A_1221 = tpu.vector_load %arg8[%swap3A_1220] {strides = array<i32>} : memref<1024xi32, #tpu.memory_space<vmem>>, vector<16xi32>,
        tpu.vector_store %arg8[%swap3A_1220], %select_n3A {strides = array<i32>} : memref<1024xi32, #tpu.memory_space<vmem>>, vector<16xi32>,
        tpu.vector_store_idx %arg6[%select_n3A, %add3A_1196, %add3A_1200], %broadcast_in_dim3A_5 masked %and3A_1216 : memref<33x8x128xf32, #tpu.memory_space<vmem>>[vector<16xi32>, vector<16xi32>, vector<16xi32>], vector<16xf32>, vector<16xi1>
      }
      %scan3A_1112 = arith.constant 256 : i32
      %dma_start3A_1113 = arith.constant 0 : i32
      %dma_start3A_1114 = tpu.memref_slice %arg3[%dma_start3A_1113, %mul3A_1095, %add3A_1097] : memref<66x200x16384xf32, #tpu.memory_space<hbm>> -> memref<33x8x128xf32, #tpu.memory_space<hbm>>
      %dma_start3A_1115 = arith.constant 0 : i32
      %dma_start3A_1116 = tpu.memref_slice %arg3[%dma_start3A_1115, %mul3A_1095, %add3A_1097] : memref<66x200x16384xf32, #tpu.memory_space<hbm>> -> memref<33x8x128xf32, #tpu.memory_space<hbm>>
      tpu.enqueue_dma source(%arg6 : memref<33x8x128xf32, #tpu.memory_space<vmem>>) target(%dma_start3A_1116 : memref<33x8x128xf32, #tpu.memory_space<hbm>>) target_semaphore(%arg12 : memref<!tpu.dma_semaphore, #tpu.memory_space<semaphore_mem>>)
      %mul3A_1117 = arith.constant 8 : i32
      %mul3A_1118 = arith.muli %add3A_941, %mul3A_1117 : i32
      %add3A_1119 = arith.constant 256 : i32
      %add3A_1120 = arith.addi %mul3A_2, %add3A_1119 : i32
      %mul3A_1121 = arith.constant 8 : i32
      %mul3A_1122 = arith.muli %add3A_941, %mul3A_1121 : i32
      %add3A_1123 = arith.constant 5 : i32
      %add3A_1124 = arith.addi %mul3A_1122, %add3A_1123 : i32
      %ge3A_1125 = arith.constant 2 : i32
      %ge3A_1126 = arith.cmpi sge, %add3A_1124, %ge3A_1125 : i32
      %convert_element_type3A_1127 = arith.extui %ge3A_1126 : i1 to i32
      %cond3A_1128 = arith.constant 0 : i32
      %cond3A_1129 = arith.cmpi ne, %convert_element_type3A_1127, %cond3A_1128 : i32
      scf.if %cond3A_1129 {
        %dma_wait3A_1190 = arith.constant 33 : i32
        %dma_wait3A_1191 = tpu.memref_slice %arg3[%dma_wait3A_1190, %mul3A_1118, %add3A_1120] : memref<66x200x16384xf32, #tpu.memory_space<hbm>> -> memref<33x8x128xf32, #tpu.memory_space<hbm>>
        %dma_wait3A_1192 = arith.constant 33 : i32
        %dma_wait3A_1193 = tpu.memref_slice %arg3[%dma_wait3A_1192, %mul3A_1118, %add3A_1120] : memref<66x200x16384xf32, #tpu.memory_space<hbm>> -> memref<33x8x128xf32, #tpu.memory_space<hbm>>
        tpu.wait_dma2 semaphore(%arg13 : memref<!tpu.dma_semaphore, #tpu.memory_space<semaphore_mem>>) src(%arg7 : memref<33x8x128xf32, #tpu.memory_space<vmem>>) dst(%dma_wait3A_1193 : memref<33x8x128xf32, #tpu.memory_space<hbm>>)
      } else {
      }
      %scan3A_1130 = arith.constant 0 : i32
      %scan3A_1131 = arith.constant 0 : i32
      %scan3A_1132 = arith.constant 256 : i32
      %scan3A_1133 = arith.addi %scan3A_1131, %scan3A_1132 : i32
      %scan3A_1134 = arith.constant 1 : i32
      scf.for %scan3A_1190 = %scan3A_1131 to %scan3A_1133 step %scan3A_1134  : i32 {
        %and3A = arith.constant 63 : i32
        %and3A_1191 = arith.andi %scan3A_1190, %and3A : i32
        %shift_right_logical3A = arith.constant 3 : i32
        %shift_right_logical3A_1192 = arith.shrui %and3A_1191, %shift_right_logical3A : i32
        %and3A_1193 = arith.constant 7 : i32
        %and3A_1194 = arith.andi %and3A_1191, %and3A_1193 : i32
        %add3A_1195 = vector.broadcast %shift_right_logical3A_1192 : i32 to vector<16xi32>
        %add3A_1196 = arith.addi %broadcast_in_dim3A_7, %add3A_1195 : vector<16xi32>
        %mul3A_1197 = arith.constant 16 : i32
        %mul3A_1198 = arith.muli %and3A_1194, %mul3A_1197 : i32
        %add3A_1199 = vector.broadcast %mul3A_1198 : i32 to vector<16xi32>
        %add3A_1200 = arith.addi %iota3A, %add3A_1199 : vector<16xi32>
        %mul3A_1201 = arith.constant 16 : i32
        %mul3A_1202 = arith.muli %and3A_1191, %mul3A_1201 : i32
        %get3A = arith.index_cast %mul3A_1202 : i32 to index
        %get3A_1203 = tpu.vector_load %arg9[%get3A] {strides = array<i32>} : memref<1024xi32, #tpu.memory_space<vmem>>, vector<16xi32>,
        tpu.vector_store_idx %arg7[%get3A_1203, %add3A_1196, %add3A_1200], %broadcast_in_dim3A_3 : memref<33x8x128xf32, #tpu.memory_space<vmem>>[vector<16xi32>, vector<16xi32>, vector<16xi32>], vector<16xf32>,
        %mul3A_1204 = arith.constant 16 : i32
        %mul3A_1205 = arith.muli %and3A_1194, %mul3A_1204 : i32
        %get3A_1206 = arith.constant 2 : i32
        %get3A_1207 = arith.index_cast %get3A_1206 : i32 to index
        %get3A_1208 = arith.index_cast %shift_right_logical3A_1192 : i32 to index
        %get3A_1209 = arith.index_cast %mul3A_1205 : i32 to index
        %get3A_1210 = tpu.vector_load %arg5[%get3A_1207, %get3A_1208, %get3A_1209] {strides = array<i32>} : memref<4x8x128xi32, #tpu.memory_space<vmem>>, vector<16xi32>,
        %ge3A_1211 = arith.constant 33 : i32
        %ge3A_1212 = vector.broadcast %ge3A_1211 : i32 to vector<16xi32>
        %ge3A_1213 = arith.cmpi sge, %get3A_1210, %ge3A_1212 : vector<16xi32>
        %sub3A = arith.constant 33 : i32
        %sub3A_1214 = vector.broadcast %sub3A : i32 to vector<16xi32>
        %sub3A_1215 = arith.subi %get3A_1210, %sub3A_1214 : vector<16xi32>
        %jit3A = arith.constant 0 : i32
        %broadcast_in_dim3A_1216 = vector.broadcast %jit3A : i32 to vector<16xi32>
        %select_n3A = arith.select %ge3A_1213, %sub3A_1215, %broadcast_in_dim3A_1216 : vector<16xi1>, vector<16xi32>
        %mul3A_1217 = arith.constant 16 : i32
        %mul3A_1218 = arith.muli %and3A_1191, %mul3A_1217 : i32
        %swap3A_1219 = arith.index_cast %mul3A_1218 : i32 to index
        %swap3A_1220 = tpu.vector_load %arg9[%swap3A_1219] {strides = array<i32>} : memref<1024xi32, #tpu.memory_space<vmem>>, vector<16xi32>,
        tpu.vector_store %arg9[%swap3A_1219], %select_n3A {strides = array<i32>} : memref<1024xi32, #tpu.memory_space<vmem>>, vector<16xi32>,
        tpu.vector_store_idx %arg7[%select_n3A, %add3A_1196, %add3A_1200], %broadcast_in_dim3A_5 masked %ge3A_1213 : memref<33x8x128xf32, #tpu.memory_space<vmem>>[vector<16xi32>, vector<16xi32>, vector<16xi32>], vector<16xf32>, vector<16xi1>
      }
      %scan3A_1135 = arith.constant 256 : i32
      %dma_start3A_1136 = arith.constant 33 : i32
      %dma_start3A_1137 = tpu.memref_slice %arg3[%dma_start3A_1136, %mul3A_1118, %add3A_1120] : memref<66x200x16384xf32, #tpu.memory_space<hbm>> -> memref<33x8x128xf32, #tpu.memory_space<hbm>>
      %dma_start3A_1138 = arith.constant 33 : i32
      %dma_start3A_1139 = tpu.memref_slice %arg3[%dma_start3A_1138, %mul3A_1118, %add3A_1120] : memref<66x200x16384xf32, #tpu.memory_space<hbm>> -> memref<33x8x128xf32, #tpu.memory_space<hbm>>
      tpu.enqueue_dma source(%arg7 : memref<33x8x128xf32, #tpu.memory_space<vmem>>) target(%dma_start3A_1139 : memref<33x8x128xf32, #tpu.memory_space<hbm>>) target_semaphore(%arg13 : memref<!tpu.dma_semaphore, #tpu.memory_space<semaphore_mem>>)
      %mul3A_1140 = arith.constant 8 : i32
      %mul3A_1141 = arith.muli %add3A_941, %mul3A_1140 : i32
      %add3A_1142 = arith.constant 384 : i32
      %add3A_1143 = arith.addi %mul3A_2, %add3A_1142 : i32
      %mul3A_1144 = arith.constant 8 : i32
      %mul3A_1145 = arith.muli %add3A_941, %mul3A_1144 : i32
      %add3A_1146 = arith.constant 6 : i32
      %add3A_1147 = arith.addi %mul3A_1145, %add3A_1146 : i32
      %ge3A_1148 = arith.constant 2 : i32
      %ge3A_1149 = arith.cmpi sge, %add3A_1147, %ge3A_1148 : i32
      %convert_element_type3A_1150 = arith.extui %ge3A_1149 : i1 to i32
      %cond3A_1151 = arith.constant 0 : i32
      %cond3A_1152 = arith.cmpi ne, %convert_element_type3A_1150, %cond3A_1151 : i32
      scf.if %cond3A_1152 {
        %dma_wait3A_1190 = arith.constant 0 : i32
        %dma_wait3A_1191 = tpu.memref_slice %arg3[%dma_wait3A_1190, %mul3A_1141, %add3A_1143] : memref<66x200x16384xf32, #tpu.memory_space<hbm>> -> memref<33x8x128xf32, #tpu.memory_space<hbm>>
        %dma_wait3A_1192 = arith.constant 0 : i32
        %dma_wait3A_1193 = tpu.memref_slice %arg3[%dma_wait3A_1192, %mul3A_1141, %add3A_1143] : memref<66x200x16384xf32, #tpu.memory_space<hbm>> -> memref<33x8x128xf32, #tpu.memory_space<hbm>>
        tpu.wait_dma2 semaphore(%arg12 : memref<!tpu.dma_semaphore, #tpu.memory_space<semaphore_mem>>) src(%arg6 : memref<33x8x128xf32, #tpu.memory_space<vmem>>) dst(%dma_wait3A_1193 : memref<33x8x128xf32, #tpu.memory_space<hbm>>)
      } else {
      }
      %scan3A_1153 = arith.constant 0 : i32
      %scan3A_1154 = arith.constant 0 : i32
      %scan3A_1155 = arith.constant 256 : i32
      %scan3A_1156 = arith.addi %scan3A_1154, %scan3A_1155 : i32
      %scan3A_1157 = arith.constant 1 : i32
      scf.for %scan3A_1190 = %scan3A_1154 to %scan3A_1156 step %scan3A_1157  : i32 {
        %and3A = arith.constant 63 : i32
        %and3A_1191 = arith.andi %scan3A_1190, %and3A : i32
        %shift_right_logical3A = arith.constant 3 : i32
        %shift_right_logical3A_1192 = arith.shrui %and3A_1191, %shift_right_logical3A : i32
        %and3A_1193 = arith.constant 7 : i32
        %and3A_1194 = arith.andi %and3A_1191, %and3A_1193 : i32
        %add3A_1195 = vector.broadcast %shift_right_logical3A_1192 : i32 to vector<16xi32>
        %add3A_1196 = arith.addi %broadcast_in_dim3A_7, %add3A_1195 : vector<16xi32>
        %mul3A_1197 = arith.constant 16 : i32
        %mul3A_1198 = arith.muli %and3A_1194, %mul3A_1197 : i32
        %add3A_1199 = vector.broadcast %mul3A_1198 : i32 to vector<16xi32>
        %add3A_1200 = arith.addi %iota3A, %add3A_1199 : vector<16xi32>
        %mul3A_1201 = arith.constant 16 : i32
        %mul3A_1202 = arith.muli %and3A_1191, %mul3A_1201 : i32
        %get3A = arith.index_cast %mul3A_1202 : i32 to index
        %get3A_1203 = tpu.vector_load %arg8[%get3A] {strides = array<i32>} : memref<1024xi32, #tpu.memory_space<vmem>>, vector<16xi32>,
        tpu.vector_store_idx %arg6[%get3A_1203, %add3A_1196, %add3A_1200], %broadcast_in_dim3A_3 : memref<33x8x128xf32, #tpu.memory_space<vmem>>[vector<16xi32>, vector<16xi32>, vector<16xi32>], vector<16xf32>,
        %mul3A_1204 = arith.constant 16 : i32
        %mul3A_1205 = arith.muli %and3A_1194, %mul3A_1204 : i32
        %get3A_1206 = arith.constant 3 : i32
        %get3A_1207 = arith.index_cast %get3A_1206 : i32 to index
        %get3A_1208 = arith.index_cast %shift_right_logical3A_1192 : i32 to index
        %get3A_1209 = arith.index_cast %mul3A_1205 : i32 to index
        %get3A_1210 = tpu.vector_load %arg5[%get3A_1207, %get3A_1208, %get3A_1209] {strides = array<i32>} : memref<4x8x128xi32, #tpu.memory_space<vmem>>, vector<16xi32>,
        %gt3A = arith.constant 0 : i32
        %gt3A_1211 = vector.broadcast %gt3A : i32 to vector<16xi32>
        %gt3A_1212 = arith.cmpi sgt, %get3A_1210, %gt3A_1211 : vector<16xi32>
        %lt3A_1213 = arith.constant 33 : i32
        %lt3A_1214 = vector.broadcast %lt3A_1213 : i32 to vector<16xi32>
        %lt3A_1215 = arith.cmpi slt, %get3A_1210, %lt3A_1214 : vector<16xi32>
        %and3A_1216 = arith.andi %gt3A_1212, %lt3A_1215 : vector<16xi1>
        %jit3A = arith.constant 0 : i32
        %broadcast_in_dim3A_1217 = vector.broadcast %jit3A : i32 to vector<16xi32>
        %select_n3A = arith.select %and3A_1216, %get3A_1210, %broadcast_in_dim3A_1217 : vector<16xi1>, vector<16xi32>
        %mul3A_1218 = arith.constant 16 : i32
        %mul3A_1219 = arith.muli %and3A_1191, %mul3A_1218 : i32
        %swap3A_1220 = arith.index_cast %mul3A_1219 : i32 to index
        %swap3A_1221 = tpu.vector_load %arg8[%swap3A_1220] {strides = array<i32>} : memref<1024xi32, #tpu.memory_space<vmem>>, vector<16xi32>,
        tpu.vector_store %arg8[%swap3A_1220], %select_n3A {strides = array<i32>} : memref<1024xi32, #tpu.memory_space<vmem>>, vector<16xi32>,
        tpu.vector_store_idx %arg6[%select_n3A, %add3A_1196, %add3A_1200], %broadcast_in_dim3A_5 masked %and3A_1216 : memref<33x8x128xf32, #tpu.memory_space<vmem>>[vector<16xi32>, vector<16xi32>, vector<16xi32>], vector<16xf32>, vector<16xi1>
      }
      %scan3A_1158 = arith.constant 256 : i32
      %dma_start3A_1159 = arith.constant 0 : i32
      %dma_start3A_1160 = tpu.memref_slice %arg3[%dma_start3A_1159, %mul3A_1141, %add3A_1143] : memref<66x200x16384xf32, #tpu.memory_space<hbm>> -> memref<33x8x128xf32, #tpu.memory_space<hbm>>
      %dma_start3A_1161 = arith.constant 0 : i32
      %dma_start3A_1162 = tpu.memref_slice %arg3[%dma_start3A_1161, %mul3A_1141, %add3A_1143] : memref<66x200x16384xf32, #tpu.memory_space<hbm>> -> memref<33x8x128xf32, #tpu.memory_space<hbm>>
      tpu.enqueue_dma source(%arg6 : memref<33x8x128xf32, #tpu.memory_space<vmem>>) target(%dma_start3A_1162 : memref<33x8x128xf32, #tpu.memory_space<hbm>>) target_semaphore(%arg12 : memref<!tpu.dma_semaphore, #tpu.memory_space<semaphore_mem>>)
      %mul3A_1163 = arith.constant 8 : i32
      %mul3A_1164 = arith.muli %add3A_941, %mul3A_1163 : i32
      %add3A_1165 = arith.constant 384 : i32
      %add3A_1166 = arith.addi %mul3A_2, %add3A_1165 : i32
      %mul3A_1167 = arith.constant 8 : i32
      %mul3A_1168 = arith.muli %add3A_941, %mul3A_1167 : i32
      %add3A_1169 = arith.constant 7 : i32
      %add3A_1170 = arith.addi %mul3A_1168, %add3A_1169 : i32
      %ge3A_1171 = arith.constant 2 : i32
      %ge3A_1172 = arith.cmpi sge, %add3A_1170, %ge3A_1171 : i32
      %convert_element_type3A_1173 = arith.extui %ge3A_1172 : i1 to i32
      %cond3A_1174 = arith.constant 0 : i32
      %cond3A_1175 = arith.cmpi ne, %convert_element_type3A_1173, %cond3A_1174 : i32
      scf.if %cond3A_1175 {
        %dma_wait3A_1190 = arith.constant 33 : i32
        %dma_wait3A_1191 = tpu.memref_slice %arg3[%dma_wait3A_1190, %mul3A_1164, %add3A_1166] : memref<66x200x16384xf32, #tpu.memory_space<hbm>> -> memref<33x8x128xf32, #tpu.memory_space<hbm>>
        %dma_wait3A_1192 = arith.constant 33 : i32
        %dma_wait3A_1193 = tpu.memref_slice %arg3[%dma_wait3A_1192, %mul3A_1164, %add3A_1166] : memref<66x200x16384xf32, #tpu.memory_space<hbm>> -> memref<33x8x128xf32, #tpu.memory_space<hbm>>
        tpu.wait_dma2 semaphore(%arg13 : memref<!tpu.dma_semaphore, #tpu.memory_space<semaphore_mem>>) src(%arg7 : memref<33x8x128xf32, #tpu.memory_space<vmem>>) dst(%dma_wait3A_1193 : memref<33x8x128xf32, #tpu.memory_space<hbm>>)
      } else {
      }
      %scan3A_1176 = arith.constant 0 : i32
      %scan3A_1177 = arith.constant 0 : i32
      %scan3A_1178 = arith.constant 256 : i32
      %scan3A_1179 = arith.addi %scan3A_1177, %scan3A_1178 : i32
      %scan3A_1180 = arith.constant 1 : i32
      scf.for %scan3A_1190 = %scan3A_1177 to %scan3A_1179 step %scan3A_1180  : i32 {
        %and3A = arith.constant 63 : i32
        %and3A_1191 = arith.andi %scan3A_1190, %and3A : i32
        %shift_right_logical3A = arith.constant 3 : i32
        %shift_right_logical3A_1192 = arith.shrui %and3A_1191, %shift_right_logical3A : i32
        %and3A_1193 = arith.constant 7 : i32
        %and3A_1194 = arith.andi %and3A_1191, %and3A_1193 : i32
        %add3A_1195 = vector.broadcast %shift_right_logical3A_1192 : i32 to vector<16xi32>
        %add3A_1196 = arith.addi %broadcast_in_dim3A_7, %add3A_1195 : vector<16xi32>
        %mul3A_1197 = arith.constant 16 : i32
        %mul3A_1198 = arith.muli %and3A_1194, %mul3A_1197 : i32
        %add3A_1199 = vector.broadcast %mul3A_1198 : i32 to vector<16xi32>
        %add3A_1200 = arith.addi %iota3A, %add3A_1199 : vector<16xi32>
        %mul3A_1201 = arith.constant 16 : i32
        %mul3A_1202 = arith.muli %and3A_1191, %mul3A_1201 : i32
        %get3A = arith.index_cast %mul3A_1202 : i32 to index
        %get3A_1203 = tpu.vector_load %arg9[%get3A] {strides = array<i32>} : memref<1024xi32, #tpu.memory_space<vmem>>, vector<16xi32>,
        tpu.vector_store_idx %arg7[%get3A_1203, %add3A_1196, %add3A_1200], %broadcast_in_dim3A_3 : memref<33x8x128xf32, #tpu.memory_space<vmem>>[vector<16xi32>, vector<16xi32>, vector<16xi32>], vector<16xf32>,
        %mul3A_1204 = arith.constant 16 : i32
        %mul3A_1205 = arith.muli %and3A_1194, %mul3A_1204 : i32
        %get3A_1206 = arith.constant 3 : i32
        %get3A_1207 = arith.index_cast %get3A_1206 : i32 to index
        %get3A_1208 = arith.index_cast %shift_right_logical3A_1192 : i32 to index
        %get3A_1209 = arith.index_cast %mul3A_1205 : i32 to index
        %get3A_1210 = tpu.vector_load %arg5[%get3A_1207, %get3A_1208, %get3A_1209] {strides = array<i32>} : memref<4x8x128xi32, #tpu.memory_space<vmem>>, vector<16xi32>,
        %ge3A_1211 = arith.constant 33 : i32
        %ge3A_1212 = vector.broadcast %ge3A_1211 : i32 to vector<16xi32>
        %ge3A_1213 = arith.cmpi sge, %get3A_1210, %ge3A_1212 : vector<16xi32>
        %sub3A = arith.constant 33 : i32
        %sub3A_1214 = vector.broadcast %sub3A : i32 to vector<16xi32>
        %sub3A_1215 = arith.subi %get3A_1210, %sub3A_1214 : vector<16xi32>
        %jit3A = arith.constant 0 : i32
        %broadcast_in_dim3A_1216 = vector.broadcast %jit3A : i32 to vector<16xi32>
        %select_n3A = arith.select %ge3A_1213, %sub3A_1215, %broadcast_in_dim3A_1216 : vector<16xi1>, vector<16xi32>
        %mul3A_1217 = arith.constant 16 : i32
        %mul3A_1218 = arith.muli %and3A_1191, %mul3A_1217 : i32
        %swap3A_1219 = arith.index_cast %mul3A_1218 : i32 to index
        %swap3A_1220 = tpu.vector_load %arg9[%swap3A_1219] {strides = array<i32>} : memref<1024xi32, #tpu.memory_space<vmem>>, vector<16xi32>,
        tpu.vector_store %arg9[%swap3A_1219], %select_n3A {strides = array<i32>} : memref<1024xi32, #tpu.memory_space<vmem>>, vector<16xi32>,
        tpu.vector_store_idx %arg7[%select_n3A, %add3A_1196, %add3A_1200], %broadcast_in_dim3A_5 masked %ge3A_1213 : memref<33x8x128xf32, #tpu.memory_space<vmem>>[vector<16xi32>, vector<16xi32>, vector<16xi32>], vector<16xf32>, vector<16xi1>
      }
      %scan3A_1181 = arith.constant 256 : i32
      %dma_start3A_1182 = arith.constant 33 : i32
      %dma_start3A_1183 = tpu.memref_slice %arg3[%dma_start3A_1182, %mul3A_1164, %add3A_1166] : memref<66x200x16384xf32, #tpu.memory_space<hbm>> -> memref<33x8x128xf32, #tpu.memory_space<hbm>>
      %dma_start3A_1184 = arith.constant 33 : i32
      %dma_start3A_1185 = tpu.memref_slice %arg3[%dma_start3A_1184, %mul3A_1164, %add3A_1166] : memref<66x200x16384xf32, #tpu.memory_space<hbm>> -> memref<33x8x128xf32, #tpu.memory_space<hbm>>
      tpu.enqueue_dma source(%arg7 : memref<33x8x128xf32, #tpu.memory_space<vmem>>) target(%dma_start3A_1185 : memref<33x8x128xf32, #tpu.memory_space<hbm>>) target_semaphore(%arg13 : memref<!tpu.dma_semaphore, #tpu.memory_space<semaphore_mem>>)
      %lt3A = arith.constant 11 : i32
      %lt3A_1186 = arith.cmpi slt, %scan3A_634, %lt3A : i32
      %convert_element_type3A_1187 = arith.extui %lt3A_1186 : i1 to i32
      %cond3A_1188 = arith.constant 0 : i32
      %cond3A_1189 = arith.cmpi ne, %convert_element_type3A_1187, %cond3A_1188 : i32
      scf.if %cond3A_1189 {
        %add3A_1190 = arith.constant 3 : i32
        %add3A_1191 = arith.addi %mul3A_636, %add3A_1190 : i32
        %mul3A_1192 = arith.constant 8 : i32
        %mul3A_1193 = arith.muli %add3A_1191, %mul3A_1192 : i32
        %add3A_1194 = arith.constant 0 : i32
        %add3A_1195 = arith.addi %mul3A_2, %add3A_1194 : i32
        %dma_start3A_1196 = arith.constant 0 : i32
        %dma_start3A_1197 = arith.constant 0 : i32
        %dma_start3A_1198 = arith.constant 0 : i32
        %dma_start3A_1199 = tpu.memref_slice %arg5[%dma_start3A_1196, %dma_start3A_1197, %dma_start3A_1198] : memref<4x8x128xi32, #tpu.memory_space<vmem>> -> memref<1x8x128xi32, #tpu.memory_space<vmem>>
        %dma_start3A_1200 = tpu.memref_squeeze %dma_start3A_1199 : memref<1x8x128xi32, #tpu.memory_space<vmem>> -> memref<8x128xi32, #tpu.memory_space<vmem>>
        %dma_start3A_1201 = tpu.memref_slice %arg2[%mul3A_1193, %add3A_1195] : memref<200x16384xi32, #tpu.memory_space<hbm>> -> memref<8x128xi32, #tpu.memory_space<hbm>>
        %dma_start3A_1202 = arith.constant 0 : i32
        %dma_start3A_1203 = arith.constant 0 : i32
        %dma_start3A_1204 = tpu.memref_slice %arg5[%dma_start3A_1196, %dma_start3A_1202, %dma_start3A_1203] : memref<4x8x128xi32, #tpu.memory_space<vmem>> -> memref<1x8x128xi32, #tpu.memory_space<vmem>>
        %dma_start3A_1205 = tpu.memref_squeeze %dma_start3A_1204 : memref<1x8x128xi32, #tpu.memory_space<vmem>> -> memref<8x128xi32, #tpu.memory_space<vmem>>
        %dma_start3A_1206 = tpu.memref_slice %arg2[%mul3A_1193, %add3A_1195] : memref<200x16384xi32, #tpu.memory_space<hbm>> -> memref<8x128xi32, #tpu.memory_space<hbm>>
        tpu.enqueue_dma source(%dma_start3A_1206 : memref<8x128xi32, #tpu.memory_space<hbm>>) target(%dma_start3A_1205 : memref<8x128xi32, #tpu.memory_space<vmem>>) target_semaphore(%arg11 : memref<!tpu.dma_semaphore, #tpu.memory_space<semaphore_mem>>)
        %mul3A_1207 = arith.constant 8 : i32
        %mul3A_1208 = arith.muli %add3A_1191, %mul3A_1207 : i32
        %add3A_1209 = arith.constant 128 : i32
        %add3A_1210 = arith.addi %mul3A_2, %add3A_1209 : i32
        %dma_start3A_1211 = arith.constant 1 : i32
        %dma_start3A_1212 = arith.constant 0 : i32
        %dma_start3A_1213 = arith.constant 0 : i32
        %dma_start3A_1214 = tpu.memref_slice %arg5[%dma_start3A_1211, %dma_start3A_1212, %dma_start3A_1213] : memref<4x8x128xi32, #tpu.memory_space<vmem>> -> memref<1x8x128xi32, #tpu.memory_space<vmem>>
        %dma_start3A_1215 = tpu.memref_squeeze %dma_start3A_1214 : memref<1x8x128xi32, #tpu.memory_space<vmem>> -> memref<8x128xi32, #tpu.memory_space<vmem>>
        %dma_start3A_1216 = tpu.memref_slice %arg2[%mul3A_1208, %add3A_1210] : memref<200x16384xi32, #tpu.memory_space<hbm>> -> memref<8x128xi32, #tpu.memory_space<hbm>>
        %dma_start3A_1217 = arith.constant 0 : i32
        %dma_start3A_1218 = arith.constant 0 : i32
        %dma_start3A_1219 = tpu.memref_slice %arg5[%dma_start3A_1211, %dma_start3A_1217, %dma_start3A_1218] : memref<4x8x128xi32, #tpu.memory_space<vmem>> -> memref<1x8x128xi32, #tpu.memory_space<vmem>>
        %dma_start3A_1220 = tpu.memref_squeeze %dma_start3A_1219 : memref<1x8x128xi32, #tpu.memory_space<vmem>> -> memref<8x128xi32, #tpu.memory_space<vmem>>
        %dma_start3A_1221 = tpu.memref_slice %arg2[%mul3A_1208, %add3A_1210] : memref<200x16384xi32, #tpu.memory_space<hbm>> -> memref<8x128xi32, #tpu.memory_space<hbm>>
        tpu.enqueue_dma source(%dma_start3A_1221 : memref<8x128xi32, #tpu.memory_space<hbm>>) target(%dma_start3A_1220 : memref<8x128xi32, #tpu.memory_space<vmem>>) target_semaphore(%arg11 : memref<!tpu.dma_semaphore, #tpu.memory_space<semaphore_mem>>)
        %mul3A_1222 = arith.constant 8 : i32
        %mul3A_1223 = arith.muli %add3A_1191, %mul3A_1222 : i32
        %add3A_1224 = arith.constant 256 : i32
        %add3A_1225 = arith.addi %mul3A_2, %add3A_1224 : i32
        %dma_start3A_1226 = arith.constant 2 : i32
        %dma_start3A_1227 = arith.constant 0 : i32
        %dma_start3A_1228 = arith.constant 0 : i32
        %dma_start3A_1229 = tpu.memref_slice %arg5[%dma_start3A_1226, %dma_start3A_1227, %dma_start3A_1228] : memref<4x8x128xi32, #tpu.memory_space<vmem>> -> memref<1x8x128xi32, #tpu.memory_space<vmem>>
        %dma_start3A_1230 = tpu.memref_squeeze %dma_start3A_1229 : memref<1x8x128xi32, #tpu.memory_space<vmem>> -> memref<8x128xi32, #tpu.memory_space<vmem>>
        %dma_start3A_1231 = tpu.memref_slice %arg2[%mul3A_1223, %add3A_1225] : memref<200x16384xi32, #tpu.memory_space<hbm>> -> memref<8x128xi32, #tpu.memory_space<hbm>>
        %dma_start3A_1232 = arith.constant 0 : i32
        %dma_start3A_1233 = arith.constant 0 : i32
        %dma_start3A_1234 = tpu.memref_slice %arg5[%dma_start3A_1226, %dma_start3A_1232, %dma_start3A_1233] : memref<4x8x128xi32, #tpu.memory_space<vmem>> -> memref<1x8x128xi32, #tpu.memory_space<vmem>>
        %dma_start3A_1235 = tpu.memref_squeeze %dma_start3A_1234 : memref<1x8x128xi32, #tpu.memory_space<vmem>> -> memref<8x128xi32, #tpu.memory_space<vmem>>
        %dma_start3A_1236 = tpu.memref_slice %arg2[%mul3A_1223, %add3A_1225] : memref<200x16384xi32, #tpu.memory_space<hbm>> -> memref<8x128xi32, #tpu.memory_space<hbm>>
        tpu.enqueue_dma source(%dma_start3A_1236 : memref<8x128xi32, #tpu.memory_space<hbm>>) target(%dma_start3A_1235 : memref<8x128xi32, #tpu.memory_space<vmem>>) target_semaphore(%arg11 : memref<!tpu.dma_semaphore, #tpu.memory_space<semaphore_mem>>)
        %mul3A_1237 = arith.constant 8 : i32
        %mul3A_1238 = arith.muli %add3A_1191, %mul3A_1237 : i32
        %add3A_1239 = arith.constant 384 : i32
        %add3A_1240 = arith.addi %mul3A_2, %add3A_1239 : i32
        %dma_start3A_1241 = arith.constant 3 : i32
        %dma_start3A_1242 = arith.constant 0 : i32
        %dma_start3A_1243 = arith.constant 0 : i32
        %dma_start3A_1244 = tpu.memref_slice %arg5[%dma_start3A_1241, %dma_start3A_1242, %dma_start3A_1243] : memref<4x8x128xi32, #tpu.memory_space<vmem>> -> memref<1x8x128xi32, #tpu.memory_space<vmem>>
        %dma_start3A_1245 = tpu.memref_squeeze %dma_start3A_1244 : memref<1x8x128xi32, #tpu.memory_space<vmem>> -> memref<8x128xi32, #tpu.memory_space<vmem>>
        %dma_start3A_1246 = tpu.memref_slice %arg2[%mul3A_1238, %add3A_1240] : memref<200x16384xi32, #tpu.memory_space<hbm>> -> memref<8x128xi32, #tpu.memory_space<hbm>>
        %dma_start3A_1247 = arith.constant 0 : i32
        %dma_start3A_1248 = arith.constant 0 : i32
        %dma_start3A_1249 = tpu.memref_slice %arg5[%dma_start3A_1241, %dma_start3A_1247, %dma_start3A_1248] : memref<4x8x128xi32, #tpu.memory_space<vmem>> -> memref<1x8x128xi32, #tpu.memory_space<vmem>>
        %dma_start3A_1250 = tpu.memref_squeeze %dma_start3A_1249 : memref<1x8x128xi32, #tpu.memory_space<vmem>> -> memref<8x128xi32, #tpu.memory_space<vmem>>
        %dma_start3A_1251 = tpu.memref_slice %arg2[%mul3A_1238, %add3A_1240] : memref<200x16384xi32, #tpu.memory_space<hbm>> -> memref<8x128xi32, #tpu.memory_space<hbm>>
        tpu.enqueue_dma source(%dma_start3A_1251 : memref<8x128xi32, #tpu.memory_space<hbm>>) target(%dma_start3A_1250 : memref<8x128xi32, #tpu.memory_space<vmem>>) target_semaphore(%arg11 : memref<!tpu.dma_semaphore, #tpu.memory_space<semaphore_mem>>)
      } else {
      }
    }
    %scan3A_398 = arith.constant 12 : i32
    %add3A_399 = arith.constant 0 : i32
    %add3A_400 = arith.addi %mul3A_2, %add3A_399 : i32
    %dma_wait3A = arith.constant 0 : i32
    %dma_wait3A_401 = arith.constant 0 : i32
    %dma_wait3A_402 = arith.constant 0 : i32
    %dma_wait3A_403 = tpu.memref_slice %arg4[%dma_wait3A, %dma_wait3A_401, %dma_wait3A_402] : memref<4x8x128xi32, #tpu.memory_space<vmem>> -> memref<1x8x128xi32, #tpu.memory_space<vmem>>
    %dma_wait3A_404 = tpu.memref_squeeze %dma_wait3A_403 : memref<1x8x128xi32, #tpu.memory_space<vmem>> -> memref<8x128xi32, #tpu.memory_space<vmem>>
    %dma_wait3A_405 = arith.constant 192 : i32
    %dma_wait3A_406 = tpu.memref_slice %arg2[%dma_wait3A_405, %add3A_400] : memref<200x16384xi32, #tpu.memory_space<hbm>> -> memref<8x128xi32, #tpu.memory_space<hbm>>
    %dma_wait3A_407 = arith.constant 0 : i32
    %dma_wait3A_408 = arith.constant 0 : i32
    %dma_wait3A_409 = tpu.memref_slice %arg4[%dma_wait3A, %dma_wait3A_407, %dma_wait3A_408] : memref<4x8x128xi32, #tpu.memory_space<vmem>> -> memref<1x8x128xi32, #tpu.memory_space<vmem>>
    %dma_wait3A_410 = tpu.memref_squeeze %dma_wait3A_409 : memref<1x8x128xi32, #tpu.memory_space<vmem>> -> memref<8x128xi32, #tpu.memory_space<vmem>>
    %dma_wait3A_411 = arith.constant 192 : i32
    %dma_wait3A_412 = tpu.memref_slice %arg2[%dma_wait3A_411, %add3A_400] : memref<200x16384xi32, #tpu.memory_space<hbm>> -> memref<8x128xi32, #tpu.memory_space<hbm>>
    tpu.wait_dma2 semaphore(%arg10 : memref<!tpu.dma_semaphore, #tpu.memory_space<semaphore_mem>>) src(%dma_wait3A_412 : memref<8x128xi32, #tpu.memory_space<hbm>>) dst(%dma_wait3A_410 : memref<8x128xi32, #tpu.memory_space<vmem>>)
    %add3A_413 = arith.constant 128 : i32
    %add3A_414 = arith.addi %mul3A_2, %add3A_413 : i32
    %dma_wait3A_415 = arith.constant 1 : i32
    %dma_wait3A_416 = arith.constant 0 : i32
    %dma_wait3A_417 = arith.constant 0 : i32
    %dma_wait3A_418 = tpu.memref_slice %arg4[%dma_wait3A_415, %dma_wait3A_416, %dma_wait3A_417] : memref<4x8x128xi32, #tpu.memory_space<vmem>> -> memref<1x8x128xi32, #tpu.memory_space<vmem>>
    %dma_wait3A_419 = tpu.memref_squeeze %dma_wait3A_418 : memref<1x8x128xi32, #tpu.memory_space<vmem>> -> memref<8x128xi32, #tpu.memory_space<vmem>>
    %dma_wait3A_420 = arith.constant 192 : i32
    %dma_wait3A_421 = tpu.memref_slice %arg2[%dma_wait3A_420, %add3A_414] : memref<200x16384xi32, #tpu.memory_space<hbm>> -> memref<8x128xi32, #tpu.memory_space<hbm>>
    %dma_wait3A_422 = arith.constant 0 : i32
    %dma_wait3A_423 = arith.constant 0 : i32
    %dma_wait3A_424 = tpu.memref_slice %arg4[%dma_wait3A_415, %dma_wait3A_422, %dma_wait3A_423] : memref<4x8x128xi32, #tpu.memory_space<vmem>> -> memref<1x8x128xi32, #tpu.memory_space<vmem>>
    %dma_wait3A_425 = tpu.memref_squeeze %dma_wait3A_424 : memref<1x8x128xi32, #tpu.memory_space<vmem>> -> memref<8x128xi32, #tpu.memory_space<vmem>>
    %dma_wait3A_426 = arith.constant 192 : i32
    %dma_wait3A_427 = tpu.memref_slice %arg2[%dma_wait3A_426, %add3A_414] : memref<200x16384xi32, #tpu.memory_space<hbm>> -> memref<8x128xi32, #tpu.memory_space<hbm>>
    tpu.wait_dma2 semaphore(%arg10 : memref<!tpu.dma_semaphore, #tpu.memory_space<semaphore_mem>>) src(%dma_wait3A_427 : memref<8x128xi32, #tpu.memory_space<hbm>>) dst(%dma_wait3A_425 : memref<8x128xi32, #tpu.memory_space<vmem>>)
    %add3A_428 = arith.constant 256 : i32
    %add3A_429 = arith.addi %mul3A_2, %add3A_428 : i32
    %dma_wait3A_430 = arith.constant 2 : i32
    %dma_wait3A_431 = arith.constant 0 : i32
    %dma_wait3A_432 = arith.constant 0 : i32
    %dma_wait3A_433 = tpu.memref_slice %arg4[%dma_wait3A_430, %dma_wait3A_431, %dma_wait3A_432] : memref<4x8x128xi32, #tpu.memory_space<vmem>> -> memref<1x8x128xi32, #tpu.memory_space<vmem>>
    %dma_wait3A_434 = tpu.memref_squeeze %dma_wait3A_433 : memref<1x8x128xi32, #tpu.memory_space<vmem>> -> memref<8x128xi32, #tpu.memory_space<vmem>>
    %dma_wait3A_435 = arith.constant 192 : i32
    %dma_wait3A_436 = tpu.memref_slice %arg2[%dma_wait3A_435, %add3A_429] : memref<200x16384xi32, #tpu.memory_space<hbm>> -> memref<8x128xi32, #tpu.memory_space<hbm>>
    %dma_wait3A_437 = arith.constant 0 : i32
    %dma_wait3A_438 = arith.constant 0 : i32
    %dma_wait3A_439 = tpu.memref_slice %arg4[%dma_wait3A_430, %dma_wait3A_437, %dma_wait3A_438] : memref<4x8x128xi32, #tpu.memory_space<vmem>> -> memref<1x8x128xi32, #tpu.memory_space<vmem>>
    %dma_wait3A_440 = tpu.memref_squeeze %dma_wait3A_439 : memref<1x8x128xi32, #tpu.memory_space<vmem>> -> memref<8x128xi32, #tpu.memory_space<vmem>>
    %dma_wait3A_441 = arith.constant 192 : i32
    %dma_wait3A_442 = tpu.memref_slice %arg2[%dma_wait3A_441, %add3A_429] : memref<200x16384xi32, #tpu.memory_space<hbm>> -> memref<8x128xi32, #tpu.memory_space<hbm>>
    tpu.wait_dma2 semaphore(%arg10 : memref<!tpu.dma_semaphore, #tpu.memory_space<semaphore_mem>>) src(%dma_wait3A_442 : memref<8x128xi32, #tpu.memory_space<hbm>>) dst(%dma_wait3A_440 : memref<8x128xi32, #tpu.memory_space<vmem>>)
    %add3A_443 = arith.constant 384 : i32
    %add3A_444 = arith.addi %mul3A_2, %add3A_443 : i32
    %dma_wait3A_445 = arith.constant 3 : i32
    %dma_wait3A_446 = arith.constant 0 : i32
    %dma_wait3A_447 = arith.constant 0 : i32
    %dma_wait3A_448 = tpu.memref_slice %arg4[%dma_wait3A_445, %dma_wait3A_446, %dma_wait3A_447] : memref<4x8x128xi32, #tpu.memory_space<vmem>> -> memref<1x8x128xi32, #tpu.memory_space<vmem>>
    %dma_wait3A_449 = tpu.memref_squeeze %dma_wait3A_448 : memref<1x8x128xi32, #tpu.memory_space<vmem>> -> memref<8x128xi32, #tpu.memory_space<vmem>>
    %dma_wait3A_450 = arith.constant 192 : i32
    %dma_wait3A_451 = tpu.memref_slice %arg2[%dma_wait3A_450, %add3A_444] : memref<200x16384xi32, #tpu.memory_space<hbm>> -> memref<8x128xi32, #tpu.memory_space<hbm>>
    %dma_wait3A_452 = arith.constant 0 : i32
    %dma_wait3A_453 = arith.constant 0 : i32
    %dma_wait3A_454 = tpu.memref_slice %arg4[%dma_wait3A_445, %dma_wait3A_452, %dma_wait3A_453] : memref<4x8x128xi32, #tpu.memory_space<vmem>> -> memref<1x8x128xi32, #tpu.memory_space<vmem>>
    %dma_wait3A_455 = tpu.memref_squeeze %dma_wait3A_454 : memref<1x8x128xi32, #tpu.memory_space<vmem>> -> memref<8x128xi32, #tpu.memory_space<vmem>>
    %dma_wait3A_456 = arith.constant 192 : i32
    %dma_wait3A_457 = tpu.memref_slice %arg2[%dma_wait3A_456, %add3A_444] : memref<200x16384xi32, #tpu.memory_space<hbm>> -> memref<8x128xi32, #tpu.memory_space<hbm>>
    tpu.wait_dma2 semaphore(%arg10 : memref<!tpu.dma_semaphore, #tpu.memory_space<semaphore_mem>>) src(%dma_wait3A_457 : memref<8x128xi32, #tpu.memory_space<hbm>>) dst(%dma_wait3A_455 : memref<8x128xi32, #tpu.memory_space<vmem>>)
    %add3A_458 = arith.constant 0 : i32
    %add3A_459 = arith.addi %mul3A_2, %add3A_458 : i32
    %dma_wait3A_460 = arith.constant 0 : i32
    %dma_wait3A_461 = arith.constant 192 : i32
    %dma_wait3A_462 = tpu.memref_slice %arg3[%dma_wait3A_460, %dma_wait3A_461, %add3A_459] : memref<66x200x16384xf32, #tpu.memory_space<hbm>> -> memref<33x8x128xf32, #tpu.memory_space<hbm>>
    %dma_wait3A_463 = arith.constant 0 : i32
    %dma_wait3A_464 = arith.constant 192 : i32
    %dma_wait3A_465 = tpu.memref_slice %arg3[%dma_wait3A_463, %dma_wait3A_464, %add3A_459] : memref<66x200x16384xf32, #tpu.memory_space<hbm>> -> memref<33x8x128xf32, #tpu.memory_space<hbm>>
    tpu.wait_dma2 semaphore(%arg12 : memref<!tpu.dma_semaphore, #tpu.memory_space<semaphore_mem>>) src(%arg6 : memref<33x8x128xf32, #tpu.memory_space<vmem>>) dst(%dma_wait3A_465 : memref<33x8x128xf32, #tpu.memory_space<hbm>>)
    %scan3A_466 = arith.constant 0 : i32
    %scan3A_467 = arith.constant 0 : i32
    %scan3A_468 = arith.constant 256 : i32
    %scan3A_469 = arith.addi %scan3A_467, %scan3A_468 : i32
    %scan3A_470 = arith.constant 1 : i32
    scf.for %scan3A_634 = %scan3A_467 to %scan3A_469 step %scan3A_470  : i32 {
      %and3A = arith.constant 63 : i32
      %and3A_635 = arith.andi %scan3A_634, %and3A : i32
      %shift_right_logical3A = arith.constant 3 : i32
      %shift_right_logical3A_636 = arith.shrui %and3A_635, %shift_right_logical3A : i32
      %and3A_637 = arith.constant 7 : i32
      %and3A_638 = arith.andi %and3A_635, %and3A_637 : i32
      %add3A_639 = vector.broadcast %shift_right_logical3A_636 : i32 to vector<16xi32>
      %add3A_640 = arith.addi %broadcast_in_dim3A_7, %add3A_639 : vector<16xi32>
      %mul3A_641 = arith.constant 16 : i32
      %mul3A_642 = arith.muli %and3A_638, %mul3A_641 : i32
      %add3A_643 = vector.broadcast %mul3A_642 : i32 to vector<16xi32>
      %add3A_644 = arith.addi %iota3A, %add3A_643 : vector<16xi32>
      %mul3A_645 = arith.constant 16 : i32
      %mul3A_646 = arith.muli %and3A_635, %mul3A_645 : i32
      %get3A = arith.index_cast %mul3A_646 : i32 to index
      %get3A_647 = tpu.vector_load %arg8[%get3A] {strides = array<i32>} : memref<1024xi32, #tpu.memory_space<vmem>>, vector<16xi32>,
      tpu.vector_store_idx %arg6[%get3A_647, %add3A_640, %add3A_644], %broadcast_in_dim3A_3 : memref<33x8x128xf32, #tpu.memory_space<vmem>>[vector<16xi32>, vector<16xi32>, vector<16xi32>], vector<16xf32>,
      %mul3A_648 = arith.constant 16 : i32
      %mul3A_649 = arith.muli %and3A_638, %mul3A_648 : i32
      %get3A_650 = arith.constant 0 : i32
      %get3A_651 = arith.index_cast %get3A_650 : i32 to index
      %get3A_652 = arith.index_cast %shift_right_logical3A_636 : i32 to index
      %get3A_653 = arith.index_cast %mul3A_649 : i32 to index
      %get3A_654 = tpu.vector_load %arg4[%get3A_651, %get3A_652, %get3A_653] {strides = array<i32>} : memref<4x8x128xi32, #tpu.memory_space<vmem>>, vector<16xi32>,
      %gt3A = arith.constant 0 : i32
      %gt3A_655 = vector.broadcast %gt3A : i32 to vector<16xi32>
      %gt3A_656 = arith.cmpi sgt, %get3A_654, %gt3A_655 : vector<16xi32>
      %lt3A = arith.constant 33 : i32
      %lt3A_657 = vector.broadcast %lt3A : i32 to vector<16xi32>
      %lt3A_658 = arith.cmpi slt, %get3A_654, %lt3A_657 : vector<16xi32>
      %and3A_659 = arith.andi %gt3A_656, %lt3A_658 : vector<16xi1>
      %jit3A = arith.constant 0 : i32
      %broadcast_in_dim3A_660 = vector.broadcast %jit3A : i32 to vector<16xi32>
      %select_n3A = arith.select %and3A_659, %get3A_654, %broadcast_in_dim3A_660 : vector<16xi1>, vector<16xi32>
      %mul3A_661 = arith.constant 16 : i32
      %mul3A_662 = arith.muli %and3A_635, %mul3A_661 : i32
      %swap3A_663 = arith.index_cast %mul3A_662 : i32 to index
      %swap3A_664 = tpu.vector_load %arg8[%swap3A_663] {strides = array<i32>} : memref<1024xi32, #tpu.memory_space<vmem>>, vector<16xi32>,
      tpu.vector_store %arg8[%swap3A_663], %select_n3A {strides = array<i32>} : memref<1024xi32, #tpu.memory_space<vmem>>, vector<16xi32>,
      tpu.vector_store_idx %arg6[%select_n3A, %add3A_640, %add3A_644], %broadcast_in_dim3A_5 masked %and3A_659 : memref<33x8x128xf32, #tpu.memory_space<vmem>>[vector<16xi32>, vector<16xi32>, vector<16xi32>], vector<16xf32>, vector<16xi1>
    }
    %scan3A_471 = arith.constant 256 : i32
    %dma_start3A_472 = arith.constant 0 : i32
    %dma_start3A_473 = arith.constant 192 : i32
    %dma_start3A_474 = tpu.memref_slice %arg3[%dma_start3A_472, %dma_start3A_473, %add3A_459] : memref<66x200x16384xf32, #tpu.memory_space<hbm>> -> memref<33x8x128xf32, #tpu.memory_space<hbm>>
    %dma_start3A_475 = arith.constant 0 : i32
    %dma_start3A_476 = arith.constant 192 : i32
    %dma_start3A_477 = tpu.memref_slice %arg3[%dma_start3A_475, %dma_start3A_476, %add3A_459] : memref<66x200x16384xf32, #tpu.memory_space<hbm>> -> memref<33x8x128xf32, #tpu.memory_space<hbm>>
    tpu.enqueue_dma source(%arg6 : memref<33x8x128xf32, #tpu.memory_space<vmem>>) target(%dma_start3A_477 : memref<33x8x128xf32, #tpu.memory_space<hbm>>) target_semaphore(%arg12 : memref<!tpu.dma_semaphore, #tpu.memory_space<semaphore_mem>>)
    %add3A_478 = arith.constant 0 : i32
    %add3A_479 = arith.addi %mul3A_2, %add3A_478 : i32
    %dma_wait3A_480 = arith.constant 33 : i32
    %dma_wait3A_481 = arith.constant 192 : i32
    %dma_wait3A_482 = tpu.memref_slice %arg3[%dma_wait3A_480, %dma_wait3A_481, %add3A_479] : memref<66x200x16384xf32, #tpu.memory_space<hbm>> -> memref<33x8x128xf32, #tpu.memory_space<hbm>>
    %dma_wait3A_483 = arith.constant 33 : i32
    %dma_wait3A_484 = arith.constant 192 : i32
    %dma_wait3A_485 = tpu.memref_slice %arg3[%dma_wait3A_483, %dma_wait3A_484, %add3A_479] : memref<66x200x16384xf32, #tpu.memory_space<hbm>> -> memref<33x8x128xf32, #tpu.memory_space<hbm>>
    tpu.wait_dma2 semaphore(%arg13 : memref<!tpu.dma_semaphore, #tpu.memory_space<semaphore_mem>>) src(%arg7 : memref<33x8x128xf32, #tpu.memory_space<vmem>>) dst(%dma_wait3A_485 : memref<33x8x128xf32, #tpu.memory_space<hbm>>)
    %scan3A_486 = arith.constant 0 : i32
    %scan3A_487 = arith.constant 0 : i32
    %scan3A_488 = arith.constant 256 : i32
    %scan3A_489 = arith.addi %scan3A_487, %scan3A_488 : i32
    %scan3A_490 = arith.constant 1 : i32
    scf.for %scan3A_634 = %scan3A_487 to %scan3A_489 step %scan3A_490  : i32 {
      %and3A = arith.constant 63 : i32
      %and3A_635 = arith.andi %scan3A_634, %and3A : i32
      %shift_right_logical3A = arith.constant 3 : i32
      %shift_right_logical3A_636 = arith.shrui %and3A_635, %shift_right_logical3A : i32
      %and3A_637 = arith.constant 7 : i32
      %and3A_638 = arith.andi %and3A_635, %and3A_637 : i32
      %add3A_639 = vector.broadcast %shift_right_logical3A_636 : i32 to vector<16xi32>
      %add3A_640 = arith.addi %broadcast_in_dim3A_7, %add3A_639 : vector<16xi32>
      %mul3A_641 = arith.constant 16 : i32
      %mul3A_642 = arith.muli %and3A_638, %mul3A_641 : i32
      %add3A_643 = vector.broadcast %mul3A_642 : i32 to vector<16xi32>
      %add3A_644 = arith.addi %iota3A, %add3A_643 : vector<16xi32>
      %mul3A_645 = arith.constant 16 : i32
      %mul3A_646 = arith.muli %and3A_635, %mul3A_645 : i32
      %get3A = arith.index_cast %mul3A_646 : i32 to index
      %get3A_647 = tpu.vector_load %arg9[%get3A] {strides = array<i32>} : memref<1024xi32, #tpu.memory_space<vmem>>, vector<16xi32>,
      tpu.vector_store_idx %arg7[%get3A_647, %add3A_640, %add3A_644], %broadcast_in_dim3A_3 : memref<33x8x128xf32, #tpu.memory_space<vmem>>[vector<16xi32>, vector<16xi32>, vector<16xi32>], vector<16xf32>,
      %mul3A_648 = arith.constant 16 : i32
      %mul3A_649 = arith.muli %and3A_638, %mul3A_648 : i32
      %get3A_650 = arith.constant 0 : i32
      %get3A_651 = arith.index_cast %get3A_650 : i32 to index
      %get3A_652 = arith.index_cast %shift_right_logical3A_636 : i32 to index
      %get3A_653 = arith.index_cast %mul3A_649 : i32 to index
      %get3A_654 = tpu.vector_load %arg4[%get3A_651, %get3A_652, %get3A_653] {strides = array<i32>} : memref<4x8x128xi32, #tpu.memory_space<vmem>>, vector<16xi32>,
      %ge3A = arith.constant 33 : i32
      %ge3A_655 = vector.broadcast %ge3A : i32 to vector<16xi32>
      %ge3A_656 = arith.cmpi sge, %get3A_654, %ge3A_655 : vector<16xi32>
      %sub3A = arith.constant 33 : i32
      %sub3A_657 = vector.broadcast %sub3A : i32 to vector<16xi32>
      %sub3A_658 = arith.subi %get3A_654, %sub3A_657 : vector<16xi32>
      %jit3A = arith.constant 0 : i32
      %broadcast_in_dim3A_659 = vector.broadcast %jit3A : i32 to vector<16xi32>
      %select_n3A = arith.select %ge3A_656, %sub3A_658, %broadcast_in_dim3A_659 : vector<16xi1>, vector<16xi32>
      %mul3A_660 = arith.constant 16 : i32
      %mul3A_661 = arith.muli %and3A_635, %mul3A_660 : i32
      %swap3A_662 = arith.index_cast %mul3A_661 : i32 to index
      %swap3A_663 = tpu.vector_load %arg9[%swap3A_662] {strides = array<i32>} : memref<1024xi32, #tpu.memory_space<vmem>>, vector<16xi32>,
      tpu.vector_store %arg9[%swap3A_662], %select_n3A {strides = array<i32>} : memref<1024xi32, #tpu.memory_space<vmem>>, vector<16xi32>,
      tpu.vector_store_idx %arg7[%select_n3A, %add3A_640, %add3A_644], %broadcast_in_dim3A_5 masked %ge3A_656 : memref<33x8x128xf32, #tpu.memory_space<vmem>>[vector<16xi32>, vector<16xi32>, vector<16xi32>], vector<16xf32>, vector<16xi1>
    }
    %scan3A_491 = arith.constant 256 : i32
    %dma_start3A_492 = arith.constant 33 : i32
    %dma_start3A_493 = arith.constant 192 : i32
    %dma_start3A_494 = tpu.memref_slice %arg3[%dma_start3A_492, %dma_start3A_493, %add3A_479] : memref<66x200x16384xf32, #tpu.memory_space<hbm>> -> memref<33x8x128xf32, #tpu.memory_space<hbm>>
    %dma_start3A_495 = arith.constant 33 : i32
    %dma_start3A_496 = arith.constant 192 : i32
    %dma_start3A_497 = tpu.memref_slice %arg3[%dma_start3A_495, %dma_start3A_496, %add3A_479] : memref<66x200x16384xf32, #tpu.memory_space<hbm>> -> memref<33x8x128xf32, #tpu.memory_space<hbm>>
    tpu.enqueue_dma source(%arg7 : memref<33x8x128xf32, #tpu.memory_space<vmem>>) target(%dma_start3A_497 : memref<33x8x128xf32, #tpu.memory_space<hbm>>) target_semaphore(%arg13 : memref<!tpu.dma_semaphore, #tpu.memory_space<semaphore_mem>>)
    %add3A_498 = arith.constant 128 : i32
    %add3A_499 = arith.addi %mul3A_2, %add3A_498 : i32
    %dma_wait3A_500 = arith.constant 0 : i32
    %dma_wait3A_501 = arith.constant 192 : i32
    %dma_wait3A_502 = tpu.memref_slice %arg3[%dma_wait3A_500, %dma_wait3A_501, %add3A_499] : memref<66x200x16384xf32, #tpu.memory_space<hbm>> -> memref<33x8x128xf32, #tpu.memory_space<hbm>>
    %dma_wait3A_503 = arith.constant 0 : i32
    %dma_wait3A_504 = arith.constant 192 : i32
    %dma_wait3A_505 = tpu.memref_slice %arg3[%dma_wait3A_503, %dma_wait3A_504, %add3A_499] : memref<66x200x16384xf32, #tpu.memory_space<hbm>> -> memref<33x8x128xf32, #tpu.memory_space<hbm>>
    tpu.wait_dma2 semaphore(%arg12 : memref<!tpu.dma_semaphore, #tpu.memory_space<semaphore_mem>>) src(%arg6 : memref<33x8x128xf32, #tpu.memory_space<vmem>>) dst(%dma_wait3A_505 : memref<33x8x128xf32, #tpu.memory_space<hbm>>)
    %scan3A_506 = arith.constant 0 : i32
    %scan3A_507 = arith.constant 0 : i32
    %scan3A_508 = arith.constant 256 : i32
    %scan3A_509 = arith.addi %scan3A_507, %scan3A_508 : i32
    %scan3A_510 = arith.constant 1 : i32
    scf.for %scan3A_634 = %scan3A_507 to %scan3A_509 step %scan3A_510  : i32 {
      %and3A = arith.constant 63 : i32
      %and3A_635 = arith.andi %scan3A_634, %and3A : i32
      %shift_right_logical3A = arith.constant 3 : i32
      %shift_right_logical3A_636 = arith.shrui %and3A_635, %shift_right_logical3A : i32
      %and3A_637 = arith.constant 7 : i32
      %and3A_638 = arith.andi %and3A_635, %and3A_637 : i32
      %add3A_639 = vector.broadcast %shift_right_logical3A_636 : i32 to vector<16xi32>
      %add3A_640 = arith.addi %broadcast_in_dim3A_7, %add3A_639 : vector<16xi32>
      %mul3A_641 = arith.constant 16 : i32
      %mul3A_642 = arith.muli %and3A_638, %mul3A_641 : i32
      %add3A_643 = vector.broadcast %mul3A_642 : i32 to vector<16xi32>
      %add3A_644 = arith.addi %iota3A, %add3A_643 : vector<16xi32>
      %mul3A_645 = arith.constant 16 : i32
      %mul3A_646 = arith.muli %and3A_635, %mul3A_645 : i32
      %get3A = arith.index_cast %mul3A_646 : i32 to index
      %get3A_647 = tpu.vector_load %arg8[%get3A] {strides = array<i32>} : memref<1024xi32, #tpu.memory_space<vmem>>, vector<16xi32>,
      tpu.vector_store_idx %arg6[%get3A_647, %add3A_640, %add3A_644], %broadcast_in_dim3A_3 : memref<33x8x128xf32, #tpu.memory_space<vmem>>[vector<16xi32>, vector<16xi32>, vector<16xi32>], vector<16xf32>,
      %mul3A_648 = arith.constant 16 : i32
      %mul3A_649 = arith.muli %and3A_638, %mul3A_648 : i32
      %get3A_650 = arith.constant 1 : i32
      %get3A_651 = arith.index_cast %get3A_650 : i32 to index
      %get3A_652 = arith.index_cast %shift_right_logical3A_636 : i32 to index
      %get3A_653 = arith.index_cast %mul3A_649 : i32 to index
      %get3A_654 = tpu.vector_load %arg4[%get3A_651, %get3A_652, %get3A_653] {strides = array<i32>} : memref<4x8x128xi32, #tpu.memory_space<vmem>>, vector<16xi32>,
      %gt3A = arith.constant 0 : i32
      %gt3A_655 = vector.broadcast %gt3A : i32 to vector<16xi32>
      %gt3A_656 = arith.cmpi sgt, %get3A_654, %gt3A_655 : vector<16xi32>
      %lt3A = arith.constant 33 : i32
      %lt3A_657 = vector.broadcast %lt3A : i32 to vector<16xi32>
      %lt3A_658 = arith.cmpi slt, %get3A_654, %lt3A_657 : vector<16xi32>
      %and3A_659 = arith.andi %gt3A_656, %lt3A_658 : vector<16xi1>
      %jit3A = arith.constant 0 : i32
      %broadcast_in_dim3A_660 = vector.broadcast %jit3A : i32 to vector<16xi32>
      %select_n3A = arith.select %and3A_659, %get3A_654, %broadcast_in_dim3A_660 : vector<16xi1>, vector<16xi32>
      %mul3A_661 = arith.constant 16 : i32
      %mul3A_662 = arith.muli %and3A_635, %mul3A_661 : i32
      %swap3A_663 = arith.index_cast %mul3A_662 : i32 to index
      %swap3A_664 = tpu.vector_load %arg8[%swap3A_663] {strides = array<i32>} : memref<1024xi32, #tpu.memory_space<vmem>>, vector<16xi32>,
      tpu.vector_store %arg8[%swap3A_663], %select_n3A {strides = array<i32>} : memref<1024xi32, #tpu.memory_space<vmem>>, vector<16xi32>,
      tpu.vector_store_idx %arg6[%select_n3A, %add3A_640, %add3A_644], %broadcast_in_dim3A_5 masked %and3A_659 : memref<33x8x128xf32, #tpu.memory_space<vmem>>[vector<16xi32>, vector<16xi32>, vector<16xi32>], vector<16xf32>, vector<16xi1>
    }
    %scan3A_511 = arith.constant 256 : i32
    %dma_start3A_512 = arith.constant 0 : i32
    %dma_start3A_513 = arith.constant 192 : i32
    %dma_start3A_514 = tpu.memref_slice %arg3[%dma_start3A_512, %dma_start3A_513, %add3A_499] : memref<66x200x16384xf32, #tpu.memory_space<hbm>> -> memref<33x8x128xf32, #tpu.memory_space<hbm>>
    %dma_start3A_515 = arith.constant 0 : i32
    %dma_start3A_516 = arith.constant 192 : i32
    %dma_start3A_517 = tpu.memref_slice %arg3[%dma_start3A_515, %dma_start3A_516, %add3A_499] : memref<66x200x16384xf32, #tpu.memory_space<hbm>> -> memref<33x8x128xf32, #tpu.memory_space<hbm>>
    tpu.enqueue_dma source(%arg6 : memref<33x8x128xf32, #tpu.memory_space<vmem>>) target(%dma_start3A_517 : memref<33x8x128xf32, #tpu.memory_space<hbm>>) target_semaphore(%arg12 : memref<!tpu.dma_semaphore, #tpu.memory_space<semaphore_mem>>)
    %add3A_518 = arith.constant 128 : i32
    %add3A_519 = arith.addi %mul3A_2, %add3A_518 : i32
    %dma_wait3A_520 = arith.constant 33 : i32
    %dma_wait3A_521 = arith.constant 192 : i32
    %dma_wait3A_522 = tpu.memref_slice %arg3[%dma_wait3A_520, %dma_wait3A_521, %add3A_519] : memref<66x200x16384xf32, #tpu.memory_space<hbm>> -> memref<33x8x128xf32, #tpu.memory_space<hbm>>
    %dma_wait3A_523 = arith.constant 33 : i32
    %dma_wait3A_524 = arith.constant 192 : i32
    %dma_wait3A_525 = tpu.memref_slice %arg3[%dma_wait3A_523, %dma_wait3A_524, %add3A_519] : memref<66x200x16384xf32, #tpu.memory_space<hbm>> -> memref<33x8x128xf32, #tpu.memory_space<hbm>>
    tpu.wait_dma2 semaphore(%arg13 : memref<!tpu.dma_semaphore, #tpu.memory_space<semaphore_mem>>) src(%arg7 : memref<33x8x128xf32, #tpu.memory_space<vmem>>) dst(%dma_wait3A_525 : memref<33x8x128xf32, #tpu.memory_space<hbm>>)
    %scan3A_526 = arith.constant 0 : i32
    %scan3A_527 = arith.constant 0 : i32
    %scan3A_528 = arith.constant 256 : i32
    %scan3A_529 = arith.addi %scan3A_527, %scan3A_528 : i32
    %scan3A_530 = arith.constant 1 : i32
    scf.for %scan3A_634 = %scan3A_527 to %scan3A_529 step %scan3A_530  : i32 {
      %and3A = arith.constant 63 : i32
      %and3A_635 = arith.andi %scan3A_634, %and3A : i32
      %shift_right_logical3A = arith.constant 3 : i32
      %shift_right_logical3A_636 = arith.shrui %and3A_635, %shift_right_logical3A : i32
      %and3A_637 = arith.constant 7 : i32
      %and3A_638 = arith.andi %and3A_635, %and3A_637 : i32
      %add3A_639 = vector.broadcast %shift_right_logical3A_636 : i32 to vector<16xi32>
      %add3A_640 = arith.addi %broadcast_in_dim3A_7, %add3A_639 : vector<16xi32>
      %mul3A_641 = arith.constant 16 : i32
      %mul3A_642 = arith.muli %and3A_638, %mul3A_641 : i32
      %add3A_643 = vector.broadcast %mul3A_642 : i32 to vector<16xi32>
      %add3A_644 = arith.addi %iota3A, %add3A_643 : vector<16xi32>
      %mul3A_645 = arith.constant 16 : i32
      %mul3A_646 = arith.muli %and3A_635, %mul3A_645 : i32
      %get3A = arith.index_cast %mul3A_646 : i32 to index
      %get3A_647 = tpu.vector_load %arg9[%get3A] {strides = array<i32>} : memref<1024xi32, #tpu.memory_space<vmem>>, vector<16xi32>,
      tpu.vector_store_idx %arg7[%get3A_647, %add3A_640, %add3A_644], %broadcast_in_dim3A_3 : memref<33x8x128xf32, #tpu.memory_space<vmem>>[vector<16xi32>, vector<16xi32>, vector<16xi32>], vector<16xf32>,
      %mul3A_648 = arith.constant 16 : i32
      %mul3A_649 = arith.muli %and3A_638, %mul3A_648 : i32
      %get3A_650 = arith.constant 1 : i32
      %get3A_651 = arith.index_cast %get3A_650 : i32 to index
      %get3A_652 = arith.index_cast %shift_right_logical3A_636 : i32 to index
      %get3A_653 = arith.index_cast %mul3A_649 : i32 to index
      %get3A_654 = tpu.vector_load %arg4[%get3A_651, %get3A_652, %get3A_653] {strides = array<i32>} : memref<4x8x128xi32, #tpu.memory_space<vmem>>, vector<16xi32>,
      %ge3A = arith.constant 33 : i32
      %ge3A_655 = vector.broadcast %ge3A : i32 to vector<16xi32>
      %ge3A_656 = arith.cmpi sge, %get3A_654, %ge3A_655 : vector<16xi32>
      %sub3A = arith.constant 33 : i32
      %sub3A_657 = vector.broadcast %sub3A : i32 to vector<16xi32>
      %sub3A_658 = arith.subi %get3A_654, %sub3A_657 : vector<16xi32>
      %jit3A = arith.constant 0 : i32
      %broadcast_in_dim3A_659 = vector.broadcast %jit3A : i32 to vector<16xi32>
      %select_n3A = arith.select %ge3A_656, %sub3A_658, %broadcast_in_dim3A_659 : vector<16xi1>, vector<16xi32>
      %mul3A_660 = arith.constant 16 : i32
      %mul3A_661 = arith.muli %and3A_635, %mul3A_660 : i32
      %swap3A_662 = arith.index_cast %mul3A_661 : i32 to index
      %swap3A_663 = tpu.vector_load %arg9[%swap3A_662] {strides = array<i32>} : memref<1024xi32, #tpu.memory_space<vmem>>, vector<16xi32>,
      tpu.vector_store %arg9[%swap3A_662], %select_n3A {strides = array<i32>} : memref<1024xi32, #tpu.memory_space<vmem>>, vector<16xi32>,
      tpu.vector_store_idx %arg7[%select_n3A, %add3A_640, %add3A_644], %broadcast_in_dim3A_5 masked %ge3A_656 : memref<33x8x128xf32, #tpu.memory_space<vmem>>[vector<16xi32>, vector<16xi32>, vector<16xi32>], vector<16xf32>, vector<16xi1>
    }
    %scan3A_531 = arith.constant 256 : i32
    %dma_start3A_532 = arith.constant 33 : i32
    %dma_start3A_533 = arith.constant 192 : i32
    %dma_start3A_534 = tpu.memref_slice %arg3[%dma_start3A_532, %dma_start3A_533, %add3A_519] : memref<66x200x16384xf32, #tpu.memory_space<hbm>> -> memref<33x8x128xf32, #tpu.memory_space<hbm>>
    %dma_start3A_535 = arith.constant 33 : i32
    %dma_start3A_536 = arith.constant 192 : i32
    %dma_start3A_537 = tpu.memref_slice %arg3[%dma_start3A_535, %dma_start3A_536, %add3A_519] : memref<66x200x16384xf32, #tpu.memory_space<hbm>> -> memref<33x8x128xf32, #tpu.memory_space<hbm>>
    tpu.enqueue_dma source(%arg7 : memref<33x8x128xf32, #tpu.memory_space<vmem>>) target(%dma_start3A_537 : memref<33x8x128xf32, #tpu.memory_space<hbm>>) target_semaphore(%arg13 : memref<!tpu.dma_semaphore, #tpu.memory_space<semaphore_mem>>)
    %add3A_538 = arith.constant 256 : i32
    %add3A_539 = arith.addi %mul3A_2, %add3A_538 : i32
    %dma_wait3A_540 = arith.constant 0 : i32
    %dma_wait3A_541 = arith.constant 192 : i32
    %dma_wait3A_542 = tpu.memref_slice %arg3[%dma_wait3A_540, %dma_wait3A_541, %add3A_539] : memref<66x200x16384xf32, #tpu.memory_space<hbm>> -> memref<33x8x128xf32, #tpu.memory_space<hbm>>
    %dma_wait3A_543 = arith.constant 0 : i32
    %dma_wait3A_544 = arith.constant 192 : i32
    %dma_wait3A_545 = tpu.memref_slice %arg3[%dma_wait3A_543, %dma_wait3A_544, %add3A_539] : memref<66x200x16384xf32, #tpu.memory_space<hbm>> -> memref<33x8x128xf32, #tpu.memory_space<hbm>>
    tpu.wait_dma2 semaphore(%arg12 : memref<!tpu.dma_semaphore, #tpu.memory_space<semaphore_mem>>) src(%arg6 : memref<33x8x128xf32, #tpu.memory_space<vmem>>) dst(%dma_wait3A_545 : memref<33x8x128xf32, #tpu.memory_space<hbm>>)
    %scan3A_546 = arith.constant 0 : i32
    %scan3A_547 = arith.constant 0 : i32
    %scan3A_548 = arith.constant 256 : i32
    %scan3A_549 = arith.addi %scan3A_547, %scan3A_548 : i32
    %scan3A_550 = arith.constant 1 : i32
    scf.for %scan3A_634 = %scan3A_547 to %scan3A_549 step %scan3A_550  : i32 {
      %and3A = arith.constant 63 : i32
      %and3A_635 = arith.andi %scan3A_634, %and3A : i32
      %shift_right_logical3A = arith.constant 3 : i32
      %shift_right_logical3A_636 = arith.shrui %and3A_635, %shift_right_logical3A : i32
      %and3A_637 = arith.constant 7 : i32
      %and3A_638 = arith.andi %and3A_635, %and3A_637 : i32
      %add3A_639 = vector.broadcast %shift_right_logical3A_636 : i32 to vector<16xi32>
      %add3A_640 = arith.addi %broadcast_in_dim3A_7, %add3A_639 : vector<16xi32>
      %mul3A_641 = arith.constant 16 : i32
      %mul3A_642 = arith.muli %and3A_638, %mul3A_641 : i32
      %add3A_643 = vector.broadcast %mul3A_642 : i32 to vector<16xi32>
      %add3A_644 = arith.addi %iota3A, %add3A_643 : vector<16xi32>
      %mul3A_645 = arith.constant 16 : i32
      %mul3A_646 = arith.muli %and3A_635, %mul3A_645 : i32
      %get3A = arith.index_cast %mul3A_646 : i32 to index
      %get3A_647 = tpu.vector_load %arg8[%get3A] {strides = array<i32>} : memref<1024xi32, #tpu.memory_space<vmem>>, vector<16xi32>,
      tpu.vector_store_idx %arg6[%get3A_647, %add3A_640, %add3A_644], %broadcast_in_dim3A_3 : memref<33x8x128xf32, #tpu.memory_space<vmem>>[vector<16xi32>, vector<16xi32>, vector<16xi32>], vector<16xf32>,
      %mul3A_648 = arith.constant 16 : i32
      %mul3A_649 = arith.muli %and3A_638, %mul3A_648 : i32
      %get3A_650 = arith.constant 2 : i32
      %get3A_651 = arith.index_cast %get3A_650 : i32 to index
      %get3A_652 = arith.index_cast %shift_right_logical3A_636 : i32 to index
      %get3A_653 = arith.index_cast %mul3A_649 : i32 to index
      %get3A_654 = tpu.vector_load %arg4[%get3A_651, %get3A_652, %get3A_653] {strides = array<i32>} : memref<4x8x128xi32, #tpu.memory_space<vmem>>, vector<16xi32>,
      %gt3A = arith.constant 0 : i32
      %gt3A_655 = vector.broadcast %gt3A : i32 to vector<16xi32>
      %gt3A_656 = arith.cmpi sgt, %get3A_654, %gt3A_655 : vector<16xi32>
      %lt3A = arith.constant 33 : i32
      %lt3A_657 = vector.broadcast %lt3A : i32 to vector<16xi32>
      %lt3A_658 = arith.cmpi slt, %get3A_654, %lt3A_657 : vector<16xi32>
      %and3A_659 = arith.andi %gt3A_656, %lt3A_658 : vector<16xi1>
      %jit3A = arith.constant 0 : i32
      %broadcast_in_dim3A_660 = vector.broadcast %jit3A : i32 to vector<16xi32>
      %select_n3A = arith.select %and3A_659, %get3A_654, %broadcast_in_dim3A_660 : vector<16xi1>, vector<16xi32>
      %mul3A_661 = arith.constant 16 : i32
      %mul3A_662 = arith.muli %and3A_635, %mul3A_661 : i32
      %swap3A_663 = arith.index_cast %mul3A_662 : i32 to index
      %swap3A_664 = tpu.vector_load %arg8[%swap3A_663] {strides = array<i32>} : memref<1024xi32, #tpu.memory_space<vmem>>, vector<16xi32>,
      tpu.vector_store %arg8[%swap3A_663], %select_n3A {strides = array<i32>} : memref<1024xi32, #tpu.memory_space<vmem>>, vector<16xi32>,
      tpu.vector_store_idx %arg6[%select_n3A, %add3A_640, %add3A_644], %broadcast_in_dim3A_5 masked %and3A_659 : memref<33x8x128xf32, #tpu.memory_space<vmem>>[vector<16xi32>, vector<16xi32>, vector<16xi32>], vector<16xf32>, vector<16xi1>
    }
    %scan3A_551 = arith.constant 256 : i32
    %dma_start3A_552 = arith.constant 0 : i32
    %dma_start3A_553 = arith.constant 192 : i32
    %dma_start3A_554 = tpu.memref_slice %arg3[%dma_start3A_552, %dma_start3A_553, %add3A_539] : memref<66x200x16384xf32, #tpu.memory_space<hbm>> -> memref<33x8x128xf32, #tpu.memory_space<hbm>>
    %dma_start3A_555 = arith.constant 0 : i32
    %dma_start3A_556 = arith.constant 192 : i32
    %dma_start3A_557 = tpu.memref_slice %arg3[%dma_start3A_555, %dma_start3A_556, %add3A_539] : memref<66x200x16384xf32, #tpu.memory_space<hbm>> -> memref<33x8x128xf32, #tpu.memory_space<hbm>>
    tpu.enqueue_dma source(%arg6 : memref<33x8x128xf32, #tpu.memory_space<vmem>>) target(%dma_start3A_557 : memref<33x8x128xf32, #tpu.memory_space<hbm>>) target_semaphore(%arg12 : memref<!tpu.dma_semaphore, #tpu.memory_space<semaphore_mem>>)
    %add3A_558 = arith.constant 256 : i32
    %add3A_559 = arith.addi %mul3A_2, %add3A_558 : i32
    %dma_wait3A_560 = arith.constant 33 : i32
    %dma_wait3A_561 = arith.constant 192 : i32
    %dma_wait3A_562 = tpu.memref_slice %arg3[%dma_wait3A_560, %dma_wait3A_561, %add3A_559] : memref<66x200x16384xf32, #tpu.memory_space<hbm>> -> memref<33x8x128xf32, #tpu.memory_space<hbm>>
    %dma_wait3A_563 = arith.constant 33 : i32
    %dma_wait3A_564 = arith.constant 192 : i32
    %dma_wait3A_565 = tpu.memref_slice %arg3[%dma_wait3A_563, %dma_wait3A_564, %add3A_559] : memref<66x200x16384xf32, #tpu.memory_space<hbm>> -> memref<33x8x128xf32, #tpu.memory_space<hbm>>
    tpu.wait_dma2 semaphore(%arg13 : memref<!tpu.dma_semaphore, #tpu.memory_space<semaphore_mem>>) src(%arg7 : memref<33x8x128xf32, #tpu.memory_space<vmem>>) dst(%dma_wait3A_565 : memref<33x8x128xf32, #tpu.memory_space<hbm>>)
    %scan3A_566 = arith.constant 0 : i32
    %scan3A_567 = arith.constant 0 : i32
    %scan3A_568 = arith.constant 256 : i32
    %scan3A_569 = arith.addi %scan3A_567, %scan3A_568 : i32
    %scan3A_570 = arith.constant 1 : i32
    scf.for %scan3A_634 = %scan3A_567 to %scan3A_569 step %scan3A_570  : i32 {
      %and3A = arith.constant 63 : i32
      %and3A_635 = arith.andi %scan3A_634, %and3A : i32
      %shift_right_logical3A = arith.constant 3 : i32
      %shift_right_logical3A_636 = arith.shrui %and3A_635, %shift_right_logical3A : i32
      %and3A_637 = arith.constant 7 : i32
      %and3A_638 = arith.andi %and3A_635, %and3A_637 : i32
      %add3A_639 = vector.broadcast %shift_right_logical3A_636 : i32 to vector<16xi32>
      %add3A_640 = arith.addi %broadcast_in_dim3A_7, %add3A_639 : vector<16xi32>
      %mul3A_641 = arith.constant 16 : i32
      %mul3A_642 = arith.muli %and3A_638, %mul3A_641 : i32
      %add3A_643 = vector.broadcast %mul3A_642 : i32 to vector<16xi32>
      %add3A_644 = arith.addi %iota3A, %add3A_643 : vector<16xi32>
      %mul3A_645 = arith.constant 16 : i32
      %mul3A_646 = arith.muli %and3A_635, %mul3A_645 : i32
      %get3A = arith.index_cast %mul3A_646 : i32 to index
      %get3A_647 = tpu.vector_load %arg9[%get3A] {strides = array<i32>} : memref<1024xi32, #tpu.memory_space<vmem>>, vector<16xi32>,
      tpu.vector_store_idx %arg7[%get3A_647, %add3A_640, %add3A_644], %broadcast_in_dim3A_3 : memref<33x8x128xf32, #tpu.memory_space<vmem>>[vector<16xi32>, vector<16xi32>, vector<16xi32>], vector<16xf32>,
      %mul3A_648 = arith.constant 16 : i32
      %mul3A_649 = arith.muli %and3A_638, %mul3A_648 : i32
      %get3A_650 = arith.constant 2 : i32
      %get3A_651 = arith.index_cast %get3A_650 : i32 to index
      %get3A_652 = arith.index_cast %shift_right_logical3A_636 : i32 to index
      %get3A_653 = arith.index_cast %mul3A_649 : i32 to index
      %get3A_654 = tpu.vector_load %arg4[%get3A_651, %get3A_652, %get3A_653] {strides = array<i32>} : memref<4x8x128xi32, #tpu.memory_space<vmem>>, vector<16xi32>,
      %ge3A = arith.constant 33 : i32
      %ge3A_655 = vector.broadcast %ge3A : i32 to vector<16xi32>
      %ge3A_656 = arith.cmpi sge, %get3A_654, %ge3A_655 : vector<16xi32>
      %sub3A = arith.constant 33 : i32
      %sub3A_657 = vector.broadcast %sub3A : i32 to vector<16xi32>
      %sub3A_658 = arith.subi %get3A_654, %sub3A_657 : vector<16xi32>
      %jit3A = arith.constant 0 : i32
      %broadcast_in_dim3A_659 = vector.broadcast %jit3A : i32 to vector<16xi32>
      %select_n3A = arith.select %ge3A_656, %sub3A_658, %broadcast_in_dim3A_659 : vector<16xi1>, vector<16xi32>
      %mul3A_660 = arith.constant 16 : i32
      %mul3A_661 = arith.muli %and3A_635, %mul3A_660 : i32
      %swap3A_662 = arith.index_cast %mul3A_661 : i32 to index
      %swap3A_663 = tpu.vector_load %arg9[%swap3A_662] {strides = array<i32>} : memref<1024xi32, #tpu.memory_space<vmem>>, vector<16xi32>,
      tpu.vector_store %arg9[%swap3A_662], %select_n3A {strides = array<i32>} : memref<1024xi32, #tpu.memory_space<vmem>>, vector<16xi32>,
      tpu.vector_store_idx %arg7[%select_n3A, %add3A_640, %add3A_644], %broadcast_in_dim3A_5 masked %ge3A_656 : memref<33x8x128xf32, #tpu.memory_space<vmem>>[vector<16xi32>, vector<16xi32>, vector<16xi32>], vector<16xf32>, vector<16xi1>
    }
    %scan3A_571 = arith.constant 256 : i32
    %dma_start3A_572 = arith.constant 33 : i32
    %dma_start3A_573 = arith.constant 192 : i32
    %dma_start3A_574 = tpu.memref_slice %arg3[%dma_start3A_572, %dma_start3A_573, %add3A_559] : memref<66x200x16384xf32, #tpu.memory_space<hbm>> -> memref<33x8x128xf32, #tpu.memory_space<hbm>>
    %dma_start3A_575 = arith.constant 33 : i32
    %dma_start3A_576 = arith.constant 192 : i32
    %dma_start3A_577 = tpu.memref_slice %arg3[%dma_start3A_575, %dma_start3A_576, %add3A_559] : memref<66x200x16384xf32, #tpu.memory_space<hbm>> -> memref<33x8x128xf32, #tpu.memory_space<hbm>>
    tpu.enqueue_dma source(%arg7 : memref<33x8x128xf32, #tpu.memory_space<vmem>>) target(%dma_start3A_577 : memref<33x8x128xf32, #tpu.memory_space<hbm>>) target_semaphore(%arg13 : memref<!tpu.dma_semaphore, #tpu.memory_space<semaphore_mem>>)
    %add3A_578 = arith.constant 384 : i32
    %add3A_579 = arith.addi %mul3A_2, %add3A_578 : i32
    %dma_wait3A_580 = arith.constant 0 : i32
    %dma_wait3A_581 = arith.constant 192 : i32
    %dma_wait3A_582 = tpu.memref_slice %arg3[%dma_wait3A_580, %dma_wait3A_581, %add3A_579] : memref<66x200x16384xf32, #tpu.memory_space<hbm>> -> memref<33x8x128xf32, #tpu.memory_space<hbm>>
    %dma_wait3A_583 = arith.constant 0 : i32
    %dma_wait3A_584 = arith.constant 192 : i32
    %dma_wait3A_585 = tpu.memref_slice %arg3[%dma_wait3A_583, %dma_wait3A_584, %add3A_579] : memref<66x200x16384xf32, #tpu.memory_space<hbm>> -> memref<33x8x128xf32, #tpu.memory_space<hbm>>
    tpu.wait_dma2 semaphore(%arg12 : memref<!tpu.dma_semaphore, #tpu.memory_space<semaphore_mem>>) src(%arg6 : memref<33x8x128xf32, #tpu.memory_space<vmem>>) dst(%dma_wait3A_585 : memref<33x8x128xf32, #tpu.memory_space<hbm>>)
    %scan3A_586 = arith.constant 0 : i32
    %scan3A_587 = arith.constant 0 : i32
    %scan3A_588 = arith.constant 256 : i32
    %scan3A_589 = arith.addi %scan3A_587, %scan3A_588 : i32
    %scan3A_590 = arith.constant 1 : i32
    scf.for %scan3A_634 = %scan3A_587 to %scan3A_589 step %scan3A_590  : i32 {
      %and3A = arith.constant 63 : i32
      %and3A_635 = arith.andi %scan3A_634, %and3A : i32
      %shift_right_logical3A = arith.constant 3 : i32
      %shift_right_logical3A_636 = arith.shrui %and3A_635, %shift_right_logical3A : i32
      %and3A_637 = arith.constant 7 : i32
      %and3A_638 = arith.andi %and3A_635, %and3A_637 : i32
      %add3A_639 = vector.broadcast %shift_right_logical3A_636 : i32 to vector<16xi32>
      %add3A_640 = arith.addi %broadcast_in_dim3A_7, %add3A_639 : vector<16xi32>
      %mul3A_641 = arith.constant 16 : i32
      %mul3A_642 = arith.muli %and3A_638, %mul3A_641 : i32
      %add3A_643 = vector.broadcast %mul3A_642 : i32 to vector<16xi32>
      %add3A_644 = arith.addi %iota3A, %add3A_643 : vector<16xi32>
      %mul3A_645 = arith.constant 16 : i32
      %mul3A_646 = arith.muli %and3A_635, %mul3A_645 : i32
      %get3A = arith.index_cast %mul3A_646 : i32 to index
      %get3A_647 = tpu.vector_load %arg8[%get3A] {strides = array<i32>} : memref<1024xi32, #tpu.memory_space<vmem>>, vector<16xi32>,
      tpu.vector_store_idx %arg6[%get3A_647, %add3A_640, %add3A_644], %broadcast_in_dim3A_3 : memref<33x8x128xf32, #tpu.memory_space<vmem>>[vector<16xi32>, vector<16xi32>, vector<16xi32>], vector<16xf32>,
      %mul3A_648 = arith.constant 16 : i32
      %mul3A_649 = arith.muli %and3A_638, %mul3A_648 : i32
      %get3A_650 = arith.constant 3 : i32
      %get3A_651 = arith.index_cast %get3A_650 : i32 to index
      %get3A_652 = arith.index_cast %shift_right_logical3A_636 : i32 to index
      %get3A_653 = arith.index_cast %mul3A_649 : i32 to index
      %get3A_654 = tpu.vector_load %arg4[%get3A_651, %get3A_652, %get3A_653] {strides = array<i32>} : memref<4x8x128xi32, #tpu.memory_space<vmem>>, vector<16xi32>,
      %gt3A = arith.constant 0 : i32
      %gt3A_655 = vector.broadcast %gt3A : i32 to vector<16xi32>
      %gt3A_656 = arith.cmpi sgt, %get3A_654, %gt3A_655 : vector<16xi32>
      %lt3A = arith.constant 33 : i32
      %lt3A_657 = vector.broadcast %lt3A : i32 to vector<16xi32>
      %lt3A_658 = arith.cmpi slt, %get3A_654, %lt3A_657 : vector<16xi32>
      %and3A_659 = arith.andi %gt3A_656, %lt3A_658 : vector<16xi1>
      %jit3A = arith.constant 0 : i32
      %broadcast_in_dim3A_660 = vector.broadcast %jit3A : i32 to vector<16xi32>
      %select_n3A = arith.select %and3A_659, %get3A_654, %broadcast_in_dim3A_660 : vector<16xi1>, vector<16xi32>
      %mul3A_661 = arith.constant 16 : i32
      %mul3A_662 = arith.muli %and3A_635, %mul3A_661 : i32
      %swap3A_663 = arith.index_cast %mul3A_662 : i32 to index
      %swap3A_664 = tpu.vector_load %arg8[%swap3A_663] {strides = array<i32>} : memref<1024xi32, #tpu.memory_space<vmem>>, vector<16xi32>,
      tpu.vector_store %arg8[%swap3A_663], %select_n3A {strides = array<i32>} : memref<1024xi32, #tpu.memory_space<vmem>>, vector<16xi32>,
      tpu.vector_store_idx %arg6[%select_n3A, %add3A_640, %add3A_644], %broadcast_in_dim3A_5 masked %and3A_659 : memref<33x8x128xf32, #tpu.memory_space<vmem>>[vector<16xi32>, vector<16xi32>, vector<16xi32>], vector<16xf32>, vector<16xi1>
    }
    %scan3A_591 = arith.constant 256 : i32
    %dma_start3A_592 = arith.constant 0 : i32
    %dma_start3A_593 = arith.constant 192 : i32
    %dma_start3A_594 = tpu.memref_slice %arg3[%dma_start3A_592, %dma_start3A_593, %add3A_579] : memref<66x200x16384xf32, #tpu.memory_space<hbm>> -> memref<33x8x128xf32, #tpu.memory_space<hbm>>
    %dma_start3A_595 = arith.constant 0 : i32
    %dma_start3A_596 = arith.constant 192 : i32
    %dma_start3A_597 = tpu.memref_slice %arg3[%dma_start3A_595, %dma_start3A_596, %add3A_579] : memref<66x200x16384xf32, #tpu.memory_space<hbm>> -> memref<33x8x128xf32, #tpu.memory_space<hbm>>
    tpu.enqueue_dma source(%arg6 : memref<33x8x128xf32, #tpu.memory_space<vmem>>) target(%dma_start3A_597 : memref<33x8x128xf32, #tpu.memory_space<hbm>>) target_semaphore(%arg12 : memref<!tpu.dma_semaphore, #tpu.memory_space<semaphore_mem>>)
    %add3A_598 = arith.constant 384 : i32
    %add3A_599 = arith.addi %mul3A_2, %add3A_598 : i32
    %dma_wait3A_600 = arith.constant 33 : i32
    %dma_wait3A_601 = arith.constant 192 : i32
    %dma_wait3A_602 = tpu.memref_slice %arg3[%dma_wait3A_600, %dma_wait3A_601, %add3A_599] : memref<66x200x16384xf32, #tpu.memory_space<hbm>> -> memref<33x8x128xf32, #tpu.memory_space<hbm>>
    %dma_wait3A_603 = arith.constant 33 : i32
    %dma_wait3A_604 = arith.constant 192 : i32
    %dma_wait3A_605 = tpu.memref_slice %arg3[%dma_wait3A_603, %dma_wait3A_604, %add3A_599] : memref<66x200x16384xf32, #tpu.memory_space<hbm>> -> memref<33x8x128xf32, #tpu.memory_space<hbm>>
    tpu.wait_dma2 semaphore(%arg13 : memref<!tpu.dma_semaphore, #tpu.memory_space<semaphore_mem>>) src(%arg7 : memref<33x8x128xf32, #tpu.memory_space<vmem>>) dst(%dma_wait3A_605 : memref<33x8x128xf32, #tpu.memory_space<hbm>>)
    %scan3A_606 = arith.constant 0 : i32
    %scan3A_607 = arith.constant 0 : i32
    %scan3A_608 = arith.constant 256 : i32
    %scan3A_609 = arith.addi %scan3A_607, %scan3A_608 : i32
    %scan3A_610 = arith.constant 1 : i32
    scf.for %scan3A_634 = %scan3A_607 to %scan3A_609 step %scan3A_610  : i32 {
      %and3A = arith.constant 63 : i32
      %and3A_635 = arith.andi %scan3A_634, %and3A : i32
      %shift_right_logical3A = arith.constant 3 : i32
      %shift_right_logical3A_636 = arith.shrui %and3A_635, %shift_right_logical3A : i32
      %and3A_637 = arith.constant 7 : i32
      %and3A_638 = arith.andi %and3A_635, %and3A_637 : i32
      %add3A_639 = vector.broadcast %shift_right_logical3A_636 : i32 to vector<16xi32>
      %add3A_640 = arith.addi %broadcast_in_dim3A_7, %add3A_639 : vector<16xi32>
      %mul3A_641 = arith.constant 16 : i32
      %mul3A_642 = arith.muli %and3A_638, %mul3A_641 : i32
      %add3A_643 = vector.broadcast %mul3A_642 : i32 to vector<16xi32>
      %add3A_644 = arith.addi %iota3A, %add3A_643 : vector<16xi32>
      %mul3A_645 = arith.constant 16 : i32
      %mul3A_646 = arith.muli %and3A_635, %mul3A_645 : i32
      %get3A = arith.index_cast %mul3A_646 : i32 to index
      %get3A_647 = tpu.vector_load %arg9[%get3A] {strides = array<i32>} : memref<1024xi32, #tpu.memory_space<vmem>>, vector<16xi32>,
      tpu.vector_store_idx %arg7[%get3A_647, %add3A_640, %add3A_644], %broadcast_in_dim3A_3 : memref<33x8x128xf32, #tpu.memory_space<vmem>>[vector<16xi32>, vector<16xi32>, vector<16xi32>], vector<16xf32>,
      %mul3A_648 = arith.constant 16 : i32
      %mul3A_649 = arith.muli %and3A_638, %mul3A_648 : i32
      %get3A_650 = arith.constant 3 : i32
      %get3A_651 = arith.index_cast %get3A_650 : i32 to index
      %get3A_652 = arith.index_cast %shift_right_logical3A_636 : i32 to index
      %get3A_653 = arith.index_cast %mul3A_649 : i32 to index
      %get3A_654 = tpu.vector_load %arg4[%get3A_651, %get3A_652, %get3A_653] {strides = array<i32>} : memref<4x8x128xi32, #tpu.memory_space<vmem>>, vector<16xi32>,
      %ge3A = arith.constant 33 : i32
      %ge3A_655 = vector.broadcast %ge3A : i32 to vector<16xi32>
      %ge3A_656 = arith.cmpi sge, %get3A_654, %ge3A_655 : vector<16xi32>
      %sub3A = arith.constant 33 : i32
      %sub3A_657 = vector.broadcast %sub3A : i32 to vector<16xi32>
      %sub3A_658 = arith.subi %get3A_654, %sub3A_657 : vector<16xi32>
      %jit3A = arith.constant 0 : i32
      %broadcast_in_dim3A_659 = vector.broadcast %jit3A : i32 to vector<16xi32>
      %select_n3A = arith.select %ge3A_656, %sub3A_658, %broadcast_in_dim3A_659 : vector<16xi1>, vector<16xi32>
      %mul3A_660 = arith.constant 16 : i32
      %mul3A_661 = arith.muli %and3A_635, %mul3A_660 : i32
      %swap3A_662 = arith.index_cast %mul3A_661 : i32 to index
      %swap3A_663 = tpu.vector_load %arg9[%swap3A_662] {strides = array<i32>} : memref<1024xi32, #tpu.memory_space<vmem>>, vector<16xi32>,
      tpu.vector_store %arg9[%swap3A_662], %select_n3A {strides = array<i32>} : memref<1024xi32, #tpu.memory_space<vmem>>, vector<16xi32>,
      tpu.vector_store_idx %arg7[%select_n3A, %add3A_640, %add3A_644], %broadcast_in_dim3A_5 masked %ge3A_656 : memref<33x8x128xf32, #tpu.memory_space<vmem>>[vector<16xi32>, vector<16xi32>, vector<16xi32>], vector<16xf32>, vector<16xi1>
    }
    %scan3A_611 = arith.constant 256 : i32
    %dma_start3A_612 = arith.constant 33 : i32
    %dma_start3A_613 = arith.constant 192 : i32
    %dma_start3A_614 = tpu.memref_slice %arg3[%dma_start3A_612, %dma_start3A_613, %add3A_599] : memref<66x200x16384xf32, #tpu.memory_space<hbm>> -> memref<33x8x128xf32, #tpu.memory_space<hbm>>
    %dma_start3A_615 = arith.constant 33 : i32
    %dma_start3A_616 = arith.constant 192 : i32
    %dma_start3A_617 = tpu.memref_slice %arg3[%dma_start3A_615, %dma_start3A_616, %add3A_599] : memref<66x200x16384xf32, #tpu.memory_space<hbm>> -> memref<33x8x128xf32, #tpu.memory_space<hbm>>
    tpu.enqueue_dma source(%arg7 : memref<33x8x128xf32, #tpu.memory_space<vmem>>) target(%dma_start3A_617 : memref<33x8x128xf32, #tpu.memory_space<hbm>>) target_semaphore(%arg13 : memref<!tpu.dma_semaphore, #tpu.memory_space<semaphore_mem>>)
    %add3A_618 = arith.constant 384 : i32
    %add3A_619 = arith.addi %mul3A_2, %add3A_618 : i32
    %dma_wait3A_620 = arith.constant 0 : i32
    %dma_wait3A_621 = arith.constant 192 : i32
    %dma_wait3A_622 = tpu.memref_slice %arg3[%dma_wait3A_620, %dma_wait3A_621, %add3A_619] : memref<66x200x16384xf32, #tpu.memory_space<hbm>> -> memref<33x8x128xf32, #tpu.memory_space<hbm>>
    %dma_wait3A_623 = arith.constant 0 : i32
    %dma_wait3A_624 = arith.constant 192 : i32
    %dma_wait3A_625 = tpu.memref_slice %arg3[%dma_wait3A_623, %dma_wait3A_624, %add3A_619] : memref<66x200x16384xf32, #tpu.memory_space<hbm>> -> memref<33x8x128xf32, #tpu.memory_space<hbm>>
    tpu.wait_dma2 semaphore(%arg12 : memref<!tpu.dma_semaphore, #tpu.memory_space<semaphore_mem>>) src(%arg6 : memref<33x8x128xf32, #tpu.memory_space<vmem>>) dst(%dma_wait3A_625 : memref<33x8x128xf32, #tpu.memory_space<hbm>>)
    %add3A_626 = arith.constant 384 : i32
    %add3A_627 = arith.addi %mul3A_2, %add3A_626 : i32
    %dma_wait3A_628 = arith.constant 33 : i32
    %dma_wait3A_629 = arith.constant 192 : i32
    %dma_wait3A_630 = tpu.memref_slice %arg3[%dma_wait3A_628, %dma_wait3A_629, %add3A_627] : memref<66x200x16384xf32, #tpu.memory_space<hbm>> -> memref<33x8x128xf32, #tpu.memory_space<hbm>>
    %dma_wait3A_631 = arith.constant 33 : i32
    %dma_wait3A_632 = arith.constant 192 : i32
    %dma_wait3A_633 = tpu.memref_slice %arg3[%dma_wait3A_631, %dma_wait3A_632, %add3A_627] : memref<66x200x16384xf32, #tpu.memory_space<hbm>> -> memref<33x8x128xf32, #tpu.memory_space<hbm>>
    tpu.wait_dma2 semaphore(%arg13 : memref<!tpu.dma_semaphore, #tpu.memory_space<semaphore_mem>>) src(%arg7 : memref<33x8x128xf32, #tpu.memory_space<vmem>>) dst(%dma_wait3A_633 : memref<33x8x128xf32, #tpu.memory_space<hbm>>)
    return
  }
}

</mosaic_0001>

<sc_bundles>
// kernel: kernel.3.cloned.1.call-start
scs
__scs_entry_jumppad:
0x0: {  	(pc) =	sbr.rel $0x88, $3  }
0x1: {  	(tag) =	ssettag $0x0;
	lr =	simm.s32 $0x1  }
0x2: {  	[smem:$0x3FA0] =	sst lr;
	_ =	strace $0xD0000000  }
0x3: {  	_ = 	snop  }
0x4: {  	_ = 	snop  }
0x5: {  	_ = 	snop  }
0x6: {  	_ = 	snop  }
0x7: {  	_ = 	snop  }
__scs_overlays_trampoline_lowered:
0x8: {  	[smem:$0x3FAF] =	sst s0  }
0x9: {  	[smem:$0x3FB0] =	sst s1  }
0xa: {  	[smem:$0x3FB1] =	sst s2  }
0xb: {  	[smem:$0x3FB2] =	sst s3  }
0xc: {  	[smem:$0x3FB3] =	sst s4  }
0xd: {  	[smem:$0x3FB4] =	sst s5  }
0xe: {  	[smem:$0x3FB5] =	sst s6  }
0xf: {  	[smem:$0x3FB6] =	sst s7  }
0x10: {  	[smem:$0x3FB7] =	sst s8  }
0x11: {  	[smem:$0x3FB8] =	sst s9;
	s0 =	simm.s32 @!p0 $0x0  }
0x12: {  	s1 =	sld [smem:$0x3F9E];
	s0 =	simm.s32 @p0 $0x1  }
0x13: {  	[smem:$0x3FB9] =	sst s0;
	s0 =	simm.s32 @!p1 $0x0  }
0x14: {  	s2 =	sld [smem:$0x3F9D];
	s0 =	simm.s32 @p1 $0x1  }
0x15: {  	[smem:$0x3FBA] =	sst s0;
	s0 =	simm.s32 @!p2 $0x0  }
0x16: {  	s3 =	sld [smem:$0x3FDB];
	s0 =	simm.s32 @p2 $0x1  }
0x17: {  	s4 =	simm.s32 $0x1BF5;
	[smem:$0x3FBC] =	sst s0  }
0x18: {  	s0 =	sld [smem:$0x3F9F];
	_ =	swait.ge [sflag:s4], $0x0  }
0x19: {  	s7 =	sld [smem:$0x3FA0]  }
0x1a: {  	s8 =	sadd.s32 $0xFFFFE003, lr  }
0x1b: {  	s9 =	sadd.s32 $0xFFFFFEF7, lr;
	s5 =	simm.s32 $0xFFFFFFFF;
	p2 =	slt.u32 s8, $0xFFFFF086  }
0x1c: {  	p1 =	slt.u32 s9, $0xF7A;
	s5 =	simm.s32 @!p2 $0x0  }
0x1d: {  	s5 =	simm.s32 @p1 $0x1;
	p0 =	seq.s32 s7, s2  }
0x1e: {  	s7 =	smul.u32 @!p0 $0xF7A, s2;
	p2 =	seq.s32 @!p0 s5, $0x0  }
0x1f: {  	s9 =	smul.u32 $0xF7A, s1;
	s8 =	simm.s32 @!p0 $0x1BF5;
	p2 =	por !p2, p0  }
0x20: {  	[sflag:s8] =	ssyncset.s32 @!p0 $0xFFFFF086;
	s6 =	sadd.s32 @!p0 s3, s7;
	s7 =	simm.s32 @!p0 $0x108  }
0x21: {  	s3 =	sadd.s32 s3, s9;
	s6 =	sadd.s32 @!p0 $0x88, s6;
	s7 =	simm.s32 @p2 $0x1082  }
0x22: {  	[simem:s7], [sflag:s8] =	dma.local @!p0 [hbm:s6], $0xF7A  }
0x23: {  	s9 =	sor.u32 $0xD0000000, s2;
	s6 =	simm.s32 $0x108;
	_ =	swait.ge @!p0 [sflag:s8], $0x0  }
0x24: {  	s3 =	sadd.s32 $0x88, s3;
	s6 =	simm.s32 @!p1 $0x1082;
	[sflag:s4] =	ssyncset.s32 $0xFFFFF086  }
0x25: {  	[simem:s6], [sflag:s4] =	dma.local [hbm:s3], $0xF7A  }
0x26: {  	[smem:$0x3FA0] =	sst s1;
	(tag) =	ssettag s2;
	_ =	strace s9  }
0x27: {  	s1 =	sld [smem:$0x3FB0]  }
0x28: {  	s2 =	sld [smem:$0x3FB1]  }
0x29: {  	s4 =	sld [smem:$0x3FB3]  }
0x2a: {  	p0 =	seq.s32 s5, $0x0;
	s5 =	sld [smem:$0x3FB4]  }
0x2b: {  	s6 =	sld [smem:$0x3FB5]  }
0x2c: {  	s7 =	sld [smem:$0x3FB6]  }
0x2d: {  	s3 =	simm.s32 $0x108;
	s8 =	sld [smem:$0x3FB7]  }
0x2e: {  	s3 =	simm.s32 @!p0 $0x1082;
	s9 =	sld [smem:$0x3FB8]  }
0x2f: {  	lr =	sadd.s32 s0, s3;
	s0 =	sld [smem:$0x3FAF]  }
0x30: {  	s3 =	sld [smem:$0x3FB2]  }
0x31: {  	[smem:$0x3FBB] =	sst s10  }
0x32: {  	s10 =	sld [smem:$0x3FB9];
	_ =	sdelay $0x3  }
0x33: {  	p0 =	seq.s32 s10, $0x1;
	s10 =	sld [smem:$0x3FBB];
	_ =	sdelay $0x3  }
0x34: {  	[smem:$0x3FBB] =	sst s10  }
0x35: {  	s10 =	sld [smem:$0x3FBA];
	_ =	sdelay $0x3  }
0x36: {  	p1 =	seq.s32 s10, $0x1;
	s10 =	sld [smem:$0x3FBB];
	_ =	sdelay $0x3  }
0x37: {  	[smem:$0x3FBB] =	sst s10  }
0x38: {  	s10 =	sld [smem:$0x3FBC]  }
0x39: {  	_ = 	snop;
	(pc) =	sbr.ind lr, $3  }
0x3a: {  	_ = 	snop  }
0x3b: {  	_ = 	snop  }
0x3c: {  	p2 =	seq.s32 s10, $0x1;
	s10 =	sld [smem:$0x3FBB]  }
0x3d: {  	_ =	shalt  }
0x3e: {  	_ =	shalt  }
0x3f: {  	_ =	shalt  }
0x40: {  	_ =	shalt  }
0x41: {  	_ =	shalt  }
0x42: {  	_ =	shalt  }
0x43: {  	_ =	shalt  }
0x44: {  	_ =	shalt  }
0x45: {  	_ =	shalt  }
0x46: {  	_ =	shalt  }
0x47: {  	_ =	shalt  }
0x48: {  	_ =	shalt  }
0x49: {  	_ =	shalt  }
0x4a: {  	_ =	shalt  }
0x4b: {  	_ =	shalt  }
0x4c: {  	_ =	shalt  }
0x4d: {  	_ =	shalt  }
0x4e: {  	_ =	shalt  }
0x4f: {  	_ =	shalt  }
0x50: {  	_ =	shalt  }
0x51: {  	_ =	shalt  }
0x52: {  	_ =	shalt  }
0x53: {  	_ =	shalt  }
0x54: {  	_ =	shalt  }
0x55: {  	_ =	shalt  }
0x56: {  	_ =	shalt  }
0x57: {  	_ =	shalt  }
0x58: {  	_ =	shalt  }
0x59: {  	_ =	shalt  }
0x5a: {  	_ =	shalt  }
0x5b: {  	_ =	shalt  }
0x5c: {  	_ =	shalt  }
0x5d: {  	_ =	shalt  }
0x5e: {  	_ =	shalt  }
0x5f: {  	_ =	shalt  }
0x60: {  	_ =	shalt  }
0x61: {  	_ =	shalt  }
0x62: {  	_ =	shalt  }
0x63: {  	_ =	shalt  }
0x64: {  	_ =	shalt  }
0x65: {  	_ =	shalt  }
0x66: {  	_ =	shalt  }
0x67: {  	_ =	shalt  }
0x68: {  	_ =	shalt  }
0x69: {  	_ =	shalt  }
0x6a: {  	_ =	shalt  }
0x6b: {  	_ =	shalt  }
0x6c: {  	_ =	shalt  }
0x6d: {  	_ =	shalt  }
0x6e: {  	_ =	shalt  }
0x6f: {  	_ =	shalt  }
0x70: {  	_ =	shalt  }
0x71: {  	_ =	shalt  }
0x72: {  	_ =	shalt  }
0x73: {  	_ =	shalt  }
0x74: {  	_ =	shalt  }
0x75: {  	_ =	shalt  }
0x76: {  	_ =	shalt  }
0x77: {  	_ =	shalt  }
0x78: {  	_ =	shalt  }
0x79: {  	_ =	shalt  }
0x7a: {  	_ =	shalt  }
0x7b: {  	_ =	shalt  }
0x7c: {  	_ =	shalt  }
0x7d: {  	_ =	shalt  }
0x7e: {  	_ =	shalt  }
0x7f: {  	_ =	shalt  }
0x80: {  	_ =	shalt  }
0x81: {  	_ =	shalt  }
0x82: {  	_ =	shalt  }
0x83: {  	_ =	shalt  }
0x84: {  	_ =	shalt  }
0x85: {  	_ =	shalt  }
0x86: {  	_ =	shalt  }
0x87: {  	_ =	shalt  }
.Lfunc_end0:
.L_simem_size_0:
called_computation_lowered:
.L_overlay_start_0:
0x88: {  	s2 =	sld [smem:$0x3FD9]  }
0x89: {  	s3 =	sld [smem:$0x3FFE];
	_ =	sdelay $0x1  }
0x8a: {  	s1 =	srdreg.scid  }
0x8b: {  	s0 =	sand.u32 $0x1, s1  }
0x8c: {  	s18 =	sshll.u32 s0, $0xA;
	s2 =	sadd.s32 s3, s2  }
0x8d: {  	s2 =	sadd.s32 s2, s18  }
0x8e: {  	[smem:$0x3FC7] =	sst s2  }
0x8f: {  	_ = 	snop  }
0x90: {  	s2 =	sld [smem:$0x3FC9]  }
0x91: {  	s19 =	sld [smem:$0x3FD0];
	(tm) =	ssettm $0x1  }
0x92: {  	s4 =	sld [smem:$0x3FFB];
	_ =	sdelay $0x3  }
0x93: {  	_ =	strace s4  }
0x94: {  	s4 =	sld [smem:$0x3FFC];
	_ =	sdelay $0x3  }
0x95: {  	_ =	strace s4  }
0x96: {  	s4 =	sld [smem:$0x3FFD];
	_ =	sdelay $0x3  }
0x97: {  	_ =	strace s4  }
0x98: {  	_ =	strace $0x8FFFFFFF  }
0x99: {  	s20 =	sld [smem:$0x3FDB];
	_ =	sdelay $0x1  }
0x9a: {  	s5 =	simm.s32 $_scs_section_size  }
0x9b: {  	s6 =	simm.s32 $_size__tile_overlayer_lowered;
	s7 =	simm.s32 $_tile_overlayer_lowered  }
0x9c: {  	s23 =	simm.s32 $0x1BFF;
	s22 =	sshll.u32 s7, $0x1;
	s4 =	sadd.s32 s5, s20  }
0x9d: {  	s8 =	simm.s32 $0x0;
	s21 =	sshll.u32 s6, $0x1;
	s6 =	sadd.s32 s22, s4  }
0x9e: {  	[timem:s8], [sflag:s23] =	dma.local [hbm:s6], s21  }
0x9f: {  	_ =	swait.ge [sflag:s23], s21  }
0xa0: {  	s5 =	ssub.s32 $0x0, s21;
	[sflag:s23] =	ssyncset.done $0x0  }
0xa1: {  	[sflag:s23] =	ssyncadd.s32 s5;
	_ =	sdelay $0x1  }
0xa2: {  	s24 =	simm.s32 $0x1B8B  }
0xa3: {  	_ =	swait.ge [sflag:s24], $0x1  }
0xa4: {  	[sflag:s24] =	ssyncset.done $0x0  }
0xa5: {  	s25 =	simm.s32 $0x1B8E;
	[sflag:s24] =	ssyncadd.s32 $0xFFFFFFFF  }
0xa6: {  	s26 =	simm.s32 $execute0_lowered;
	[smem:$0x3FD2] =	sst s25  }
0xa7: {  	s5 =	sshll.u32 s26, $0x1;
	_ =	strace $0x80000046;
	[dreg:$0x1] =	wrdreg $0xFFFFFFFF  }
0xa8: {  	s28 =	simm.s32 $_size_execute0_lowered;
	s4 =	sadd.s32 s4, s5;
	[dreg:$0x0] =	wrdreg $0x0  }
0xa9: {  	s5 =	sshll.u32 s28, $0x1;
	[dreg:$0x2] =	wrdreg s4  }
0xaa: {  	[dreg:$0x3] =	wrdreg s5  }
0xab: {  	[dreg:$0x4] =	wrdreg $0xC0  }
0xac: {  	_ =	task [dreg:s8], $0x5FFFF  }
0xad: {  	[dreg:$0x1] =	wrdreg $0xFFFFFFFF  }
0xae: {  	[dreg:$0x0] =	wrdreg $0x60  }
0xaf: {  	[dreg:$0x2] =	wrdreg s2  }
0xb0: {  	[dreg:$0x3] =	wrdreg s19  }
0xb1: {  	[dreg:$0x4] =	wrdreg $0x9  }
0xb2: {  	_ =	task.clear_ibuf [dreg:s8], $0x5FFFF;
	_ =	strace $0x90000046  }
0xb3: {  	s29 =	simm.s32 $0x9;
	_ =	strace $0x80000048  }
0xb4: {  	_ =	swait.ge [sflag:s29], $0x1  }
0xb5: {  	[sflag:s29] =	ssyncadd.s32 $0xFFFFFFFF  }
0xb6: {  	_ =	strace $0x90000048  }
0xb7: {  	_ =	sfence  }
0xb8: {  	s30 =	sld [smem:$0x0];
	_ =	sdelay $0x2  }
0xb9: {  	s31 =	sshll.u32 s1, $0xD;
	s1 =	sshrl.u32 s1, $0x2  }
0xba: {  	s3 =	sand.u32 $0x4000, s31;
	s1 =	sadd.s32 s1, s30  }
0xbb: {  	s0 =	sor.u32 s3, s0;
	s1 =	sshll.u32 s1, $0x11  }
0xbc: {  	s0 =	sor.u32 s1, s0  }
0xbd: {  	s0 =	sadd.s32 $0x8F2B, s0  }
0xbe: {  	[sflag:s0] =	ssyncadd.remote.s32 $0x1  }
0xbf: {  	_ =	sfence.sel $0xFFFF  }
0xc0: {  	[dreg:$0x0] =	wrdreg $0xFFFFFFFF;
	(pc) =	sbr.abs _section_cstart, $3  }
0xc1: {  	[dreg:$0x1] =	wrdreg $0xFFFFFFFF  }
0xc2: {  	_ =	task.clear_ibuf [dreg:s8], $0x2FFFF;
	_ =	strace $0x9FFFFFFF  }
0xc3: {  	(tm) =	ssettm $0x7FFFFFFF  }
tec
execute0_lowered:
.L_overlay_start_1:
0x0: {  	(tag) =	ssettag $0x1  }
0x1: {  	s0 =	srdreg.scid  }
0x2: {  	s1 =	rddreg [dreg:$0x0];
	s5 =	stileid.u32;
	s0 =	sand.u32 $0x1, s0  }
0x3: {  	s5 =	sshll.u32 s5, $0xA;
	s2 =	ssub.s32 $0x2, s0;
	s0 =	sshll.u32 s0, $0x9  }
0x4: {  	s3 =	rddreg [dreg:$0x1];
	s6 =	sshrl.u32 s2, $0x1;
	s0 =	sor.u32 s0, s5  }
0x5: {  	s4 =	simm.s32 $0x0;
	s2 =	ssub.s32 s2, s6;
	s6 =	sadd.s32 s1, s0  }
0x6: {  	s28 =	simm.s32 $0x800;
	[smem:$0x7FF] =	sst s4;
	s15 =	sadd.s32 $0x4000, s6  }
0x7: {  	_ =	strace $0x80000047;
	s16 =	sadd.s32 $0x4080, s6;
	[dreg:$0x6] =	wrdreg s15  }
0x8: {  	s5 =	sshll.u32 s0, $0x3;
	s17 =	sadd.s32 $0x4100, s6;
	[dreg:$0x7] =	wrdreg s16  }
0x9: {  	s0 =	sadd.s32 s0, s3;
	s18 =	sadd.s32 $0x4180, s6;
	[dreg:$0x8] =	wrdreg s17  }
0xa: {  	s29 =	simm.s32 $0xC00;
	s19 =	sadd.s32 $0x60000, s0;
	[dreg:$0x9] =	wrdreg s18  }
0xb: {  	s30 =	simm.s32 $0x1000;
	s20 =	sadd.s32 $0xD44000, s0;
	[dreg:$0xa] =	wrdreg s19  }
0xc: {  	s31 =	simm.s32 $0x1400;
	s21 =	sadd.s32 $0xD44080, s0;
	[dreg:$0xb] =	wrdreg s20  }
0xd: {  	s12 =	simm.s32 $0x320000;
	s22 =	sadd.s32 $0x60080, s0;
	[dreg:$0xc] =	wrdreg s21  }
0xe: {  	s7 =	sor.u32 $0x400, s5;
	s23 =	sadd.s32 $0x60100, s0;
	[dreg:$0xd] =	wrdreg s22  }
0xf: {  	s8 =	sor.u32 $0x800, s5;
	s24 =	sadd.s32 $0xD44100, s0;
	[dreg:$0xe] =	wrdreg s23  }
0x10: {  	s9 =	sor.u32 $0xC00, s5;
	s25 =	sadd.s32 $0x60180, s0;
	[dreg:$0xf] =	wrdreg s24  }
0x11: {  	s0 =	sadd.s32 $0xD44180, s0;
	s26 =	smax.u32 s2, $0x1;
	[dreg:$0x10] =	wrdreg s25  }
0x12: {  	s2 =	simm.s32 $0x1C00;
	s10 =	sshrl.u32 s7, $0x3;
	[dreg:$0x11] =	wrdreg s0  }
0x13: {  	s11 =	sshrl.u32 s8, $0x3;
	s14 =	sshrl.u32 s9, $0x3;
	[dreg:$0x12] =	wrdreg s26  }
0x14: {  	s26 =	simm.s32 $0x400;
	s0 =	simm.s32 $0x1800;
	s15 =	simm.s32 $0x4  }
0x15: {  	s16 =	simm.s32 $0x2;
	s18 =	simm.s32 $0x0;
	s10 =	sadd.s32 s1, s10  }
0x16: {  	s13 =	sadd.s32 s1, s11;
	s11 =	simm.s32 $0x2000;
	[dreg:$0x3] =	wrdreg s10  }
0x17: {  	v0 =	vimm.f32 $0.0e+00;
	[dreg:$0x4] =	wrdreg s13;
	s10 =	sadd.s32 s1, s14;
	s13 =	simm.s32 $0xA400  }
0x18: {  	v1 =	vimm.s32 $0x0;
	v2 =	vlaneseq.u32;
	v3 =	vimm.f32 $1.000000000e+00;
	s14 =	simm.s32 $0x3;
	[dreg:$0x5] =	wrdreg s10;
	s10 =	simm.s32 $0x1  }
.LBB2_1:
0x19: {  	[dreg:$0x13] =	wrdreg s18  }
0x1a: {  	[tilespmem:s4], [sflag:$0x1] =	stream.linear.gather [hbm4b:s6+s4], $0x400, $0x38;
	[tilespmem:$0x13000] =	vst v63  }
0x1b: {  	s17 =	rddreg [dreg:$0x3]  }
0x1c: {  	[tilespmem:s26], [sflag:$0x1] =	stream.linear.gather [hbm4b:s17+s4], $0x400, $0x38;
	[tilespmem:$0x13000] =	vst v63  }
0x1d: {  	s20 =	rddreg [dreg:$0x4]  }
0x1e: {  	[tilespmem:s28], [sflag:$0x1] =	stream.linear.gather [hbm4b:s20+s4], $0x400, $0x38;
	[tilespmem:$0x13000] =	vst v63  }
0x1f: {  	s21 =	rddreg [dreg:$0x5]  }
0x20: {  	[tilespmem:s29], [sflag:$0x1] =	stream.linear.gather [hbm4b:s21+s4], $0x400, $0x38;
	[tilespmem:$0x13000] =	vst v63  }
0x21: {  	s22 =	rddreg [dreg:$0x6]  }
0x22: {  	[tilespmem:s30], [sflag:$0x2] =	stream.linear.gather [hbm4b:s22+s4], $0x400, $0x38;
	[tilespmem:$0x13000] =	vst v63  }
0x23: {  	s23 =	rddreg [dreg:$0x7]  }
0x24: {  	[tilespmem:s31], [sflag:$0x2] =	stream.linear.gather [hbm4b:s23+s4], $0x400, $0x38;
	[tilespmem:$0x13000] =	vst v63  }
0x25: {  	s24 =	rddreg [dreg:$0x8]  }
0x26: {  	[tilespmem:s0], [sflag:$0x2] =	stream.linear.gather [hbm4b:s24+s4], $0x400, $0x38;
	[tilespmem:$0x13000] =	vst v63  }
0x27: {  	s25 =	rddreg [dreg:$0x9];
	s18 =	simm.s32 $0x0;
	s19 =	simm.s32 $0x1000  }
0x28: {  	[tilespmem:s2], [sflag:$0x2] =	stream.linear.gather [hbm4b:s25+s4], $0x400, $0x38;
	[tilespmem:$0x13000] =	vst v63  }
.LBB2_2:
0x29: {  	p0 =	sne.s32 s19, $0x20000;
	[tilespmem:s18+$0x23F0] =	vst v0  }
0x2a: {  	[tilespmem:s18+$0x2000] =	vst v0  }
0x2b: {  	[tilespmem:s18+$0x2010] =	vst v0  }
0x2c: {  	[tilespmem:s18+$0x2020] =	vst v0  }
0x2d: {  	[tilespmem:s18+$0x2030] =	vst v0  }
0x2e: {  	[tilespmem:s18+$0x2040] =	vst v0  }
0x2f: {  	[tilespmem:s18+$0x2050] =	vst v0  }
0x30: {  	[tilespmem:s18+$0x2060] =	vst v0  }
0x31: {  	[tilespmem:s18+$0x2070] =	vst v0  }
0x32: {  	[tilespmem:s18+$0x2080] =	vst v0  }
0x33: {  	[tilespmem:s18+$0x2090] =	vst v0  }
0x34: {  	[tilespmem:s18+$0x20A0] =	vst v0  }
0x35: {  	[tilespmem:s18+$0x20B0] =	vst v0  }
0x36: {  	[tilespmem:s18+$0x20C0] =	vst v0  }
0x37: {  	[tilespmem:s18+$0x20D0] =	vst v0  }
0x38: {  	[tilespmem:s18+$0x20E0] =	vst v0  }
0x39: {  	[tilespmem:s18+$0x20F0] =	vst v0  }
0x3a: {  	[tilespmem:s18+$0x2100] =	vst v0  }
0x3b: {  	[tilespmem:s18+$0x2110] =	vst v0  }
0x3c: {  	[tilespmem:s18+$0x2120] =	vst v0  }
0x3d: {  	[tilespmem:s18+$0x2130] =	vst v0  }
0x3e: {  	[tilespmem:s18+$0x2140] =	vst v0  }
0x3f: {  	[tilespmem:s18+$0x2150] =	vst v0  }
0x40: {  	[tilespmem:s18+$0x2160] =	vst v0  }
0x41: {  	[tilespmem:s18+$0x2170] =	vst v0  }
0x42: {  	[tilespmem:s18+$0x2180] =	vst v0  }
0x43: {  	[tilespmem:s18+$0x2190] =	vst v0  }
0x44: {  	[tilespmem:s18+$0x21A0] =	vst v0  }
0x45: {  	[tilespmem:s18+$0x21B0] =	vst v0  }
0x46: {  	[tilespmem:s18+$0x21C0] =	vst v0  }
0x47: {  	[tilespmem:s18+$0x21D0] =	vst v0  }
0x48: {  	[tilespmem:s18+$0x21E0] =	vst v0  }
0x49: {  	[tilespmem:s18+$0x21F0] =	vst v0  }
0x4a: {  	[tilespmem:s18+$0x2200] =	vst v0  }
0x4b: {  	[tilespmem:s18+$0x2210] =	vst v0  }
0x4c: {  	[tilespmem:s18+$0x2220] =	vst v0  }
0x4d: {  	[tilespmem:s18+$0x2230] =	vst v0  }
0x4e: {  	[tilespmem:s18+$0x2240] =	vst v0  }
0x4f: {  	[tilespmem:s18+$0x2250] =	vst v0  }
0x50: {  	[tilespmem:s18+$0x2260] =	vst v0  }
0x51: {  	[tilespmem:s18+$0x2270] =	vst v0  }
0x52: {  	[tilespmem:s18+$0x2280] =	vst v0  }
0x53: {  	[tilespmem:s18+$0x2290] =	vst v0  }
0x54: {  	[tilespmem:s18+$0x22A0] =	vst v0  }
0x55: {  	[tilespmem:s18+$0x22B0] =	vst v0  }
0x56: {  	[tilespmem:s18+$0x22C0] =	vst v0  }
0x57: {  	[tilespmem:s18+$0x22D0] =	vst v0  }
0x58: {  	[tilespmem:s18+$0x22E0] =	vst v0  }
0x59: {  	[tilespmem:s18+$0x22F0] =	vst v0  }
0x5a: {  	[tilespmem:s18+$0x2300] =	vst v0  }
0x5b: {  	[tilespmem:s18+$0x2310] =	vst v0  }
0x5c: {  	[tilespmem:s18+$0x2320] =	vst v0  }
0x5d: {  	[tilespmem:s18+$0x2330] =	vst v0  }
0x5e: {  	[tilespmem:s18+$0x2340] =	vst v0  }
0x5f: {  	[tilespmem:s18+$0x2350] =	vst v0  }
0x60: {  	[tilespmem:s18+$0x2360] =	vst v0  }
0x61: {  	[tilespmem:s18+$0x2370] =	vst v0  }
0x62: {  	[tilespmem:s18+$0x2380] =	vst v0  }
0x63: {  	[tilespmem:s18+$0x2390] =	vst v0  }
.Ltmp0:
0x64: {  	[tilespmem:s18+$0x23A0] =	vst v0;
	(pc) =	sbr.rel @p0 .LBB2_2-.Ltmp0, $4  }
0x65: {  	[tilespmem:s18+$0x23B0] =	vst v0  }
0x66: {  	[tilespmem:s18+$0x23C0] =	vst v0  }
0x67: {  	[tilespmem:s18+$0x23D0] =	vst v0  }
0x68: {  	[tilespmem:s18+$0x23E0] =	vst v0;
	s18 =	sshra.s32 s19, $0x2;
	s19 =	sadd.s32 $0x1000, s19  }
0x69: {  	[tilespmem:s18+$0x23F0] =	vst v0  }
0x6a: {  	[tilespmem:s18+$0x2000] =	vst v0  }
0x6b: {  	[tilespmem:s18+$0x2010] =	vst v0  }
0x6c: {  	[tilespmem:s18+$0x2020] =	vst v0  }
0x6d: {  	[tilespmem:s18+$0x2030] =	vst v0  }
0x6e: {  	[tilespmem:s18+$0x2040] =	vst v0  }
0x6f: {  	[tilespmem:s18+$0x2050] =	vst v0  }
0x70: {  	[tilespmem:s18+$0x2060] =	vst v0  }
0x71: {  	[tilespmem:s18+$0x2070] =	vst v0  }
0x72: {  	[tilespmem:s18+$0x2080] =	vst v0  }
0x73: {  	[tilespmem:s18+$0x2090] =	vst v0  }
0x74: {  	[tilespmem:s18+$0x20A0] =	vst v0  }
0x75: {  	[tilespmem:s18+$0x20B0] =	vst v0  }
0x76: {  	[tilespmem:s18+$0x20C0] =	vst v0  }
0x77: {  	[tilespmem:s18+$0x20D0] =	vst v0  }
0x78: {  	[tilespmem:s18+$0x20E0] =	vst v0  }
0x79: {  	[tilespmem:s18+$0x20F0] =	vst v0  }
0x7a: {  	[tilespmem:s18+$0x2100] =	vst v0  }
0x7b: {  	[tilespmem:s18+$0x2110] =	vst v0  }
0x7c: {  	[tilespmem:s18+$0x2120] =	vst v0  }
0x7d: {  	[tilespmem:s18+$0x2130] =	vst v0  }
0x7e: {  	[tilespmem:s18+$0x2140] =	vst v0  }
0x7f: {  	[tilespmem:s18+$0x2150] =	vst v0  }
0x80: {  	[tilespmem:s18+$0x2160] =	vst v0  }
0x81: {  	[tilespmem:s18+$0x2170] =	vst v0  }
0x82: {  	[tilespmem:s18+$0x2180] =	vst v0  }
0x83: {  	[tilespmem:s18+$0x2190] =	vst v0  }
0x84: {  	[tilespmem:s18+$0x21A0] =	vst v0  }
0x85: {  	[tilespmem:s18+$0x21B0] =	vst v0  }
0x86: {  	[tilespmem:s18+$0x21C0] =	vst v0  }
0x87: {  	[tilespmem:s18+$0x21D0] =	vst v0  }
0x88: {  	[tilespmem:s18+$0x21E0] =	vst v0  }
0x89: {  	[tilespmem:s18+$0x21F0] =	vst v0  }
0x8a: {  	[tilespmem:s18+$0x2200] =	vst v0  }
0x8b: {  	[tilespmem:s18+$0x2210] =	vst v0  }
0x8c: {  	[tilespmem:s18+$0x2220] =	vst v0  }
0x8d: {  	[tilespmem:s18+$0x2230] =	vst v0  }
0x8e: {  	[tilespmem:s18+$0x2240] =	vst v0  }
0x8f: {  	[tilespmem:s18+$0x2250] =	vst v0  }
0x90: {  	[tilespmem:s18+$0x2260] =	vst v0  }
0x91: {  	[tilespmem:s18+$0x2270] =	vst v0  }
0x92: {  	[tilespmem:s18+$0x2280] =	vst v0  }
0x93: {  	[tilespmem:s18+$0x2290] =	vst v0  }
0x94: {  	[tilespmem:s18+$0x22A0] =	vst v0  }
0x95: {  	[tilespmem:s18+$0x22B0] =	vst v0  }
0x96: {  	[tilespmem:s18+$0x22C0] =	vst v0  }
0x97: {  	[tilespmem:s18+$0x22D0] =	vst v0  }
0x98: {  	[tilespmem:s18+$0x22E0] =	vst v0  }
0x99: {  	[tilespmem:s18+$0x22F0] =	vst v0  }
0x9a: {  	[tilespmem:s18+$0x2300] =	vst v0  }
0x9b: {  	[tilespmem:s18+$0x2310] =	vst v0  }
0x9c: {  	[tilespmem:s18+$0x2320] =	vst v0  }
0x9d: {  	[tilespmem:s18+$0x2330] =	vst v0  }
0x9e: {  	[tilespmem:s18+$0x2340] =	vst v0  }
0x9f: {  	[tilespmem:s18+$0x2350] =	vst v0  }
0xa0: {  	[tilespmem:s18+$0x2360] =	vst v0  }
0xa1: {  	[tilespmem:s18+$0x2370] =	vst v0  }
0xa2: {  	[tilespmem:s18+$0x2380] =	vst v0  }
0xa3: {  	[tilespmem:s18+$0x2390] =	vst v0  }
0xa4: {  	[tilespmem:s18+$0x23A0] =	vst v0  }
0xa5: {  	[tilespmem:s18+$0x23B0] =	vst v0  }
0xa6: {  	[tilespmem:s18+$0x23C0] =	vst v0  }
0xa7: {  	[tilespmem:s18+$0x23D0] =	vst v0  }
0xa8: {  	[tilespmem:s18+$0x23E0] =	vst v0  }
0xa9: {  	[tilespmem:$0x12800] =	vst v1  }
0xaa: {  	[tilespmem:$0x12810] =	vst v1  }
0xab: {  	[tilespmem:$0x12820] =	vst v1  }
0xac: {  	[tilespmem:$0x12830] =	vst v1  }
0xad: {  	[tilespmem:$0x12840] =	vst v1  }
0xae: {  	[tilespmem:$0x12850] =	vst v1  }
0xaf: {  	[tilespmem:$0x12860] =	vst v1  }
0xb0: {  	[tilespmem:$0x12870] =	vst v1  }
0xb1: {  	[tilespmem:$0x12880] =	vst v1  }
0xb2: {  	[tilespmem:$0x12890] =	vst v1  }
0xb3: {  	[tilespmem:$0x128A0] =	vst v1  }
0xb4: {  	[tilespmem:$0x128B0] =	vst v1  }
0xb5: {  	[tilespmem:$0x128C0] =	vst v1  }
0xb6: {  	[tilespmem:$0x128D0] =	vst v1  }
0xb7: {  	[tilespmem:$0x128E0] =	vst v1  }
0xb8: {  	[tilespmem:$0x128F0] =	vst v1  }
0xb9: {  	[tilespmem:$0x12900] =	vst v1  }
0xba: {  	[tilespmem:$0x12910] =	vst v1  }
0xbb: {  	[tilespmem:$0x12920] =	vst v1  }
0xbc: {  	[tilespmem:$0x12930] =	vst v1  }
0xbd: {  	[tilespmem:$0x12940] =	vst v1  }
0xbe: {  	[tilespmem:$0x12950] =	vst v1  }
0xbf: {  	[tilespmem:$0x12960] =	vst v1  }
0xc0: {  	[tilespmem:$0x12970] =	vst v1  }
0xc1: {  	[tilespmem:$0x12980] =	vst v1  }
0xc2: {  	[tilespmem:$0x12990] =	vst v1  }
0xc3: {  	[tilespmem:$0x129A0] =	vst v1  }
0xc4: {  	[tilespmem:$0x129B0] =	vst v1  }
0xc5: {  	[tilespmem:$0x129C0] =	vst v1  }
0xc6: {  	[tilespmem:$0x129D0] =	vst v1  }
0xc7: {  	[tilespmem:$0x129E0] =	vst v1  }
0xc8: {  	[tilespmem:$0x129F0] =	vst v1  }
0xc9: {  	[tilespmem:$0x12A00] =	vst v1  }
0xca: {  	[tilespmem:$0x12A10] =	vst v1  }
0xcb: {  	[tilespmem:$0x12A20] =	vst v1  }
0xcc: {  	[tilespmem:$0x12A30] =	vst v1  }
0xcd: {  	[tilespmem:$0x12A40] =	vst v1  }
0xce: {  	[tilespmem:$0x12A50] =	vst v1  }
0xcf: {  	[tilespmem:$0x12A60] =	vst v1  }
0xd0: {  	[tilespmem:$0x12A70] =	vst v1  }
0xd1: {  	[tilespmem:$0x12A80] =	vst v1  }
0xd2: {  	[tilespmem:$0x12A90] =	vst v1  }
0xd3: {  	[tilespmem:$0x12AA0] =	vst v1  }
0xd4: {  	[tilespmem:$0x12AB0] =	vst v1  }
0xd5: {  	[tilespmem:$0x12AC0] =	vst v1  }
0xd6: {  	[tilespmem:$0x12AD0] =	vst v1  }
0xd7: {  	[tilespmem:$0x12AE0] =	vst v1  }
0xd8: {  	[tilespmem:$0x12AF0] =	vst v1  }
0xd9: {  	[tilespmem:$0x12B00] =	vst v1  }
0xda: {  	[tilespmem:$0x12B10] =	vst v1  }
0xdb: {  	[tilespmem:$0x12B20] =	vst v1  }
0xdc: {  	[tilespmem:$0x12B30] =	vst v1  }
0xdd: {  	[tilespmem:$0x12B40] =	vst v1  }
0xde: {  	[tilespmem:$0x12B50] =	vst v1  }
0xdf: {  	[tilespmem:$0x12B60] =	vst v1  }
0xe0: {  	[tilespmem:$0x12B70] =	vst v1  }
0xe1: {  	[tilespmem:$0x12B80] =	vst v1  }
0xe2: {  	[tilespmem:$0x12B90] =	vst v1  }
0xe3: {  	[tilespmem:$0x12BA0] =	vst v1  }
0xe4: {  	[tilespmem:$0x12BB0] =	vst v1  }
0xe5: {  	[tilespmem:$0x12BC0] =	vst v1  }
0xe6: {  	[tilespmem:$0x12BD0] =	vst v1  }
0xe7: {  	[tilespmem:$0x12BE0] =	vst v1  }
0xe8: {  	s18 =	simm.s32 $0x0;
	s19 =	simm.s32 $0x1000;
	[tilespmem:$0x12BF0] =	vst v1  }
.LBB2_4:
0xe9: {  	p0 =	sne.s32 s19, $0x20000;
	[tilespmem:s18+$0xA7F0] =	vst v0  }
0xea: {  	[tilespmem:s18+$0xA400] =	vst v0  }
0xeb: {  	[tilespmem:s18+$0xA410] =	vst v0  }
0xec: {  	[tilespmem:s18+$0xA420] =	vst v0  }
0xed: {  	[tilespmem:s18+$0xA430] =	vst v0  }
0xee: {  	[tilespmem:s18+$0xA440] =	vst v0  }
0xef: {  	[tilespmem:s18+$0xA450] =	vst v0  }
0xf0: {  	[tilespmem:s18+$0xA460] =	vst v0  }
0xf1: {  	[tilespmem:s18+$0xA470] =	vst v0  }
0xf2: {  	[tilespmem:s18+$0xA480] =	vst v0  }
0xf3: {  	[tilespmem:s18+$0xA490] =	vst v0  }
0xf4: {  	[tilespmem:s18+$0xA4A0] =	vst v0  }
0xf5: {  	[tilespmem:s18+$0xA4B0] =	vst v0  }
0xf6: {  	[tilespmem:s18+$0xA4C0] =	vst v0  }
0xf7: {  	[tilespmem:s18+$0xA4D0] =	vst v0  }
0xf8: {  	[tilespmem:s18+$0xA4E0] =	vst v0  }
0xf9: {  	[tilespmem:s18+$0xA4F0] =	vst v0  }
0xfa: {  	[tilespmem:s18+$0xA500] =	vst v0  }
0xfb: {  	[tilespmem:s18+$0xA510] =	vst v0  }
0xfc: {  	[tilespmem:s18+$0xA520] =	vst v0  }
0xfd: {  	[tilespmem:s18+$0xA530] =	vst v0  }
0xfe: {  	[tilespmem:s18+$0xA540] =	vst v0  }
0xff: {  	[tilespmem:s18+$0xA550] =	vst v0  }
0x100: {  	[tilespmem:s18+$0xA560] =	vst v0  }
0x101: {  	[tilespmem:s18+$0xA570] =	vst v0  }
0x102: {  	[tilespmem:s18+$0xA580] =	vst v0  }
0x103: {  	[tilespmem:s18+$0xA590] =	vst v0  }
0x104: {  	[tilespmem:s18+$0xA5A0] =	vst v0  }
0x105: {  	[tilespmem:s18+$0xA5B0] =	vst v0  }
0x106: {  	[tilespmem:s18+$0xA5C0] =	vst v0  }
0x107: {  	[tilespmem:s18+$0xA5D0] =	vst v0  }
0x108: {  	[tilespmem:s18+$0xA5E0] =	vst v0  }
0x109: {  	[tilespmem:s18+$0xA5F0] =	vst v0  }
0x10a: {  	[tilespmem:s18+$0xA600] =	vst v0  }
0x10b: {  	[tilespmem:s18+$0xA610] =	vst v0  }
0x10c: {  	[tilespmem:s18+$0xA620] =	vst v0  }
0x10d: {  	[tilespmem:s18+$0xA630] =	vst v0  }
0x10e: {  	[tilespmem:s18+$0xA640] =	vst v0  }
0x10f: {  	[tilespmem:s18+$0xA650] =	vst v0  }
0x110: {  	[tilespmem:s18+$0xA660] =	vst v0  }
0x111: {  	[tilespmem:s18+$0xA670] =	vst v0  }
0x112: {  	[tilespmem:s18+$0xA680] =	vst v0  }
0x113: {  	[tilespmem:s18+$0xA690] =	vst v0  }
0x114: {  	[tilespmem:s18+$0xA6A0] =	vst v0  }
0x115: {  	[tilespmem:s18+$0xA6B0] =	vst v0  }
0x116: {  	[tilespmem:s18+$0xA6C0] =	vst v0  }
0x117: {  	[tilespmem:s18+$0xA6D0] =	vst v0  }
0x118: {  	[tilespmem:s18+$0xA6E0] =	vst v0  }
0x119: {  	[tilespmem:s18+$0xA6F0] =	vst v0  }
0x11a: {  	[tilespmem:s18+$0xA700] =	vst v0  }
0x11b: {  	[tilespmem:s18+$0xA710] =	vst v0  }
0x11c: {  	[tilespmem:s18+$0xA720] =	vst v0  }
0x11d: {  	[tilespmem:s18+$0xA730] =	vst v0  }
0x11e: {  	[tilespmem:s18+$0xA740] =	vst v0  }
0x11f: {  	[tilespmem:s18+$0xA750] =	vst v0  }
0x120: {  	[tilespmem:s18+$0xA760] =	vst v0  }
0x121: {  	[tilespmem:s18+$0xA770] =	vst v0  }
0x122: {  	[tilespmem:s18+$0xA780] =	vst v0  }
0x123: {  	[tilespmem:s18+$0xA790] =	vst v0  }
.Ltmp1:
0x124: {  	[tilespmem:s18+$0xA7A0] =	vst v0;
	(pc) =	sbr.rel @p0 .LBB2_4-.Ltmp1, $4  }
0x125: {  	[tilespmem:s18+$0xA7B0] =	vst v0  }
0x126: {  	[tilespmem:s18+$0xA7C0] =	vst v0  }
0x127: {  	[tilespmem:s18+$0xA7D0] =	vst v0  }
0x128: {  	[tilespmem:s18+$0xA7E0] =	vst v0;
	s18 =	sshra.s32 s19, $0x2;
	s19 =	sadd.s32 $0x1000, s19  }
0x129: {  	[tilespmem:s18+$0xA7F0] =	vst v0  }
0x12a: {  	[tilespmem:s18+$0xA400] =	vst v0  }
0x12b: {  	[tilespmem:s18+$0xA410] =	vst v0  }
0x12c: {  	[tilespmem:s18+$0xA420] =	vst v0  }
0x12d: {  	[tilespmem:s18+$0xA430] =	vst v0  }
0x12e: {  	[tilespmem:s18+$0xA440] =	vst v0  }
0x12f: {  	[tilespmem:s18+$0xA450] =	vst v0  }
0x130: {  	[tilespmem:s18+$0xA460] =	vst v0  }
0x131: {  	[tilespmem:s18+$0xA470] =	vst v0  }
0x132: {  	[tilespmem:s18+$0xA480] =	vst v0  }
0x133: {  	[tilespmem:s18+$0xA490] =	vst v0  }
0x134: {  	[tilespmem:s18+$0xA4A0] =	vst v0  }
0x135: {  	[tilespmem:s18+$0xA4B0] =	vst v0  }
0x136: {  	[tilespmem:s18+$0xA4C0] =	vst v0  }
0x137: {  	[tilespmem:s18+$0xA4D0] =	vst v0  }
0x138: {  	[tilespmem:s18+$0xA4E0] =	vst v0  }
0x139: {  	[tilespmem:s18+$0xA4F0] =	vst v0  }
0x13a: {  	[tilespmem:s18+$0xA500] =	vst v0  }
0x13b: {  	[tilespmem:s18+$0xA510] =	vst v0  }
0x13c: {  	[tilespmem:s18+$0xA520] =	vst v0  }
0x13d: {  	[tilespmem:s18+$0xA530] =	vst v0  }
0x13e: {  	[tilespmem:s18+$0xA540] =	vst v0  }
0x13f: {  	[tilespmem:s18+$0xA550] =	vst v0  }
0x140: {  	[tilespmem:s18+$0xA560] =	vst v0  }
0x141: {  	[tilespmem:s18+$0xA570] =	vst v0  }
0x142: {  	[tilespmem:s18+$0xA580] =	vst v0  }
0x143: {  	[tilespmem:s18+$0xA590] =	vst v0  }
0x144: {  	[tilespmem:s18+$0xA5A0] =	vst v0  }
0x145: {  	[tilespmem:s18+$0xA5B0] =	vst v0  }
0x146: {  	[tilespmem:s18+$0xA5C0] =	vst v0  }
0x147: {  	[tilespmem:s18+$0xA5D0] =	vst v0  }
0x148: {  	[tilespmem:s18+$0xA5E0] =	vst v0  }
0x149: {  	[tilespmem:s18+$0xA5F0] =	vst v0  }
0x14a: {  	[tilespmem:s18+$0xA600] =	vst v0  }
0x14b: {  	[tilespmem:s18+$0xA610] =	vst v0  }
0x14c: {  	[tilespmem:s18+$0xA620] =	vst v0  }
0x14d: {  	[tilespmem:s18+$0xA630] =	vst v0  }
0x14e: {  	[tilespmem:s18+$0xA640] =	vst v0  }
0x14f: {  	[tilespmem:s18+$0xA650] =	vst v0  }
0x150: {  	[tilespmem:s18+$0xA660] =	vst v0  }
0x151: {  	[tilespmem:s18+$0xA670] =	vst v0  }
0x152: {  	[tilespmem:s18+$0xA680] =	vst v0  }
0x153: {  	[tilespmem:s18+$0xA690] =	vst v0  }
0x154: {  	[tilespmem:s18+$0xA6A0] =	vst v0  }
0x155: {  	[tilespmem:s18+$0xA6B0] =	vst v0  }
0x156: {  	[tilespmem:s18+$0xA6C0] =	vst v0  }
0x157: {  	[tilespmem:s18+$0xA6D0] =	vst v0  }
0x158: {  	[tilespmem:s18+$0xA6E0] =	vst v0  }
0x159: {  	[tilespmem:s18+$0xA6F0] =	vst v0  }
0x15a: {  	[tilespmem:s18+$0xA700] =	vst v0  }
0x15b: {  	[tilespmem:s18+$0xA710] =	vst v0  }
0x15c: {  	[tilespmem:s18+$0xA720] =	vst v0  }
0x15d: {  	[tilespmem:s18+$0xA730] =	vst v0  }
0x15e: {  	[tilespmem:s18+$0xA740] =	vst v0  }
0x15f: {  	[tilespmem:s18+$0xA750] =	vst v0  }
0x160: {  	[tilespmem:s18+$0xA760] =	vst v0  }
0x161: {  	[tilespmem:s18+$0xA770] =	vst v0  }
0x162: {  	[tilespmem:s18+$0xA780] =	vst v0  }
0x163: {  	[tilespmem:s18+$0xA790] =	vst v0  }
0x164: {  	[tilespmem:s18+$0xA7A0] =	vst v0  }
0x165: {  	[tilespmem:s18+$0xA7B0] =	vst v0  }
0x166: {  	[tilespmem:s18+$0xA7C0] =	vst v0  }
0x167: {  	[tilespmem:s18+$0xA7D0] =	vst v0  }
0x168: {  	[tilespmem:s18+$0xA7E0] =	vst v0  }
0x169: {  	[tilespmem:$0x12C00] =	vst v1  }
0x16a: {  	[tilespmem:$0x12C10] =	vst v1  }
0x16b: {  	[tilespmem:$0x12C20] =	vst v1  }
0x16c: {  	[tilespmem:$0x12C30] =	vst v1  }
0x16d: {  	[tilespmem:$0x12C40] =	vst v1  }
0x16e: {  	[tilespmem:$0x12C50] =	vst v1  }
0x16f: {  	[tilespmem:$0x12C60] =	vst v1  }
0x170: {  	[tilespmem:$0x12C70] =	vst v1  }
0x171: {  	[tilespmem:$0x12C80] =	vst v1  }
0x172: {  	[tilespmem:$0x12C90] =	vst v1  }
0x173: {  	[tilespmem:$0x12CA0] =	vst v1  }
0x174: {  	[tilespmem:$0x12CB0] =	vst v1  }
0x175: {  	[tilespmem:$0x12CC0] =	vst v1  }
0x176: {  	[tilespmem:$0x12CD0] =	vst v1  }
0x177: {  	[tilespmem:$0x12CE0] =	vst v1  }
0x178: {  	[tilespmem:$0x12CF0] =	vst v1  }
0x179: {  	[tilespmem:$0x12D00] =	vst v1  }
0x17a: {  	[tilespmem:$0x12D10] =	vst v1  }
0x17b: {  	[tilespmem:$0x12D20] =	vst v1  }
0x17c: {  	[tilespmem:$0x12D30] =	vst v1  }
0x17d: {  	[tilespmem:$0x12D40] =	vst v1  }
0x17e: {  	[tilespmem:$0x12D50] =	vst v1  }
0x17f: {  	[tilespmem:$0x12D60] =	vst v1  }
0x180: {  	[tilespmem:$0x12D70] =	vst v1  }
0x181: {  	[tilespmem:$0x12D80] =	vst v1  }
0x182: {  	[tilespmem:$0x12D90] =	vst v1  }
0x183: {  	[tilespmem:$0x12DA0] =	vst v1  }
0x184: {  	[tilespmem:$0x12DB0] =	vst v1  }
0x185: {  	[tilespmem:$0x12DC0] =	vst v1  }
0x186: {  	[tilespmem:$0x12DD0] =	vst v1  }
0x187: {  	[tilespmem:$0x12DE0] =	vst v1  }
0x188: {  	[tilespmem:$0x12DF0] =	vst v1  }
0x189: {  	[tilespmem:$0x12E00] =	vst v1  }
0x18a: {  	[tilespmem:$0x12E10] =	vst v1  }
0x18b: {  	[tilespmem:$0x12E20] =	vst v1  }
0x18c: {  	[tilespmem:$0x12E30] =	vst v1  }
0x18d: {  	[tilespmem:$0x12E40] =	vst v1  }
0x18e: {  	[tilespmem:$0x12E50] =	vst v1  }
0x18f: {  	[tilespmem:$0x12E60] =	vst v1  }
0x190: {  	[tilespmem:$0x12E70] =	vst v1  }
0x191: {  	[tilespmem:$0x12E80] =	vst v1  }
0x192: {  	[tilespmem:$0x12E90] =	vst v1  }
0x193: {  	[tilespmem:$0x12EA0] =	vst v1  }
0x194: {  	[tilespmem:$0x12EB0] =	vst v1  }
0x195: {  	[tilespmem:$0x12EC0] =	vst v1  }
0x196: {  	[tilespmem:$0x12ED0] =	vst v1  }
0x197: {  	[tilespmem:$0x12EE0] =	vst v1  }
0x198: {  	[tilespmem:$0x12EF0] =	vst v1  }
0x199: {  	[tilespmem:$0x12F00] =	vst v1  }
0x19a: {  	[tilespmem:$0x12F10] =	vst v1  }
0x19b: {  	[tilespmem:$0x12F20] =	vst v1  }
0x19c: {  	[tilespmem:$0x12F30] =	vst v1  }
0x19d: {  	[tilespmem:$0x12F40] =	vst v1  }
0x19e: {  	[tilespmem:$0x12F50] =	vst v1  }
0x19f: {  	[tilespmem:$0x12F60] =	vst v1  }
0x1a0: {  	[tilespmem:$0x12F70] =	vst v1  }
0x1a1: {  	[tilespmem:$0x12F80] =	vst v1  }
0x1a2: {  	[tilespmem:$0x12F90] =	vst v1  }
0x1a3: {  	[tilespmem:$0x12FA0] =	vst v1  }
0x1a4: {  	[tilespmem:$0x12FB0] =	vst v1  }
0x1a5: {  	[tilespmem:$0x12FC0] =	vst v1  }
0x1a6: {  	[tilespmem:$0x12FD0] =	vst v1  }
0x1a7: {  	[tilespmem:$0x12FE0] =	vst v1  }
0x1a8: {  	s18 =	simm.s32 $0x0;
	[tilespmem:$0x12FF0] =	vst v1  }
.LBB2_6:
0x1a9: {  	_ =	swait.ge [sflag:s10], $0x400  }
0x1aa: {  	[sflag:s10] =	ssyncset.done $0x0  }
0x1ab: {  	[sflag:s10] =	ssyncadd.s32 $0xFFFFFC00  }
0x1ac: {  	_ =	swait.ge [sflag:s10], $0x400  }
0x1ad: {  	[sflag:s10] =	ssyncset.done $0x0  }
0x1ae: {  	[sflag:s10] =	ssyncadd.s32 $0xFFFFFC00  }
0x1af: {  	_ =	swait.ge [sflag:s10], $0x400  }
0x1b0: {  	[sflag:s10] =	ssyncset.done $0x0  }
0x1b1: {  	[sflag:s10] =	ssyncadd.s32 $0xFFFFFC00  }
0x1b2: {  	_ =	swait.ge [sflag:s10], $0x400  }
0x1b3: {  	p0 =	seq.s32 s18, $0x0;
	[sflag:s10] =	ssyncset.done $0x0  }
0x1b4: {  	s20 =	simm.s32 @!p0 $0x3;
	[sflag:s10] =	ssyncadd.s32 $0xFFFFFC00  }
0x1b5: {  	_ =	swait.ge @!p0 [sflag:s20], $0x8400  }
0x1b6: {  	s19 =	sshll.u32 s18, $0x12;
	[sflag:s20] =	ssyncset.done @!p0 $0x0  }
0x1b7: {  	s21 =	simm.s32 $0x0;
	[sflag:s20] =	ssyncadd.s32 @!p0 $0xFFFF7C00;
	s20 =	simm.s32 $0x0  }
.LBB2_7:
0x1b8: {  	s22 =	sand.u32 $0x3F0, s20  }
0x1b9: {  	v4 =	vld [tilespmem:s22+$0x12800];
	_ =	sdelay $0x3  }
0x1ba: {  	s23 =	sshll.u32 s21, $0x4  }
0x1bb: {  	s24 =	sand.u32 $0x70, s20;
	s23 =	sand.u32 $0x380, s23;
	v4 =	vshll.u32 v4, $0xA  }
0x1bc: {  	v5 =	vor.u32 s24, v2;
	v4 =	vor.u32 s23, v4  }
0x1bd: {  	v4 =	vor.u32 v5, v4;
	_ =	sdelay $0x4  }
0x1be: {  	s24 =	sor.u32 s24, s23;
	[tilespmem:v4+s11+$0x0] =	vst.idx.msk $0xffff, v0  }
0x1bf: {  	v4 =	vld [tilespmem:s24+$0x0];
	_ =	sdelay $0x4  }
0x1c0: {  	v6 =	vadd.s32 $0xFFFFFFFF, v4  }
0x1c1: {  	vm0 =	vlt.u32 v6, $0x20  }
0x1c2: {  	v4 =	vnsel vm0, $0x0, v4  }
0x1c3: {  	v63 =	vshll.u32 v4, $0xA  }
0x1c4: {  	v6 =	vor.u32 s23, v63  }
0x1c5: {  	p1 =	sne.s32 s21, $0xFF;
	v5 =	vor.u32 v5, v6  }
.Ltmp2:
0x1c6: {  	_ = 	snop;
	(pc) =	sbr.rel @p1 .LBB2_7-.Ltmp2, $3  }
0x1c7: {  	_ =	sdelay $0x1  }
0x1c8: {  	[tilespmem:s22+$0x12800] =	vst v4  }
0x1c9: {  	s20 =	sadd.s32 $0x10, s20;
	s21 =	sadd.s32 $0x1, s21;
	[tilespmem:v5+s11+$0x0] =	vst.idx.msk vm0, v3  }
0x1ca: {  	s20 =	sor.u32 s5, s19  }
0x1cb: {  	s20 =	sshrl.u32 s20, $0x3  }
0x1cc: {  	s21 =	simm.s32 @!p0 $0x4;
	s20 =	sadd.s32 s3, s20  }
0x1cd: {  	[hbm4b:s20+s26] =	stream.strided.scatter [tilespmem:s11], [sflag:$0x3], $0x8400, s12, s26, $0x38;
	[tilespmem:$0x13000] =	vst v63  }
0x1ce: {  	_ =	swait.ge @!p0 [sflag:s21], $0x8400  }
0x1cf: {  	[sflag:s21] =	ssyncset.done @!p0 $0x0  }
0x1d0: {  	s22 =	simm.s32 $0x0;
	[sflag:s21] =	ssyncadd.s32 @!p0 $0xFFFF7C00;
	s21 =	simm.s32 $0x0  }
.LBB2_9:
0x1d1: {  	s23 =	sand.u32 $0x3F0, s21  }
0x1d2: {  	v4 =	vld [tilespmem:s23+$0x12C00];
	_ =	sdelay $0x3  }
0x1d3: {  	s24 =	sshll.u32 s22, $0x4  }
0x1d4: {  	s25 =	sand.u32 $0x70, s21;
	s24 =	sand.u32 $0x380, s24;
	v4 =	vshll.u32 v4, $0xA  }
0x1d5: {  	v5 =	vor.u32 s25, v2;
	v4 =	vor.u32 s24, v4  }
0x1d6: {  	v4 =	vor.u32 v5, v4;
	_ =	sdelay $0x4  }
0x1d7: {  	s25 =	sor.u32 s25, s24;
	[tilespmem:v4+s13+$0x0] =	vst.idx.msk $0xffff, v0  }
0x1d8: {  	v4 =	vld [tilespmem:s25+$0x0];
	_ =	sdelay $0x4  }
0x1d9: {  	vm0 =	vgt.s32 v4, $0x21  }
0x1da: {  	v6 =	vnsel vm0, $0x21, v4  }
0x1db: {  	v6 =	vadd.s32 $0xFFFFFFDF, v6  }
0x1dc: {  	v7 =	vshll.u32 v6, $0xA  }
0x1dd: {  	vm15 =	vgt.s32 v4, $0x20;
	v4 =	vor.u32 s24, v7  }
0x1de: {  	p0 =	sne.s32 s22, $0xFF;
	v4 =	vor.u32 v5, v4  }
.Ltmp3:
0x1df: {  	_ = 	snop;
	(pc) =	sbr.rel @p0 .LBB2_9-.Ltmp3, $3  }
0x1e0: {  	_ =	sdelay $0x1  }
0x1e1: {  	[tilespmem:s23+$0x12C00] =	vst v6  }
0x1e2: {  	s21 =	sadd.s32 $0x10, s21;
	s22 =	sadd.s32 $0x1, s22;
	[tilespmem:v4+s13+$0x0] =	vst.idx.msk vm15, v3  }
0x1e3: {  	s20 =	sadd.s32 $0xCE4000, s20  }
0x1e4: {  	[hbm4b:s20+s26] =	stream.strided.scatter [tilespmem:s13], [sflag:$0x4], $0x8400, s12, s26, $0x38;
	[tilespmem:$0x13000] =	vst v63  }
0x1e5: {  	_ =	swait.ge [sflag:s14], $0x8400  }
0x1e6: {  	[sflag:s14] =	ssyncset.done $0x0  }
0x1e7: {  	s21 =	simm.s32 $0x0;
	s20 =	simm.s32 $0x0;
	[sflag:s14] =	ssyncadd.s32 $0xFFFF7C00  }
.LBB2_11:
0x1e8: {  	s22 =	sand.u32 $0x3F0, s20  }
0x1e9: {  	v4 =	vld [tilespmem:s22+$0x12800];
	_ =	sdelay $0x3  }
0x1ea: {  	s23 =	sshll.u32 s21, $0x4  }
0x1eb: {  	s24 =	sand.u32 $0x70, s20;
	s23 =	sand.u32 $0x380, s23;
	v4 =	vshll.u32 v4, $0xA  }
0x1ec: {  	v5 =	vor.u32 s24, v2;
	v4 =	vor.u32 s23, v4  }
0x1ed: {  	v4 =	vor.u32 v5, v4;
	_ =	sdelay $0x4  }
0x1ee: {  	s24 =	sor.u32 s24, s23;
	[tilespmem:v4+s11+$0x0] =	vst.idx.msk $0xffff, v0  }
0x1ef: {  	v4 =	vld [tilespmem:s24+$0x400];
	_ =	sdelay $0x4  }
0x1f0: {  	v6 =	vadd.s32 $0xFFFFFFFF, v4  }
0x1f1: {  	vm0 =	vlt.u32 v6, $0x20  }
0x1f2: {  	v4 =	vnsel vm0, $0x0, v4  }
0x1f3: {  	v63 =	vshll.u32 v4, $0xA  }
0x1f4: {  	v6 =	vor.u32 s23, v63  }
0x1f5: {  	p0 =	sne.s32 s21, $0xFF;
	v5 =	vor.u32 v5, v6  }
.Ltmp4:
0x1f6: {  	_ = 	snop;
	(pc) =	sbr.rel @p0 .LBB2_11-.Ltmp4, $3  }
0x1f7: {  	_ =	sdelay $0x1  }
0x1f8: {  	[tilespmem:s22+$0x12800] =	vst v4  }
0x1f9: {  	s20 =	sadd.s32 $0x10, s20;
	s21 =	sadd.s32 $0x1, s21;
	[tilespmem:v5+s11+$0x0] =	vst.idx.msk vm0, v3  }
0x1fa: {  	s20 =	sor.u32 s7, s19  }
0x1fb: {  	s20 =	sshrl.u32 s20, $0x3  }
0x1fc: {  	s20 =	sadd.s32 s3, s20  }
0x1fd: {  	[hbm4b:s20+s26] =	stream.strided.scatter [tilespmem:s11], [sflag:$0x3], $0x8400, s12, s26, $0x38;
	[tilespmem:$0x13000] =	vst v63  }
0x1fe: {  	_ =	swait.ge [sflag:s15], $0x8400  }
0x1ff: {  	[sflag:s15] =	ssyncset.done $0x0  }
0x200: {  	s21 =	simm.s32 $0x0;
	s22 =	simm.s32 $0x0;
	[sflag:s15] =	ssyncadd.s32 $0xFFFF7C00  }
.LBB2_13:
0x201: {  	s23 =	sand.u32 $0x3F0, s21  }
0x202: {  	v4 =	vld [tilespmem:s23+$0x12C00];
	_ =	sdelay $0x3  }
0x203: {  	s24 =	sshll.u32 s22, $0x4  }
0x204: {  	s25 =	sand.u32 $0x70, s21;
	s24 =	sand.u32 $0x380, s24;
	v4 =	vshll.u32 v4, $0xA  }
0x205: {  	v5 =	vor.u32 s25, v2;
	v4 =	vor.u32 s24, v4  }
0x206: {  	v4 =	vor.u32 v5, v4;
	_ =	sdelay $0x4  }
0x207: {  	s25 =	sor.u32 s25, s24;
	[tilespmem:v4+s13+$0x0] =	vst.idx.msk $0xffff, v0  }
0x208: {  	v4 =	vld [tilespmem:s25+$0x400];
	_ =	sdelay $0x4  }
0x209: {  	vm0 =	vgt.s32 v4, $0x21  }
0x20a: {  	v6 =	vnsel vm0, $0x21, v4  }
0x20b: {  	v6 =	vadd.s32 $0xFFFFFFDF, v6  }
0x20c: {  	v7 =	vshll.u32 v6, $0xA  }
0x20d: {  	vm15 =	vgt.s32 v4, $0x20;
	v4 =	vor.u32 s24, v7  }
0x20e: {  	p0 =	sne.s32 s22, $0xFF;
	v4 =	vor.u32 v5, v4  }
.Ltmp5:
0x20f: {  	_ = 	snop;
	(pc) =	sbr.rel @p0 .LBB2_13-.Ltmp5, $3  }
0x210: {  	_ =	sdelay $0x1  }
0x211: {  	[tilespmem:s23+$0x12C00] =	vst v6  }
0x212: {  	s21 =	sadd.s32 $0x10, s21;
	s22 =	sadd.s32 $0x1, s22;
	[tilespmem:v4+s13+$0x0] =	vst.idx.msk vm15, v3  }
0x213: {  	s20 =	sadd.s32 $0xCE4000, s20  }
0x214: {  	[hbm4b:s20+s26] =	stream.strided.scatter [tilespmem:s13], [sflag:$0x4], $0x8400, s12, s26, $0x38;
	[tilespmem:$0x13000] =	vst v63  }
0x215: {  	_ =	swait.ge [sflag:s14], $0x8400  }
0x216: {  	[sflag:s14] =	ssyncset.done $0x0  }
0x217: {  	s21 =	simm.s32 $0x0;
	s20 =	simm.s32 $0x0;
	[sflag:s14] =	ssyncadd.s32 $0xFFFF7C00  }
.LBB2_15:
0x218: {  	s22 =	sand.u32 $0x3F0, s20  }
0x219: {  	v4 =	vld [tilespmem:s22+$0x12800];
	_ =	sdelay $0x3  }
0x21a: {  	s23 =	sshll.u32 s21, $0x4  }
0x21b: {  	s24 =	sand.u32 $0x70, s20;
	s23 =	sand.u32 $0x380, s23;
	v4 =	vshll.u32 v4, $0xA  }
0x21c: {  	v5 =	vor.u32 s24, v2;
	v4 =	vor.u32 s23, v4  }
0x21d: {  	v4 =	vor.u32 v5, v4;
	_ =	sdelay $0x4  }
0x21e: {  	s24 =	sor.u32 s24, s23;
	[tilespmem:v4+s11+$0x0] =	vst.idx.msk $0xffff, v0  }
0x21f: {  	v4 =	vld [tilespmem:s24+$0x800];
	_ =	sdelay $0x4  }
0x220: {  	v6 =	vadd.s32 $0xFFFFFFFF, v4  }
0x221: {  	vm0 =	vlt.u32 v6, $0x20  }
0x222: {  	v4 =	vnsel vm0, $0x0, v4  }
0x223: {  	v63 =	vshll.u32 v4, $0xA  }
0x224: {  	v6 =	vor.u32 s23, v63  }
0x225: {  	p0 =	sne.s32 s21, $0xFF;
	v5 =	vor.u32 v5, v6  }
.Ltmp6:
0x226: {  	_ = 	snop;
	(pc) =	sbr.rel @p0 .LBB2_15-.Ltmp6, $3  }
0x227: {  	_ =	sdelay $0x1  }
0x228: {  	[tilespmem:s22+$0x12800] =	vst v4  }
0x229: {  	s20 =	sadd.s32 $0x10, s20;
	s21 =	sadd.s32 $0x1, s21;
	[tilespmem:v5+s11+$0x0] =	vst.idx.msk vm0, v3  }
0x22a: {  	s20 =	sor.u32 s8, s19  }
0x22b: {  	s20 =	sshrl.u32 s20, $0x3  }
0x22c: {  	s20 =	sadd.s32 s3, s20  }
0x22d: {  	[hbm4b:s20+s26] =	stream.strided.scatter [tilespmem:s11], [sflag:$0x3], $0x8400, s12, s26, $0x38;
	[tilespmem:$0x13000] =	vst v63  }
0x22e: {  	_ =	swait.ge [sflag:s15], $0x8400  }
0x22f: {  	[sflag:s15] =	ssyncset.done $0x0  }
0x230: {  	s21 =	simm.s32 $0x0;
	s22 =	simm.s32 $0x0;
	[sflag:s15] =	ssyncadd.s32 $0xFFFF7C00  }
.LBB2_17:
0x231: {  	s23 =	sand.u32 $0x3F0, s21  }
0x232: {  	v4 =	vld [tilespmem:s23+$0x12C00];
	_ =	sdelay $0x3  }
0x233: {  	s24 =	sshll.u32 s22, $0x4  }
0x234: {  	s25 =	sand.u32 $0x70, s21;
	s24 =	sand.u32 $0x380, s24;
	v4 =	vshll.u32 v4, $0xA  }
0x235: {  	v5 =	vor.u32 s25, v2;
	v4 =	vor.u32 s24, v4  }
0x236: {  	v4 =	vor.u32 v5, v4;
	_ =	sdelay $0x4  }
0x237: {  	s25 =	sor.u32 s25, s24;
	[tilespmem:v4+s13+$0x0] =	vst.idx.msk $0xffff, v0  }
0x238: {  	v4 =	vld [tilespmem:s25+$0x800];
	_ =	sdelay $0x4  }
0x239: {  	vm0 =	vgt.s32 v4, $0x21  }
0x23a: {  	v6 =	vnsel vm0, $0x21, v4  }
0x23b: {  	v6 =	vadd.s32 $0xFFFFFFDF, v6  }
0x23c: {  	v7 =	vshll.u32 v6, $0xA  }
0x23d: {  	vm15 =	vgt.s32 v4, $0x20;
	v4 =	vor.u32 s24, v7  }
0x23e: {  	p0 =	sne.s32 s22, $0xFF;
	v4 =	vor.u32 v5, v4  }
.Ltmp7:
0x23f: {  	_ = 	snop;
	(pc) =	sbr.rel @p0 .LBB2_17-.Ltmp7, $3  }
0x240: {  	_ =	sdelay $0x1  }
0x241: {  	[tilespmem:s23+$0x12C00] =	vst v6  }
0x242: {  	s21 =	sadd.s32 $0x10, s21;
	s22 =	sadd.s32 $0x1, s22;
	[tilespmem:v4+s13+$0x0] =	vst.idx.msk vm15, v3  }
0x243: {  	s20 =	sadd.s32 $0xCE4000, s20  }
0x244: {  	[hbm4b:s20+s26] =	stream.strided.scatter [tilespmem:s13], [sflag:$0x4], $0x8400, s12, s26, $0x38;
	[tilespmem:$0x13000] =	vst v63  }
0x245: {  	_ =	swait.ge [sflag:s14], $0x8400  }
0x246: {  	[sflag:s14] =	ssyncset.done $0x0  }
0x247: {  	s21 =	simm.s32 $0x0;
	s20 =	simm.s32 $0x0;
	[sflag:s14] =	ssyncadd.s32 $0xFFFF7C00  }
.LBB2_19:
0x248: {  	s22 =	sand.u32 $0x3F0, s20  }
0x249: {  	v4 =	vld [tilespmem:s22+$0x12800];
	_ =	sdelay $0x3  }
0x24a: {  	s23 =	sshll.u32 s21, $0x4  }
0x24b: {  	s24 =	sand.u32 $0x70, s20;
	s23 =	sand.u32 $0x380, s23;
	v4 =	vshll.u32 v4, $0xA  }
0x24c: {  	v5 =	vor.u32 s24, v2;
	v4 =	vor.u32 s23, v4  }
0x24d: {  	v4 =	vor.u32 v5, v4;
	_ =	sdelay $0x4  }
0x24e: {  	s24 =	sor.u32 s24, s23;
	[tilespmem:v4+s11+$0x0] =	vst.idx.msk $0xffff, v0  }
0x24f: {  	v4 =	vld [tilespmem:s24+$0xC00];
	_ =	sdelay $0x4  }
0x250: {  	v6 =	vadd.s32 $0xFFFFFFFF, v4  }
0x251: {  	vm0 =	vlt.u32 v6, $0x20  }
0x252: {  	v4 =	vnsel vm0, $0x0, v4  }
0x253: {  	v63 =	vshll.u32 v4, $0xA  }
0x254: {  	v6 =	vor.u32 s23, v63  }
0x255: {  	p0 =	sne.s32 s21, $0xFF;
	v5 =	vor.u32 v5, v6  }
.Ltmp8:
0x256: {  	_ = 	snop;
	(pc) =	sbr.rel @p0 .LBB2_19-.Ltmp8, $3  }
0x257: {  	_ =	sdelay $0x1  }
0x258: {  	[tilespmem:s22+$0x12800] =	vst v4  }
0x259: {  	s20 =	sadd.s32 $0x10, s20;
	s21 =	sadd.s32 $0x1, s21;
	[tilespmem:v5+s11+$0x0] =	vst.idx.msk vm0, v3  }
0x25a: {  	s20 =	sor.u32 s9, s19  }
0x25b: {  	s20 =	sshrl.u32 s20, $0x3  }
0x25c: {  	s20 =	sadd.s32 s3, s20  }
0x25d: {  	[hbm4b:s20+s26] =	stream.strided.scatter [tilespmem:s11], [sflag:$0x3], $0x8400, s12, s26, $0x38;
	[tilespmem:$0x13000] =	vst v63  }
0x25e: {  	_ =	swait.ge [sflag:s15], $0x8400  }
0x25f: {  	[sflag:s15] =	ssyncset.done $0x0  }
0x260: {  	s21 =	simm.s32 $0x0;
	s22 =	simm.s32 $0x0;
	[sflag:s15] =	ssyncadd.s32 $0xFFFF7C00  }
.LBB2_21:
0x261: {  	s23 =	sand.u32 $0x3F0, s21  }
0x262: {  	v4 =	vld [tilespmem:s23+$0x12C00];
	_ =	sdelay $0x3  }
0x263: {  	s24 =	sshll.u32 s22, $0x4  }
0x264: {  	s25 =	sand.u32 $0x70, s21;
	s24 =	sand.u32 $0x380, s24;
	v4 =	vshll.u32 v4, $0xA  }
0x265: {  	v5 =	vor.u32 s25, v2;
	v4 =	vor.u32 s24, v4  }
0x266: {  	v4 =	vor.u32 v5, v4;
	_ =	sdelay $0x4  }
0x267: {  	s25 =	sor.u32 s25, s24;
	[tilespmem:v4+s13+$0x0] =	vst.idx.msk $0xffff, v0  }
0x268: {  	v4 =	vld [tilespmem:s25+$0xC00];
	_ =	sdelay $0x4  }
0x269: {  	vm0 =	vgt.s32 v4, $0x21  }
0x26a: {  	v6 =	vnsel vm0, $0x21, v4  }
0x26b: {  	v6 =	vadd.s32 $0xFFFFFFDF, v6  }
0x26c: {  	v7 =	vshll.u32 v6, $0xA  }
0x26d: {  	vm15 =	vgt.s32 v4, $0x20;
	v4 =	vor.u32 s24, v7  }
0x26e: {  	p0 =	sne.s32 s22, $0xFF;
	v4 =	vor.u32 v5, v4  }
.Ltmp9:
0x26f: {  	_ = 	snop;
	(pc) =	sbr.rel @p0 .LBB2_21-.Ltmp9, $3  }
0x270: {  	_ =	sdelay $0x1  }
0x271: {  	[tilespmem:s23+$0x12C00] =	vst v6  }
0x272: {  	s21 =	sadd.s32 $0x10, s21;
	s22 =	sadd.s32 $0x1, s22;
	[tilespmem:v4+s13+$0x0] =	vst.idx.msk vm15, v3  }
0x273: {  	s20 =	sadd.s32 $0xCE4000, s20;
	s21 =	sadd.s32 $0x40000, s19  }
0x274: {  	[hbm4b:s20+s26] =	stream.strided.scatter [tilespmem:s13], [sflag:$0x4], $0x8400, s12, s26, $0x38;
	[tilespmem:$0x13000] =	vst v63  }
0x275: {  	s23 =	sshrl.u32 s21, $0x3  }
0x276: {  	s20 =	simm.s32 $0x0;
	s24 =	sor.u32 s7, s21;
	s22 =	sadd.s32 s23, s6  }
0x277: {  	[tilespmem:s20], [sflag:$0x1] =	stream.linear.gather [hbm4b:s22+s20], $0x400, $0x38;
	[tilespmem:$0x13000] =	vst v63  }
0x278: {  	s22 =	sshrl.u32 s24, $0x3  }
0x279: {  	s25 =	sor.u32 s8, s21;
	s22 =	sadd.s32 s1, s22  }
0x27a: {  	[tilespmem:s26], [sflag:$0x1] =	stream.linear.gather [hbm4b:s22+s20], $0x400, $0x38;
	[tilespmem:$0x13000] =	vst v63  }
0x27b: {  	s21 =	sor.u32 s9, s21;
	s22 =	sshrl.u32 s25, $0x3  }
0x27c: {  	s21 =	sshrl.u32 s21, $0x3;
	s22 =	sadd.s32 s1, s22  }
0x27d: {  	[tilespmem:s28], [sflag:$0x1] =	stream.linear.gather [hbm4b:s22+s20], $0x400, $0x38;
	[tilespmem:$0x13000] =	vst v63  }
0x27e: {  	s21 =	sadd.s32 s1, s21  }
0x27f: {  	[tilespmem:s29], [sflag:$0x1] =	stream.linear.gather [hbm4b:s21+s20], $0x400, $0x38;
	[tilespmem:$0x13000] =	vst v63  }
0x280: {  	_ =	swait.ge [sflag:s16], $0x400  }
0x281: {  	[sflag:s16] =	ssyncset.done $0x0  }
0x282: {  	[sflag:s16] =	ssyncadd.s32 $0xFFFFFC00  }
0x283: {  	_ =	swait.ge [sflag:s16], $0x400  }
0x284: {  	[sflag:s16] =	ssyncset.done $0x0  }
0x285: {  	[sflag:s16] =	ssyncadd.s32 $0xFFFFFC00  }
0x286: {  	_ =	swait.ge [sflag:s16], $0x400  }
0x287: {  	[sflag:s16] =	ssyncset.done $0x0  }
0x288: {  	[sflag:s16] =	ssyncadd.s32 $0xFFFFFC00  }
0x289: {  	_ =	swait.ge [sflag:s16], $0x400  }
0x28a: {  	[sflag:s16] =	ssyncset.done $0x0  }
0x28b: {  	[sflag:s16] =	ssyncadd.s32 $0xFFFFFC00  }
0x28c: {  	_ =	swait.ge [sflag:s14], $0x8400  }
0x28d: {  	[sflag:s14] =	ssyncset.done $0x0  }
0x28e: {  	s21 =	simm.s32 $0x0;
	[sflag:s14] =	ssyncadd.s32 $0xFFFF7C00  }
.LBB2_23:
0x28f: {  	s22 =	sand.u32 $0x3F0, s20  }
0x290: {  	v4 =	vld [tilespmem:s22+$0x12800];
	_ =	sdelay $0x3  }
0x291: {  	s23 =	sshll.u32 s21, $0x4  }
0x292: {  	s24 =	sand.u32 $0x70, s20;
	s23 =	sand.u32 $0x380, s23;
	v4 =	vshll.u32 v4, $0xA  }
0x293: {  	v5 =	vor.u32 s24, v2;
	v4 =	vor.u32 s23, v4  }
0x294: {  	v4 =	vor.u32 v5, v4;
	_ =	sdelay $0x4  }
0x295: {  	s24 =	sor.u32 s24, s23;
	[tilespmem:v4+s11+$0x0] =	vst.idx.msk $0xffff, v0  }
0x296: {  	v4 =	vld [tilespmem:s24+$0x1000];
	_ =	sdelay $0x4  }
0x297: {  	v6 =	vadd.s32 $0xFFFFFFFF, v4  }
0x298: {  	vm0 =	vlt.u32 v6, $0x20  }
0x299: {  	v4 =	vnsel vm0, $0x0, v4  }
0x29a: {  	v63 =	vshll.u32 v4, $0xA  }
0x29b: {  	v6 =	vor.u32 s23, v63  }
0x29c: {  	p0 =	sne.s32 s21, $0xFF;
	v5 =	vor.u32 v5, v6  }
.Ltmp10:
0x29d: {  	_ = 	snop;
	(pc) =	sbr.rel @p0 .LBB2_23-.Ltmp10, $3  }
0x29e: {  	_ =	sdelay $0x1  }
0x29f: {  	[tilespmem:s22+$0x12800] =	vst v4  }
0x2a0: {  	s20 =	sadd.s32 $0x10, s20;
	s21 =	sadd.s32 $0x1, s21;
	[tilespmem:v5+s11+$0x0] =	vst.idx.msk vm0, v3  }
0x2a1: {  	s20 =	sor.u32 $0x20000, s19  }
0x2a2: {  	s21 =	sor.u32 s5, s20  }
0x2a3: {  	s21 =	sshrl.u32 s21, $0x3  }
0x2a4: {  	s21 =	sadd.s32 s3, s21  }
0x2a5: {  	[hbm4b:s21+s26] =	stream.strided.scatter [tilespmem:s11], [sflag:$0x3], $0x8400, s12, s26, $0x38;
	[tilespmem:$0x13000] =	vst v63  }
0x2a6: {  	_ =	swait.ge [sflag:s15], $0x8400  }
0x2a7: {  	[sflag:s15] =	ssyncset.done $0x0  }
0x2a8: {  	s22 =	simm.s32 $0x0;
	s23 =	simm.s32 $0x0;
	[sflag:s15] =	ssyncadd.s32 $0xFFFF7C00  }
.LBB2_25:
0x2a9: {  	s24 =	sand.u32 $0x3F0, s22  }
0x2aa: {  	v4 =	vld [tilespmem:s24+$0x12C00];
	_ =	sdelay $0x3  }
0x2ab: {  	s25 =	sshll.u32 s23, $0x4  }
0x2ac: {  	s17 =	sand.u32 $0x70, s22;
	s25 =	sand.u32 $0x380, s25;
	v4 =	vshll.u32 v4, $0xA  }
0x2ad: {  	v5 =	vor.u32 s17, v2;
	v4 =	vor.u32 s25, v4  }
0x2ae: {  	v4 =	vor.u32 v5, v4;
	_ =	sdelay $0x4  }
0x2af: {  	s17 =	sor.u32 s17, s25;
	[tilespmem:v4+s13+$0x0] =	vst.idx.msk $0xffff, v0  }
0x2b0: {  	v4 =	vld [tilespmem:s17+$0x1000];
	_ =	sdelay $0x4  }
0x2b1: {  	vm0 =	vgt.s32 v4, $0x21  }
0x2b2: {  	v6 =	vnsel vm0, $0x21, v4  }
0x2b3: {  	v6 =	vadd.s32 $0xFFFFFFDF, v6  }
0x2b4: {  	v7 =	vshll.u32 v6, $0xA  }
0x2b5: {  	vm15 =	vgt.s32 v4, $0x20;
	v4 =	vor.u32 s25, v7  }
0x2b6: {  	p0 =	sne.s32 s23, $0xFF;
	v4 =	vor.u32 v5, v4  }
.Ltmp11:
0x2b7: {  	_ = 	snop;
	(pc) =	sbr.rel @p0 .LBB2_25-.Ltmp11, $3  }
0x2b8: {  	_ =	sdelay $0x1  }
0x2b9: {  	[tilespmem:s24+$0x12C00] =	vst v6  }
0x2ba: {  	s22 =	sadd.s32 $0x10, s22;
	s23 =	sadd.s32 $0x1, s23;
	[tilespmem:v4+s13+$0x0] =	vst.idx.msk vm15, v3  }
0x2bb: {  	s17 =	sadd.s32 $0xCE4000, s21  }
0x2bc: {  	[hbm4b:s17+s26] =	stream.strided.scatter [tilespmem:s13], [sflag:$0x4], $0x8400, s12, s26, $0x38;
	[tilespmem:$0x13000] =	vst v63  }
0x2bd: {  	_ =	swait.ge [sflag:s14], $0x8400  }
0x2be: {  	[sflag:s14] =	ssyncset.done $0x0  }
0x2bf: {  	s21 =	simm.s32 $0x0;
	s22 =	simm.s32 $0x0;
	[sflag:s14] =	ssyncadd.s32 $0xFFFF7C00  }
.LBB2_27:
0x2c0: {  	s17 =	sand.u32 $0x3F0, s21  }
0x2c1: {  	v4 =	vld [tilespmem:s17+$0x12800];
	_ =	sdelay $0x3  }
0x2c2: {  	s23 =	sshll.u32 s22, $0x4  }
0x2c3: {  	s24 =	sand.u32 $0x70, s21;
	s23 =	sand.u32 $0x380, s23;
	v4 =	vshll.u32 v4, $0xA  }
0x2c4: {  	v5 =	vor.u32 s24, v2;
	v4 =	vor.u32 s23, v4  }
0x2c5: {  	v4 =	vor.u32 v5, v4;
	_ =	sdelay $0x4  }
0x2c6: {  	s24 =	sor.u32 s24, s23;
	[tilespmem:v4+s11+$0x0] =	vst.idx.msk $0xffff, v0  }
0x2c7: {  	v4 =	vld [tilespmem:s24+$0x1400];
	_ =	sdelay $0x4  }
0x2c8: {  	v6 =	vadd.s32 $0xFFFFFFFF, v4  }
0x2c9: {  	vm0 =	vlt.u32 v6, $0x20  }
0x2ca: {  	v4 =	vnsel vm0, $0x0, v4  }
0x2cb: {  	v63 =	vshll.u32 v4, $0xA  }
0x2cc: {  	v6 =	vor.u32 s23, v63  }
0x2cd: {  	p0 =	sne.s32 s22, $0xFF;
	v5 =	vor.u32 v5, v6  }
.Ltmp12:
0x2ce: {  	_ = 	snop;
	(pc) =	sbr.rel @p0 .LBB2_27-.Ltmp12, $3  }
0x2cf: {  	_ =	sdelay $0x1  }
0x2d0: {  	[tilespmem:s17+$0x12800] =	vst v4  }
0x2d1: {  	s21 =	sadd.s32 $0x10, s21;
	s22 =	sadd.s32 $0x1, s22;
	[tilespmem:v5+s11+$0x0] =	vst.idx.msk vm0, v3  }
0x2d2: {  	s17 =	sor.u32 s7, s20  }
0x2d3: {  	s17 =	sshrl.u32 s17, $0x3  }
0x2d4: {  	s21 =	sadd.s32 s3, s17  }
0x2d5: {  	[hbm4b:s21+s26] =	stream.strided.scatter [tilespmem:s11], [sflag:$0x3], $0x8400, s12, s26, $0x38;
	[tilespmem:$0x13000] =	vst v63  }
0x2d6: {  	_ =	swait.ge [sflag:s15], $0x8400  }
0x2d7: {  	[sflag:s15] =	ssyncset.done $0x0  }
0x2d8: {  	s22 =	simm.s32 $0x0;
	s23 =	simm.s32 $0x0;
	[sflag:s15] =	ssyncadd.s32 $0xFFFF7C00  }
.LBB2_29:
0x2d9: {  	s17 =	sand.u32 $0x3F0, s22  }
0x2da: {  	v4 =	vld [tilespmem:s17+$0x12C00];
	_ =	sdelay $0x3  }
0x2db: {  	s24 =	sshll.u32 s23, $0x4  }
0x2dc: {  	s25 =	sand.u32 $0x70, s22;
	s24 =	sand.u32 $0x380, s24;
	v4 =	vshll.u32 v4, $0xA  }
0x2dd: {  	v5 =	vor.u32 s25, v2;
	v4 =	vor.u32 s24, v4  }
0x2de: {  	v4 =	vor.u32 v5, v4;
	_ =	sdelay $0x4  }
0x2df: {  	s25 =	sor.u32 s25, s24;
	[tilespmem:v4+s13+$0x0] =	vst.idx.msk $0xffff, v0  }
0x2e0: {  	v4 =	vld [tilespmem:s25+$0x1400];
	_ =	sdelay $0x4  }
0x2e1: {  	vm0 =	vgt.s32 v4, $0x21  }
0x2e2: {  	v6 =	vnsel vm0, $0x21, v4  }
0x2e3: {  	v6 =	vadd.s32 $0xFFFFFFDF, v6  }
0x2e4: {  	v7 =	vshll.u32 v6, $0xA  }
0x2e5: {  	vm15 =	vgt.s32 v4, $0x20;
	v4 =	vor.u32 s24, v7  }
0x2e6: {  	p0 =	sne.s32 s23, $0xFF;
	v4 =	vor.u32 v5, v4  }
.Ltmp13:
0x2e7: {  	_ = 	snop;
	(pc) =	sbr.rel @p0 .LBB2_29-.Ltmp13, $3  }
0x2e8: {  	_ =	sdelay $0x1  }
0x2e9: {  	[tilespmem:s17+$0x12C00] =	vst v6  }
0x2ea: {  	s22 =	sadd.s32 $0x10, s22;
	s23 =	sadd.s32 $0x1, s23;
	[tilespmem:v4+s13+$0x0] =	vst.idx.msk vm15, v3  }
0x2eb: {  	s17 =	sadd.s32 $0xCE4000, s21  }
0x2ec: {  	[hbm4b:s17+s26] =	stream.strided.scatter [tilespmem:s13], [sflag:$0x4], $0x8400, s12, s26, $0x38;
	[tilespmem:$0x13000] =	vst v63  }
0x2ed: {  	_ =	swait.ge [sflag:s14], $0x8400  }
0x2ee: {  	[sflag:s14] =	ssyncset.done $0x0  }
0x2ef: {  	s21 =	simm.s32 $0x0;
	s22 =	simm.s32 $0x0;
	[sflag:s14] =	ssyncadd.s32 $0xFFFF7C00  }
.LBB2_31:
0x2f0: {  	s17 =	sand.u32 $0x3F0, s21  }
0x2f1: {  	v4 =	vld [tilespmem:s17+$0x12800];
	_ =	sdelay $0x3  }
0x2f2: {  	s23 =	sshll.u32 s22, $0x4  }
0x2f3: {  	s24 =	sand.u32 $0x70, s21;
	s23 =	sand.u32 $0x380, s23;
	v4 =	vshll.u32 v4, $0xA  }
0x2f4: {  	v5 =	vor.u32 s24, v2;
	v4 =	vor.u32 s23, v4  }
0x2f5: {  	v4 =	vor.u32 v5, v4;
	_ =	sdelay $0x4  }
0x2f6: {  	s24 =	sor.u32 s24, s23;
	[tilespmem:v4+s11+$0x0] =	vst.idx.msk $0xffff, v0  }
0x2f7: {  	v4 =	vld [tilespmem:s24+$0x1800];
	_ =	sdelay $0x4  }
0x2f8: {  	v6 =	vadd.s32 $0xFFFFFFFF, v4  }
0x2f9: {  	vm0 =	vlt.u32 v6, $0x20  }
0x2fa: {  	v4 =	vnsel vm0, $0x0, v4  }
0x2fb: {  	v63 =	vshll.u32 v4, $0xA  }
0x2fc: {  	v6 =	vor.u32 s23, v63  }
0x2fd: {  	p0 =	sne.s32 s22, $0xFF;
	v5 =	vor.u32 v5, v6  }
.Ltmp14:
0x2fe: {  	_ = 	snop;
	(pc) =	sbr.rel @p0 .LBB2_31-.Ltmp14, $3  }
0x2ff: {  	_ =	sdelay $0x1  }
0x300: {  	[tilespmem:s17+$0x12800] =	vst v4  }
0x301: {  	s21 =	sadd.s32 $0x10, s21;
	s22 =	sadd.s32 $0x1, s22;
	[tilespmem:v5+s11+$0x0] =	vst.idx.msk vm0, v3  }
0x302: {  	s17 =	sor.u32 s8, s20  }
0x303: {  	s17 =	sshrl.u32 s17, $0x3  }
0x304: {  	s21 =	sadd.s32 s3, s17  }
0x305: {  	[hbm4b:s21+s26] =	stream.strided.scatter [tilespmem:s11], [sflag:$0x3], $0x8400, s12, s26, $0x38;
	[tilespmem:$0x13000] =	vst v63  }
0x306: {  	_ =	swait.ge [sflag:s15], $0x8400  }
0x307: {  	[sflag:s15] =	ssyncset.done $0x0  }
0x308: {  	s22 =	simm.s32 $0x0;
	s23 =	simm.s32 $0x0;
	[sflag:s15] =	ssyncadd.s32 $0xFFFF7C00  }
.LBB2_33:
0x309: {  	s17 =	sand.u32 $0x3F0, s22  }
0x30a: {  	v4 =	vld [tilespmem:s17+$0x12C00];
	_ =	sdelay $0x3  }
0x30b: {  	s24 =	sshll.u32 s23, $0x4  }
0x30c: {  	s25 =	sand.u32 $0x70, s22;
	s24 =	sand.u32 $0x380, s24;
	v4 =	vshll.u32 v4, $0xA  }
0x30d: {  	v5 =	vor.u32 s25, v2;
	v4 =	vor.u32 s24, v4  }
0x30e: {  	v4 =	vor.u32 v5, v4;
	_ =	sdelay $0x4  }
0x30f: {  	s25 =	sor.u32 s25, s24;
	[tilespmem:v4+s13+$0x0] =	vst.idx.msk $0xffff, v0  }
0x310: {  	v4 =	vld [tilespmem:s25+$0x1800];
	_ =	sdelay $0x4  }
0x311: {  	vm0 =	vgt.s32 v4, $0x21  }
0x312: {  	v6 =	vnsel vm0, $0x21, v4  }
0x313: {  	v6 =	vadd.s32 $0xFFFFFFDF, v6  }
0x314: {  	v7 =	vshll.u32 v6, $0xA  }
0x315: {  	vm15 =	vgt.s32 v4, $0x20;
	v4 =	vor.u32 s24, v7  }
0x316: {  	p0 =	sne.s32 s23, $0xFF;
	v4 =	vor.u32 v5, v4  }
.Ltmp15:
0x317: {  	_ = 	snop;
	(pc) =	sbr.rel @p0 .LBB2_33-.Ltmp15, $3  }
0x318: {  	_ =	sdelay $0x1  }
0x319: {  	[tilespmem:s17+$0x12C00] =	vst v6  }
0x31a: {  	s22 =	sadd.s32 $0x10, s22;
	s23 =	sadd.s32 $0x1, s23;
	[tilespmem:v4+s13+$0x0] =	vst.idx.msk vm15, v3  }
0x31b: {  	s17 =	sadd.s32 $0xCE4000, s21  }
0x31c: {  	[hbm4b:s17+s26] =	stream.strided.scatter [tilespmem:s13], [sflag:$0x4], $0x8400, s12, s26, $0x38;
	[tilespmem:$0x13000] =	vst v63  }
0x31d: {  	_ =	swait.ge [sflag:s14], $0x8400  }
0x31e: {  	[sflag:s14] =	ssyncset.done $0x0  }
0x31f: {  	s21 =	simm.s32 $0x0;
	s22 =	simm.s32 $0x0;
	[sflag:s14] =	ssyncadd.s32 $0xFFFF7C00  }
.LBB2_35:
0x320: {  	s17 =	sand.u32 $0x3F0, s21  }
0x321: {  	v4 =	vld [tilespmem:s17+$0x12800];
	_ =	sdelay $0x3  }
0x322: {  	s23 =	sshll.u32 s22, $0x4  }
0x323: {  	s24 =	sand.u32 $0x70, s21;
	s23 =	sand.u32 $0x380, s23;
	v4 =	vshll.u32 v4, $0xA  }
0x324: {  	v5 =	vor.u32 s24, v2;
	v4 =	vor.u32 s23, v4  }
0x325: {  	v4 =	vor.u32 v5, v4;
	_ =	sdelay $0x4  }
0x326: {  	s24 =	sor.u32 s24, s23;
	[tilespmem:v4+s11+$0x0] =	vst.idx.msk $0xffff, v0  }
0x327: {  	v4 =	vld [tilespmem:s24+$0x1C00];
	_ =	sdelay $0x4  }
0x328: {  	v6 =	vadd.s32 $0xFFFFFFFF, v4  }
0x329: {  	vm0 =	vlt.u32 v6, $0x20  }
0x32a: {  	v4 =	vnsel vm0, $0x0, v4  }
0x32b: {  	v63 =	vshll.u32 v4, $0xA  }
0x32c: {  	v6 =	vor.u32 s23, v63  }
0x32d: {  	p0 =	sne.s32 s22, $0xFF;
	v5 =	vor.u32 v5, v6  }
.Ltmp16:
0x32e: {  	_ = 	snop;
	(pc) =	sbr.rel @p0 .LBB2_35-.Ltmp16, $3  }
0x32f: {  	_ =	sdelay $0x1  }
0x330: {  	[tilespmem:s17+$0x12800] =	vst v4  }
0x331: {  	s21 =	sadd.s32 $0x10, s21;
	s22 =	sadd.s32 $0x1, s22;
	[tilespmem:v5+s11+$0x0] =	vst.idx.msk vm0, v3  }
0x332: {  	s17 =	sor.u32 s9, s20  }
0x333: {  	s17 =	sshrl.u32 s17, $0x3  }
0x334: {  	s20 =	sadd.s32 s3, s17  }
0x335: {  	[hbm4b:s20+s26] =	stream.strided.scatter [tilespmem:s11], [sflag:$0x3], $0x8400, s12, s26, $0x38;
	[tilespmem:$0x13000] =	vst v63  }
0x336: {  	_ =	swait.ge [sflag:s15], $0x8400  }
0x337: {  	[sflag:s15] =	ssyncset.done $0x0  }
0x338: {  	s21 =	simm.s32 $0x0;
	s22 =	simm.s32 $0x0;
	[sflag:s15] =	ssyncadd.s32 $0xFFFF7C00  }
.LBB2_37:
0x339: {  	s17 =	sand.u32 $0x3F0, s21  }
0x33a: {  	v4 =	vld [tilespmem:s17+$0x12C00];
	_ =	sdelay $0x3  }
0x33b: {  	s23 =	sshll.u32 s22, $0x4  }
0x33c: {  	s24 =	sand.u32 $0x70, s21;
	s23 =	sand.u32 $0x380, s23;
	v4 =	vshll.u32 v4, $0xA  }
0x33d: {  	v5 =	vor.u32 s24, v2;
	v4 =	vor.u32 s23, v4  }
0x33e: {  	v4 =	vor.u32 v5, v4;
	_ =	sdelay $0x4  }
0x33f: {  	s24 =	sor.u32 s24, s23;
	[tilespmem:v4+s13+$0x0] =	vst.idx.msk $0xffff, v0  }
0x340: {  	v4 =	vld [tilespmem:s24+$0x1C00];
	_ =	sdelay $0x4  }
0x341: {  	vm0 =	vgt.s32 v4, $0x21  }
0x342: {  	v6 =	vnsel vm0, $0x21, v4  }
0x343: {  	v6 =	vadd.s32 $0xFFFFFFDF, v6  }
0x344: {  	v7 =	vshll.u32 v6, $0xA  }
0x345: {  	vm15 =	vgt.s32 v4, $0x20;
	v4 =	vor.u32 s23, v7  }
0x346: {  	p0 =	sne.s32 s22, $0xFF;
	v4 =	vor.u32 v5, v4  }
.Ltmp17:
0x347: {  	_ = 	snop;
	(pc) =	sbr.rel @p0 .LBB2_37-.Ltmp17, $3  }
0x348: {  	_ =	sdelay $0x1  }
0x349: {  	[tilespmem:s17+$0x12C00] =	vst v6  }
0x34a: {  	s21 =	sadd.s32 $0x10, s21;
	s22 =	sadd.s32 $0x1, s22;
	[tilespmem:v4+s13+$0x0] =	vst.idx.msk vm15, v3  }
0x34b: {  	p0 =	seq.s32 s18, $0xB  }
.Ltmp18:
0x34c: {  	_ = 	snop;
	(pc) =	sbr.rel @p0 .LBB2_40-.Ltmp18, $3  }
0x34d: {  	_ =	sdelay $0x1  }
0x34e: {  	s17 =	sadd.s32 $0xCE4000, s20  }
0x34f: {  	[hbm4b:s17+s26] =	stream.strided.scatter [tilespmem:s13], [sflag:$0x4], $0x8400, s12, s26, $0x38;
	[tilespmem:$0x13000] =	vst v63  }
0x350: {  	s17 =	sadd.s32 $0x60000, s19  }
0x351: {  	s19 =	sshrl.u32 s17, $0x3  }
0x352: {  	s24 =	sor.u32 s7, s17;
	s19 =	sadd.s32 s19, s6  }
0x353: {  	[tilespmem:s30], [sflag:$0x2] =	stream.linear.gather [hbm4b:s19+s4], $0x400, $0x38;
	[tilespmem:$0x13000] =	vst v63  }
0x354: {  	s19 =	sshrl.u32 s24, $0x3  }
0x355: {  	s25 =	sor.u32 s8, s17;
	s19 =	sadd.s32 s1, s19  }
0x356: {  	[tilespmem:s31], [sflag:$0x2] =	stream.linear.gather [hbm4b:s19+s4], $0x400, $0x38;
	[tilespmem:$0x13000] =	vst v63  }
.Ltmp19:
0x357: {  	s17 =	sor.u32 s9, s17;
	s19 =	sshrl.u32 s25, $0x3;
	(pc) =	sbr.rel .LBB2_6-.Ltmp19, $4  }
0x358: {  	s17 =	sshrl.u32 s17, $0x3;
	s19 =	sadd.s32 s1, s19  }
0x359: {  	[tilespmem:s0], [sflag:$0x2] =	stream.linear.gather [hbm4b:s19+s4], $0x400, $0x38;
	[tilespmem:$0x13000] =	vst v63  }
0x35a: {  	s18 =	sadd.s32 $0x1, s18;
	s17 =	sadd.s32 s1, s17  }
0x35b: {  	[tilespmem:s2], [sflag:$0x2] =	stream.linear.gather [hbm4b:s17+s4], $0x400, $0x38;
	[tilespmem:$0x13000] =	vst v63  }
.LBB2_40:
0x35c: {  	_ =	swait.ge [sflag:s10], $0x400  }
0x35d: {  	[sflag:s10] =	ssyncset.done $0x0  }
0x35e: {  	[sflag:s10] =	ssyncadd.s32 $0xFFFFFC00  }
0x35f: {  	_ =	swait.ge [sflag:s10], $0x400  }
0x360: {  	[sflag:s10] =	ssyncset.done $0x0  }
0x361: {  	[sflag:s10] =	ssyncadd.s32 $0xFFFFFC00  }
0x362: {  	_ =	swait.ge [sflag:s10], $0x400  }
0x363: {  	[sflag:s10] =	ssyncset.done $0x0  }
0x364: {  	[sflag:s10] =	ssyncadd.s32 $0xFFFFFC00  }
0x365: {  	_ =	swait.ge [sflag:s10], $0x400  }
0x366: {  	[sflag:s10] =	ssyncset.done $0x0  }
0x367: {  	[sflag:s10] =	ssyncadd.s32 $0xFFFFFC00  }
0x368: {  	_ =	swait.ge [sflag:s14], $0x8400  }
0x369: {  	[sflag:s14] =	ssyncset.done $0x0  }
0x36a: {  	s18 =	simm.s32 $0x0;
	s19 =	simm.s32 $0x0;
	[sflag:s14] =	ssyncadd.s32 $0xFFFF7C00  }
.LBB2_41:
0x36b: {  	s17 =	sand.u32 $0x3F0, s18  }
0x36c: {  	v4 =	vld [tilespmem:s17+$0x12800];
	_ =	sdelay $0x3  }
0x36d: {  	s20 =	sshll.u32 s19, $0x4  }
0x36e: {  	s21 =	sand.u32 $0x70, s18;
	s20 =	sand.u32 $0x380, s20;
	v4 =	vshll.u32 v4, $0xA  }
0x36f: {  	v5 =	vor.u32 s21, v2;
	v4 =	vor.u32 s20, v4  }
0x370: {  	v4 =	vor.u32 v5, v4;
	_ =	sdelay $0x4  }
0x371: {  	s21 =	sor.u32 s21, s20;
	[tilespmem:v4+s11+$0x0] =	vst.idx.msk $0xffff, v0  }
0x372: {  	v4 =	vld [tilespmem:s21+$0x0];
	_ =	sdelay $0x4  }
0x373: {  	v6 =	vadd.s32 $0xFFFFFFFF, v4  }
0x374: {  	vm0 =	vlt.u32 v6, $0x20  }
0x375: {  	v4 =	vnsel vm0, $0x0, v4  }
0x376: {  	v63 =	vshll.u32 v4, $0xA  }
0x377: {  	v6 =	vor.u32 s20, v63  }
0x378: {  	p0 =	sne.s32 s19, $0xFF;
	v5 =	vor.u32 v5, v6  }
.Ltmp20:
0x379: {  	_ = 	snop;
	(pc) =	sbr.rel @p0 .LBB2_41-.Ltmp20, $3  }
0x37a: {  	_ =	sdelay $0x1  }
0x37b: {  	[tilespmem:s17+$0x12800] =	vst v4  }
0x37c: {  	s18 =	sadd.s32 $0x10, s18;
	s19 =	sadd.s32 $0x1, s19;
	[tilespmem:v5+s11+$0x0] =	vst.idx.msk vm0, v3  }
0x37d: {  	s17 =	rddreg [dreg:$0xa]  }
0x37e: {  	[hbm4b:s17+s26] =	stream.strided.scatter [tilespmem:s11], [sflag:$0x3], $0x8400, s12, s26, $0x38;
	[tilespmem:$0x13000] =	vst v63  }
0x37f: {  	_ =	swait.ge [sflag:s15], $0x8400  }
0x380: {  	[sflag:s15] =	ssyncset.done $0x0  }
0x381: {  	s18 =	simm.s32 $0x0;
	s19 =	simm.s32 $0x0;
	[sflag:s15] =	ssyncadd.s32 $0xFFFF7C00  }
.LBB2_43:
0x382: {  	s17 =	sand.u32 $0x3F0, s18  }
0x383: {  	v4 =	vld [tilespmem:s17+$0x12C00];
	_ =	sdelay $0x3  }
0x384: {  	s20 =	sshll.u32 s19, $0x4  }
0x385: {  	s21 =	sand.u32 $0x70, s18;
	s20 =	sand.u32 $0x380, s20;
	v4 =	vshll.u32 v4, $0xA  }
0x386: {  	v5 =	vor.u32 s21, v2;
	v4 =	vor.u32 s20, v4  }
0x387: {  	v4 =	vor.u32 v5, v4;
	_ =	sdelay $0x4  }
0x388: {  	s21 =	sor.u32 s21, s20;
	[tilespmem:v4+s13+$0x0] =	vst.idx.msk $0xffff, v0  }
0x389: {  	v4 =	vld [tilespmem:s21+$0x0];
	_ =	sdelay $0x4  }
0x38a: {  	vm0 =	vgt.s32 v4, $0x21  }
0x38b: {  	v6 =	vnsel vm0, $0x21, v4  }
0x38c: {  	v6 =	vadd.s32 $0xFFFFFFDF, v6  }
0x38d: {  	v7 =	vshll.u32 v6, $0xA  }
0x38e: {  	vm15 =	vgt.s32 v4, $0x20;
	v4 =	vor.u32 s20, v7  }
0x38f: {  	p0 =	sne.s32 s19, $0xFF;
	v4 =	vor.u32 v5, v4  }
.Ltmp21:
0x390: {  	_ = 	snop;
	(pc) =	sbr.rel @p0 .LBB2_43-.Ltmp21, $3  }
0x391: {  	_ =	sdelay $0x1  }
0x392: {  	[tilespmem:s17+$0x12C00] =	vst v6  }
0x393: {  	s18 =	sadd.s32 $0x10, s18;
	s19 =	sadd.s32 $0x1, s19;
	[tilespmem:v4+s13+$0x0] =	vst.idx.msk vm15, v3  }
0x394: {  	s17 =	rddreg [dreg:$0xb]  }
0x395: {  	[hbm4b:s17+s26] =	stream.strided.scatter [tilespmem:s13], [sflag:$0x4], $0x8400, s12, s26, $0x38;
	[tilespmem:$0x13000] =	vst v63  }
0x396: {  	_ =	swait.ge [sflag:s14], $0x8400  }
0x397: {  	[sflag:s14] =	ssyncset.done $0x0  }
0x398: {  	s18 =	simm.s32 $0x0;
	s19 =	simm.s32 $0x0;
	[sflag:s14] =	ssyncadd.s32 $0xFFFF7C00  }
.LBB2_45:
0x399: {  	s17 =	sand.u32 $0x3F0, s18  }
0x39a: {  	v4 =	vld [tilespmem:s17+$0x12800];
	_ =	sdelay $0x3  }
0x39b: {  	s20 =	sshll.u32 s19, $0x4  }
0x39c: {  	s21 =	sand.u32 $0x70, s18;
	s20 =	sand.u32 $0x380, s20;
	v4 =	vshll.u32 v4, $0xA  }
0x39d: {  	v5 =	vor.u32 s21, v2;
	v4 =	vor.u32 s20, v4  }
0x39e: {  	v4 =	vor.u32 v5, v4;
	_ =	sdelay $0x4  }
0x39f: {  	s21 =	sor.u32 s21, s20;
	[tilespmem:v4+s11+$0x0] =	vst.idx.msk $0xffff, v0  }
0x3a0: {  	v4 =	vld [tilespmem:s21+$0x400];
	_ =	sdelay $0x4  }
0x3a1: {  	v6 =	vadd.s32 $0xFFFFFFFF, v4  }
0x3a2: {  	vm0 =	vlt.u32 v6, $0x20  }
0x3a3: {  	v4 =	vnsel vm0, $0x0, v4  }
0x3a4: {  	v63 =	vshll.u32 v4, $0xA  }
0x3a5: {  	v6 =	vor.u32 s20, v63  }
0x3a6: {  	p0 =	sne.s32 s19, $0xFF;
	v5 =	vor.u32 v5, v6  }
.Ltmp22:
0x3a7: {  	_ = 	snop;
	(pc) =	sbr.rel @p0 .LBB2_45-.Ltmp22, $3  }
0x3a8: {  	_ =	sdelay $0x1  }
0x3a9: {  	[tilespmem:s17+$0x12800] =	vst v4  }
0x3aa: {  	s18 =	sadd.s32 $0x10, s18;
	s19 =	sadd.s32 $0x1, s19;
	[tilespmem:v5+s11+$0x0] =	vst.idx.msk vm0, v3  }
0x3ab: {  	s17 =	rddreg [dreg:$0xd]  }
0x3ac: {  	[hbm4b:s17+s26] =	stream.strided.scatter [tilespmem:s11], [sflag:$0x3], $0x8400, s12, s26, $0x38;
	[tilespmem:$0x13000] =	vst v63  }
0x3ad: {  	_ =	swait.ge [sflag:s15], $0x8400  }
0x3ae: {  	[sflag:s15] =	ssyncset.done $0x0  }
0x3af: {  	s18 =	simm.s32 $0x0;
	s19 =	simm.s32 $0x0;
	[sflag:s15] =	ssyncadd.s32 $0xFFFF7C00  }
.LBB2_47:
0x3b0: {  	s17 =	sand.u32 $0x3F0, s18  }
0x3b1: {  	v4 =	vld [tilespmem:s17+$0x12C00];
	_ =	sdelay $0x3  }
0x3b2: {  	s20 =	sshll.u32 s19, $0x4  }
0x3b3: {  	s21 =	sand.u32 $0x70, s18;
	s20 =	sand.u32 $0x380, s20;
	v4 =	vshll.u32 v4, $0xA  }
0x3b4: {  	v5 =	vor.u32 s21, v2;
	v4 =	vor.u32 s20, v4  }
0x3b5: {  	v4 =	vor.u32 v5, v4;
	_ =	sdelay $0x4  }
0x3b6: {  	s21 =	sor.u32 s21, s20;
	[tilespmem:v4+s13+$0x0] =	vst.idx.msk $0xffff, v0  }
0x3b7: {  	v4 =	vld [tilespmem:s21+$0x400];
	_ =	sdelay $0x4  }
0x3b8: {  	vm0 =	vgt.s32 v4, $0x21  }
0x3b9: {  	v6 =	vnsel vm0, $0x21, v4  }
0x3ba: {  	v6 =	vadd.s32 $0xFFFFFFDF, v6  }
0x3bb: {  	v7 =	vshll.u32 v6, $0xA  }
0x3bc: {  	vm15 =	vgt.s32 v4, $0x20;
	v4 =	vor.u32 s20, v7  }
0x3bd: {  	p0 =	sne.s32 s19, $0xFF;
	v4 =	vor.u32 v5, v4  }
.Ltmp23:
0x3be: {  	_ = 	snop;
	(pc) =	sbr.rel @p0 .LBB2_47-.Ltmp23, $3  }
0x3bf: {  	_ =	sdelay $0x1  }
0x3c0: {  	[tilespmem:s17+$0x12C00] =	vst v6  }
0x3c1: {  	s18 =	sadd.s32 $0x10, s18;
	s19 =	sadd.s32 $0x1, s19;
	[tilespmem:v4+s13+$0x0] =	vst.idx.msk vm15, v3  }
0x3c2: {  	s17 =	rddreg [dreg:$0xc]  }
0x3c3: {  	[hbm4b:s17+s26] =	stream.strided.scatter [tilespmem:s13], [sflag:$0x4], $0x8400, s12, s26, $0x38;
	[tilespmem:$0x13000] =	vst v63  }
0x3c4: {  	_ =	swait.ge [sflag:s14], $0x8400  }
0x3c5: {  	[sflag:s14] =	ssyncset.done $0x0  }
0x3c6: {  	s18 =	simm.s32 $0x0;
	s19 =	simm.s32 $0x0;
	[sflag:s14] =	ssyncadd.s32 $0xFFFF7C00  }
.LBB2_49:
0x3c7: {  	s17 =	sand.u32 $0x3F0, s18  }
0x3c8: {  	v4 =	vld [tilespmem:s17+$0x12800];
	_ =	sdelay $0x3  }
0x3c9: {  	s20 =	sshll.u32 s19, $0x4  }
0x3ca: {  	s21 =	sand.u32 $0x70, s18;
	s20 =	sand.u32 $0x380, s20;
	v4 =	vshll.u32 v4, $0xA  }
0x3cb: {  	v5 =	vor.u32 s21, v2;
	v4 =	vor.u32 s20, v4  }
0x3cc: {  	v4 =	vor.u32 v5, v4;
	_ =	sdelay $0x4  }
0x3cd: {  	s21 =	sor.u32 s21, s20;
	[tilespmem:v4+s11+$0x0] =	vst.idx.msk $0xffff, v0  }
0x3ce: {  	v4 =	vld [tilespmem:s21+$0x800];
	_ =	sdelay $0x4  }
0x3cf: {  	v6 =	vadd.s32 $0xFFFFFFFF, v4  }
0x3d0: {  	vm0 =	vlt.u32 v6, $0x20  }
0x3d1: {  	v4 =	vnsel vm0, $0x0, v4  }
0x3d2: {  	v63 =	vshll.u32 v4, $0xA  }
0x3d3: {  	v6 =	vor.u32 s20, v63  }
0x3d4: {  	p0 =	sne.s32 s19, $0xFF;
	v5 =	vor.u32 v5, v6  }
.Ltmp24:
0x3d5: {  	_ = 	snop;
	(pc) =	sbr.rel @p0 .LBB2_49-.Ltmp24, $3  }
0x3d6: {  	_ =	sdelay $0x1  }
0x3d7: {  	[tilespmem:s17+$0x12800] =	vst v4  }
0x3d8: {  	s18 =	sadd.s32 $0x10, s18;
	s19 =	sadd.s32 $0x1, s19;
	[tilespmem:v5+s11+$0x0] =	vst.idx.msk vm0, v3  }
0x3d9: {  	s17 =	rddreg [dreg:$0xe]  }
0x3da: {  	[hbm4b:s17+s26] =	stream.strided.scatter [tilespmem:s11], [sflag:$0x3], $0x8400, s12, s26, $0x38;
	[tilespmem:$0x13000] =	vst v63  }
0x3db: {  	_ =	swait.ge [sflag:s15], $0x8400  }
0x3dc: {  	[sflag:s15] =	ssyncset.done $0x0  }
0x3dd: {  	s18 =	simm.s32 $0x0;
	s19 =	simm.s32 $0x0;
	[sflag:s15] =	ssyncadd.s32 $0xFFFF7C00  }
.LBB2_51:
0x3de: {  	s17 =	sand.u32 $0x3F0, s18  }
0x3df: {  	v4 =	vld [tilespmem:s17+$0x12C00];
	_ =	sdelay $0x3  }
0x3e0: {  	s20 =	sshll.u32 s19, $0x4  }
0x3e1: {  	s21 =	sand.u32 $0x70, s18;
	s20 =	sand.u32 $0x380, s20;
	v4 =	vshll.u32 v4, $0xA  }
0x3e2: {  	v5 =	vor.u32 s21, v2;
	v4 =	vor.u32 s20, v4  }
0x3e3: {  	v4 =	vor.u32 v5, v4;
	_ =	sdelay $0x4  }
0x3e4: {  	s21 =	sor.u32 s21, s20;
	[tilespmem:v4+s13+$0x0] =	vst.idx.msk $0xffff, v0  }
0x3e5: {  	v4 =	vld [tilespmem:s21+$0x800];
	_ =	sdelay $0x4  }
0x3e6: {  	vm0 =	vgt.s32 v4, $0x21  }
0x3e7: {  	v6 =	vnsel vm0, $0x21, v4  }
0x3e8: {  	v6 =	vadd.s32 $0xFFFFFFDF, v6  }
0x3e9: {  	v7 =	vshll.u32 v6, $0xA  }
0x3ea: {  	vm15 =	vgt.s32 v4, $0x20;
	v4 =	vor.u32 s20, v7  }
0x3eb: {  	p0 =	sne.s32 s19, $0xFF;
	v4 =	vor.u32 v5, v4  }
.Ltmp25:
0x3ec: {  	_ = 	snop;
	(pc) =	sbr.rel @p0 .LBB2_51-.Ltmp25, $3  }
0x3ed: {  	_ =	sdelay $0x1  }
0x3ee: {  	[tilespmem:s17+$0x12C00] =	vst v6  }
0x3ef: {  	s18 =	sadd.s32 $0x10, s18;
	s19 =	sadd.s32 $0x1, s19;
	[tilespmem:v4+s13+$0x0] =	vst.idx.msk vm15, v3  }
0x3f0: {  	s17 =	rddreg [dreg:$0xf]  }
0x3f1: {  	[hbm4b:s17+s26] =	stream.strided.scatter [tilespmem:s13], [sflag:$0x4], $0x8400, s12, s26, $0x38;
	[tilespmem:$0x13000] =	vst v63  }
0x3f2: {  	_ =	swait.ge [sflag:s14], $0x8400  }
0x3f3: {  	[sflag:s14] =	ssyncset.done $0x0  }
0x3f4: {  	s18 =	simm.s32 $0x0;
	s19 =	simm.s32 $0x0;
	[sflag:s14] =	ssyncadd.s32 $0xFFFF7C00  }
.LBB2_53:
0x3f5: {  	s17 =	sand.u32 $0x3F0, s18  }
0x3f6: {  	v4 =	vld [tilespmem:s17+$0x12800];
	_ =	sdelay $0x3  }
0x3f7: {  	s20 =	sshll.u32 s19, $0x4  }
0x3f8: {  	s21 =	sand.u32 $0x70, s18;
	s20 =	sand.u32 $0x380, s20;
	v4 =	vshll.u32 v4, $0xA  }
0x3f9: {  	v5 =	vor.u32 s21, v2;
	v4 =	vor.u32 s20, v4  }
0x3fa: {  	v4 =	vor.u32 v5, v4;
	_ =	sdelay $0x4  }
0x3fb: {  	s21 =	sor.u32 s21, s20;
	[tilespmem:v4+s11+$0x0] =	vst.idx.msk $0xffff, v0  }
0x3fc: {  	v4 =	vld [tilespmem:s21+$0xC00];
	_ =	sdelay $0x4  }
0x3fd: {  	v6 =	vadd.s32 $0xFFFFFFFF, v4  }
0x3fe: {  	vm0 =	vlt.u32 v6, $0x20  }
0x3ff: {  	v4 =	vnsel vm0, $0x0, v4  }
0x400: {  	v63 =	vshll.u32 v4, $0xA  }
0x401: {  	v6 =	vor.u32 s20, v63  }
0x402: {  	p0 =	sne.s32 s19, $0xFF;
	v5 =	vor.u32 v5, v6  }
.Ltmp26:
0x403: {  	_ = 	snop;
	(pc) =	sbr.rel @p0 .LBB2_53-.Ltmp26, $3  }
0x404: {  	_ =	sdelay $0x1  }
0x405: {  	[tilespmem:s17+$0x12800] =	vst v4  }
0x406: {  	s18 =	sadd.s32 $0x10, s18;
	s19 =	sadd.s32 $0x1, s19;
	[tilespmem:v5+s11+$0x0] =	vst.idx.msk vm0, v3  }
0x407: {  	s17 =	rddreg [dreg:$0x10]  }
0x408: {  	[hbm4b:s17+s26] =	stream.strided.scatter [tilespmem:s11], [sflag:$0x3], $0x8400, s12, s26, $0x38;
	[tilespmem:$0x13000] =	vst v63  }
0x409: {  	_ =	swait.ge [sflag:s15], $0x8400  }
0x40a: {  	[sflag:s15] =	ssyncset.done $0x0  }
0x40b: {  	s18 =	simm.s32 $0x0;
	s19 =	simm.s32 $0x0;
	[sflag:s15] =	ssyncadd.s32 $0xFFFF7C00  }
.LBB2_55:
0x40c: {  	s17 =	sand.u32 $0x3F0, s18  }
0x40d: {  	v4 =	vld [tilespmem:s17+$0x12C00];
	_ =	sdelay $0x3  }
0x40e: {  	s20 =	sshll.u32 s19, $0x4  }
0x40f: {  	s21 =	sand.u32 $0x70, s18;
	s20 =	sand.u32 $0x380, s20;
	v4 =	vshll.u32 v4, $0xA  }
0x410: {  	v5 =	vor.u32 s21, v2;
	v4 =	vor.u32 s20, v4  }
0x411: {  	v4 =	vor.u32 v5, v4;
	_ =	sdelay $0x4  }
0x412: {  	s21 =	sor.u32 s21, s20;
	[tilespmem:v4+s13+$0x0] =	vst.idx.msk $0xffff, v0  }
0x413: {  	v4 =	vld [tilespmem:s21+$0xC00];
	_ =	sdelay $0x4  }
0x414: {  	vm0 =	vgt.s32 v4, $0x21  }
0x415: {  	v6 =	vnsel vm0, $0x21, v4  }
0x416: {  	v6 =	vadd.s32 $0xFFFFFFDF, v6  }
0x417: {  	v7 =	vshll.u32 v6, $0xA  }
0x418: {  	vm15 =	vgt.s32 v4, $0x20;
	v4 =	vor.u32 s20, v7  }
0x419: {  	p0 =	sne.s32 s19, $0xFF;
	v4 =	vor.u32 v5, v4  }
.Ltmp27:
0x41a: {  	_ = 	snop;
	(pc) =	sbr.rel @p0 .LBB2_55-.Ltmp27, $3  }
0x41b: {  	_ =	sdelay $0x1  }
0x41c: {  	[tilespmem:s17+$0x12C00] =	vst v6  }
0x41d: {  	s18 =	sadd.s32 $0x10, s18;
	s19 =	sadd.s32 $0x1, s19;
	[tilespmem:v4+s13+$0x0] =	vst.idx.msk vm15, v3  }
0x41e: {  	s17 =	rddreg [dreg:$0x11]  }
0x41f: {  	[hbm4b:s17+s26] =	stream.strided.scatter [tilespmem:s13], [sflag:$0x4], $0x8400, s12, s26, $0x38;
	[tilespmem:$0x13000] =	vst v63  }
0x420: {  	_ =	swait.ge [sflag:s14], $0x8400  }
0x421: {  	[sflag:s14] =	ssyncset.done $0x0  }
0x422: {  	[sflag:s14] =	ssyncadd.s32 $0xFFFF7C00  }
0x423: {  	_ =	swait.ge [sflag:s15], $0x8400  }
0x424: {  	s18 =	rddreg [dreg:$0x13]  }
0x425: {  	s25 =	rddreg [dreg:$0x12];
	s18 =	sadd.s32 $0x1, s18  }
0x426: {  	p0 =	sne.s32 s18, s25  }
.Ltmp28:
0x427: {  	_ = 	snop;
	(pc) =	sbr.rel @p0 .LBB2_1-.Ltmp28, $3  }
0x428: {  	_ =	sdelay $0x1  }
0x429: {  	[sflag:s15] =	ssyncset.done $0x0  }
0x42a: {  	[sflag:s15] =	ssyncadd.s32 $0xFFFF7C00  }
0x42b: {  	_ =	sfence.sel $0x180000  }
0x42c: {  	[bflag:$0x0] =	sbarrier.arrive $0xFFFF  }
0x42d: {  	_ =	strace $0x90000047  }
0x42e: {  	s0 =	stileid.u32;
	[bflag:$0x2] =	sbarrier.arrive $0xFFFF  }
0x42f: {  	p0 =	sne.s32 s0, $0x0;
	s0 =	rddreg [dreg:$0x2]  }
0x430: {  	s0 =	sadd.s32 @!p0 $0x100000, s0  }
0x431: {  	[sflag:s0] =	ssyncadd.tile.s32 @!p0 $0x1;
	_ =	shalt  }
.Lfunc_end2:
_tile_overlayer_lowered:
.L_overlay_start_2:
0x432: {  	(tag) =	ssettag $0x2  }
0x433: {  	s0 =	rddreg [dreg:$0x0];
	s2 =	stileid.u32  }
0x434: {  	s1 =	rddreg [dreg:$0x1];
	p0 =	sne.s32 s2, $0x0  }
0x435: {  	s3 =	rddreg [dreg:$0x2];
	[bflag:$0x3] =	sbarrier.arrive $0xFFFF;
	s2 =	simm.s32 @!p0 $0x1C05  }
0x436: {  	[timem:s3], [sflag:s2] =	dma.local @!p0 [hbm:s0], s1  }
0x437: {  	s0 =	simm.s32 @!p0 $0x5  }
0x438: {  	_ =	swait.ge @!p0 [sflag:s0], s1  }
0x439: {  	s1 =	ssub.s32 @!p0 $0x0, s1;
	[sflag:s0] =	ssyncset.done @!p0 $0x0  }
0x43a: {  	[sflag:s0] =	ssyncadd.s32 @!p0 s1  }
0x43b: {  	[bflag:$0x3] =	sbarrier.arrive $0xFFFF  }
0x43c: {  	_ =	shalt  }

</sc_bundles>
